<compile_context>
chip_gen: v7x
topology: tpu7x:2x2x1
jax: 0.10.2.dev20260603
libtpu: 0.0.44.dev20260713+nightly
codegen_flags: <defaults>
</compile_context>

<pallas_src>
import jax
import jax.numpy as jnp
from jax import lax
from jax.experimental import pallas as pl
from jax.experimental.pallas import tpu as pltpu
from jax.experimental.pallas import tpu_sc as plsc

F32 = jnp.float32
I32 = jnp.int32

NC = 2
NS = 16
L = 16
NW = NC * NS

_SC_PARAMS = dict(
    compiler_params=pltpu.CompilerParams(
        needs_layout_passes=False, use_tc_tiling_on_sc=False),
)


def _sc_mesh():
    return plsc.VectorSubcoreMesh(core_axis_name="c", subcore_axis_name="s")


def _make_pass1(E, n, n_pad):
    CHUNK = 512
    GP = CHUNK // L
    n_chunks = E // CHUNK
    max_chunks = -(-n_chunks // NW)
    zrows = n_pad // NS

    def body(ei_h, attr_h,
             sa_h, sl_h, cnt_h,
             e0, e1, e2, a0, a1, a2,
             ia0, ia1, ia2, ib0, ib1, ib2,
             cnt_v, slc_v, cra_v, z_v,
             sa_s, sl_s,
             si0, si1, si2, sm0, sm1, sm2, ss0, ss1, ss2):
        cid = lax.axis_index("c")
        sid = lax.axis_index("s")
        wid = cid * NS + sid
        zero16 = jnp.zeros((L,), F32)
        ones16 = jnp.ones((L,), F32)
        trash16 = jnp.full((L,), n, I32)
        ebufs = (e0, e1, e2)
        abufs = (a0, a1, a2)
        iabufs = (ia0, ia1, ia2)
        ibbufs = (ib0, ib1, ib2)
        sis = (si0, si1, si2)
        sms = (sm0, sm1, sm2)
        sss = (ss0, ss1, ss2)

        def _zz(i, carry):
            z_v[i, :] = zero16
            return carry
        lax.fori_loop(0, 64, _zz, 0)

        def _zc(i, carry):
            cnt_v[pl.ds(i * L, L)] = zero16
            slc_v[pl.ds(i * L, L)] = zero16
            cra_v[pl.ds(i * L, L)] = zero16
            return carry
        lax.fori_loop(0, n_pad // L, _zc, 0)

        def _zs(i, carry):
            r0 = sid * zrows + i * 64
            pltpu.sync_copy(z_v, sa_s.at[pl.ds(r0, 64)])
            pltpu.sync_copy(z_v, sl_s.at[pl.ds(r0, 64)])
            return carry
        lax.fori_loop(0, zrows // 64, _zs, 0)
        plsc.subcore_barrier()

        def fire_inputs(k, q):
            i = wid + k * NW

            @pl.when(i < n_chunks)
            def _():
                base = i * CHUNK
                pltpu.async_copy(ei_h.at[:, pl.ds(base, CHUNK)], ebufs[q], sis[q])
                pltpu.async_copy(attr_h.at[pl.ds(base, CHUNK)], abufs[q], sms[q])

        def drain_scatters(k, q):
            i = wid + k * NW

            @pl.when((k >= 0) & (i < n_chunks))
            def _():
                pltpu.make_async_copy(abufs[q], sa_s.at[iabufs[q].at[0]], sss[q]).wait()
                pltpu.make_async_copy(
                    abufs[q],
                    sl_s.at[plsc.Indices(ibbufs[q].at[0], ignored_value=n)],
                    sss[q]).wait()

        def process(k, q):
            i = wid + k * NW

            @pl.when(i < n_chunks)
            def _():
                base = i * CHUNK
                pltpu.make_async_copy(ei_h.at[:, pl.ds(base, CHUNK)], ebufs[q], sis[q]).wait()
                pltpu.make_async_copy(attr_h.at[pl.ds(base, CHUNK)], abufs[q], sms[q]).wait()

                def grp(g, carry2):
                    r16 = ebufs[q][0, pl.ds(g * L, L)]
                    c16 = ebufs[q][1, pl.ds(g * L, L)]
                    m = r16 != c16
                    mf = jnp.where(m, 1.0, 0.0).astype(F32)
                    nmf = (1.0 - mf).astype(F32)
                    iabufs[q][0, pl.ds(g * L, L)] = c16
                    ibbufs[q][0, pl.ds(g * L, L)] = jnp.where(m, trash16, c16)
                    plsc.addupdate_scatter(cnt_v, [c16], ones16)
                    plsc.addupdate_scatter(slc_v, [c16], nmf)
                    plsc.addupdate_scatter(cra_v, [r16], mf)
                    return carry2
                lax.fori_loop(0, GP, grp, 0)
                pltpu.async_copy(abufs[q], sa_s.at[iabufs[q].at[0]], sss[q], add=True)
                pltpu.async_copy(
                    abufs[q],
                    sl_s.at[plsc.Indices(ibbufs[q].at[0], ignored_value=n)],
                    sss[q], add=True)

        def step(k, p):
            q = (p + 1) % 3
            drain_scatters(k - 2, q)
            fire_inputs(k + 1, q)
            process(k, p)

        fire_inputs(0, 0)

        def loop3(k3, carry):
            k = 3 * k3
            step(k, 0)
            step(k + 1, 1)
            step(k + 2, 2)
            return carry
        lax.fori_loop(0, (max_chunks + 5) // 3, loop3, 0)
        plsc.subcore_barrier()

        r0 = sid * zrows
        pltpu.sync_copy(sa_s.at[pl.ds(r0, zrows)], sa_h.at[cid, pl.ds(r0, zrows)])
        pltpu.sync_copy(sl_s.at[pl.ds(r0, zrows)], sl_h.at[cid, pl.ds(r0, zrows)])
        pltpu.sync_copy(cnt_v, cnt_h.at[0, wid])
        pltpu.sync_copy(slc_v, cnt_h.at[1, wid])
        pltpu.sync_copy(cra_v, cnt_h.at[2, wid])

    return pl.kernel(
        body,
        out_type=(jax.ShapeDtypeStruct((NC, n_pad, 16), F32),
                  jax.ShapeDtypeStruct((NC, n_pad, 16), F32),
                  jax.ShapeDtypeStruct((3, NW, n_pad), F32)),
        mesh=_sc_mesh(),
        scratch_types=(
            [pltpu.VMEM((2, CHUNK), I32)] * 3
            + [pltpu.VMEM((CHUNK, 16), F32)] * 3
            + [pltpu.VMEM((1, CHUNK), I32)] * 6
            + [pltpu.VMEM((n_pad,), F32)] * 3
            + [pltpu.VMEM((64, 16), F32),
               pltpu.VMEM_SHARED((n_pad, 16), F32),
               pltpu.VMEM_SHARED((n_pad, 16), F32)]
            + [pltpu.SemaphoreType.DMA] * 9
        ),
        **_SC_PARAMS,
    )


def _make_pass2a(E, n, n_pad):
    CHUNK = 128
    GP = CHUNK // L
    n_chunks = E // CHUNK
    max_chunks = -(-n_chunks // NW)
    zrows = n_pad // NS

    def body(ei_h, y_h,
             acc_h,
             e0, e1, ir0, ir1, ic0, ic1, y0, y1, z_v,
             acc_s, si0, si1, sg0, sg1, ss0, ss1):
        cid = lax.axis_index("c")
        sid = lax.axis_index("s")
        wid = cid * NS + sid
        zero16 = jnp.zeros((L,), F32)
        trash16 = jnp.full((L,), n, I32)
        ebufs = (e0, e1)
        irbufs = (ir0, ir1)
        icbufs = (ic0, ic1)
        ybufs = (y0, y1)
        sis = (si0, si1)
        sgs = (sg0, sg1)
        sss = (ss0, ss1)

        def _zz(i, carry):
            for q in range(128 // L):
                z_v[i, pl.ds(q * L, L)] = zero16
            return carry
        lax.fori_loop(0, 32, _zz, 0)

        def _zs(i, carry):
            pltpu.sync_copy(z_v, acc_s.at[pl.ds(sid * zrows + i * 32, 32)])
            return carry
        lax.fori_loop(0, zrows // 32, _zs, 0)
        plsc.subcore_barrier()

        def fire_idx(k, p):
            i = wid + k * NW

            @pl.when(i < n_chunks)
            def _():
                pltpu.async_copy(ei_h.at[:, pl.ds(i * CHUNK, CHUNK)],
                                 ebufs[p], sis[p])

        def drain_scatter(k, p):
            i = wid + k * NW

            @pl.when((k >= 0) & (i < n_chunks))
            def _():
                pltpu.make_async_copy(ybufs[p], acc_s.at[icbufs[p].at[0]],
                                      sss[p]).wait()

        def gather(k, p):
            i = wid + k * NW

            @pl.when(i < n_chunks)
            def _():
                pltpu.make_async_copy(ei_h.at[:, pl.ds(i * CHUNK, CHUNK)],
                                      ebufs[p], sis[p]).wait()

                def grp(g, carry2):
                    r16 = ebufs[p][0, pl.ds(g * L, L)]
                    c16 = ebufs[p][1, pl.ds(g * L, L)]
                    irbufs[p][0, pl.ds(g * L, L)] = r16
                    icbufs[p][0, pl.ds(g * L, L)] = jnp.where(
                        r16 != c16, c16, trash16)
                    return carry2
                lax.fori_loop(0, GP, grp, 0)
                pltpu.async_copy(y_h.at[irbufs[p].at[0]], ybufs[p], sgs[p])

        def scatter(k, p):
            i = wid + k * NW

            @pl.when((k >= 0) & (i < n_chunks))
            def _():
                pltpu.make_async_copy(y_h.at[irbufs[p].at[0]], ybufs[p],
                                      sgs[p]).wait()
                pltpu.async_copy(ybufs[p], acc_s.at[icbufs[p].at[0]],
                                 sss[p], add=True)

        fire_idx(0, 0)

        def loop2(k2, carry):
            k = 2 * k2
            drain_scatter(k - 2, 0)
            gather(k, 0)
            fire_idx(k + 1, 1)
            scatter(k - 1, 1)
            drain_scatter(k - 1, 1)
            gather(k + 1, 1)
            fire_idx(k + 2, 0)
            scatter(k, 0)
            return carry
        lax.fori_loop(0, (max_chunks + 4) // 2, loop2, 0)
        plsc.subcore_barrier()

        r0 = sid * zrows
        pltpu.sync_copy(acc_s.at[pl.ds(r0, zrows)],
                        acc_h.at[cid, pl.ds(r0, zrows)])

    return pl.kernel(
        body,
        out_type=jax.ShapeDtypeStruct((NC, n_pad, 128), F32),
        mesh=_sc_mesh(),
        scratch_types=(
            [pltpu.VMEM((2, CHUNK), I32)] * 2
            + [pltpu.VMEM((1, CHUNK), I32)] * 4
            + [pltpu.VMEM((CHUNK, 128), F32)] * 2
            + [pltpu.VMEM((32, 128), F32),
               pltpu.VMEM_SHARED((n_pad, 128), F32)]
            + [pltpu.SemaphoreType.DMA] * 6
        ),
        **_SC_PARAMS,
    )


def _make_pass2b(E, n, n_pad):
    CHUNK = 512
    GP = CHUNK // L
    n_chunks = E // CHUNK
    max_chunks = -(-n_chunks // NW)
    zrows = n_pad // NS

    def body(ei_h, attr_h, t_h, dis2_h,
             acc_h, vs_h,
             e0, e1, a0, a1, t0, t1, ir0, ir1, ic0, ic1,
             d2_v, vs_v, z_v,
             acc_s,
             si0, si1, sm0, sm1, sg0, sg1, ss0, ss1):
        cid = lax.axis_index("c")
        sid = lax.axis_index("s")
        wid = cid * NS + sid
        zero16 = jnp.zeros((L,), F32)
        trash16 = jnp.full((L,), n, I32)
        ebufs = (e0, e1)
        abufs = (a0, a1)
        tbufs = (t0, t1)
        irbufs = (ir0, ir1)
        icbufs = (ic0, ic1)
        sis = (si0, si1)
        sms = (sm0, sm1)
        sgs = (sg0, sg1)
        sss = (ss0, ss1)

        pltpu.sync_copy(dis2_h.at[0], d2_v)

        def _zz(i, carry):
            z_v[i, :] = zero16
            return carry
        lax.fori_loop(0, 64, _zz, 0)

        def _zc(i, carry):
            vs_v[pl.ds(i * L, L)] = zero16
            return carry
        lax.fori_loop(0, n_pad // L, _zc, 0)

        def _zs(i, carry):
            pltpu.sync_copy(z_v, acc_s.at[pl.ds(sid * zrows + i * 64, 64)])
            return carry
        lax.fori_loop(0, zrows // 64, _zs, 0)
        plsc.subcore_barrier()

        def fire_inputs(k, p):
            i = wid + k * NW

            @pl.when(i < n_chunks)
            def _():
                base = i * CHUNK
                pltpu.async_copy(ei_h.at[:, pl.ds(base, CHUNK)], ebufs[p], sis[p])
                pltpu.async_copy(attr_h.at[pl.ds(base, CHUNK)], abufs[p], sms[p])

        def drain_scatter(k, p):
            i = wid + k * NW

            @pl.when((k >= 0) & (i < n_chunks))
            def _():
                pltpu.make_async_copy(tbufs[p], acc_s.at[icbufs[p].at[0]],
                                      sss[p]).wait()

        def gather(k, p):
            i = wid + k * NW

            @pl.when(i < n_chunks)
            def _():
                base = i * CHUNK
                pltpu.make_async_copy(ei_h.at[:, pl.ds(base, CHUNK)],
                                      ebufs[p], sis[p]).wait()

                def grp(g, carry2):
                    r16 = ebufs[p][0, pl.ds(g * L, L)]
                    c16 = ebufs[p][1, pl.ds(g * L, L)]
                    csc = jnp.where(r16 != c16, c16, trash16)
                    irbufs[p][0, pl.ds(g * L, L)] = r16
                    icbufs[p][0, pl.ds(g * L, L)] = csc
                    d2r = plsc.load_gather(d2_v, [r16])
                    plsc.addupdate_scatter(vs_v, [csc], d2r)
                    return carry2
                lax.fori_loop(0, GP, grp, 0)
                pltpu.async_copy(t_h.at[irbufs[p].at[0]], tbufs[p], sgs[p])

        def mul_scatter(k, p):
            i = wid + k * NW

            @pl.when((k >= 0) & (i < n_chunks))
            def _():
                base = i * CHUNK
                pltpu.make_async_copy(t_h.at[irbufs[p].at[0]], tbufs[p],
                                      sgs[p]).wait()
                pltpu.make_async_copy(attr_h.at[pl.ds(base, CHUNK)],
                                      abufs[p], sms[p]).wait()

                def grp_mul(g, carry2):
                    for q in range(L):
                        e = g * L + q
                        tbufs[p][e, :] = tbufs[p][e, :] * abufs[p][e, :]
                    return carry2
                lax.fori_loop(0, GP, grp_mul, 0)
                pltpu.async_copy(tbufs[p], acc_s.at[icbufs[p].at[0]],
                                 sss[p], add=True)

        fire_inputs(0, 0)

        def loop2(k2, carry):
            k = 2 * k2
            drain_scatter(k - 2, 0)
            gather(k, 0)
            mul_scatter(k - 1, 1)
            fire_inputs(k + 1, 1)
            drain_scatter(k - 1, 1)
            gather(k + 1, 1)
            mul_scatter(k, 0)
            fire_inputs(k + 2, 0)
            return carry
        lax.fori_loop(0, (max_chunks + 4) // 2, loop2, 0)
        plsc.subcore_barrier()

        r0 = sid * zrows
        pltpu.sync_copy(acc_s.at[pl.ds(r0, zrows)],
                        acc_h.at[cid, pl.ds(r0, zrows)])
        pltpu.sync_copy(vs_v, vs_h.at[wid])

    return pl.kernel(
        body,
        out_type=(jax.ShapeDtypeStruct((NC, n_pad, 16), F32),
                  jax.ShapeDtypeStruct((NW, n_pad), F32)),
        mesh=_sc_mesh(),
        scratch_types=(
            [pltpu.VMEM((2, CHUNK), I32)] * 2
            + [pltpu.VMEM((CHUNK, 16), F32)] * 4
            + [pltpu.VMEM((1, CHUNK), I32)] * 4
            + [pltpu.VMEM((n,), F32),
               pltpu.VMEM((n_pad,), F32),
               pltpu.VMEM((64, 16), F32),
               pltpu.VMEM_SHARED((n_pad, 16), F32)]
            + [pltpu.SemaphoreType.DMA] * 8
        ),
        **_SC_PARAMS,
    )


def _make_tcmid(n, n_pad):
    BLK = 512
    grid = (-(-n // BLK),)

    def body(sa_ref, sl_ref, cnt_ref, x_ref, y_ref, t_ref, dis2_ref, aux_ref):
        sa = sa_ref[0] + sa_ref[1]
        sl = sl_ref[0] + sl_ref[1]
        cnt = jnp.sum(cnt_ref[...], axis=1)
        cnt_t = jnp.transpose(cnt, (1, 0))
        cnt_all = cnt_t[:, 0:1]
        slc = cnt_t[:, 1:2]
        cra = cnt_t[:, 2:3]
        la_mean = sa / jnp.maximum(cnt_all, 1.0)
        la_sl = sl / jnp.maximum(slc, 1.0)
        flag = jnp.minimum(slc, 1.0)
        la = flag * la_sl + (1.0 - flag) * la_mean
        degw = sa - sl + la
        dis = jnp.where(degw > 0.0, lax.rsqrt(jnp.maximum(degw, 1e-30)), 0.0)
        dis2 = lax.rsqrt(cra + 1.0)
        y_ref[...] = dis2 * x_ref[...]
        t_ref[...] = dis2 * dis
        dis2_ref[...] = lax.rsqrt(cnt[2:3, :] + 1.0)
        aux_ref[:, :16] = la
        aux_ref[:, 16:] = jnp.broadcast_to(dis2, (BLK, 16))

    return pl.pallas_call(
        body,
        grid=grid,
        in_specs=[
            pl.BlockSpec((NC, BLK, 16), lambda i: (0, i, 0)),
            pl.BlockSpec((NC, BLK, 16), lambda i: (0, i, 0)),
            pl.BlockSpec((3, NW, BLK), lambda i: (0, 0, i)),
            pl.BlockSpec((BLK, 128), lambda i: (i, 0)),
        ],
        out_specs=[
            pl.BlockSpec((BLK, 128), lambda i: (i, 0)),
            pl.BlockSpec((BLK, 16), lambda i: (i, 0)),
            pl.BlockSpec((1, BLK), lambda i: (0, i)),
            pl.BlockSpec((BLK, 32), lambda i: (i, 0)),
        ],
        out_shape=(jax.ShapeDtypeStruct((n, 128), F32),
                   jax.ShapeDtypeStruct((n, 16), F32),
                   jax.ShapeDtypeStruct((1, n), F32),
                   jax.ShapeDtypeStruct((n, 32), F32)),
    )


def _make_tcpost(n, n_pad):
    BLK = 512
    grid = (-(-n // BLK),)

    def body(acc_ref, acc16_ref, vs_ref, y_ref, t_ref, aux_ref,
             we_ref, be_ref, w_ref, bias_ref, out_ref):
        u = acc_ref[0] + acc_ref[1]
        v16 = acc16_ref[0] + acc16_ref[1]
        vs = jnp.sum(vs_ref[...], axis=0, keepdims=True)
        vs_c = jnp.transpose(vs, (1, 0))
        y = y_ref[...]
        t = t_ref[...]
        la = aux_ref[:, :16]
        dis2 = aux_ref[:, 16:17]
        a = dis2 * (u + y)
        b = t * (v16 + t * la)
        s = dis2 * (vs_c + dis2)
        dn = (((1,), (1,)), ((), ()))
        pre = (a + lax.dot_general(b, we_ref[...], dn,
                                   preferred_element_type=F32)
               + s * be_ref[...])
        out_ref[...] = (lax.dot_general(pre, w_ref[...], dn,
                                        preferred_element_type=F32)
                        + bias_ref[...])

    return pl.pallas_call(
        body,
        grid=grid,
        in_specs=[
            pl.BlockSpec((NC, BLK, 128), lambda i: (0, i, 0)),
            pl.BlockSpec((NC, BLK, 16), lambda i: (0, i, 0)),
            pl.BlockSpec((NW, BLK), lambda i: (0, i)),
            pl.BlockSpec((BLK, 128), lambda i: (i, 0)),
            pl.BlockSpec((BLK, 16), lambda i: (i, 0)),
            pl.BlockSpec((BLK, 32), lambda i: (i, 0)),
            pl.BlockSpec((128, 16), lambda i: (0, 0)),
            pl.BlockSpec((1, 128), lambda i: (0, 0)),
            pl.BlockSpec((128, 128), lambda i: (0, 0)),
            pl.BlockSpec((1, 128), lambda i: (0, 0)),
        ],
        out_specs=pl.BlockSpec((BLK, 128), lambda i: (i, 0)),
        out_shape=jax.ShapeDtypeStruct((n, 128), F32),
    )


def kernel(x, edge_index, edge_attr, W, We, be, bias):
    n, d_in = x.shape
    E = edge_index.shape[1]
    n_pad = -(-(n + 1) // 1024) * 1024

    ei = edge_index.astype(I32)
    attr = edge_attr.astype(F32)
    x32 = x.astype(F32)

    sa, sl, cnt = _make_pass1(E, n, n_pad)(ei, attr)
    y, t, dis2t, aux = _make_tcmid(n, n_pad)(sa, sl, cnt, x32)
    acc128 = _make_pass2a(E, n, n_pad)(ei, y)
    acc16, vs = _make_pass2b(E, n, n_pad)(ei, attr, t, dis2t)
    return _make_tcpost(n, n_pad)(acc128, acc16, vs, y, t, aux,
                                  We.astype(F32), be.astype(F32)[None],
                                  W.astype(F32), bias.astype(F32)[None])

# --- scband reference (transcript-rebuilt; emitter-appended) ---
"""Pipeline reference for scband-layer-edge-gcnconv-7430293422231 (READ-ONLY COPY).

The authoritative reference and input builder live on the scoring server;
editing this copy changes nothing except your own understanding.
"""

import jax, jax.numpy as jnp
import numpy as np

N_NODES = 10000
N_EDGES = 320000
D_IN = 128
D_OUT = 128
D_EDGE = 16


def setup_inputs(seed: int = 0) -> dict:
    key = jax.random.key(seed)
    ks = jax.random.split(key, 7)
    x = jax.random.normal(ks[0], (N_NODES, D_IN), dtype=jnp.float32)
    edge_index = jax.random.randint(ks[1], (2, N_EDGES), 0, N_NODES, dtype=jnp.int32)
    # edge_attr must be non-negative: gcn_norm computes deg(edge_attr)**-0.5
    edge_attr = jax.random.uniform(ks[2], (N_EDGES, D_EDGE), dtype=jnp.float32)
    # lin: Linear(in->out, bias=False), glorot-ish init. PyTorch Linear weight is [out, in].
    W = jax.random.normal(ks[3], (D_OUT, D_IN), dtype=jnp.float32) * (1.0 / np.sqrt(D_IN))
    # map_edges: Linear(edge_dim -> in_channels) with bias
    We = jax.random.normal(ks[4], (D_IN, D_EDGE), dtype=jnp.float32) * (1.0 / np.sqrt(D_EDGE))
    be = jax.random.normal(ks[5], (D_IN,), dtype=jnp.float32) * 0.01
    bias = jnp.zeros((D_OUT,), dtype=jnp.float32)  # zeros(self.bias) in reset_parameters
    return {"x": x, "edge_index": edge_index, "edge_attr": edge_attr, "W": W, "We": We, "be": be, "bias": bias}


def _inv_sqrt(d):
    s = jnp.power(d, -0.5)
    return jnp.where(jnp.isinf(s), 0.0, s)


def reference(x, edge_index, edge_attr, W, We, be, bias):
    N = x.shape[0]
    row = edge_index[0].astype(jnp.int32)
    col = edge_index[1].astype(jnp.int32)
    # ---- add_remaining_self_loops(fill_value='mean') ----
    mask = row != col
    drop = jnp.int32(N)  # out-of-bounds id: dropped by segment_sum and scatter-set
    cnt = jax.ops.segment_sum(jnp.ones((edge_attr.shape[0],), jnp.float32), col, num_segments=N)
    loop_attr = jax.ops.segment_sum(edge_attr, col, num_segments=N) / jnp.clip(cnt, 1.0, None)[:, None]
    loop_rows = jnp.where(mask, drop, row)
    loop_attr = loop_attr.at[loop_rows].set(edge_attr)  # keep existing self-loop attrs
    ea = jnp.concatenate([edge_attr, loop_attr], axis=0)
    ar = jnp.arange(N, dtype=jnp.int32)
    r_g = jnp.concatenate([jnp.where(mask, row, 0), ar])
    c_g = jnp.concatenate([jnp.where(mask, col, 0), ar])
    r_s = jnp.concatenate([jnp.where(mask, row, drop), ar])
    c_s = jnp.concatenate([jnp.where(mask, col, drop), ar])
    # ---- gcn_norm applied to edge_attr (flow source_to_target => idx = col) ----
    dis = _inv_sqrt(jax.ops.segment_sum(ea, c_s, num_segments=N))
    ea = dis[r_g] * ea * dis[c_g]
    # ---- self.norm: scalar sym-norm with unit weights, deg over row ----
    dis2 = _inv_sqrt(jax.ops.segment_sum(jnp.ones((r_s.shape[0],), jnp.float32), r_s, num_segments=N))
    norm = dis2[r_g] * dis2[c_g]
    # ---- message: x_j + map_edges(edge_attr), scaled by norm, then lin ----
    x_j = x[r_g] + (ea @ We.T + be)
    msg = norm[:, None] * (x_j @ W.T)
    # ---- aggregate (aggr='add') at target nodes ----
    out = jax.ops.segment_sum(msg, c_s, num_segments=N)
    return out + bias


if False:  # reference __main__ guard neutralized (emitter)
    inp = setup_inputs()
    out = reference(**inp)
    print(out.shape, out.dtype)

if __name__ == "__main__":
    import jax
    _d = setup_inputs()
    print(jax.jit(kernel)(*tuple(_d.values())))

</pallas_src>

<mosaic_0001>
#map = affine_map<(d0, d1) -> (0, 0)>
#map1 = affine_map<(d0, d1) -> (0, 0, 0)>
module attributes {stable_mosaic.version = 14 : i64} {
  func.func @body(%arg0: i32, %arg1: i32, %arg2: memref<2x320000xi32, #tpu.memory_space<hbm>>, %arg3: memref<320000x16xf32, #tpu.memory_space<hbm>>, %arg4: memref<2x10240x16xf32, #tpu.memory_space<hbm>>, %arg5: memref<2x10240x16xf32, #tpu.memory_space<hbm>>, %arg6: memref<3x32x10240xf32, #tpu.memory_space<hbm>>, %arg7: memref<2x512xi32, #tpu.memory_space<vmem>>, %arg8: memref<2x512xi32, #tpu.memory_space<vmem>>, %arg9: memref<2x512xi32, #tpu.memory_space<vmem>>, %arg10: memref<512x16xf32, #tpu.memory_space<vmem>>, %arg11: memref<512x16xf32, #tpu.memory_space<vmem>>, %arg12: memref<512x16xf32, #tpu.memory_space<vmem>>, %arg13: memref<1x512xi32, #tpu.memory_space<vmem>>, %arg14: memref<1x512xi32, #tpu.memory_space<vmem>>, %arg15: memref<1x512xi32, #tpu.memory_space<vmem>>, %arg16: memref<1x512xi32, #tpu.memory_space<vmem>>, %arg17: memref<1x512xi32, #tpu.memory_space<vmem>>, %arg18: memref<1x512xi32, #tpu.memory_space<vmem>>, %arg19: memref<10240xf32, #tpu.memory_space<vmem>>, %arg20: memref<10240xf32, #tpu.memory_space<vmem>>, %arg21: memref<10240xf32, #tpu.memory_space<vmem>>, %arg22: memref<64x16xf32, #tpu.memory_space<vmem>>, %arg23: memref<10240x16xf32, #tpu.memory_space<vmem_shared>>, %arg24: memref<10240x16xf32, #tpu.memory_space<vmem_shared>>, %arg25: memref<!tpu.dma_semaphore, #tpu.memory_space<semaphore_mem>>, %arg26: memref<!tpu.dma_semaphore, #tpu.memory_space<semaphore_mem>>, %arg27: memref<!tpu.dma_semaphore, #tpu.memory_space<semaphore_mem>>, %arg28: memref<!tpu.dma_semaphore, #tpu.memory_space<semaphore_mem>>, %arg29: memref<!tpu.dma_semaphore, #tpu.memory_space<semaphore_mem>>, %arg30: memref<!tpu.dma_semaphore, #tpu.memory_space<semaphore_mem>>, %arg31: memref<!tpu.dma_semaphore, #tpu.memory_space<semaphore_mem>>, %arg32: memref<!tpu.dma_semaphore, #tpu.memory_space<semaphore_mem>>, %arg33: memref<!tpu.dma_semaphore, #tpu.memory_space<semaphore_mem>>) attributes {dimension_semantics = [#tpu.dimension_semantics<core_parallel>, #tpu.dimension_semantics<subcore_parallel>], iteration_bounds = array<i64: 2, 16>, scalar_prefetch = 0 : i64, scratch_operands = 27 : i64, tpu.core_type = #tpu.core_type<sc_vector_subcore>, window_params = [{transform_indices = #map}, {transform_indices = #map}, {transform_indices = #map1}, {transform_indices = #map1}, {transform_indices = #map1}]} {
    %mul3A = arith.constant 16 : i32
    %mul3A_0 = arith.muli %arg0, %mul3A : i32
    %add3A = arith.addi %mul3A_0, %arg1 : i32
    %broadcast_in_dim3A = arith.constant 0.000000e+00 : f32
    %broadcast_in_dim3A_1 = vector.broadcast %broadcast_in_dim3A : f32 to vector<16xf32>
    %broadcast_in_dim3A_2 = arith.constant 1.000000e+00 : f32
    %broadcast_in_dim3A_3 = vector.broadcast %broadcast_in_dim3A_2 : f32 to vector<16xf32>
    %broadcast_in_dim3A_4 = arith.constant 10000 : i32
    %broadcast_in_dim3A_5 = vector.broadcast %broadcast_in_dim3A_4 : i32 to vector<16xi32>
    %scan3A = arith.constant 0 : i32
    %scan3A_6 = arith.constant 0 : i32
    %scan3A_7 = arith.constant 64 : i32
    %scan3A_8 = arith.addi %scan3A_6, %scan3A_7 : i32
    %scan3A_9 = arith.constant 1 : i32
    scf.for %scan3A_38 = %scan3A_6 to %scan3A_8 step %scan3A_9  : i32 {
      %swap3A = arith.index_cast %scan3A_38 : i32 to index
      %swap3A_39 = arith.constant 0 : index
      %swap3A_40 = tpu.vector_load %arg22[%swap3A, %swap3A_39] {strides = array<i32>} : memref<64x16xf32, #tpu.memory_space<vmem>>, vector<16xf32>,
      tpu.vector_store %arg22[%swap3A, %swap3A_39], %broadcast_in_dim3A_1 {strides = array<i32>} : memref<64x16xf32, #tpu.memory_space<vmem>>, vector<16xf32>,
    }
    %scan3A_10 = arith.constant 64 : i32
    %scan3A_11 = arith.constant 0 : i32
    %scan3A_12 = arith.constant 0 : i32
    %scan3A_13 = arith.constant 640 : i32
    %scan3A_14 = arith.addi %scan3A_12, %scan3A_13 : i32
    %scan3A_15 = arith.constant 1 : i32
    scf.for %scan3A_38 = %scan3A_12 to %scan3A_14 step %scan3A_15  : i32 {
      %mul3A_39 = arith.constant 16 : i32
      %mul3A_40 = arith.muli %scan3A_38, %mul3A_39 : i32
      %swap3A = arith.index_cast %mul3A_40 : i32 to index
      %swap3A_41 = tpu.vector_load %arg19[%swap3A] {strides = array<i32>} : memref<10240xf32, #tpu.memory_space<vmem>>, vector<16xf32>,
      tpu.vector_store %arg19[%swap3A], %broadcast_in_dim3A_1 {strides = array<i32>} : memref<10240xf32, #tpu.memory_space<vmem>>, vector<16xf32>,
      %mul3A_42 = arith.constant 16 : i32
      %mul3A_43 = arith.muli %scan3A_38, %mul3A_42 : i32
      %swap3A_44 = arith.index_cast %mul3A_43 : i32 to index
      %swap3A_45 = tpu.vector_load %arg20[%swap3A_44] {strides = array<i32>} : memref<10240xf32, #tpu.memory_space<vmem>>, vector<16xf32>,
      tpu.vector_store %arg20[%swap3A_44], %broadcast_in_dim3A_1 {strides = array<i32>} : memref<10240xf32, #tpu.memory_space<vmem>>, vector<16xf32>,
      %mul3A_46 = arith.constant 16 : i32
      %mul3A_47 = arith.muli %scan3A_38, %mul3A_46 : i32
      %swap3A_48 = arith.index_cast %mul3A_47 : i32 to index
      %swap3A_49 = tpu.vector_load %arg21[%swap3A_48] {strides = array<i32>} : memref<10240xf32, #tpu.memory_space<vmem>>, vector<16xf32>,
      tpu.vector_store %arg21[%swap3A_48], %broadcast_in_dim3A_1 {strides = array<i32>} : memref<10240xf32, #tpu.memory_space<vmem>>, vector<16xf32>,
    }
    %scan3A_16 = arith.constant 640 : i32
    %scan3A_17 = arith.constant 0 : i32
    %scan3A_18 = arith.constant 0 : i32
    %scan3A_19 = arith.constant 10 : i32
    %scan3A_20 = arith.addi %scan3A_18, %scan3A_19 : i32
    %scan3A_21 = arith.constant 1 : i32
    scf.for %scan3A_38 = %scan3A_18 to %scan3A_20 step %scan3A_21  : i32 {
      %mul3A_39 = arith.constant 640 : i32
      %mul3A_40 = arith.muli %arg1, %mul3A_39 : i32
      %mul3A_41 = arith.constant 64 : i32
      %mul3A_42 = arith.muli %scan3A_38, %mul3A_41 : i32
      %add3A_43 = arith.addi %mul3A_40, %mul3A_42 : i32
      "tpu.region"() ({
        %run_scoped3A_44 = tpu.sem_alloc : memref<!tpu.dma_semaphore, #tpu.memory_space<semaphore_mem>>
        %dma_start3A = arith.constant 0 : i32
        %dma_start3A_45 = tpu.memref_slice %arg23[%add3A_43, %dma_start3A] : memref<10240x16xf32, #tpu.memory_space<vmem_shared>> -> memref<64x16xf32, #tpu.memory_space<vmem_shared>>
        %dma_start3A_46 = arith.constant 0 : i32
        %dma_start3A_47 = tpu.memref_slice %arg23[%add3A_43, %dma_start3A_46] : memref<10240x16xf32, #tpu.memory_space<vmem_shared>> -> memref<64x16xf32, #tpu.memory_space<vmem_shared>>
        tpu.enqueue_dma source(%arg22 : memref<64x16xf32, #tpu.memory_space<vmem>>) target(%dma_start3A_47 : memref<64x16xf32, #tpu.memory_space<vmem_shared>>) target_semaphore(%run_scoped3A_44 : memref<!tpu.dma_semaphore, #tpu.memory_space<semaphore_mem>>)
        %dma_wait3A = arith.constant 0 : i32
        %dma_wait3A_48 = tpu.memref_slice %arg23[%add3A_43, %dma_wait3A] : memref<10240x16xf32, #tpu.memory_space<vmem_shared>> -> memref<64x16xf32, #tpu.memory_space<vmem_shared>>
        %dma_wait3A_49 = arith.constant 0 : i32
        %dma_wait3A_50 = tpu.memref_slice %arg23[%add3A_43, %dma_wait3A_49] : memref<10240x16xf32, #tpu.memory_space<vmem_shared>> -> memref<64x16xf32, #tpu.memory_space<vmem_shared>>
        tpu.wait_dma2 semaphore(%run_scoped3A_44 : memref<!tpu.dma_semaphore, #tpu.memory_space<semaphore_mem>>) src(%arg22 : memref<64x16xf32, #tpu.memory_space<vmem>>) dst(%dma_wait3A_50 : memref<64x16xf32, #tpu.memory_space<vmem_shared>>)
        tpu.yield
      }) : () -> ()
      "tpu.region"() ({
        %run_scoped3A_44 = tpu.sem_alloc : memref<!tpu.dma_semaphore, #tpu.memory_space<semaphore_mem>>
        %dma_start3A = arith.constant 0 : i32
        %dma_start3A_45 = tpu.memref_slice %arg24[%add3A_43, %dma_start3A] : memref<10240x16xf32, #tpu.memory_space<vmem_shared>> -> memref<64x16xf32, #tpu.memory_space<vmem_shared>>
        %dma_start3A_46 = arith.constant 0 : i32
        %dma_start3A_47 = tpu.memref_slice %arg24[%add3A_43, %dma_start3A_46] : memref<10240x16xf32, #tpu.memory_space<vmem_shared>> -> memref<64x16xf32, #tpu.memory_space<vmem_shared>>
        tpu.enqueue_dma source(%arg22 : memref<64x16xf32, #tpu.memory_space<vmem>>) target(%dma_start3A_47 : memref<64x16xf32, #tpu.memory_space<vmem_shared>>) target_semaphore(%run_scoped3A_44 : memref<!tpu.dma_semaphore, #tpu.memory_space<semaphore_mem>>)
        %dma_wait3A = arith.constant 0 : i32
        %dma_wait3A_48 = tpu.memref_slice %arg24[%add3A_43, %dma_wait3A] : memref<10240x16xf32, #tpu.memory_space<vmem_shared>> -> memref<64x16xf32, #tpu.memory_space<vmem_shared>>
        %dma_wait3A_49 = arith.constant 0 : i32
        %dma_wait3A_50 = tpu.memref_slice %arg24[%add3A_43, %dma_wait3A_49] : memref<10240x16xf32, #tpu.memory_space<vmem_shared>> -> memref<64x16xf32, #tpu.memory_space<vmem_shared>>
        tpu.wait_dma2 semaphore(%run_scoped3A_44 : memref<!tpu.dma_semaphore, #tpu.memory_space<semaphore_mem>>) src(%arg22 : memref<64x16xf32, #tpu.memory_space<vmem>>) dst(%dma_wait3A_50 : memref<64x16xf32, #tpu.memory_space<vmem_shared>>)
        tpu.yield
      }) : () -> ()
    }
    %scan3A_22 = arith.constant 10 : i32
    %barrier3A = arith.constant 0 : index
    tpu.barrier barrier_id(%barrier3A)
    %add3A_23 = arith.constant 0 : i32
    %add3A_24 = arith.addi %add3A, %add3A_23 : i32
    %lt3A = arith.constant 625 : i32
    %lt3A_25 = arith.cmpi slt, %add3A_24, %lt3A : i32
    %convert_element_type3A = arith.extui %lt3A_25 : i1 to i32
    %cond3A = arith.constant 0 : i32
    %cond3A_26 = arith.cmpi ne, %convert_element_type3A, %cond3A : i32
    scf.if %cond3A_26 {
      %mul3A_38 = arith.constant 512 : i32
      %mul3A_39 = arith.muli %add3A_24, %mul3A_38 : i32
      %dma_start3A = arith.constant 0 : i32
      %dma_start3A_40 = tpu.memref_slice %arg2[%dma_start3A, %mul3A_39] : memref<2x320000xi32, #tpu.memory_space<hbm>> -> memref<2x512xi32, #tpu.memory_space<hbm>>
      %dma_start3A_41 = arith.constant 0 : i32
      %dma_start3A_42 = tpu.memref_slice %arg2[%dma_start3A_41, %mul3A_39] : memref<2x320000xi32, #tpu.memory_space<hbm>> -> memref<2x512xi32, #tpu.memory_space<hbm>>
      tpu.enqueue_dma source(%dma_start3A_42 : memref<2x512xi32, #tpu.memory_space<hbm>>) target(%arg7 : memref<2x512xi32, #tpu.memory_space<vmem>>) target_semaphore(%arg25 : memref<!tpu.dma_semaphore, #tpu.memory_space<semaphore_mem>>)
      %dma_start3A_43 = arith.constant 0 : i32
      %dma_start3A_44 = tpu.memref_slice %arg3[%mul3A_39, %dma_start3A_43] : memref<320000x16xf32, #tpu.memory_space<hbm>> -> memref<512x16xf32, #tpu.memory_space<hbm>>
      %dma_start3A_45 = arith.constant 0 : i32
      %dma_start3A_46 = tpu.memref_slice %arg3[%mul3A_39, %dma_start3A_45] : memref<320000x16xf32, #tpu.memory_space<hbm>> -> memref<512x16xf32, #tpu.memory_space<hbm>>
      tpu.enqueue_dma source(%dma_start3A_46 : memref<512x16xf32, #tpu.memory_space<hbm>>) target(%arg10 : memref<512x16xf32, #tpu.memory_space<vmem>>) target_semaphore(%arg28 : memref<!tpu.dma_semaphore, #tpu.memory_space<semaphore_mem>>)
    } else {
    }
    %scan3A_27 = arith.constant 0 : i32
    %scan3A_28 = arith.constant 0 : i32
    %scan3A_29 = arith.constant 8 : i32
    %scan3A_30 = arith.addi %scan3A_28, %scan3A_29 : i32
    %scan3A_31 = arith.constant 1 : i32
    scf.for %scan3A_38 = %scan3A_28 to %scan3A_30 step %scan3A_31  : i32 {
      %mul3A_39 = arith.constant 3 : i32
      %mul3A_40 = arith.muli %mul3A_39, %scan3A_38 : i32
      %sub3A = arith.constant 2 : i32
      %sub3A_41 = arith.subi %mul3A_40, %sub3A : i32
      %mul3A_42 = arith.constant 32 : i32
      %mul3A_43 = arith.muli %sub3A_41, %mul3A_42 : i32
      %add3A_44 = arith.addi %add3A, %mul3A_43 : i32
      %ge3A = arith.constant 0 : i32
      %ge3A_45 = arith.cmpi sge, %sub3A_41, %ge3A : i32
      %lt3A_46 = arith.constant 625 : i32
      %lt3A_47 = arith.cmpi slt, %add3A_44, %lt3A_46 : i32
      %and3A = arith.andi %ge3A_45, %lt3A_47 : i1
      %convert_element_type3A_48 = arith.extui %and3A : i1 to i32
      %cond3A_49 = arith.constant 0 : i32
      %cond3A_50 = arith.cmpi ne, %convert_element_type3A_48, %cond3A_49 : i32
      scf.if %cond3A_50 {
        %dma_wait3A = arith.constant 0 : i32
        %dma_wait3A_135 = arith.constant 0 : i32
        %dma_wait3A_136 = tpu.memref_slice %arg14[%dma_wait3A, %dma_wait3A_135] : memref<1x512xi32, #tpu.memory_space<vmem>> -> memref<1x512xi32, #tpu.memory_space<vmem>>
        %dma_wait3A_137 = tpu.memref_squeeze %dma_wait3A_136 : memref<1x512xi32, #tpu.memory_space<vmem>> -> memref<512xi32, #tpu.memory_space<vmem>>
        %dma_wait3A_138 = arith.constant 0 : i32
        %dma_wait3A_139 = arith.constant 0 : i32
        %dma_wait3A_140 = tpu.memref_slice %arg23[%dma_wait3A_138, %dma_wait3A_139] : memref<10240x16xf32, #tpu.memory_space<vmem_shared>> -> memref<10240x16xf32, #tpu.memory_space<vmem_shared>>
        tpu.wait_indirect_dma semaphore(%arg32 : memref<!tpu.dma_semaphore, #tpu.memory_space<semaphore_mem>>) src(%arg11 : memref<512x16xf32, #tpu.memory_space<vmem>>) dst(%dma_wait3A_140 : memref<10240x16xf32, #tpu.memory_space<vmem_shared>>)
        %dma_wait3A_141 = arith.constant 0 : i32
        %dma_wait3A_142 = arith.constant 0 : i32
        %dma_wait3A_143 = tpu.memref_slice %arg17[%dma_wait3A_141, %dma_wait3A_142] : memref<1x512xi32, #tpu.memory_space<vmem>> -> memref<1x512xi32, #tpu.memory_space<vmem>>
        %dma_wait3A_144 = tpu.memref_squeeze %dma_wait3A_143 : memref<1x512xi32, #tpu.memory_space<vmem>> -> memref<512xi32, #tpu.memory_space<vmem>>
        %dma_wait3A_145 = arith.constant 0 : i32
        %dma_wait3A_146 = arith.constant 0 : i32
        %dma_wait3A_147 = tpu.memref_slice %arg24[%dma_wait3A_145, %dma_wait3A_146] : memref<10240x16xf32, #tpu.memory_space<vmem_shared>> -> memref<10240x16xf32, #tpu.memory_space<vmem_shared>>
        tpu.wait_indirect_dma semaphore(%arg32 : memref<!tpu.dma_semaphore, #tpu.memory_space<semaphore_mem>>) src(%arg11 : memref<512x16xf32, #tpu.memory_space<vmem>>) dst(%dma_wait3A_147 : memref<10240x16xf32, #tpu.memory_space<vmem_shared>>)
      } else {
      }
      %add3A_51 = arith.constant 1 : i32
      %add3A_52 = arith.addi %mul3A_40, %add3A_51 : i32
      %mul3A_53 = arith.constant 32 : i32
      %mul3A_54 = arith.muli %add3A_52, %mul3A_53 : i32
      %add3A_55 = arith.addi %add3A, %mul3A_54 : i32
      %lt3A_56 = arith.constant 625 : i32
      %lt3A_57 = arith.cmpi slt, %add3A_55, %lt3A_56 : i32
      %convert_element_type3A_58 = arith.extui %lt3A_57 : i1 to i32
      %cond3A_59 = arith.constant 0 : i32
      %cond3A_60 = arith.cmpi ne, %convert_element_type3A_58, %cond3A_59 : i32
      scf.if %cond3A_60 {
        %mul3A_135 = arith.constant 512 : i32
        %mul3A_136 = arith.muli %add3A_55, %mul3A_135 : i32
        %dma_start3A = arith.constant 0 : i32
        %dma_start3A_137 = tpu.memref_slice %arg2[%dma_start3A, %mul3A_136] : memref<2x320000xi32, #tpu.memory_space<hbm>> -> memref<2x512xi32, #tpu.memory_space<hbm>>
        %dma_start3A_138 = arith.constant 0 : i32
        %dma_start3A_139 = tpu.memref_slice %arg2[%dma_start3A_138, %mul3A_136] : memref<2x320000xi32, #tpu.memory_space<hbm>> -> memref<2x512xi32, #tpu.memory_space<hbm>>
        tpu.enqueue_dma source(%dma_start3A_139 : memref<2x512xi32, #tpu.memory_space<hbm>>) target(%arg8 : memref<2x512xi32, #tpu.memory_space<vmem>>) target_semaphore(%arg26 : memref<!tpu.dma_semaphore, #tpu.memory_space<semaphore_mem>>)
        %dma_start3A_140 = arith.constant 0 : i32
        %dma_start3A_141 = tpu.memref_slice %arg3[%mul3A_136, %dma_start3A_140] : memref<320000x16xf32, #tpu.memory_space<hbm>> -> memref<512x16xf32, #tpu.memory_space<hbm>>
        %dma_start3A_142 = arith.constant 0 : i32
        %dma_start3A_143 = tpu.memref_slice %arg3[%mul3A_136, %dma_start3A_142] : memref<320000x16xf32, #tpu.memory_space<hbm>> -> memref<512x16xf32, #tpu.memory_space<hbm>>
        tpu.enqueue_dma source(%dma_start3A_143 : memref<512x16xf32, #tpu.memory_space<hbm>>) target(%arg11 : memref<512x16xf32, #tpu.memory_space<vmem>>) target_semaphore(%arg29 : memref<!tpu.dma_semaphore, #tpu.memory_space<semaphore_mem>>)
      } else {
      }
      %mul3A_61 = arith.constant 32 : i32
      %mul3A_62 = arith.muli %mul3A_40, %mul3A_61 : i32
      %add3A_63 = arith.addi %add3A, %mul3A_62 : i32
      %lt3A_64 = arith.constant 625 : i32
      %lt3A_65 = arith.cmpi slt, %add3A_63, %lt3A_64 : i32
      %convert_element_type3A_66 = arith.extui %lt3A_65 : i1 to i32
      %cond3A_67 = arith.constant 0 : i32
      %cond3A_68 = arith.cmpi ne, %convert_element_type3A_66, %cond3A_67 : i32
      scf.if %cond3A_68 {
        %mul3A_135 = arith.constant 512 : i32
        %mul3A_136 = arith.muli %add3A_63, %mul3A_135 : i32
        %dma_wait3A = arith.constant 0 : i32
        %dma_wait3A_137 = tpu.memref_slice %arg2[%dma_wait3A, %mul3A_136] : memref<2x320000xi32, #tpu.memory_space<hbm>> -> memref<2x512xi32, #tpu.memory_space<hbm>>
        %dma_wait3A_138 = arith.constant 0 : i32
        %dma_wait3A_139 = tpu.memref_slice %arg2[%dma_wait3A_138, %mul3A_136] : memref<2x320000xi32, #tpu.memory_space<hbm>> -> memref<2x512xi32, #tpu.memory_space<hbm>>
        tpu.wait_dma2 semaphore(%arg25 : memref<!tpu.dma_semaphore, #tpu.memory_space<semaphore_mem>>) src(%dma_wait3A_139 : memref<2x512xi32, #tpu.memory_space<hbm>>) dst(%arg7 : memref<2x512xi32, #tpu.memory_space<vmem>>)
        %dma_wait3A_140 = arith.constant 0 : i32
        %dma_wait3A_141 = tpu.memref_slice %arg3[%mul3A_136, %dma_wait3A_140] : memref<320000x16xf32, #tpu.memory_space<hbm>> -> memref<512x16xf32, #tpu.memory_space<hbm>>
        %dma_wait3A_142 = arith.constant 0 : i32
        %dma_wait3A_143 = tpu.memref_slice %arg3[%mul3A_136, %dma_wait3A_142] : memref<320000x16xf32, #tpu.memory_space<hbm>> -> memref<512x16xf32, #tpu.memory_space<hbm>>
        tpu.wait_dma2 semaphore(%arg28 : memref<!tpu.dma_semaphore, #tpu.memory_space<semaphore_mem>>) src(%dma_wait3A_143 : memref<512x16xf32, #tpu.memory_space<hbm>>) dst(%arg10 : memref<512x16xf32, #tpu.memory_space<vmem>>)
        %scan3A_144 = arith.constant 0 : i32
        %scan3A_145 = arith.constant 0 : i32
        %scan3A_146 = arith.constant 32 : i32
        %scan3A_147 = arith.addi %scan3A_145, %scan3A_146 : i32
        %scan3A_148 = arith.constant 1 : i32
        scf.for %scan3A_164 = %scan3A_145 to %scan3A_147 step %scan3A_148  : i32 {
          %mul3A_165 = arith.constant 16 : i32
          %mul3A_166 = arith.muli %scan3A_164, %mul3A_165 : i32
          %get3A = arith.constant 0 : i32
          %get3A_167 = arith.index_cast %get3A : i32 to index
          %get3A_168 = arith.index_cast %mul3A_166 : i32 to index
          %get3A_169 = tpu.vector_load %arg7[%get3A_167, %get3A_168] {strides = array<i32>} : memref<2x512xi32, #tpu.memory_space<vmem>>, vector<16xi32>,
          %mul3A_170 = arith.constant 16 : i32
          %mul3A_171 = arith.muli %scan3A_164, %mul3A_170 : i32
          %get3A_172 = arith.constant 1 : i32
          %get3A_173 = arith.index_cast %get3A_172 : i32 to index
          %get3A_174 = arith.index_cast %mul3A_171 : i32 to index
          %get3A_175 = tpu.vector_load %arg7[%get3A_173, %get3A_174] {strides = array<i32>} : memref<2x512xi32, #tpu.memory_space<vmem>>, vector<16xi32>,
          %ne3A = arith.cmpi ne, %get3A_169, %get3A_175 : vector<16xi32>
          %jit3A = arith.constant 1.000000e+00 : f32
          %jit3A_176 = arith.constant 0.000000e+00 : f32
          %broadcast_in_dim3A_177 = vector.broadcast %jit3A : f32 to vector<16xf32>
          %broadcast_in_dim3A_178 = vector.broadcast %jit3A_176 : f32 to vector<16xf32>
          %select_n3A = arith.select %ne3A, %broadcast_in_dim3A_177, %broadcast_in_dim3A_178 : vector<16xi1>, vector<16xf32>
          %sub3A_179 = arith.constant 1.000000e+00 : f32
          %sub3A_180 = vector.broadcast %sub3A_179 : f32 to vector<16xf32>
          %sub3A_181 = arith.subf %sub3A_180, %select_n3A : vector<16xf32>
          %mul3A_182 = arith.constant 16 : i32
          %mul3A_183 = arith.muli %scan3A_164, %mul3A_182 : i32
          %swap3A = arith.constant 0 : i32
          %swap3A_184 = arith.index_cast %swap3A : i32 to index
          %swap3A_185 = arith.index_cast %mul3A_183 : i32 to index
          %swap3A_186 = tpu.vector_load %arg13[%swap3A_184, %swap3A_185] {strides = array<i32>} : memref<1x512xi32, #tpu.memory_space<vmem>>, vector<16xi32>,
          tpu.vector_store %arg13[%swap3A_184, %swap3A_185], %get3A_175 {strides = array<i32>} : memref<1x512xi32, #tpu.memory_space<vmem>>, vector<16xi32>,
          %select_n3A_187 = arith.select %ne3A, %broadcast_in_dim3A_5, %get3A_175 : vector<16xi1>, vector<16xi32>
          %mul3A_188 = arith.constant 16 : i32
          %mul3A_189 = arith.muli %scan3A_164, %mul3A_188 : i32
          %swap3A_190 = arith.constant 0 : i32
          %swap3A_191 = arith.index_cast %swap3A_190 : i32 to index
          %swap3A_192 = arith.index_cast %mul3A_189 : i32 to index
          %swap3A_193 = tpu.vector_load %arg16[%swap3A_191, %swap3A_192] {strides = array<i32>} : memref<1x512xi32, #tpu.memory_space<vmem>>, vector<16xi32>,
          tpu.vector_store %arg16[%swap3A_191, %swap3A_192], %select_n3A_187 {strides = array<i32>} : memref<1x512xi32, #tpu.memory_space<vmem>>, vector<16xi32>,
          tpu.vector_store_idx %arg19[%get3A_175], %broadcast_in_dim3A_3 {add = true} : memref<10240xf32, #tpu.memory_space<vmem>>[vector<16xi32>], vector<16xf32>,
          tpu.vector_store_idx %arg20[%get3A_175], %sub3A_181 {add = true} : memref<10240xf32, #tpu.memory_space<vmem>>[vector<16xi32>], vector<16xf32>,
          tpu.vector_store_idx %arg21[%get3A_169], %select_n3A {add = true} : memref<10240xf32, #tpu.memory_space<vmem>>[vector<16xi32>], vector<16xf32>,
        }
        %scan3A_149 = arith.constant 32 : i32
        %dma_start3A = arith.constant 0 : i32
        %dma_start3A_150 = arith.constant 0 : i32
        %dma_start3A_151 = tpu.memref_slice %arg13[%dma_start3A, %dma_start3A_150] : memref<1x512xi32, #tpu.memory_space<vmem>> -> memref<1x512xi32, #tpu.memory_space<vmem>>
        %dma_start3A_152 = tpu.memref_squeeze %dma_start3A_151 : memref<1x512xi32, #tpu.memory_space<vmem>> -> memref<512xi32, #tpu.memory_space<vmem>>
        %dma_start3A_153 = arith.constant 0 : i32
        %dma_start3A_154 = arith.constant 0 : i32
        %dma_start3A_155 = tpu.memref_slice %arg23[%dma_start3A_153, %dma_start3A_154] : memref<10240x16xf32, #tpu.memory_space<vmem_shared>> -> memref<10240x16xf32, #tpu.memory_space<vmem_shared>>
        tpu.enqueue_indirect_dma source(%arg10 : memref<512x16xf32, #tpu.memory_space<vmem>>) target(%dma_start3A_155 : memref<10240x16xf32, #tpu.memory_space<vmem_shared>>) offsets(%dma_start3A_152 : memref<512xi32, #tpu.memory_space<vmem>>) semaphore(%arg31 : memref<!tpu.dma_semaphore, #tpu.memory_space<semaphore_mem>>) {add = true}
        %dma_start3A_156 = arith.constant 0 : i32
        %dma_start3A_157 = arith.constant 0 : i32
        %dma_start3A_158 = tpu.memref_slice %arg16[%dma_start3A_156, %dma_start3A_157] : memref<1x512xi32, #tpu.memory_space<vmem>> -> memref<1x512xi32, #tpu.memory_space<vmem>>
        %dma_start3A_159 = tpu.memref_squeeze %dma_start3A_158 : memref<1x512xi32, #tpu.memory_space<vmem>> -> memref<512xi32, #tpu.memory_space<vmem>>
        %dma_start3A_160 = arith.constant 0 : i32
        %dma_start3A_161 = arith.constant 0 : i32
        %dma_start3A_162 = tpu.memref_slice %arg24[%dma_start3A_160, %dma_start3A_161] : memref<10240x16xf32, #tpu.memory_space<vmem_shared>> -> memref<10240x16xf32, #tpu.memory_space<vmem_shared>>
        %dma_start3A_163 = arith.constant 10000 : i32
        tpu.enqueue_indirect_dma source(%arg10 : memref<512x16xf32, #tpu.memory_space<vmem>>) target(%dma_start3A_162 : memref<10240x16xf32, #tpu.memory_space<vmem_shared>>) offsets(%dma_start3A_159 : memref<512xi32, #tpu.memory_space<vmem>>) offset_filter(%dma_start3A_163) semaphore(%arg31 : memref<!tpu.dma_semaphore, #tpu.memory_space<semaphore_mem>>) {add = true}
      } else {
      }
      %add3A_69 = arith.constant 1 : i32
      %add3A_70 = arith.addi %mul3A_40, %add3A_69 : i32
      %sub3A_71 = arith.constant 2 : i32
      %sub3A_72 = arith.subi %add3A_70, %sub3A_71 : i32
      %mul3A_73 = arith.constant 32 : i32
      %mul3A_74 = arith.muli %sub3A_72, %mul3A_73 : i32
      %add3A_75 = arith.addi %add3A, %mul3A_74 : i32
      %ge3A_76 = arith.constant 0 : i32
      %ge3A_77 = arith.cmpi sge, %sub3A_72, %ge3A_76 : i32
      %lt3A_78 = arith.constant 625 : i32
      %lt3A_79 = arith.cmpi slt, %add3A_75, %lt3A_78 : i32
      %and3A_80 = arith.andi %ge3A_77, %lt3A_79 : i1
      %convert_element_type3A_81 = arith.extui %and3A_80 : i1 to i32
      %cond3A_82 = arith.constant 0 : i32
      %cond3A_83 = arith.cmpi ne, %convert_element_type3A_81, %cond3A_82 : i32
      scf.if %cond3A_83 {
        %dma_wait3A = arith.constant 0 : i32
        %dma_wait3A_135 = arith.constant 0 : i32
        %dma_wait3A_136 = tpu.memref_slice %arg15[%dma_wait3A, %dma_wait3A_135] : memref<1x512xi32, #tpu.memory_space<vmem>> -> memref<1x512xi32, #tpu.memory_space<vmem>>
        %dma_wait3A_137 = tpu.memref_squeeze %dma_wait3A_136 : memref<1x512xi32, #tpu.memory_space<vmem>> -> memref<512xi32, #tpu.memory_space<vmem>>
        %dma_wait3A_138 = arith.constant 0 : i32
        %dma_wait3A_139 = arith.constant 0 : i32
        %dma_wait3A_140 = tpu.memref_slice %arg23[%dma_wait3A_138, %dma_wait3A_139] : memref<10240x16xf32, #tpu.memory_space<vmem_shared>> -> memref<10240x16xf32, #tpu.memory_space<vmem_shared>>
        tpu.wait_indirect_dma semaphore(%arg33 : memref<!tpu.dma_semaphore, #tpu.memory_space<semaphore_mem>>) src(%arg12 : memref<512x16xf32, #tpu.memory_space<vmem>>) dst(%dma_wait3A_140 : memref<10240x16xf32, #tpu.memory_space<vmem_shared>>)
        %dma_wait3A_141 = arith.constant 0 : i32
        %dma_wait3A_142 = arith.constant 0 : i32
        %dma_wait3A_143 = tpu.memref_slice %arg18[%dma_wait3A_141, %dma_wait3A_142] : memref<1x512xi32, #tpu.memory_space<vmem>> -> memref<1x512xi32, #tpu.memory_space<vmem>>
        %dma_wait3A_144 = tpu.memref_squeeze %dma_wait3A_143 : memref<1x512xi32, #tpu.memory_space<vmem>> -> memref<512xi32, #tpu.memory_space<vmem>>
        %dma_wait3A_145 = arith.constant 0 : i32
        %dma_wait3A_146 = arith.constant 0 : i32
        %dma_wait3A_147 = tpu.memref_slice %arg24[%dma_wait3A_145, %dma_wait3A_146] : memref<10240x16xf32, #tpu.memory_space<vmem_shared>> -> memref<10240x16xf32, #tpu.memory_space<vmem_shared>>
        tpu.wait_indirect_dma semaphore(%arg33 : memref<!tpu.dma_semaphore, #tpu.memory_space<semaphore_mem>>) src(%arg12 : memref<512x16xf32, #tpu.memory_space<vmem>>) dst(%dma_wait3A_147 : memref<10240x16xf32, #tpu.memory_space<vmem_shared>>)
      } else {
      }
      %add3A_84 = arith.constant 1 : i32
      %add3A_85 = arith.addi %add3A_70, %add3A_84 : i32
      %mul3A_86 = arith.constant 32 : i32
      %mul3A_87 = arith.muli %add3A_85, %mul3A_86 : i32
      %add3A_88 = arith.addi %add3A, %mul3A_87 : i32
      %lt3A_89 = arith.constant 625 : i32
      %lt3A_90 = arith.cmpi slt, %add3A_88, %lt3A_89 : i32
      %convert_element_type3A_91 = arith.extui %lt3A_90 : i1 to i32
      %cond3A_92 = arith.constant 0 : i32
      %cond3A_93 = arith.cmpi ne, %convert_element_type3A_91, %cond3A_92 : i32
      scf.if %cond3A_93 {
        %mul3A_135 = arith.constant 512 : i32
        %mul3A_136 = arith.muli %add3A_88, %mul3A_135 : i32
        %dma_start3A = arith.constant 0 : i32
        %dma_start3A_137 = tpu.memref_slice %arg2[%dma_start3A, %mul3A_136] : memref<2x320000xi32, #tpu.memory_space<hbm>> -> memref<2x512xi32, #tpu.memory_space<hbm>>
        %dma_start3A_138 = arith.constant 0 : i32
        %dma_start3A_139 = tpu.memref_slice %arg2[%dma_start3A_138, %mul3A_136] : memref<2x320000xi32, #tpu.memory_space<hbm>> -> memref<2x512xi32, #tpu.memory_space<hbm>>
        tpu.enqueue_dma source(%dma_start3A_139 : memref<2x512xi32, #tpu.memory_space<hbm>>) target(%arg9 : memref<2x512xi32, #tpu.memory_space<vmem>>) target_semaphore(%arg27 : memref<!tpu.dma_semaphore, #tpu.memory_space<semaphore_mem>>)
        %dma_start3A_140 = arith.constant 0 : i32
        %dma_start3A_141 = tpu.memref_slice %arg3[%mul3A_136, %dma_start3A_140] : memref<320000x16xf32, #tpu.memory_space<hbm>> -> memref<512x16xf32, #tpu.memory_space<hbm>>
        %dma_start3A_142 = arith.constant 0 : i32
        %dma_start3A_143 = tpu.memref_slice %arg3[%mul3A_136, %dma_start3A_142] : memref<320000x16xf32, #tpu.memory_space<hbm>> -> memref<512x16xf32, #tpu.memory_space<hbm>>
        tpu.enqueue_dma source(%dma_start3A_143 : memref<512x16xf32, #tpu.memory_space<hbm>>) target(%arg12 : memref<512x16xf32, #tpu.memory_space<vmem>>) target_semaphore(%arg30 : memref<!tpu.dma_semaphore, #tpu.memory_space<semaphore_mem>>)
      } else {
      }
      %mul3A_94 = arith.constant 32 : i32
      %mul3A_95 = arith.muli %add3A_70, %mul3A_94 : i32
      %add3A_96 = arith.addi %add3A, %mul3A_95 : i32
      %lt3A_97 = arith.constant 625 : i32
      %lt3A_98 = arith.cmpi slt, %add3A_96, %lt3A_97 : i32
      %convert_element_type3A_99 = arith.extui %lt3A_98 : i1 to i32
      %cond3A_100 = arith.constant 0 : i32
      %cond3A_101 = arith.cmpi ne, %convert_element_type3A_99, %cond3A_100 : i32
      scf.if %cond3A_101 {
        %mul3A_135 = arith.constant 512 : i32
        %mul3A_136 = arith.muli %add3A_96, %mul3A_135 : i32
        %dma_wait3A = arith.constant 0 : i32
        %dma_wait3A_137 = tpu.memref_slice %arg2[%dma_wait3A, %mul3A_136] : memref<2x320000xi32, #tpu.memory_space<hbm>> -> memref<2x512xi32, #tpu.memory_space<hbm>>
        %dma_wait3A_138 = arith.constant 0 : i32
        %dma_wait3A_139 = tpu.memref_slice %arg2[%dma_wait3A_138, %mul3A_136] : memref<2x320000xi32, #tpu.memory_space<hbm>> -> memref<2x512xi32, #tpu.memory_space<hbm>>
        tpu.wait_dma2 semaphore(%arg26 : memref<!tpu.dma_semaphore, #tpu.memory_space<semaphore_mem>>) src(%dma_wait3A_139 : memref<2x512xi32, #tpu.memory_space<hbm>>) dst(%arg8 : memref<2x512xi32, #tpu.memory_space<vmem>>)
        %dma_wait3A_140 = arith.constant 0 : i32
        %dma_wait3A_141 = tpu.memref_slice %arg3[%mul3A_136, %dma_wait3A_140] : memref<320000x16xf32, #tpu.memory_space<hbm>> -> memref<512x16xf32, #tpu.memory_space<hbm>>
        %dma_wait3A_142 = arith.constant 0 : i32
        %dma_wait3A_143 = tpu.memref_slice %arg3[%mul3A_136, %dma_wait3A_142] : memref<320000x16xf32, #tpu.memory_space<hbm>> -> memref<512x16xf32, #tpu.memory_space<hbm>>
        tpu.wait_dma2 semaphore(%arg29 : memref<!tpu.dma_semaphore, #tpu.memory_space<semaphore_mem>>) src(%dma_wait3A_143 : memref<512x16xf32, #tpu.memory_space<hbm>>) dst(%arg11 : memref<512x16xf32, #tpu.memory_space<vmem>>)
        %scan3A_144 = arith.constant 0 : i32
        %scan3A_145 = arith.constant 0 : i32
        %scan3A_146 = arith.constant 32 : i32
        %scan3A_147 = arith.addi %scan3A_145, %scan3A_146 : i32
        %scan3A_148 = arith.constant 1 : i32
        scf.for %scan3A_164 = %scan3A_145 to %scan3A_147 step %scan3A_148  : i32 {
          %mul3A_165 = arith.constant 16 : i32
          %mul3A_166 = arith.muli %scan3A_164, %mul3A_165 : i32
          %get3A = arith.constant 0 : i32
          %get3A_167 = arith.index_cast %get3A : i32 to index
          %get3A_168 = arith.index_cast %mul3A_166 : i32 to index
          %get3A_169 = tpu.vector_load %arg8[%get3A_167, %get3A_168] {strides = array<i32>} : memref<2x512xi32, #tpu.memory_space<vmem>>, vector<16xi32>,
          %mul3A_170 = arith.constant 16 : i32
          %mul3A_171 = arith.muli %scan3A_164, %mul3A_170 : i32
          %get3A_172 = arith.constant 1 : i32
          %get3A_173 = arith.index_cast %get3A_172 : i32 to index
          %get3A_174 = arith.index_cast %mul3A_171 : i32 to index
          %get3A_175 = tpu.vector_load %arg8[%get3A_173, %get3A_174] {strides = array<i32>} : memref<2x512xi32, #tpu.memory_space<vmem>>, vector<16xi32>,
          %ne3A = arith.cmpi ne, %get3A_169, %get3A_175 : vector<16xi32>
          %jit3A = arith.constant 1.000000e+00 : f32
          %jit3A_176 = arith.constant 0.000000e+00 : f32
          %broadcast_in_dim3A_177 = vector.broadcast %jit3A : f32 to vector<16xf32>
          %broadcast_in_dim3A_178 = vector.broadcast %jit3A_176 : f32 to vector<16xf32>
          %select_n3A = arith.select %ne3A, %broadcast_in_dim3A_177, %broadcast_in_dim3A_178 : vector<16xi1>, vector<16xf32>
          %sub3A_179 = arith.constant 1.000000e+00 : f32
          %sub3A_180 = vector.broadcast %sub3A_179 : f32 to vector<16xf32>
          %sub3A_181 = arith.subf %sub3A_180, %select_n3A : vector<16xf32>
          %mul3A_182 = arith.constant 16 : i32
          %mul3A_183 = arith.muli %scan3A_164, %mul3A_182 : i32
          %swap3A = arith.constant 0 : i32
          %swap3A_184 = arith.index_cast %swap3A : i32 to index
          %swap3A_185 = arith.index_cast %mul3A_183 : i32 to index
          %swap3A_186 = tpu.vector_load %arg14[%swap3A_184, %swap3A_185] {strides = array<i32>} : memref<1x512xi32, #tpu.memory_space<vmem>>, vector<16xi32>,
          tpu.vector_store %arg14[%swap3A_184, %swap3A_185], %get3A_175 {strides = array<i32>} : memref<1x512xi32, #tpu.memory_space<vmem>>, vector<16xi32>,
          %select_n3A_187 = arith.select %ne3A, %broadcast_in_dim3A_5, %get3A_175 : vector<16xi1>, vector<16xi32>
          %mul3A_188 = arith.constant 16 : i32
          %mul3A_189 = arith.muli %scan3A_164, %mul3A_188 : i32
          %swap3A_190 = arith.constant 0 : i32
          %swap3A_191 = arith.index_cast %swap3A_190 : i32 to index
          %swap3A_192 = arith.index_cast %mul3A_189 : i32 to index
          %swap3A_193 = tpu.vector_load %arg17[%swap3A_191, %swap3A_192] {strides = array<i32>} : memref<1x512xi32, #tpu.memory_space<vmem>>, vector<16xi32>,
          tpu.vector_store %arg17[%swap3A_191, %swap3A_192], %select_n3A_187 {strides = array<i32>} : memref<1x512xi32, #tpu.memory_space<vmem>>, vector<16xi32>,
          tpu.vector_store_idx %arg19[%get3A_175], %broadcast_in_dim3A_3 {add = true} : memref<10240xf32, #tpu.memory_space<vmem>>[vector<16xi32>], vector<16xf32>,
          tpu.vector_store_idx %arg20[%get3A_175], %sub3A_181 {add = true} : memref<10240xf32, #tpu.memory_space<vmem>>[vector<16xi32>], vector<16xf32>,
          tpu.vector_store_idx %arg21[%get3A_169], %select_n3A {add = true} : memref<10240xf32, #tpu.memory_space<vmem>>[vector<16xi32>], vector<16xf32>,
        }
        %scan3A_149 = arith.constant 32 : i32
        %dma_start3A = arith.constant 0 : i32
        %dma_start3A_150 = arith.constant 0 : i32
        %dma_start3A_151 = tpu.memref_slice %arg14[%dma_start3A, %dma_start3A_150] : memref<1x512xi32, #tpu.memory_space<vmem>> -> memref<1x512xi32, #tpu.memory_space<vmem>>
        %dma_start3A_152 = tpu.memref_squeeze %dma_start3A_151 : memref<1x512xi32, #tpu.memory_space<vmem>> -> memref<512xi32, #tpu.memory_space<vmem>>
        %dma_start3A_153 = arith.constant 0 : i32
        %dma_start3A_154 = arith.constant 0 : i32
        %dma_start3A_155 = tpu.memref_slice %arg23[%dma_start3A_153, %dma_start3A_154] : memref<10240x16xf32, #tpu.memory_space<vmem_shared>> -> memref<10240x16xf32, #tpu.memory_space<vmem_shared>>
        tpu.enqueue_indirect_dma source(%arg11 : memref<512x16xf32, #tpu.memory_space<vmem>>) target(%dma_start3A_155 : memref<10240x16xf32, #tpu.memory_space<vmem_shared>>) offsets(%dma_start3A_152 : memref<512xi32, #tpu.memory_space<vmem>>) semaphore(%arg32 : memref<!tpu.dma_semaphore, #tpu.memory_space<semaphore_mem>>) {add = true}
        %dma_start3A_156 = arith.constant 0 : i32
        %dma_start3A_157 = arith.constant 0 : i32
        %dma_start3A_158 = tpu.memref_slice %arg17[%dma_start3A_156, %dma_start3A_157] : memref<1x512xi32, #tpu.memory_space<vmem>> -> memref<1x512xi32, #tpu.memory_space<vmem>>
        %dma_start3A_159 = tpu.memref_squeeze %dma_start3A_158 : memref<1x512xi32, #tpu.memory_space<vmem>> -> memref<512xi32, #tpu.memory_space<vmem>>
        %dma_start3A_160 = arith.constant 0 : i32
        %dma_start3A_161 = arith.constant 0 : i32
        %dma_start3A_162 = tpu.memref_slice %arg24[%dma_start3A_160, %dma_start3A_161] : memref<10240x16xf32, #tpu.memory_space<vmem_shared>> -> memref<10240x16xf32, #tpu.memory_space<vmem_shared>>
        %dma_start3A_163 = arith.constant 10000 : i32
        tpu.enqueue_indirect_dma source(%arg11 : memref<512x16xf32, #tpu.memory_space<vmem>>) target(%dma_start3A_162 : memref<10240x16xf32, #tpu.memory_space<vmem_shared>>) offsets(%dma_start3A_159 : memref<512xi32, #tpu.memory_space<vmem>>) offset_filter(%dma_start3A_163) semaphore(%arg32 : memref<!tpu.dma_semaphore, #tpu.memory_space<semaphore_mem>>) {add = true}
      } else {
      }
      %add3A_102 = arith.constant 2 : i32
      %add3A_103 = arith.addi %mul3A_40, %add3A_102 : i32
      %sub3A_104 = arith.constant 2 : i32
      %sub3A_105 = arith.subi %add3A_103, %sub3A_104 : i32
      %mul3A_106 = arith.constant 32 : i32
      %mul3A_107 = arith.muli %sub3A_105, %mul3A_106 : i32
      %add3A_108 = arith.addi %add3A, %mul3A_107 : i32
      %ge3A_109 = arith.constant 0 : i32
      %ge3A_110 = arith.cmpi sge, %sub3A_105, %ge3A_109 : i32
      %lt3A_111 = arith.constant 625 : i32
      %lt3A_112 = arith.cmpi slt, %add3A_108, %lt3A_111 : i32
      %and3A_113 = arith.andi %ge3A_110, %lt3A_112 : i1
      %convert_element_type3A_114 = arith.extui %and3A_113 : i1 to i32
      %cond3A_115 = arith.constant 0 : i32
      %cond3A_116 = arith.cmpi ne, %convert_element_type3A_114, %cond3A_115 : i32
      scf.if %cond3A_116 {
        %dma_wait3A = arith.constant 0 : i32
        %dma_wait3A_135 = arith.constant 0 : i32
        %dma_wait3A_136 = tpu.memref_slice %arg13[%dma_wait3A, %dma_wait3A_135] : memref<1x512xi32, #tpu.memory_space<vmem>> -> memref<1x512xi32, #tpu.memory_space<vmem>>
        %dma_wait3A_137 = tpu.memref_squeeze %dma_wait3A_136 : memref<1x512xi32, #tpu.memory_space<vmem>> -> memref<512xi32, #tpu.memory_space<vmem>>
        %dma_wait3A_138 = arith.constant 0 : i32
        %dma_wait3A_139 = arith.constant 0 : i32
        %dma_wait3A_140 = tpu.memref_slice %arg23[%dma_wait3A_138, %dma_wait3A_139] : memref<10240x16xf32, #tpu.memory_space<vmem_shared>> -> memref<10240x16xf32, #tpu.memory_space<vmem_shared>>
        tpu.wait_indirect_dma semaphore(%arg31 : memref<!tpu.dma_semaphore, #tpu.memory_space<semaphore_mem>>) src(%arg10 : memref<512x16xf32, #tpu.memory_space<vmem>>) dst(%dma_wait3A_140 : memref<10240x16xf32, #tpu.memory_space<vmem_shared>>)
        %dma_wait3A_141 = arith.constant 0 : i32
        %dma_wait3A_142 = arith.constant 0 : i32
        %dma_wait3A_143 = tpu.memref_slice %arg16[%dma_wait3A_141, %dma_wait3A_142] : memref<1x512xi32, #tpu.memory_space<vmem>> -> memref<1x512xi32, #tpu.memory_space<vmem>>
        %dma_wait3A_144 = tpu.memref_squeeze %dma_wait3A_143 : memref<1x512xi32, #tpu.memory_space<vmem>> -> memref<512xi32, #tpu.memory_space<vmem>>
        %dma_wait3A_145 = arith.constant 0 : i32
        %dma_wait3A_146 = arith.constant 0 : i32
        %dma_wait3A_147 = tpu.memref_slice %arg24[%dma_wait3A_145, %dma_wait3A_146] : memref<10240x16xf32, #tpu.memory_space<vmem_shared>> -> memref<10240x16xf32, #tpu.memory_space<vmem_shared>>
        tpu.wait_indirect_dma semaphore(%arg31 : memref<!tpu.dma_semaphore, #tpu.memory_space<semaphore_mem>>) src(%arg10 : memref<512x16xf32, #tpu.memory_space<vmem>>) dst(%dma_wait3A_147 : memref<10240x16xf32, #tpu.memory_space<vmem_shared>>)
      } else {
      }
      %add3A_117 = arith.constant 1 : i32
      %add3A_118 = arith.addi %add3A_103, %add3A_117 : i32
      %mul3A_119 = arith.constant 32 : i32
      %mul3A_120 = arith.muli %add3A_118, %mul3A_119 : i32
      %add3A_121 = arith.addi %add3A, %mul3A_120 : i32
      %lt3A_122 = arith.constant 625 : i32
      %lt3A_123 = arith.cmpi slt, %add3A_121, %lt3A_122 : i32
      %convert_element_type3A_124 = arith.extui %lt3A_123 : i1 to i32
      %cond3A_125 = arith.constant 0 : i32
      %cond3A_126 = arith.cmpi ne, %convert_element_type3A_124, %cond3A_125 : i32
      scf.if %cond3A_126 {
        %mul3A_135 = arith.constant 512 : i32
        %mul3A_136 = arith.muli %add3A_121, %mul3A_135 : i32
        %dma_start3A = arith.constant 0 : i32
        %dma_start3A_137 = tpu.memref_slice %arg2[%dma_start3A, %mul3A_136] : memref<2x320000xi32, #tpu.memory_space<hbm>> -> memref<2x512xi32, #tpu.memory_space<hbm>>
        %dma_start3A_138 = arith.constant 0 : i32
        %dma_start3A_139 = tpu.memref_slice %arg2[%dma_start3A_138, %mul3A_136] : memref<2x320000xi32, #tpu.memory_space<hbm>> -> memref<2x512xi32, #tpu.memory_space<hbm>>
        tpu.enqueue_dma source(%dma_start3A_139 : memref<2x512xi32, #tpu.memory_space<hbm>>) target(%arg7 : memref<2x512xi32, #tpu.memory_space<vmem>>) target_semaphore(%arg25 : memref<!tpu.dma_semaphore, #tpu.memory_space<semaphore_mem>>)
        %dma_start3A_140 = arith.constant 0 : i32
        %dma_start3A_141 = tpu.memref_slice %arg3[%mul3A_136, %dma_start3A_140] : memref<320000x16xf32, #tpu.memory_space<hbm>> -> memref<512x16xf32, #tpu.memory_space<hbm>>
        %dma_start3A_142 = arith.constant 0 : i32
        %dma_start3A_143 = tpu.memref_slice %arg3[%mul3A_136, %dma_start3A_142] : memref<320000x16xf32, #tpu.memory_space<hbm>> -> memref<512x16xf32, #tpu.memory_space<hbm>>
        tpu.enqueue_dma source(%dma_start3A_143 : memref<512x16xf32, #tpu.memory_space<hbm>>) target(%arg10 : memref<512x16xf32, #tpu.memory_space<vmem>>) target_semaphore(%arg28 : memref<!tpu.dma_semaphore, #tpu.memory_space<semaphore_mem>>)
      } else {
      }
      %mul3A_127 = arith.constant 32 : i32
      %mul3A_128 = arith.muli %add3A_103, %mul3A_127 : i32
      %add3A_129 = arith.addi %add3A, %mul3A_128 : i32
      %lt3A_130 = arith.constant 625 : i32
      %lt3A_131 = arith.cmpi slt, %add3A_129, %lt3A_130 : i32
      %convert_element_type3A_132 = arith.extui %lt3A_131 : i1 to i32
      %cond3A_133 = arith.constant 0 : i32
      %cond3A_134 = arith.cmpi ne, %convert_element_type3A_132, %cond3A_133 : i32
      scf.if %cond3A_134 {
        %mul3A_135 = arith.constant 512 : i32
        %mul3A_136 = arith.muli %add3A_129, %mul3A_135 : i32
        %dma_wait3A = arith.constant 0 : i32
        %dma_wait3A_137 = tpu.memref_slice %arg2[%dma_wait3A, %mul3A_136] : memref<2x320000xi32, #tpu.memory_space<hbm>> -> memref<2x512xi32, #tpu.memory_space<hbm>>
        %dma_wait3A_138 = arith.constant 0 : i32
        %dma_wait3A_139 = tpu.memref_slice %arg2[%dma_wait3A_138, %mul3A_136] : memref<2x320000xi32, #tpu.memory_space<hbm>> -> memref<2x512xi32, #tpu.memory_space<hbm>>
        tpu.wait_dma2 semaphore(%arg27 : memref<!tpu.dma_semaphore, #tpu.memory_space<semaphore_mem>>) src(%dma_wait3A_139 : memref<2x512xi32, #tpu.memory_space<hbm>>) dst(%arg9 : memref<2x512xi32, #tpu.memory_space<vmem>>)
        %dma_wait3A_140 = arith.constant 0 : i32
        %dma_wait3A_141 = tpu.memref_slice %arg3[%mul3A_136, %dma_wait3A_140] : memref<320000x16xf32, #tpu.memory_space<hbm>> -> memref<512x16xf32, #tpu.memory_space<hbm>>
        %dma_wait3A_142 = arith.constant 0 : i32
        %dma_wait3A_143 = tpu.memref_slice %arg3[%mul3A_136, %dma_wait3A_142] : memref<320000x16xf32, #tpu.memory_space<hbm>> -> memref<512x16xf32, #tpu.memory_space<hbm>>
        tpu.wait_dma2 semaphore(%arg30 : memref<!tpu.dma_semaphore, #tpu.memory_space<semaphore_mem>>) src(%dma_wait3A_143 : memref<512x16xf32, #tpu.memory_space<hbm>>) dst(%arg12 : memref<512x16xf32, #tpu.memory_space<vmem>>)
        %scan3A_144 = arith.constant 0 : i32
        %scan3A_145 = arith.constant 0 : i32
        %scan3A_146 = arith.constant 32 : i32
        %scan3A_147 = arith.addi %scan3A_145, %scan3A_146 : i32
        %scan3A_148 = arith.constant 1 : i32
        scf.for %scan3A_164 = %scan3A_145 to %scan3A_147 step %scan3A_148  : i32 {
          %mul3A_165 = arith.constant 16 : i32
          %mul3A_166 = arith.muli %scan3A_164, %mul3A_165 : i32
          %get3A = arith.constant 0 : i32
          %get3A_167 = arith.index_cast %get3A : i32 to index
          %get3A_168 = arith.index_cast %mul3A_166 : i32 to index
          %get3A_169 = tpu.vector_load %arg9[%get3A_167, %get3A_168] {strides = array<i32>} : memref<2x512xi32, #tpu.memory_space<vmem>>, vector<16xi32>,
          %mul3A_170 = arith.constant 16 : i32
          %mul3A_171 = arith.muli %scan3A_164, %mul3A_170 : i32
          %get3A_172 = arith.constant 1 : i32
          %get3A_173 = arith.index_cast %get3A_172 : i32 to index
          %get3A_174 = arith.index_cast %mul3A_171 : i32 to index
          %get3A_175 = tpu.vector_load %arg9[%get3A_173, %get3A_174] {strides = array<i32>} : memref<2x512xi32, #tpu.memory_space<vmem>>, vector<16xi32>,
          %ne3A = arith.cmpi ne, %get3A_169, %get3A_175 : vector<16xi32>
          %jit3A = arith.constant 1.000000e+00 : f32
          %jit3A_176 = arith.constant 0.000000e+00 : f32
          %broadcast_in_dim3A_177 = vector.broadcast %jit3A : f32 to vector<16xf32>
          %broadcast_in_dim3A_178 = vector.broadcast %jit3A_176 : f32 to vector<16xf32>
          %select_n3A = arith.select %ne3A, %broadcast_in_dim3A_177, %broadcast_in_dim3A_178 : vector<16xi1>, vector<16xf32>
          %sub3A_179 = arith.constant 1.000000e+00 : f32
          %sub3A_180 = vector.broadcast %sub3A_179 : f32 to vector<16xf32>
          %sub3A_181 = arith.subf %sub3A_180, %select_n3A : vector<16xf32>
          %mul3A_182 = arith.constant 16 : i32
          %mul3A_183 = arith.muli %scan3A_164, %mul3A_182 : i32
          %swap3A = arith.constant 0 : i32
          %swap3A_184 = arith.index_cast %swap3A : i32 to index
          %swap3A_185 = arith.index_cast %mul3A_183 : i32 to index
          %swap3A_186 = tpu.vector_load %arg15[%swap3A_184, %swap3A_185] {strides = array<i32>} : memref<1x512xi32, #tpu.memory_space<vmem>>, vector<16xi32>,
          tpu.vector_store %arg15[%swap3A_184, %swap3A_185], %get3A_175 {strides = array<i32>} : memref<1x512xi32, #tpu.memory_space<vmem>>, vector<16xi32>,
          %select_n3A_187 = arith.select %ne3A, %broadcast_in_dim3A_5, %get3A_175 : vector<16xi1>, vector<16xi32>
          %mul3A_188 = arith.constant 16 : i32
          %mul3A_189 = arith.muli %scan3A_164, %mul3A_188 : i32
          %swap3A_190 = arith.constant 0 : i32
          %swap3A_191 = arith.index_cast %swap3A_190 : i32 to index
          %swap3A_192 = arith.index_cast %mul3A_189 : i32 to index
          %swap3A_193 = tpu.vector_load %arg18[%swap3A_191, %swap3A_192] {strides = array<i32>} : memref<1x512xi32, #tpu.memory_space<vmem>>, vector<16xi32>,
          tpu.vector_store %arg18[%swap3A_191, %swap3A_192], %select_n3A_187 {strides = array<i32>} : memref<1x512xi32, #tpu.memory_space<vmem>>, vector<16xi32>,
          tpu.vector_store_idx %arg19[%get3A_175], %broadcast_in_dim3A_3 {add = true} : memref<10240xf32, #tpu.memory_space<vmem>>[vector<16xi32>], vector<16xf32>,
          tpu.vector_store_idx %arg20[%get3A_175], %sub3A_181 {add = true} : memref<10240xf32, #tpu.memory_space<vmem>>[vector<16xi32>], vector<16xf32>,
          tpu.vector_store_idx %arg21[%get3A_169], %select_n3A {add = true} : memref<10240xf32, #tpu.memory_space<vmem>>[vector<16xi32>], vector<16xf32>,
        }
        %scan3A_149 = arith.constant 32 : i32
        %dma_start3A = arith.constant 0 : i32
        %dma_start3A_150 = arith.constant 0 : i32
        %dma_start3A_151 = tpu.memref_slice %arg15[%dma_start3A, %dma_start3A_150] : memref<1x512xi32, #tpu.memory_space<vmem>> -> memref<1x512xi32, #tpu.memory_space<vmem>>
        %dma_start3A_152 = tpu.memref_squeeze %dma_start3A_151 : memref<1x512xi32, #tpu.memory_space<vmem>> -> memref<512xi32, #tpu.memory_space<vmem>>
        %dma_start3A_153 = arith.constant 0 : i32
        %dma_start3A_154 = arith.constant 0 : i32
        %dma_start3A_155 = tpu.memref_slice %arg23[%dma_start3A_153, %dma_start3A_154] : memref<10240x16xf32, #tpu.memory_space<vmem_shared>> -> memref<10240x16xf32, #tpu.memory_space<vmem_shared>>
        tpu.enqueue_indirect_dma source(%arg12 : memref<512x16xf32, #tpu.memory_space<vmem>>) target(%dma_start3A_155 : memref<10240x16xf32, #tpu.memory_space<vmem_shared>>) offsets(%dma_start3A_152 : memref<512xi32, #tpu.memory_space<vmem>>) semaphore(%arg33 : memref<!tpu.dma_semaphore, #tpu.memory_space<semaphore_mem>>) {add = true}
        %dma_start3A_156 = arith.constant 0 : i32
        %dma_start3A_157 = arith.constant 0 : i32
        %dma_start3A_158 = tpu.memref_slice %arg18[%dma_start3A_156, %dma_start3A_157] : memref<1x512xi32, #tpu.memory_space<vmem>> -> memref<1x512xi32, #tpu.memory_space<vmem>>
        %dma_start3A_159 = tpu.memref_squeeze %dma_start3A_158 : memref<1x512xi32, #tpu.memory_space<vmem>> -> memref<512xi32, #tpu.memory_space<vmem>>
        %dma_start3A_160 = arith.constant 0 : i32
        %dma_start3A_161 = arith.constant 0 : i32
        %dma_start3A_162 = tpu.memref_slice %arg24[%dma_start3A_160, %dma_start3A_161] : memref<10240x16xf32, #tpu.memory_space<vmem_shared>> -> memref<10240x16xf32, #tpu.memory_space<vmem_shared>>
        %dma_start3A_163 = arith.constant 10000 : i32
        tpu.enqueue_indirect_dma source(%arg12 : memref<512x16xf32, #tpu.memory_space<vmem>>) target(%dma_start3A_162 : memref<10240x16xf32, #tpu.memory_space<vmem_shared>>) offsets(%dma_start3A_159 : memref<512xi32, #tpu.memory_space<vmem>>) offset_filter(%dma_start3A_163) semaphore(%arg33 : memref<!tpu.dma_semaphore, #tpu.memory_space<semaphore_mem>>) {add = true}
      } else {
      }
    }
    %scan3A_32 = arith.constant 8 : i32
    %barrier3A_33 = arith.constant 0 : index
    tpu.barrier barrier_id(%barrier3A_33)
    %mul3A_34 = arith.constant 640 : i32
    %mul3A_35 = arith.muli %arg1, %mul3A_34 : i32
    "tpu.region"() ({
      %run_scoped3A_38 = tpu.sem_alloc : memref<!tpu.dma_semaphore, #tpu.memory_space<semaphore_mem>>
      %dma_start3A = arith.constant 0 : i32
      %dma_start3A_39 = tpu.memref_slice %arg4[%arg0, %mul3A_35, %dma_start3A] : memref<2x10240x16xf32, #tpu.memory_space<hbm>> -> memref<1x640x16xf32, #tpu.memory_space<hbm>>
      %dma_start3A_40 = tpu.memref_squeeze %dma_start3A_39 : memref<1x640x16xf32, #tpu.memory_space<hbm>> -> memref<640x16xf32, #tpu.memory_space<hbm>>
      %dma_start3A_41 = arith.constant 0 : i32
      %dma_start3A_42 = tpu.memref_slice %arg23[%mul3A_35, %dma_start3A_41] : memref<10240x16xf32, #tpu.memory_space<vmem_shared>> -> memref<640x16xf32, #tpu.memory_space<vmem_shared>>
      tpu.enqueue_dma source(%dma_start3A_42 : memref<640x16xf32, #tpu.memory_space<vmem_shared>>) target(%dma_start3A_40 : memref<640x16xf32, #tpu.memory_space<hbm>>) target_semaphore(%run_scoped3A_38 : memref<!tpu.dma_semaphore, #tpu.memory_space<semaphore_mem>>)
      %dma_wait3A = arith.constant 0 : i32
      %dma_wait3A_43 = tpu.memref_slice %arg4[%arg0, %mul3A_35, %dma_wait3A] : memref<2x10240x16xf32, #tpu.memory_space<hbm>> -> memref<1x640x16xf32, #tpu.memory_space<hbm>>
      %dma_wait3A_44 = tpu.memref_squeeze %dma_wait3A_43 : memref<1x640x16xf32, #tpu.memory_space<hbm>> -> memref<640x16xf32, #tpu.memory_space<hbm>>
      %dma_wait3A_45 = arith.constant 0 : i32
      %dma_wait3A_46 = tpu.memref_slice %arg23[%mul3A_35, %dma_wait3A_45] : memref<10240x16xf32, #tpu.memory_space<vmem_shared>> -> memref<640x16xf32, #tpu.memory_space<vmem_shared>>
      tpu.wait_dma2 semaphore(%run_scoped3A_38 : memref<!tpu.dma_semaphore, #tpu.memory_space<semaphore_mem>>) src(%dma_wait3A_46 : memref<640x16xf32, #tpu.memory_space<vmem_shared>>) dst(%dma_wait3A_44 : memref<640x16xf32, #tpu.memory_space<hbm>>)
      tpu.yield
    }) : () -> ()
    "tpu.region"() ({
      %run_scoped3A_38 = tpu.sem_alloc : memref<!tpu.dma_semaphore, #tpu.memory_space<semaphore_mem>>
      %dma_start3A = arith.constant 0 : i32
      %dma_start3A_39 = tpu.memref_slice %arg5[%arg0, %mul3A_35, %dma_start3A] : memref<2x10240x16xf32, #tpu.memory_space<hbm>> -> memref<1x640x16xf32, #tpu.memory_space<hbm>>
      %dma_start3A_40 = tpu.memref_squeeze %dma_start3A_39 : memref<1x640x16xf32, #tpu.memory_space<hbm>> -> memref<640x16xf32, #tpu.memory_space<hbm>>
      %dma_start3A_41 = arith.constant 0 : i32
      %dma_start3A_42 = tpu.memref_slice %arg24[%mul3A_35, %dma_start3A_41] : memref<10240x16xf32, #tpu.memory_space<vmem_shared>> -> memref<640x16xf32, #tpu.memory_space<vmem_shared>>
      tpu.enqueue_dma source(%dma_start3A_42 : memref<640x16xf32, #tpu.memory_space<vmem_shared>>) target(%dma_start3A_40 : memref<640x16xf32, #tpu.memory_space<hbm>>) target_semaphore(%run_scoped3A_38 : memref<!tpu.dma_semaphore, #tpu.memory_space<semaphore_mem>>)
      %dma_wait3A = arith.constant 0 : i32
      %dma_wait3A_43 = tpu.memref_slice %arg5[%arg0, %mul3A_35, %dma_wait3A] : memref<2x10240x16xf32, #tpu.memory_space<hbm>> -> memref<1x640x16xf32, #tpu.memory_space<hbm>>
      %dma_wait3A_44 = tpu.memref_squeeze %dma_wait3A_43 : memref<1x640x16xf32, #tpu.memory_space<hbm>> -> memref<640x16xf32, #tpu.memory_space<hbm>>
      %dma_wait3A_45 = arith.constant 0 : i32
      %dma_wait3A_46 = tpu.memref_slice %arg24[%mul3A_35, %dma_wait3A_45] : memref<10240x16xf32, #tpu.memory_space<vmem_shared>> -> memref<640x16xf32, #tpu.memory_space<vmem_shared>>
      tpu.wait_dma2 semaphore(%run_scoped3A_38 : memref<!tpu.dma_semaphore, #tpu.memory_space<semaphore_mem>>) src(%dma_wait3A_46 : memref<640x16xf32, #tpu.memory_space<vmem_shared>>) dst(%dma_wait3A_44 : memref<640x16xf32, #tpu.memory_space<hbm>>)
      tpu.yield
    }) : () -> ()
    %run_scoped3A = arith.constant 0 : i32
    "tpu.region"() ({
      %run_scoped3A_38 = tpu.sem_alloc : memref<!tpu.dma_semaphore, #tpu.memory_space<semaphore_mem>>
      %dma_start3A = arith.constant 0 : i32
      %dma_start3A_39 = tpu.memref_slice %arg6[%run_scoped3A, %add3A, %dma_start3A] : memref<3x32x10240xf32, #tpu.memory_space<hbm>> -> memref<1x1x10240xf32, #tpu.memory_space<hbm>>
      %dma_start3A_40 = tpu.memref_squeeze %dma_start3A_39 : memref<1x1x10240xf32, #tpu.memory_space<hbm>> -> memref<10240xf32, #tpu.memory_space<hbm>>
      %dma_start3A_41 = arith.constant 0 : i32
      %dma_start3A_42 = tpu.memref_slice %arg6[%run_scoped3A, %add3A, %dma_start3A_41] : memref<3x32x10240xf32, #tpu.memory_space<hbm>> -> memref<1x1x10240xf32, #tpu.memory_space<hbm>>
      %dma_start3A_43 = tpu.memref_squeeze %dma_start3A_42 : memref<1x1x10240xf32, #tpu.memory_space<hbm>> -> memref<10240xf32, #tpu.memory_space<hbm>>
      tpu.enqueue_dma source(%arg19 : memref<10240xf32, #tpu.memory_space<vmem>>) target(%dma_start3A_43 : memref<10240xf32, #tpu.memory_space<hbm>>) target_semaphore(%run_scoped3A_38 : memref<!tpu.dma_semaphore, #tpu.memory_space<semaphore_mem>>)
      %dma_wait3A = arith.constant 0 : i32
      %dma_wait3A_44 = tpu.memref_slice %arg6[%run_scoped3A, %add3A, %dma_wait3A] : memref<3x32x10240xf32, #tpu.memory_space<hbm>> -> memref<1x1x10240xf32, #tpu.memory_space<hbm>>
      %dma_wait3A_45 = tpu.memref_squeeze %dma_wait3A_44 : memref<1x1x10240xf32, #tpu.memory_space<hbm>> -> memref<10240xf32, #tpu.memory_space<hbm>>
      %dma_wait3A_46 = arith.constant 0 : i32
      %dma_wait3A_47 = tpu.memref_slice %arg6[%run_scoped3A, %add3A, %dma_wait3A_46] : memref<3x32x10240xf32, #tpu.memory_space<hbm>> -> memref<1x1x10240xf32, #tpu.memory_space<hbm>>
      %dma_wait3A_48 = tpu.memref_squeeze %dma_wait3A_47 : memref<1x1x10240xf32, #tpu.memory_space<hbm>> -> memref<10240xf32, #tpu.memory_space<hbm>>
      tpu.wait_dma2 semaphore(%run_scoped3A_38 : memref<!tpu.dma_semaphore, #tpu.memory_space<semaphore_mem>>) src(%arg19 : memref<10240xf32, #tpu.memory_space<vmem>>) dst(%dma_wait3A_48 : memref<10240xf32, #tpu.memory_space<hbm>>)
      tpu.yield
    }) : () -> ()
    %run_scoped3A_36 = arith.constant 1 : i32
    "tpu.region"() ({
      %run_scoped3A_38 = tpu.sem_alloc : memref<!tpu.dma_semaphore, #tpu.memory_space<semaphore_mem>>
      %dma_start3A = arith.constant 0 : i32
      %dma_start3A_39 = tpu.memref_slice %arg6[%run_scoped3A_36, %add3A, %dma_start3A] : memref<3x32x10240xf32, #tpu.memory_space<hbm>> -> memref<1x1x10240xf32, #tpu.memory_space<hbm>>
      %dma_start3A_40 = tpu.memref_squeeze %dma_start3A_39 : memref<1x1x10240xf32, #tpu.memory_space<hbm>> -> memref<10240xf32, #tpu.memory_space<hbm>>
      %dma_start3A_41 = arith.constant 0 : i32
      %dma_start3A_42 = tpu.memref_slice %arg6[%run_scoped3A_36, %add3A, %dma_start3A_41] : memref<3x32x10240xf32, #tpu.memory_space<hbm>> -> memref<1x1x10240xf32, #tpu.memory_space<hbm>>
      %dma_start3A_43 = tpu.memref_squeeze %dma_start3A_42 : memref<1x1x10240xf32, #tpu.memory_space<hbm>> -> memref<10240xf32, #tpu.memory_space<hbm>>
      tpu.enqueue_dma source(%arg20 : memref<10240xf32, #tpu.memory_space<vmem>>) target(%dma_start3A_43 : memref<10240xf32, #tpu.memory_space<hbm>>) target_semaphore(%run_scoped3A_38 : memref<!tpu.dma_semaphore, #tpu.memory_space<semaphore_mem>>)
      %dma_wait3A = arith.constant 0 : i32
      %dma_wait3A_44 = tpu.memref_slice %arg6[%run_scoped3A_36, %add3A, %dma_wait3A] : memref<3x32x10240xf32, #tpu.memory_space<hbm>> -> memref<1x1x10240xf32, #tpu.memory_space<hbm>>
      %dma_wait3A_45 = tpu.memref_squeeze %dma_wait3A_44 : memref<1x1x10240xf32, #tpu.memory_space<hbm>> -> memref<10240xf32, #tpu.memory_space<hbm>>
      %dma_wait3A_46 = arith.constant 0 : i32
      %dma_wait3A_47 = tpu.memref_slice %arg6[%run_scoped3A_36, %add3A, %dma_wait3A_46] : memref<3x32x10240xf32, #tpu.memory_space<hbm>> -> memref<1x1x10240xf32, #tpu.memory_space<hbm>>
      %dma_wait3A_48 = tpu.memref_squeeze %dma_wait3A_47 : memref<1x1x10240xf32, #tpu.memory_space<hbm>> -> memref<10240xf32, #tpu.memory_space<hbm>>
      tpu.wait_dma2 semaphore(%run_scoped3A_38 : memref<!tpu.dma_semaphore, #tpu.memory_space<semaphore_mem>>) src(%arg20 : memref<10240xf32, #tpu.memory_space<vmem>>) dst(%dma_wait3A_48 : memref<10240xf32, #tpu.memory_space<hbm>>)
      tpu.yield
    }) : () -> ()
    %run_scoped3A_37 = arith.constant 2 : i32
    "tpu.region"() ({
      %run_scoped3A_38 = tpu.sem_alloc : memref<!tpu.dma_semaphore, #tpu.memory_space<semaphore_mem>>
      %dma_start3A = arith.constant 0 : i32
      %dma_start3A_39 = tpu.memref_slice %arg6[%run_scoped3A_37, %add3A, %dma_start3A] : memref<3x32x10240xf32, #tpu.memory_space<hbm>> -> memref<1x1x10240xf32, #tpu.memory_space<hbm>>
      %dma_start3A_40 = tpu.memref_squeeze %dma_start3A_39 : memref<1x1x10240xf32, #tpu.memory_space<hbm>> -> memref<10240xf32, #tpu.memory_space<hbm>>
      %dma_start3A_41 = arith.constant 0 : i32
      %dma_start3A_42 = tpu.memref_slice %arg6[%run_scoped3A_37, %add3A, %dma_start3A_41] : memref<3x32x10240xf32, #tpu.memory_space<hbm>> -> memref<1x1x10240xf32, #tpu.memory_space<hbm>>
      %dma_start3A_43 = tpu.memref_squeeze %dma_start3A_42 : memref<1x1x10240xf32, #tpu.memory_space<hbm>> -> memref<10240xf32, #tpu.memory_space<hbm>>
      tpu.enqueue_dma source(%arg21 : memref<10240xf32, #tpu.memory_space<vmem>>) target(%dma_start3A_43 : memref<10240xf32, #tpu.memory_space<hbm>>) target_semaphore(%run_scoped3A_38 : memref<!tpu.dma_semaphore, #tpu.memory_space<semaphore_mem>>)
      %dma_wait3A = arith.constant 0 : i32
      %dma_wait3A_44 = tpu.memref_slice %arg6[%run_scoped3A_37, %add3A, %dma_wait3A] : memref<3x32x10240xf32, #tpu.memory_space<hbm>> -> memref<1x1x10240xf32, #tpu.memory_space<hbm>>
      %dma_wait3A_45 = tpu.memref_squeeze %dma_wait3A_44 : memref<1x1x10240xf32, #tpu.memory_space<hbm>> -> memref<10240xf32, #tpu.memory_space<hbm>>
      %dma_wait3A_46 = arith.constant 0 : i32
      %dma_wait3A_47 = tpu.memref_slice %arg6[%run_scoped3A_37, %add3A, %dma_wait3A_46] : memref<3x32x10240xf32, #tpu.memory_space<hbm>> -> memref<1x1x10240xf32, #tpu.memory_space<hbm>>
      %dma_wait3A_48 = tpu.memref_squeeze %dma_wait3A_47 : memref<1x1x10240xf32, #tpu.memory_space<hbm>> -> memref<10240xf32, #tpu.memory_space<hbm>>
      tpu.wait_dma2 semaphore(%run_scoped3A_38 : memref<!tpu.dma_semaphore, #tpu.memory_space<semaphore_mem>>) src(%arg21 : memref<10240xf32, #tpu.memory_space<vmem>>) dst(%dma_wait3A_48 : memref<10240xf32, #tpu.memory_space<hbm>>)
      tpu.yield
    }) : () -> ()
    return
  }
}

#map = affine_map<(d0, d1) -> (0, 0)>
#map1 = affine_map<(d0, d1) -> (0, 0, 0)>
module attributes {stable_mosaic.version = 14 : i64} {
  func.func @body(%arg0: i32, %arg1: i32, %arg2: memref<2x320000xi32, #tpu.memory_space<hbm>>, %arg3: memref<320000x16xf32, #tpu.memory_space<hbm>>, %arg4: memref<10000x16xf32, #tpu.memory_space<hbm>>, %arg5: memref<1x10000xf32, #tpu.memory_space<hbm>>, %arg6: memref<2x10240x16xf32, #tpu.memory_space<hbm>>, %arg7: memref<32x10240xf32, #tpu.memory_space<hbm>>, %arg8: memref<2x512xi32, #tpu.memory_space<vmem>>, %arg9: memref<2x512xi32, #tpu.memory_space<vmem>>, %arg10: memref<512x16xf32, #tpu.memory_space<vmem>>, %arg11: memref<512x16xf32, #tpu.memory_space<vmem>>, %arg12: memref<512x16xf32, #tpu.memory_space<vmem>>, %arg13: memref<512x16xf32, #tpu.memory_space<vmem>>, %arg14: memref<1x512xi32, #tpu.memory_space<vmem>>, %arg15: memref<1x512xi32, #tpu.memory_space<vmem>>, %arg16: memref<1x512xi32, #tpu.memory_space<vmem>>, %arg17: memref<1x512xi32, #tpu.memory_space<vmem>>, %arg18: memref<10000xf32, #tpu.memory_space<vmem>>, %arg19: memref<10240xf32, #tpu.memory_space<vmem>>, %arg20: memref<64x16xf32, #tpu.memory_space<vmem>>, %arg21: memref<10240x16xf32, #tpu.memory_space<vmem_shared>>, %arg22: memref<!tpu.dma_semaphore, #tpu.memory_space<semaphore_mem>>, %arg23: memref<!tpu.dma_semaphore, #tpu.memory_space<semaphore_mem>>, %arg24: memref<!tpu.dma_semaphore, #tpu.memory_space<semaphore_mem>>, %arg25: memref<!tpu.dma_semaphore, #tpu.memory_space<semaphore_mem>>, %arg26: memref<!tpu.dma_semaphore, #tpu.memory_space<semaphore_mem>>, %arg27: memref<!tpu.dma_semaphore, #tpu.memory_space<semaphore_mem>>, %arg28: memref<!tpu.dma_semaphore, #tpu.memory_space<semaphore_mem>>, %arg29: memref<!tpu.dma_semaphore, #tpu.memory_space<semaphore_mem>>) attributes {dimension_semantics = [#tpu.dimension_semantics<core_parallel>, #tpu.dimension_semantics<subcore_parallel>], iteration_bounds = array<i64: 2, 16>, scalar_prefetch = 0 : i64, scratch_operands = 22 : i64, tpu.core_type = #tpu.core_type<sc_vector_subcore>, window_params = [{transform_indices = #map}, {transform_indices = #map}, {transform_indices = #map}, {transform_indices = #map}, {transform_indices = #map1}, {transform_indices = #map}]} {
    %mul3A = arith.constant 16 : i32
    %mul3A_0 = arith.muli %arg0, %mul3A : i32
    %add3A = arith.addi %mul3A_0, %arg1 : i32
    %broadcast_in_dim3A = arith.constant 0.000000e+00 : f32
    %broadcast_in_dim3A_1 = vector.broadcast %broadcast_in_dim3A : f32 to vector<16xf32>
    %broadcast_in_dim3A_2 = arith.constant 10000 : i32
    %broadcast_in_dim3A_3 = vector.broadcast %broadcast_in_dim3A_2 : i32 to vector<16xi32>
    %run_scoped3A = arith.constant 0 : i32
    "tpu.region"() ({
      %run_scoped3A_34 = tpu.sem_alloc : memref<!tpu.dma_semaphore, #tpu.memory_space<semaphore_mem>>
      %dma_start3A = arith.constant 0 : i32
      %dma_start3A_35 = tpu.memref_slice %arg5[%run_scoped3A, %dma_start3A] : memref<1x10000xf32, #tpu.memory_space<hbm>> -> memref<1x10000xf32, #tpu.memory_space<hbm>>
      %dma_start3A_36 = tpu.memref_squeeze %dma_start3A_35 : memref<1x10000xf32, #tpu.memory_space<hbm>> -> memref<10000xf32, #tpu.memory_space<hbm>>
      %dma_start3A_37 = arith.constant 0 : i32
      %dma_start3A_38 = tpu.memref_slice %arg5[%run_scoped3A, %dma_start3A_37] : memref<1x10000xf32, #tpu.memory_space<hbm>> -> memref<1x10000xf32, #tpu.memory_space<hbm>>
      %dma_start3A_39 = tpu.memref_squeeze %dma_start3A_38 : memref<1x10000xf32, #tpu.memory_space<hbm>> -> memref<10000xf32, #tpu.memory_space<hbm>>
      tpu.enqueue_dma source(%dma_start3A_39 : memref<10000xf32, #tpu.memory_space<hbm>>) target(%arg18 : memref<10000xf32, #tpu.memory_space<vmem>>) target_semaphore(%run_scoped3A_34 : memref<!tpu.dma_semaphore, #tpu.memory_space<semaphore_mem>>)
      %dma_wait3A = arith.constant 0 : i32
      %dma_wait3A_40 = tpu.memref_slice %arg5[%run_scoped3A, %dma_wait3A] : memref<1x10000xf32, #tpu.memory_space<hbm>> -> memref<1x10000xf32, #tpu.memory_space<hbm>>
      %dma_wait3A_41 = tpu.memref_squeeze %dma_wait3A_40 : memref<1x10000xf32, #tpu.memory_space<hbm>> -> memref<10000xf32, #tpu.memory_space<hbm>>
      %dma_wait3A_42 = arith.constant 0 : i32
      %dma_wait3A_43 = tpu.memref_slice %arg5[%run_scoped3A, %dma_wait3A_42] : memref<1x10000xf32, #tpu.memory_space<hbm>> -> memref<1x10000xf32, #tpu.memory_space<hbm>>
      %dma_wait3A_44 = tpu.memref_squeeze %dma_wait3A_43 : memref<1x10000xf32, #tpu.memory_space<hbm>> -> memref<10000xf32, #tpu.memory_space<hbm>>
      tpu.wait_dma2 semaphore(%run_scoped3A_34 : memref<!tpu.dma_semaphore, #tpu.memory_space<semaphore_mem>>) src(%dma_wait3A_44 : memref<10000xf32, #tpu.memory_space<hbm>>) dst(%arg18 : memref<10000xf32, #tpu.memory_space<vmem>>)
      tpu.yield
    }) : () -> ()
    %scan3A = arith.constant 0 : i32
    %scan3A_4 = arith.constant 0 : i32
    %scan3A_5 = arith.constant 64 : i32
    %scan3A_6 = arith.addi %scan3A_4, %scan3A_5 : i32
    %scan3A_7 = arith.constant 1 : i32
    scf.for %scan3A_34 = %scan3A_4 to %scan3A_6 step %scan3A_7  : i32 {
      %swap3A = arith.index_cast %scan3A_34 : i32 to index
      %swap3A_35 = arith.constant 0 : index
      %swap3A_36 = tpu.vector_load %arg20[%swap3A, %swap3A_35] {strides = array<i32>} : memref<64x16xf32, #tpu.memory_space<vmem>>, vector<16xf32>,
      tpu.vector_store %arg20[%swap3A, %swap3A_35], %broadcast_in_dim3A_1 {strides = array<i32>} : memref<64x16xf32, #tpu.memory_space<vmem>>, vector<16xf32>,
    }
    %scan3A_8 = arith.constant 64 : i32
    %scan3A_9 = arith.constant 0 : i32
    %scan3A_10 = arith.constant 0 : i32
    %scan3A_11 = arith.constant 640 : i32
    %scan3A_12 = arith.addi %scan3A_10, %scan3A_11 : i32
    %scan3A_13 = arith.constant 1 : i32
    scf.for %scan3A_34 = %scan3A_10 to %scan3A_12 step %scan3A_13  : i32 {
      %mul3A_35 = arith.constant 16 : i32
      %mul3A_36 = arith.muli %scan3A_34, %mul3A_35 : i32
      %swap3A = arith.index_cast %mul3A_36 : i32 to index
      %swap3A_37 = tpu.vector_load %arg19[%swap3A] {strides = array<i32>} : memref<10240xf32, #tpu.memory_space<vmem>>, vector<16xf32>,
      tpu.vector_store %arg19[%swap3A], %broadcast_in_dim3A_1 {strides = array<i32>} : memref<10240xf32, #tpu.memory_space<vmem>>, vector<16xf32>,
    }
    %scan3A_14 = arith.constant 640 : i32
    %scan3A_15 = arith.constant 0 : i32
    %scan3A_16 = arith.constant 0 : i32
    %scan3A_17 = arith.constant 10 : i32
    %scan3A_18 = arith.addi %scan3A_16, %scan3A_17 : i32
    %scan3A_19 = arith.constant 1 : i32
    scf.for %scan3A_34 = %scan3A_16 to %scan3A_18 step %scan3A_19  : i32 {
      %mul3A_35 = arith.constant 640 : i32
      %mul3A_36 = arith.muli %arg1, %mul3A_35 : i32
      %mul3A_37 = arith.constant 64 : i32
      %mul3A_38 = arith.muli %scan3A_34, %mul3A_37 : i32
      %add3A_39 = arith.addi %mul3A_36, %mul3A_38 : i32
      "tpu.region"() ({
        %run_scoped3A_40 = tpu.sem_alloc : memref<!tpu.dma_semaphore, #tpu.memory_space<semaphore_mem>>
        %dma_start3A = arith.constant 0 : i32
        %dma_start3A_41 = tpu.memref_slice %arg21[%add3A_39, %dma_start3A] : memref<10240x16xf32, #tpu.memory_space<vmem_shared>> -> memref<64x16xf32, #tpu.memory_space<vmem_shared>>
        %dma_start3A_42 = arith.constant 0 : i32
        %dma_start3A_43 = tpu.memref_slice %arg21[%add3A_39, %dma_start3A_42] : memref<10240x16xf32, #tpu.memory_space<vmem_shared>> -> memref<64x16xf32, #tpu.memory_space<vmem_shared>>
        tpu.enqueue_dma source(%arg20 : memref<64x16xf32, #tpu.memory_space<vmem>>) target(%dma_start3A_43 : memref<64x16xf32, #tpu.memory_space<vmem_shared>>) target_semaphore(%run_scoped3A_40 : memref<!tpu.dma_semaphore, #tpu.memory_space<semaphore_mem>>)
        %dma_wait3A = arith.constant 0 : i32
        %dma_wait3A_44 = tpu.memref_slice %arg21[%add3A_39, %dma_wait3A] : memref<10240x16xf32, #tpu.memory_space<vmem_shared>> -> memref<64x16xf32, #tpu.memory_space<vmem_shared>>
        %dma_wait3A_45 = arith.constant 0 : i32
        %dma_wait3A_46 = tpu.memref_slice %arg21[%add3A_39, %dma_wait3A_45] : memref<10240x16xf32, #tpu.memory_space<vmem_shared>> -> memref<64x16xf32, #tpu.memory_space<vmem_shared>>
        tpu.wait_dma2 semaphore(%run_scoped3A_40 : memref<!tpu.dma_semaphore, #tpu.memory_space<semaphore_mem>>) src(%arg20 : memref<64x16xf32, #tpu.memory_space<vmem>>) dst(%dma_wait3A_46 : memref<64x16xf32, #tpu.memory_space<vmem_shared>>)
        tpu.yield
      }) : () -> ()
    }
    %scan3A_20 = arith.constant 10 : i32
    %barrier3A = arith.constant 0 : index
    tpu.barrier barrier_id(%barrier3A)
    %add3A_21 = arith.constant 0 : i32
    %add3A_22 = arith.addi %add3A, %add3A_21 : i32
    %lt3A = arith.constant 625 : i32
    %lt3A_23 = arith.cmpi slt, %add3A_22, %lt3A : i32
    %convert_element_type3A = arith.extui %lt3A_23 : i1 to i32
    %cond3A = arith.constant 0 : i32
    %cond3A_24 = arith.cmpi ne, %convert_element_type3A, %cond3A : i32
    scf.if %cond3A_24 {
      %mul3A_34 = arith.constant 512 : i32
      %mul3A_35 = arith.muli %add3A_22, %mul3A_34 : i32
      %dma_start3A = arith.constant 0 : i32
      %dma_start3A_36 = tpu.memref_slice %arg2[%dma_start3A, %mul3A_35] : memref<2x320000xi32, #tpu.memory_space<hbm>> -> memref<2x512xi32, #tpu.memory_space<hbm>>
      %dma_start3A_37 = arith.constant 0 : i32
      %dma_start3A_38 = tpu.memref_slice %arg2[%dma_start3A_37, %mul3A_35] : memref<2x320000xi32, #tpu.memory_space<hbm>> -> memref<2x512xi32, #tpu.memory_space<hbm>>
      tpu.enqueue_dma source(%dma_start3A_38 : memref<2x512xi32, #tpu.memory_space<hbm>>) target(%arg8 : memref<2x512xi32, #tpu.memory_space<vmem>>) target_semaphore(%arg22 : memref<!tpu.dma_semaphore, #tpu.memory_space<semaphore_mem>>)
      %dma_start3A_39 = arith.constant 0 : i32
      %dma_start3A_40 = tpu.memref_slice %arg3[%mul3A_35, %dma_start3A_39] : memref<320000x16xf32, #tpu.memory_space<hbm>> -> memref<512x16xf32, #tpu.memory_space<hbm>>
      %dma_start3A_41 = arith.constant 0 : i32
      %dma_start3A_42 = tpu.memref_slice %arg3[%mul3A_35, %dma_start3A_41] : memref<320000x16xf32, #tpu.memory_space<hbm>> -> memref<512x16xf32, #tpu.memory_space<hbm>>
      tpu.enqueue_dma source(%dma_start3A_42 : memref<512x16xf32, #tpu.memory_space<hbm>>) target(%arg10 : memref<512x16xf32, #tpu.memory_space<vmem>>) target_semaphore(%arg24 : memref<!tpu.dma_semaphore, #tpu.memory_space<semaphore_mem>>)
    } else {
    }
    %scan3A_25 = arith.constant 0 : i32
    %scan3A_26 = arith.constant 0 : i32
    %scan3A_27 = arith.constant 12 : i32
    %scan3A_28 = arith.addi %scan3A_26, %scan3A_27 : i32
    %scan3A_29 = arith.constant 1 : i32
    scf.for %scan3A_34 = %scan3A_26 to %scan3A_28 step %scan3A_29  : i32 {
      %mul3A_35 = arith.constant 2 : i32
      %mul3A_36 = arith.muli %mul3A_35, %scan3A_34 : i32
      %sub3A = arith.constant 2 : i32
      %sub3A_37 = arith.subi %mul3A_36, %sub3A : i32
      %mul3A_38 = arith.constant 32 : i32
      %mul3A_39 = arith.muli %sub3A_37, %mul3A_38 : i32
      %add3A_40 = arith.addi %add3A, %mul3A_39 : i32
      %ge3A = arith.constant 0 : i32
      %ge3A_41 = arith.cmpi sge, %sub3A_37, %ge3A : i32
      %lt3A_42 = arith.constant 625 : i32
      %lt3A_43 = arith.cmpi slt, %add3A_40, %lt3A_42 : i32
      %and3A = arith.andi %ge3A_41, %lt3A_43 : i1
      %convert_element_type3A_44 = arith.extui %and3A : i1 to i32
      %cond3A_45 = arith.constant 0 : i32
      %cond3A_46 = arith.cmpi ne, %convert_element_type3A_44, %cond3A_45 : i32
      scf.if %cond3A_46 {
        %dma_wait3A = arith.constant 0 : i32
        %dma_wait3A_122 = arith.constant 0 : i32
        %dma_wait3A_123 = tpu.memref_slice %arg16[%dma_wait3A, %dma_wait3A_122] : memref<1x512xi32, #tpu.memory_space<vmem>> -> memref<1x512xi32, #tpu.memory_space<vmem>>
        %dma_wait3A_124 = tpu.memref_squeeze %dma_wait3A_123 : memref<1x512xi32, #tpu.memory_space<vmem>> -> memref<512xi32, #tpu.memory_space<vmem>>
        %dma_wait3A_125 = arith.constant 0 : i32
        %dma_wait3A_126 = arith.constant 0 : i32
        %dma_wait3A_127 = tpu.memref_slice %arg21[%dma_wait3A_125, %dma_wait3A_126] : memref<10240x16xf32, #tpu.memory_space<vmem_shared>> -> memref<10240x16xf32, #tpu.memory_space<vmem_shared>>
        tpu.wait_indirect_dma semaphore(%arg28 : memref<!tpu.dma_semaphore, #tpu.memory_space<semaphore_mem>>) src(%arg12 : memref<512x16xf32, #tpu.memory_space<vmem>>) dst(%dma_wait3A_127 : memref<10240x16xf32, #tpu.memory_space<vmem_shared>>)
      } else {
      }
      %mul3A_47 = arith.constant 32 : i32
      %mul3A_48 = arith.muli %mul3A_36, %mul3A_47 : i32
      %add3A_49 = arith.addi %add3A, %mul3A_48 : i32
      %lt3A_50 = arith.constant 625 : i32
      %lt3A_51 = arith.cmpi slt, %add3A_49, %lt3A_50 : i32
      %convert_element_type3A_52 = arith.extui %lt3A_51 : i1 to i32
      %cond3A_53 = arith.constant 0 : i32
      %cond3A_54 = arith.cmpi ne, %convert_element_type3A_52, %cond3A_53 : i32
      scf.if %cond3A_54 {
        %mul3A_122 = arith.constant 512 : i32
        %mul3A_123 = arith.muli %add3A_49, %mul3A_122 : i32
        %dma_wait3A = arith.constant 0 : i32
        %dma_wait3A_124 = tpu.memref_slice %arg2[%dma_wait3A, %mul3A_123] : memref<2x320000xi32, #tpu.memory_space<hbm>> -> memref<2x512xi32, #tpu.memory_space<hbm>>
        %dma_wait3A_125 = arith.constant 0 : i32
        %dma_wait3A_126 = tpu.memref_slice %arg2[%dma_wait3A_125, %mul3A_123] : memref<2x320000xi32, #tpu.memory_space<hbm>> -> memref<2x512xi32, #tpu.memory_space<hbm>>
        tpu.wait_dma2 semaphore(%arg22 : memref<!tpu.dma_semaphore, #tpu.memory_space<semaphore_mem>>) src(%dma_wait3A_126 : memref<2x512xi32, #tpu.memory_space<hbm>>) dst(%arg8 : memref<2x512xi32, #tpu.memory_space<vmem>>)
        %scan3A_127 = arith.constant 0 : i32
        %scan3A_128 = arith.constant 0 : i32
        %scan3A_129 = arith.constant 32 : i32
        %scan3A_130 = arith.addi %scan3A_128, %scan3A_129 : i32
        %scan3A_131 = arith.constant 1 : i32
        scf.for %scan3A_139 = %scan3A_128 to %scan3A_130 step %scan3A_131  : i32 {
          %mul3A_140 = arith.constant 16 : i32
          %mul3A_141 = arith.muli %scan3A_139, %mul3A_140 : i32
          %get3A = arith.constant 0 : i32
          %get3A_142 = arith.index_cast %get3A : i32 to index
          %get3A_143 = arith.index_cast %mul3A_141 : i32 to index
          %get3A_144 = tpu.vector_load %arg8[%get3A_142, %get3A_143] {strides = array<i32>} : memref<2x512xi32, #tpu.memory_space<vmem>>, vector<16xi32>,
          %mul3A_145 = arith.constant 16 : i32
          %mul3A_146 = arith.muli %scan3A_139, %mul3A_145 : i32
          %get3A_147 = arith.constant 1 : i32
          %get3A_148 = arith.index_cast %get3A_147 : i32 to index
          %get3A_149 = arith.index_cast %mul3A_146 : i32 to index
          %get3A_150 = tpu.vector_load %arg8[%get3A_148, %get3A_149] {strides = array<i32>} : memref<2x512xi32, #tpu.memory_space<vmem>>, vector<16xi32>,
          %ne3A = arith.cmpi ne, %get3A_144, %get3A_150 : vector<16xi32>
          %select_n3A = arith.select %ne3A, %get3A_150, %broadcast_in_dim3A_3 : vector<16xi1>, vector<16xi32>
          %mul3A_151 = arith.constant 16 : i32
          %mul3A_152 = arith.muli %scan3A_139, %mul3A_151 : i32
          %swap3A = arith.constant 0 : i32
          %swap3A_153 = arith.index_cast %swap3A : i32 to index
          %swap3A_154 = arith.index_cast %mul3A_152 : i32 to index
          %swap3A_155 = tpu.vector_load %arg14[%swap3A_153, %swap3A_154] {strides = array<i32>} : memref<1x512xi32, #tpu.memory_space<vmem>>, vector<16xi32>,
          tpu.vector_store %arg14[%swap3A_153, %swap3A_154], %get3A_144 {strides = array<i32>} : memref<1x512xi32, #tpu.memory_space<vmem>>, vector<16xi32>,
          %mul3A_156 = arith.constant 16 : i32
          %mul3A_157 = arith.muli %scan3A_139, %mul3A_156 : i32
          %swap3A_158 = arith.constant 0 : i32
          %swap3A_159 = arith.index_cast %swap3A_158 : i32 to index
          %swap3A_160 = arith.index_cast %mul3A_157 : i32 to index
          %swap3A_161 = tpu.vector_load %arg16[%swap3A_159, %swap3A_160] {strides = array<i32>} : memref<1x512xi32, #tpu.memory_space<vmem>>, vector<16xi32>,
          tpu.vector_store %arg16[%swap3A_159, %swap3A_160], %select_n3A {strides = array<i32>} : memref<1x512xi32, #tpu.memory_space<vmem>>, vector<16xi32>,
          %gather3A = tpu.vector_load_idx %arg18[%get3A_144] : memref<10000xf32, #tpu.memory_space<vmem>>[vector<16xi32>], vector<16xf32>,
          tpu.vector_store_idx %arg19[%select_n3A], %gather3A {add = true} : memref<10240xf32, #tpu.memory_space<vmem>>[vector<16xi32>], vector<16xf32>,
        }
        %scan3A_132 = arith.constant 32 : i32
        %dma_start3A = arith.constant 0 : i32
        %dma_start3A_133 = arith.constant 0 : i32
        %dma_start3A_134 = tpu.memref_slice %arg14[%dma_start3A, %dma_start3A_133] : memref<1x512xi32, #tpu.memory_space<vmem>> -> memref<1x512xi32, #tpu.memory_space<vmem>>
        %dma_start3A_135 = tpu.memref_squeeze %dma_start3A_134 : memref<1x512xi32, #tpu.memory_space<vmem>> -> memref<512xi32, #tpu.memory_space<vmem>>
        %dma_start3A_136 = arith.constant 0 : i32
        %dma_start3A_137 = arith.constant 0 : i32
        %dma_start3A_138 = tpu.memref_slice %arg4[%dma_start3A_136, %dma_start3A_137] : memref<10000x16xf32, #tpu.memory_space<hbm>> -> memref<10000x16xf32, #tpu.memory_space<hbm>>
        tpu.enqueue_indirect_dma source(%dma_start3A_138 : memref<10000x16xf32, #tpu.memory_space<hbm>>) target(%arg12 : memref<512x16xf32, #tpu.memory_space<vmem>>) offsets(%dma_start3A_135 : memref<512xi32, #tpu.memory_space<vmem>>) semaphore(%arg26 : memref<!tpu.dma_semaphore, #tpu.memory_space<semaphore_mem>>)
      } else {
      }
      %sub3A_55 = arith.constant 1 : i32
      %sub3A_56 = arith.subi %mul3A_36, %sub3A_55 : i32
      %mul3A_57 = arith.constant 32 : i32
      %mul3A_58 = arith.muli %sub3A_56, %mul3A_57 : i32
      %add3A_59 = arith.addi %add3A, %mul3A_58 : i32
      %ge3A_60 = arith.constant 0 : i32
      %ge3A_61 = arith.cmpi sge, %sub3A_56, %ge3A_60 : i32
      %lt3A_62 = arith.constant 625 : i32
      %lt3A_63 = arith.cmpi slt, %add3A_59, %lt3A_62 : i32
      %and3A_64 = arith.andi %ge3A_61, %lt3A_63 : i1
      %convert_element_type3A_65 = arith.extui %and3A_64 : i1 to i32
      %cond3A_66 = arith.constant 0 : i32
      %cond3A_67 = arith.cmpi ne, %convert_element_type3A_65, %cond3A_66 : i32
      scf.if %cond3A_67 {
        %mul3A_122 = arith.constant 512 : i32
        %mul3A_123 = arith.muli %add3A_59, %mul3A_122 : i32
        %dma_wait3A = arith.constant 0 : i32
        %dma_wait3A_124 = arith.constant 0 : i32
        %dma_wait3A_125 = tpu.memref_slice %arg15[%dma_wait3A, %dma_wait3A_124] : memref<1x512xi32, #tpu.memory_space<vmem>> -> memref<1x512xi32, #tpu.memory_space<vmem>>
        %dma_wait3A_126 = tpu.memref_squeeze %dma_wait3A_125 : memref<1x512xi32, #tpu.memory_space<vmem>> -> memref<512xi32, #tpu.memory_space<vmem>>
        %dma_wait3A_127 = arith.constant 0 : i32
        %dma_wait3A_128 = arith.constant 0 : i32
        %dma_wait3A_129 = tpu.memref_slice %arg4[%dma_wait3A_127, %dma_wait3A_128] : memref<10000x16xf32, #tpu.memory_space<hbm>> -> memref<10000x16xf32, #tpu.memory_space<hbm>>
        tpu.wait_indirect_dma semaphore(%arg27 : memref<!tpu.dma_semaphore, #tpu.memory_space<semaphore_mem>>) src(%dma_wait3A_129 : memref<10000x16xf32, #tpu.memory_space<hbm>>) dst(%arg13 : memref<512x16xf32, #tpu.memory_space<vmem>>)
        %dma_wait3A_130 = arith.constant 0 : i32
        %dma_wait3A_131 = tpu.memref_slice %arg3[%mul3A_123, %dma_wait3A_130] : memref<320000x16xf32, #tpu.memory_space<hbm>> -> memref<512x16xf32, #tpu.memory_space<hbm>>
        %dma_wait3A_132 = arith.constant 0 : i32
        %dma_wait3A_133 = tpu.memref_slice %arg3[%mul3A_123, %dma_wait3A_132] : memref<320000x16xf32, #tpu.memory_space<hbm>> -> memref<512x16xf32, #tpu.memory_space<hbm>>
        tpu.wait_dma2 semaphore(%arg25 : memref<!tpu.dma_semaphore, #tpu.memory_space<semaphore_mem>>) src(%dma_wait3A_133 : memref<512x16xf32, #tpu.memory_space<hbm>>) dst(%arg11 : memref<512x16xf32, #tpu.memory_space<vmem>>)
        %scan3A_134 = arith.constant 0 : i32
        %scan3A_135 = arith.constant 0 : i32
        %scan3A_136 = arith.constant 32 : i32
        %scan3A_137 = arith.addi %scan3A_135, %scan3A_136 : i32
        %scan3A_138 = arith.constant 1 : i32
        scf.for %scan3A_146 = %scan3A_135 to %scan3A_137 step %scan3A_138  : i32 {
          %mul3A_147 = arith.constant 16 : i32
          %mul3A_148 = arith.muli %scan3A_146, %mul3A_147 : i32
          %add3A_149 = arith.constant 0 : i32
          %add3A_150 = arith.addi %mul3A_148, %add3A_149 : i32
          %get3A = arith.index_cast %add3A_150 : i32 to index
          %get3A_151 = arith.constant 0 : index
          %get3A_152 = tpu.vector_load %arg13[%get3A, %get3A_151] {strides = array<i32>} : memref<512x16xf32, #tpu.memory_space<vmem>>, vector<16xf32>,
          %get3A_153 = arith.index_cast %add3A_150 : i32 to index
          %get3A_154 = arith.constant 0 : index
          %get3A_155 = tpu.vector_load %arg11[%get3A_153, %get3A_154] {strides = array<i32>} : memref<512x16xf32, #tpu.memory_space<vmem>>, vector<16xf32>,
          %mul3A_156 = arith.mulf %get3A_152, %get3A_155 : vector<16xf32>
          %swap3A = arith.index_cast %add3A_150 : i32 to index
          %swap3A_157 = arith.constant 0 : index
          %swap3A_158 = tpu.vector_load %arg13[%swap3A, %swap3A_157] {strides = array<i32>} : memref<512x16xf32, #tpu.memory_space<vmem>>, vector<16xf32>,
          tpu.vector_store %arg13[%swap3A, %swap3A_157], %mul3A_156 {strides = array<i32>} : memref<512x16xf32, #tpu.memory_space<vmem>>, vector<16xf32>,
          %mul3A_159 = arith.constant 16 : i32
          %mul3A_160 = arith.muli %scan3A_146, %mul3A_159 : i32
          %add3A_161 = arith.constant 1 : i32
          %add3A_162 = arith.addi %mul3A_160, %add3A_161 : i32
          %get3A_163 = arith.index_cast %add3A_162 : i32 to index
          %get3A_164 = arith.constant 0 : index
          %get3A_165 = tpu.vector_load %arg13[%get3A_163, %get3A_164] {strides = array<i32>} : memref<512x16xf32, #tpu.memory_space<vmem>>, vector<16xf32>,
          %get3A_166 = arith.index_cast %add3A_162 : i32 to index
          %get3A_167 = arith.constant 0 : index
          %get3A_168 = tpu.vector_load %arg11[%get3A_166, %get3A_167] {strides = array<i32>} : memref<512x16xf32, #tpu.memory_space<vmem>>, vector<16xf32>,
          %mul3A_169 = arith.mulf %get3A_165, %get3A_168 : vector<16xf32>
          %swap3A_170 = arith.index_cast %add3A_162 : i32 to index
          %swap3A_171 = arith.constant 0 : index
          %swap3A_172 = tpu.vector_load %arg13[%swap3A_170, %swap3A_171] {strides = array<i32>} : memref<512x16xf32, #tpu.memory_space<vmem>>, vector<16xf32>,
          tpu.vector_store %arg13[%swap3A_170, %swap3A_171], %mul3A_169 {strides = array<i32>} : memref<512x16xf32, #tpu.memory_space<vmem>>, vector<16xf32>,
          %mul3A_173 = arith.constant 16 : i32
          %mul3A_174 = arith.muli %scan3A_146, %mul3A_173 : i32
          %add3A_175 = arith.constant 2 : i32
          %add3A_176 = arith.addi %mul3A_174, %add3A_175 : i32
          %get3A_177 = arith.index_cast %add3A_176 : i32 to index
          %get3A_178 = arith.constant 0 : index
          %get3A_179 = tpu.vector_load %arg13[%get3A_177, %get3A_178] {strides = array<i32>} : memref<512x16xf32, #tpu.memory_space<vmem>>, vector<16xf32>,
          %get3A_180 = arith.index_cast %add3A_176 : i32 to index
          %get3A_181 = arith.constant 0 : index
          %get3A_182 = tpu.vector_load %arg11[%get3A_180, %get3A_181] {strides = array<i32>} : memref<512x16xf32, #tpu.memory_space<vmem>>, vector<16xf32>,
          %mul3A_183 = arith.mulf %get3A_179, %get3A_182 : vector<16xf32>
          %swap3A_184 = arith.index_cast %add3A_176 : i32 to index
          %swap3A_185 = arith.constant 0 : index
          %swap3A_186 = tpu.vector_load %arg13[%swap3A_184, %swap3A_185] {strides = array<i32>} : memref<512x16xf32, #tpu.memory_space<vmem>>, vector<16xf32>,
          tpu.vector_store %arg13[%swap3A_184, %swap3A_185], %mul3A_183 {strides = array<i32>} : memref<512x16xf32, #tpu.memory_space<vmem>>, vector<16xf32>,
          %mul3A_187 = arith.constant 16 : i32
          %mul3A_188 = arith.muli %scan3A_146, %mul3A_187 : i32
          %add3A_189 = arith.constant 3 : i32
          %add3A_190 = arith.addi %mul3A_188, %add3A_189 : i32
          %get3A_191 = arith.index_cast %add3A_190 : i32 to index
          %get3A_192 = arith.constant 0 : index
          %get3A_193 = tpu.vector_load %arg13[%get3A_191, %get3A_192] {strides = array<i32>} : memref<512x16xf32, #tpu.memory_space<vmem>>, vector<16xf32>,
          %get3A_194 = arith.index_cast %add3A_190 : i32 to index
          %get3A_195 = arith.constant 0 : index
          %get3A_196 = tpu.vector_load %arg11[%get3A_194, %get3A_195] {strides = array<i32>} : memref<512x16xf32, #tpu.memory_space<vmem>>, vector<16xf32>,
          %mul3A_197 = arith.mulf %get3A_193, %get3A_196 : vector<16xf32>
          %swap3A_198 = arith.index_cast %add3A_190 : i32 to index
          %swap3A_199 = arith.constant 0 : index
          %swap3A_200 = tpu.vector_load %arg13[%swap3A_198, %swap3A_199] {strides = array<i32>} : memref<512x16xf32, #tpu.memory_space<vmem>>, vector<16xf32>,
          tpu.vector_store %arg13[%swap3A_198, %swap3A_199], %mul3A_197 {strides = array<i32>} : memref<512x16xf32, #tpu.memory_space<vmem>>, vector<16xf32>,
          %mul3A_201 = arith.constant 16 : i32
          %mul3A_202 = arith.muli %scan3A_146, %mul3A_201 : i32
          %add3A_203 = arith.constant 4 : i32
          %add3A_204 = arith.addi %mul3A_202, %add3A_203 : i32
          %get3A_205 = arith.index_cast %add3A_204 : i32 to index
          %get3A_206 = arith.constant 0 : index
          %get3A_207 = tpu.vector_load %arg13[%get3A_205, %get3A_206] {strides = array<i32>} : memref<512x16xf32, #tpu.memory_space<vmem>>, vector<16xf32>,
          %get3A_208 = arith.index_cast %add3A_204 : i32 to index
          %get3A_209 = arith.constant 0 : index
          %get3A_210 = tpu.vector_load %arg11[%get3A_208, %get3A_209] {strides = array<i32>} : memref<512x16xf32, #tpu.memory_space<vmem>>, vector<16xf32>,
          %mul3A_211 = arith.mulf %get3A_207, %get3A_210 : vector<16xf32>
          %swap3A_212 = arith.index_cast %add3A_204 : i32 to index
          %swap3A_213 = arith.constant 0 : index
          %swap3A_214 = tpu.vector_load %arg13[%swap3A_212, %swap3A_213] {strides = array<i32>} : memref<512x16xf32, #tpu.memory_space<vmem>>, vector<16xf32>,
          tpu.vector_store %arg13[%swap3A_212, %swap3A_213], %mul3A_211 {strides = array<i32>} : memref<512x16xf32, #tpu.memory_space<vmem>>, vector<16xf32>,
          %mul3A_215 = arith.constant 16 : i32
          %mul3A_216 = arith.muli %scan3A_146, %mul3A_215 : i32
          %add3A_217 = arith.constant 5 : i32
          %add3A_218 = arith.addi %mul3A_216, %add3A_217 : i32
          %get3A_219 = arith.index_cast %add3A_218 : i32 to index
          %get3A_220 = arith.constant 0 : index
          %get3A_221 = tpu.vector_load %arg13[%get3A_219, %get3A_220] {strides = array<i32>} : memref<512x16xf32, #tpu.memory_space<vmem>>, vector<16xf32>,
          %get3A_222 = arith.index_cast %add3A_218 : i32 to index
          %get3A_223 = arith.constant 0 : index
          %get3A_224 = tpu.vector_load %arg11[%get3A_222, %get3A_223] {strides = array<i32>} : memref<512x16xf32, #tpu.memory_space<vmem>>, vector<16xf32>,
          %mul3A_225 = arith.mulf %get3A_221, %get3A_224 : vector<16xf32>
          %swap3A_226 = arith.index_cast %add3A_218 : i32 to index
          %swap3A_227 = arith.constant 0 : index
          %swap3A_228 = tpu.vector_load %arg13[%swap3A_226, %swap3A_227] {strides = array<i32>} : memref<512x16xf32, #tpu.memory_space<vmem>>, vector<16xf32>,
          tpu.vector_store %arg13[%swap3A_226, %swap3A_227], %mul3A_225 {strides = array<i32>} : memref<512x16xf32, #tpu.memory_space<vmem>>, vector<16xf32>,
          %mul3A_229 = arith.constant 16 : i32
          %mul3A_230 = arith.muli %scan3A_146, %mul3A_229 : i32
          %add3A_231 = arith.constant 6 : i32
          %add3A_232 = arith.addi %mul3A_230, %add3A_231 : i32
          %get3A_233 = arith.index_cast %add3A_232 : i32 to index
          %get3A_234 = arith.constant 0 : index
          %get3A_235 = tpu.vector_load %arg13[%get3A_233, %get3A_234] {strides = array<i32>} : memref<512x16xf32, #tpu.memory_space<vmem>>, vector<16xf32>,
          %get3A_236 = arith.index_cast %add3A_232 : i32 to index
          %get3A_237 = arith.constant 0 : index
          %get3A_238 = tpu.vector_load %arg11[%get3A_236, %get3A_237] {strides = array<i32>} : memref<512x16xf32, #tpu.memory_space<vmem>>, vector<16xf32>,
          %mul3A_239 = arith.mulf %get3A_235, %get3A_238 : vector<16xf32>
          %swap3A_240 = arith.index_cast %add3A_232 : i32 to index
          %swap3A_241 = arith.constant 0 : index
          %swap3A_242 = tpu.vector_load %arg13[%swap3A_240, %swap3A_241] {strides = array<i32>} : memref<512x16xf32, #tpu.memory_space<vmem>>, vector<16xf32>,
          tpu.vector_store %arg13[%swap3A_240, %swap3A_241], %mul3A_239 {strides = array<i32>} : memref<512x16xf32, #tpu.memory_space<vmem>>, vector<16xf32>,
          %mul3A_243 = arith.constant 16 : i32
          %mul3A_244 = arith.muli %scan3A_146, %mul3A_243 : i32
          %add3A_245 = arith.constant 7 : i32
          %add3A_246 = arith.addi %mul3A_244, %add3A_245 : i32
          %get3A_247 = arith.index_cast %add3A_246 : i32 to index
          %get3A_248 = arith.constant 0 : index
          %get3A_249 = tpu.vector_load %arg13[%get3A_247, %get3A_248] {strides = array<i32>} : memref<512x16xf32, #tpu.memory_space<vmem>>, vector<16xf32>,
          %get3A_250 = arith.index_cast %add3A_246 : i32 to index
          %get3A_251 = arith.constant 0 : index
          %get3A_252 = tpu.vector_load %arg11[%get3A_250, %get3A_251] {strides = array<i32>} : memref<512x16xf32, #tpu.memory_space<vmem>>, vector<16xf32>,
          %mul3A_253 = arith.mulf %get3A_249, %get3A_252 : vector<16xf32>
          %swap3A_254 = arith.index_cast %add3A_246 : i32 to index
          %swap3A_255 = arith.constant 0 : index
          %swap3A_256 = tpu.vector_load %arg13[%swap3A_254, %swap3A_255] {strides = array<i32>} : memref<512x16xf32, #tpu.memory_space<vmem>>, vector<16xf32>,
          tpu.vector_store %arg13[%swap3A_254, %swap3A_255], %mul3A_253 {strides = array<i32>} : memref<512x16xf32, #tpu.memory_space<vmem>>, vector<16xf32>,
          %mul3A_257 = arith.constant 16 : i32
          %mul3A_258 = arith.muli %scan3A_146, %mul3A_257 : i32
          %add3A_259 = arith.constant 8 : i32
          %add3A_260 = arith.addi %mul3A_258, %add3A_259 : i32
          %get3A_261 = arith.index_cast %add3A_260 : i32 to index
          %get3A_262 = arith.constant 0 : index
          %get3A_263 = tpu.vector_load %arg13[%get3A_261, %get3A_262] {strides = array<i32>} : memref<512x16xf32, #tpu.memory_space<vmem>>, vector<16xf32>,
          %get3A_264 = arith.index_cast %add3A_260 : i32 to index
          %get3A_265 = arith.constant 0 : index
          %get3A_266 = tpu.vector_load %arg11[%get3A_264, %get3A_265] {strides = array<i32>} : memref<512x16xf32, #tpu.memory_space<vmem>>, vector<16xf32>,
          %mul3A_267 = arith.mulf %get3A_263, %get3A_266 : vector<16xf32>
          %swap3A_268 = arith.index_cast %add3A_260 : i32 to index
          %swap3A_269 = arith.constant 0 : index
          %swap3A_270 = tpu.vector_load %arg13[%swap3A_268, %swap3A_269] {strides = array<i32>} : memref<512x16xf32, #tpu.memory_space<vmem>>, vector<16xf32>,
          tpu.vector_store %arg13[%swap3A_268, %swap3A_269], %mul3A_267 {strides = array<i32>} : memref<512x16xf32, #tpu.memory_space<vmem>>, vector<16xf32>,
          %mul3A_271 = arith.constant 16 : i32
          %mul3A_272 = arith.muli %scan3A_146, %mul3A_271 : i32
          %add3A_273 = arith.constant 9 : i32
          %add3A_274 = arith.addi %mul3A_272, %add3A_273 : i32
          %get3A_275 = arith.index_cast %add3A_274 : i32 to index
          %get3A_276 = arith.constant 0 : index
          %get3A_277 = tpu.vector_load %arg13[%get3A_275, %get3A_276] {strides = array<i32>} : memref<512x16xf32, #tpu.memory_space<vmem>>, vector<16xf32>,
          %get3A_278 = arith.index_cast %add3A_274 : i32 to index
          %get3A_279 = arith.constant 0 : index
          %get3A_280 = tpu.vector_load %arg11[%get3A_278, %get3A_279] {strides = array<i32>} : memref<512x16xf32, #tpu.memory_space<vmem>>, vector<16xf32>,
          %mul3A_281 = arith.mulf %get3A_277, %get3A_280 : vector<16xf32>
          %swap3A_282 = arith.index_cast %add3A_274 : i32 to index
          %swap3A_283 = arith.constant 0 : index
          %swap3A_284 = tpu.vector_load %arg13[%swap3A_282, %swap3A_283] {strides = array<i32>} : memref<512x16xf32, #tpu.memory_space<vmem>>, vector<16xf32>,
          tpu.vector_store %arg13[%swap3A_282, %swap3A_283], %mul3A_281 {strides = array<i32>} : memref<512x16xf32, #tpu.memory_space<vmem>>, vector<16xf32>,
          %mul3A_285 = arith.constant 16 : i32
          %mul3A_286 = arith.muli %scan3A_146, %mul3A_285 : i32
          %add3A_287 = arith.constant 10 : i32
          %add3A_288 = arith.addi %mul3A_286, %add3A_287 : i32
          %get3A_289 = arith.index_cast %add3A_288 : i32 to index
          %get3A_290 = arith.constant 0 : index
          %get3A_291 = tpu.vector_load %arg13[%get3A_289, %get3A_290] {strides = array<i32>} : memref<512x16xf32, #tpu.memory_space<vmem>>, vector<16xf32>,
          %get3A_292 = arith.index_cast %add3A_288 : i32 to index
          %get3A_293 = arith.constant 0 : index
          %get3A_294 = tpu.vector_load %arg11[%get3A_292, %get3A_293] {strides = array<i32>} : memref<512x16xf32, #tpu.memory_space<vmem>>, vector<16xf32>,
          %mul3A_295 = arith.mulf %get3A_291, %get3A_294 : vector<16xf32>
          %swap3A_296 = arith.index_cast %add3A_288 : i32 to index
          %swap3A_297 = arith.constant 0 : index
          %swap3A_298 = tpu.vector_load %arg13[%swap3A_296, %swap3A_297] {strides = array<i32>} : memref<512x16xf32, #tpu.memory_space<vmem>>, vector<16xf32>,
          tpu.vector_store %arg13[%swap3A_296, %swap3A_297], %mul3A_295 {strides = array<i32>} : memref<512x16xf32, #tpu.memory_space<vmem>>, vector<16xf32>,
          %mul3A_299 = arith.constant 16 : i32
          %mul3A_300 = arith.muli %scan3A_146, %mul3A_299 : i32
          %add3A_301 = arith.constant 11 : i32
          %add3A_302 = arith.addi %mul3A_300, %add3A_301 : i32
          %get3A_303 = arith.index_cast %add3A_302 : i32 to index
          %get3A_304 = arith.constant 0 : index
          %get3A_305 = tpu.vector_load %arg13[%get3A_303, %get3A_304] {strides = array<i32>} : memref<512x16xf32, #tpu.memory_space<vmem>>, vector<16xf32>,
          %get3A_306 = arith.index_cast %add3A_302 : i32 to index
          %get3A_307 = arith.constant 0 : index
          %get3A_308 = tpu.vector_load %arg11[%get3A_306, %get3A_307] {strides = array<i32>} : memref<512x16xf32, #tpu.memory_space<vmem>>, vector<16xf32>,
          %mul3A_309 = arith.mulf %get3A_305, %get3A_308 : vector<16xf32>
          %swap3A_310 = arith.index_cast %add3A_302 : i32 to index
          %swap3A_311 = arith.constant 0 : index
          %swap3A_312 = tpu.vector_load %arg13[%swap3A_310, %swap3A_311] {strides = array<i32>} : memref<512x16xf32, #tpu.memory_space<vmem>>, vector<16xf32>,
          tpu.vector_store %arg13[%swap3A_310, %swap3A_311], %mul3A_309 {strides = array<i32>} : memref<512x16xf32, #tpu.memory_space<vmem>>, vector<16xf32>,
          %mul3A_313 = arith.constant 16 : i32
          %mul3A_314 = arith.muli %scan3A_146, %mul3A_313 : i32
          %add3A_315 = arith.constant 12 : i32
          %add3A_316 = arith.addi %mul3A_314, %add3A_315 : i32
          %get3A_317 = arith.index_cast %add3A_316 : i32 to index
          %get3A_318 = arith.constant 0 : index
          %get3A_319 = tpu.vector_load %arg13[%get3A_317, %get3A_318] {strides = array<i32>} : memref<512x16xf32, #tpu.memory_space<vmem>>, vector<16xf32>,
          %get3A_320 = arith.index_cast %add3A_316 : i32 to index
          %get3A_321 = arith.constant 0 : index
          %get3A_322 = tpu.vector_load %arg11[%get3A_320, %get3A_321] {strides = array<i32>} : memref<512x16xf32, #tpu.memory_space<vmem>>, vector<16xf32>,
          %mul3A_323 = arith.mulf %get3A_319, %get3A_322 : vector<16xf32>
          %swap3A_324 = arith.index_cast %add3A_316 : i32 to index
          %swap3A_325 = arith.constant 0 : index
          %swap3A_326 = tpu.vector_load %arg13[%swap3A_324, %swap3A_325] {strides = array<i32>} : memref<512x16xf32, #tpu.memory_space<vmem>>, vector<16xf32>,
          tpu.vector_store %arg13[%swap3A_324, %swap3A_325], %mul3A_323 {strides = array<i32>} : memref<512x16xf32, #tpu.memory_space<vmem>>, vector<16xf32>,
          %mul3A_327 = arith.constant 16 : i32
          %mul3A_328 = arith.muli %scan3A_146, %mul3A_327 : i32
          %add3A_329 = arith.constant 13 : i32
          %add3A_330 = arith.addi %mul3A_328, %add3A_329 : i32
          %get3A_331 = arith.index_cast %add3A_330 : i32 to index
          %get3A_332 = arith.constant 0 : index
          %get3A_333 = tpu.vector_load %arg13[%get3A_331, %get3A_332] {strides = array<i32>} : memref<512x16xf32, #tpu.memory_space<vmem>>, vector<16xf32>,
          %get3A_334 = arith.index_cast %add3A_330 : i32 to index
          %get3A_335 = arith.constant 0 : index
          %get3A_336 = tpu.vector_load %arg11[%get3A_334, %get3A_335] {strides = array<i32>} : memref<512x16xf32, #tpu.memory_space<vmem>>, vector<16xf32>,
          %mul3A_337 = arith.mulf %get3A_333, %get3A_336 : vector<16xf32>
          %swap3A_338 = arith.index_cast %add3A_330 : i32 to index
          %swap3A_339 = arith.constant 0 : index
          %swap3A_340 = tpu.vector_load %arg13[%swap3A_338, %swap3A_339] {strides = array<i32>} : memref<512x16xf32, #tpu.memory_space<vmem>>, vector<16xf32>,
          tpu.vector_store %arg13[%swap3A_338, %swap3A_339], %mul3A_337 {strides = array<i32>} : memref<512x16xf32, #tpu.memory_space<vmem>>, vector<16xf32>,
          %mul3A_341 = arith.constant 16 : i32
          %mul3A_342 = arith.muli %scan3A_146, %mul3A_341 : i32
          %add3A_343 = arith.constant 14 : i32
          %add3A_344 = arith.addi %mul3A_342, %add3A_343 : i32
          %get3A_345 = arith.index_cast %add3A_344 : i32 to index
          %get3A_346 = arith.constant 0 : index
          %get3A_347 = tpu.vector_load %arg13[%get3A_345, %get3A_346] {strides = array<i32>} : memref<512x16xf32, #tpu.memory_space<vmem>>, vector<16xf32>,
          %get3A_348 = arith.index_cast %add3A_344 : i32 to index
          %get3A_349 = arith.constant 0 : index
          %get3A_350 = tpu.vector_load %arg11[%get3A_348, %get3A_349] {strides = array<i32>} : memref<512x16xf32, #tpu.memory_space<vmem>>, vector<16xf32>,
          %mul3A_351 = arith.mulf %get3A_347, %get3A_350 : vector<16xf32>
          %swap3A_352 = arith.index_cast %add3A_344 : i32 to index
          %swap3A_353 = arith.constant 0 : index
          %swap3A_354 = tpu.vector_load %arg13[%swap3A_352, %swap3A_353] {strides = array<i32>} : memref<512x16xf32, #tpu.memory_space<vmem>>, vector<16xf32>,
          tpu.vector_store %arg13[%swap3A_352, %swap3A_353], %mul3A_351 {strides = array<i32>} : memref<512x16xf32, #tpu.memory_space<vmem>>, vector<16xf32>,
          %mul3A_355 = arith.constant 16 : i32
          %mul3A_356 = arith.muli %scan3A_146, %mul3A_355 : i32
          %add3A_357 = arith.constant 15 : i32
          %add3A_358 = arith.addi %mul3A_356, %add3A_357 : i32
          %get3A_359 = arith.index_cast %add3A_358 : i32 to index
          %get3A_360 = arith.constant 0 : index
          %get3A_361 = tpu.vector_load %arg13[%get3A_359, %get3A_360] {strides = array<i32>} : memref<512x16xf32, #tpu.memory_space<vmem>>, vector<16xf32>,
          %get3A_362 = arith.index_cast %add3A_358 : i32 to index
          %get3A_363 = arith.constant 0 : index
          %get3A_364 = tpu.vector_load %arg11[%get3A_362, %get3A_363] {strides = array<i32>} : memref<512x16xf32, #tpu.memory_space<vmem>>, vector<16xf32>,
          %mul3A_365 = arith.mulf %get3A_361, %get3A_364 : vector<16xf32>
          %swap3A_366 = arith.index_cast %add3A_358 : i32 to index
          %swap3A_367 = arith.constant 0 : index
          %swap3A_368 = tpu.vector_load %arg13[%swap3A_366, %swap3A_367] {strides = array<i32>} : memref<512x16xf32, #tpu.memory_space<vmem>>, vector<16xf32>,
          tpu.vector_store %arg13[%swap3A_366, %swap3A_367], %mul3A_365 {strides = array<i32>} : memref<512x16xf32, #tpu.memory_space<vmem>>, vector<16xf32>,
        }
        %scan3A_139 = arith.constant 32 : i32
        %dma_start3A = arith.constant 0 : i32
        %dma_start3A_140 = arith.constant 0 : i32
        %dma_start3A_141 = tpu.memref_slice %arg17[%dma_start3A, %dma_start3A_140] : memref<1x512xi32, #tpu.memory_space<vmem>> -> memref<1x512xi32, #tpu.memory_space<vmem>>
        %dma_start3A_142 = tpu.memref_squeeze %dma_start3A_141 : memref<1x512xi32, #tpu.memory_space<vmem>> -> memref<512xi32, #tpu.memory_space<vmem>>
        %dma_start3A_143 = arith.constant 0 : i32
        %dma_start3A_144 = arith.constant 0 : i32
        %dma_start3A_145 = tpu.memref_slice %arg21[%dma_start3A_143, %dma_start3A_144] : memref<10240x16xf32, #tpu.memory_space<vmem_shared>> -> memref<10240x16xf32, #tpu.memory_space<vmem_shared>>
        tpu.enqueue_indirect_dma source(%arg13 : memref<512x16xf32, #tpu.memory_space<vmem>>) target(%dma_start3A_145 : memref<10240x16xf32, #tpu.memory_space<vmem_shared>>) offsets(%dma_start3A_142 : memref<512xi32, #tpu.memory_space<vmem>>) semaphore(%arg29 : memref<!tpu.dma_semaphore, #tpu.memory_space<semaphore_mem>>) {add = true}
      } else {
      }
      %add3A_68 = arith.constant 1 : i32
      %add3A_69 = arith.addi %mul3A_36, %add3A_68 : i32
      %mul3A_70 = arith.constant 32 : i32
      %mul3A_71 = arith.muli %add3A_69, %mul3A_70 : i32
      %add3A_72 = arith.addi %add3A, %mul3A_71 : i32
      %lt3A_73 = arith.constant 625 : i32
      %lt3A_74 = arith.cmpi slt, %add3A_72, %lt3A_73 : i32
      %convert_element_type3A_75 = arith.extui %lt3A_74 : i1 to i32
      %cond3A_76 = arith.constant 0 : i32
      %cond3A_77 = arith.cmpi ne, %convert_element_type3A_75, %cond3A_76 : i32
      scf.if %cond3A_77 {
        %mul3A_122 = arith.constant 512 : i32
        %mul3A_123 = arith.muli %add3A_72, %mul3A_122 : i32
        %dma_start3A = arith.constant 0 : i32
        %dma_start3A_124 = tpu.memref_slice %arg2[%dma_start3A, %mul3A_123] : memref<2x320000xi32, #tpu.memory_space<hbm>> -> memref<2x512xi32, #tpu.memory_space<hbm>>
        %dma_start3A_125 = arith.constant 0 : i32
        %dma_start3A_126 = tpu.memref_slice %arg2[%dma_start3A_125, %mul3A_123] : memref<2x320000xi32, #tpu.memory_space<hbm>> -> memref<2x512xi32, #tpu.memory_space<hbm>>
        tpu.enqueue_dma source(%dma_start3A_126 : memref<2x512xi32, #tpu.memory_space<hbm>>) target(%arg9 : memref<2x512xi32, #tpu.memory_space<vmem>>) target_semaphore(%arg23 : memref<!tpu.dma_semaphore, #tpu.memory_space<semaphore_mem>>)
        %dma_start3A_127 = arith.constant 0 : i32
        %dma_start3A_128 = tpu.memref_slice %arg3[%mul3A_123, %dma_start3A_127] : memref<320000x16xf32, #tpu.memory_space<hbm>> -> memref<512x16xf32, #tpu.memory_space<hbm>>
        %dma_start3A_129 = arith.constant 0 : i32
        %dma_start3A_130 = tpu.memref_slice %arg3[%mul3A_123, %dma_start3A_129] : memref<320000x16xf32, #tpu.memory_space<hbm>> -> memref<512x16xf32, #tpu.memory_space<hbm>>
        tpu.enqueue_dma source(%dma_start3A_130 : memref<512x16xf32, #tpu.memory_space<hbm>>) target(%arg11 : memref<512x16xf32, #tpu.memory_space<vmem>>) target_semaphore(%arg25 : memref<!tpu.dma_semaphore, #tpu.memory_space<semaphore_mem>>)
      } else {
      }
      %sub3A_78 = arith.constant 1 : i32
      %sub3A_79 = arith.subi %mul3A_36, %sub3A_78 : i32
      %mul3A_80 = arith.constant 32 : i32
      %mul3A_81 = arith.muli %sub3A_79, %mul3A_80 : i32
      %add3A_82 = arith.addi %add3A, %mul3A_81 : i32
      %ge3A_83 = arith.constant 0 : i32
      %ge3A_84 = arith.cmpi sge, %sub3A_79, %ge3A_83 : i32
      %lt3A_85 = arith.constant 625 : i32
      %lt3A_86 = arith.cmpi slt, %add3A_82, %lt3A_85 : i32
      %and3A_87 = arith.andi %ge3A_84, %lt3A_86 : i1
      %convert_element_type3A_88 = arith.extui %and3A_87 : i1 to i32
      %cond3A_89 = arith.constant 0 : i32
      %cond3A_90 = arith.cmpi ne, %convert_element_type3A_88, %cond3A_89 : i32
      scf.if %cond3A_90 {
        %dma_wait3A = arith.constant 0 : i32
        %dma_wait3A_122 = arith.constant 0 : i32
        %dma_wait3A_123 = tpu.memref_slice %arg17[%dma_wait3A, %dma_wait3A_122] : memref<1x512xi32, #tpu.memory_space<vmem>> -> memref<1x512xi32, #tpu.memory_space<vmem>>
        %dma_wait3A_124 = tpu.memref_squeeze %dma_wait3A_123 : memref<1x512xi32, #tpu.memory_space<vmem>> -> memref<512xi32, #tpu.memory_space<vmem>>
        %dma_wait3A_125 = arith.constant 0 : i32
        %dma_wait3A_126 = arith.constant 0 : i32
        %dma_wait3A_127 = tpu.memref_slice %arg21[%dma_wait3A_125, %dma_wait3A_126] : memref<10240x16xf32, #tpu.memory_space<vmem_shared>> -> memref<10240x16xf32, #tpu.memory_space<vmem_shared>>
        tpu.wait_indirect_dma semaphore(%arg29 : memref<!tpu.dma_semaphore, #tpu.memory_space<semaphore_mem>>) src(%arg13 : memref<512x16xf32, #tpu.memory_space<vmem>>) dst(%dma_wait3A_127 : memref<10240x16xf32, #tpu.memory_space<vmem_shared>>)
      } else {
      }
      %add3A_91 = arith.constant 1 : i32
      %add3A_92 = arith.addi %mul3A_36, %add3A_91 : i32
      %mul3A_93 = arith.constant 32 : i32
      %mul3A_94 = arith.muli %add3A_92, %mul3A_93 : i32
      %add3A_95 = arith.addi %add3A, %mul3A_94 : i32
      %lt3A_96 = arith.constant 625 : i32
      %lt3A_97 = arith.cmpi slt, %add3A_95, %lt3A_96 : i32
      %convert_element_type3A_98 = arith.extui %lt3A_97 : i1 to i32
      %cond3A_99 = arith.constant 0 : i32
      %cond3A_100 = arith.cmpi ne, %convert_element_type3A_98, %cond3A_99 : i32
      scf.if %cond3A_100 {
        %mul3A_122 = arith.constant 512 : i32
        %mul3A_123 = arith.muli %add3A_95, %mul3A_122 : i32
        %dma_wait3A = arith.constant 0 : i32
        %dma_wait3A_124 = tpu.memref_slice %arg2[%dma_wait3A, %mul3A_123] : memref<2x320000xi32, #tpu.memory_space<hbm>> -> memref<2x512xi32, #tpu.memory_space<hbm>>
        %dma_wait3A_125 = arith.constant 0 : i32
        %dma_wait3A_126 = tpu.memref_slice %arg2[%dma_wait3A_125, %mul3A_123] : memref<2x320000xi32, #tpu.memory_space<hbm>> -> memref<2x512xi32, #tpu.memory_space<hbm>>
        tpu.wait_dma2 semaphore(%arg23 : memref<!tpu.dma_semaphore, #tpu.memory_space<semaphore_mem>>) src(%dma_wait3A_126 : memref<2x512xi32, #tpu.memory_space<hbm>>) dst(%arg9 : memref<2x512xi32, #tpu.memory_space<vmem>>)
        %scan3A_127 = arith.constant 0 : i32
        %scan3A_128 = arith.constant 0 : i32
        %scan3A_129 = arith.constant 32 : i32
        %scan3A_130 = arith.addi %scan3A_128, %scan3A_129 : i32
        %scan3A_131 = arith.constant 1 : i32
        scf.for %scan3A_139 = %scan3A_128 to %scan3A_130 step %scan3A_131  : i32 {
          %mul3A_140 = arith.constant 16 : i32
          %mul3A_141 = arith.muli %scan3A_139, %mul3A_140 : i32
          %get3A = arith.constant 0 : i32
          %get3A_142 = arith.index_cast %get3A : i32 to index
          %get3A_143 = arith.index_cast %mul3A_141 : i32 to index
          %get3A_144 = tpu.vector_load %arg9[%get3A_142, %get3A_143] {strides = array<i32>} : memref<2x512xi32, #tpu.memory_space<vmem>>, vector<16xi32>,
          %mul3A_145 = arith.constant 16 : i32
          %mul3A_146 = arith.muli %scan3A_139, %mul3A_145 : i32
          %get3A_147 = arith.constant 1 : i32
          %get3A_148 = arith.index_cast %get3A_147 : i32 to index
          %get3A_149 = arith.index_cast %mul3A_146 : i32 to index
          %get3A_150 = tpu.vector_load %arg9[%get3A_148, %get3A_149] {strides = array<i32>} : memref<2x512xi32, #tpu.memory_space<vmem>>, vector<16xi32>,
          %ne3A = arith.cmpi ne, %get3A_144, %get3A_150 : vector<16xi32>
          %select_n3A = arith.select %ne3A, %get3A_150, %broadcast_in_dim3A_3 : vector<16xi1>, vector<16xi32>
          %mul3A_151 = arith.constant 16 : i32
          %mul3A_152 = arith.muli %scan3A_139, %mul3A_151 : i32
          %swap3A = arith.constant 0 : i32
          %swap3A_153 = arith.index_cast %swap3A : i32 to index
          %swap3A_154 = arith.index_cast %mul3A_152 : i32 to index
          %swap3A_155 = tpu.vector_load %arg15[%swap3A_153, %swap3A_154] {strides = array<i32>} : memref<1x512xi32, #tpu.memory_space<vmem>>, vector<16xi32>,
          tpu.vector_store %arg15[%swap3A_153, %swap3A_154], %get3A_144 {strides = array<i32>} : memref<1x512xi32, #tpu.memory_space<vmem>>, vector<16xi32>,
          %mul3A_156 = arith.constant 16 : i32
          %mul3A_157 = arith.muli %scan3A_139, %mul3A_156 : i32
          %swap3A_158 = arith.constant 0 : i32
          %swap3A_159 = arith.index_cast %swap3A_158 : i32 to index
          %swap3A_160 = arith.index_cast %mul3A_157 : i32 to index
          %swap3A_161 = tpu.vector_load %arg17[%swap3A_159, %swap3A_160] {strides = array<i32>} : memref<1x512xi32, #tpu.memory_space<vmem>>, vector<16xi32>,
          tpu.vector_store %arg17[%swap3A_159, %swap3A_160], %select_n3A {strides = array<i32>} : memref<1x512xi32, #tpu.memory_space<vmem>>, vector<16xi32>,
          %gather3A = tpu.vector_load_idx %arg18[%get3A_144] : memref<10000xf32, #tpu.memory_space<vmem>>[vector<16xi32>], vector<16xf32>,
          tpu.vector_store_idx %arg19[%select_n3A], %gather3A {add = true} : memref<10240xf32, #tpu.memory_space<vmem>>[vector<16xi32>], vector<16xf32>,
        }
        %scan3A_132 = arith.constant 32 : i32
        %dma_start3A = arith.constant 0 : i32
        %dma_start3A_133 = arith.constant 0 : i32
        %dma_start3A_134 = tpu.memref_slice %arg15[%dma_start3A, %dma_start3A_133] : memref<1x512xi32, #tpu.memory_space<vmem>> -> memref<1x512xi32, #tpu.memory_space<vmem>>
        %dma_start3A_135 = tpu.memref_squeeze %dma_start3A_134 : memref<1x512xi32, #tpu.memory_space<vmem>> -> memref<512xi32, #tpu.memory_space<vmem>>
        %dma_start3A_136 = arith.constant 0 : i32
        %dma_start3A_137 = arith.constant 0 : i32
        %dma_start3A_138 = tpu.memref_slice %arg4[%dma_start3A_136, %dma_start3A_137] : memref<10000x16xf32, #tpu.memory_space<hbm>> -> memref<10000x16xf32, #tpu.memory_space<hbm>>
        tpu.enqueue_indirect_dma source(%dma_start3A_138 : memref<10000x16xf32, #tpu.memory_space<hbm>>) target(%arg13 : memref<512x16xf32, #tpu.memory_space<vmem>>) offsets(%dma_start3A_135 : memref<512xi32, #tpu.memory_space<vmem>>) semaphore(%arg27 : memref<!tpu.dma_semaphore, #tpu.memory_space<semaphore_mem>>)
      } else {
      }
      %mul3A_101 = arith.constant 32 : i32
      %mul3A_102 = arith.muli %mul3A_36, %mul3A_101 : i32
      %add3A_103 = arith.addi %add3A, %mul3A_102 : i32
      %ge3A_104 = arith.constant 0 : i32
      %ge3A_105 = arith.cmpi sge, %mul3A_36, %ge3A_104 : i32
      %lt3A_106 = arith.constant 625 : i32
      %lt3A_107 = arith.cmpi slt, %add3A_103, %lt3A_106 : i32
      %and3A_108 = arith.andi %ge3A_105, %lt3A_107 : i1
      %convert_element_type3A_109 = arith.extui %and3A_108 : i1 to i32
      %cond3A_110 = arith.constant 0 : i32
      %cond3A_111 = arith.cmpi ne, %convert_element_type3A_109, %cond3A_110 : i32
      scf.if %cond3A_111 {
        %mul3A_122 = arith.constant 512 : i32
        %mul3A_123 = arith.muli %add3A_103, %mul3A_122 : i32
        %dma_wait3A = arith.constant 0 : i32
        %dma_wait3A_124 = arith.constant 0 : i32
        %dma_wait3A_125 = tpu.memref_slice %arg14[%dma_wait3A, %dma_wait3A_124] : memref<1x512xi32, #tpu.memory_space<vmem>> -> memref<1x512xi32, #tpu.memory_space<vmem>>
        %dma_wait3A_126 = tpu.memref_squeeze %dma_wait3A_125 : memref<1x512xi32, #tpu.memory_space<vmem>> -> memref<512xi32, #tpu.memory_space<vmem>>
        %dma_wait3A_127 = arith.constant 0 : i32
        %dma_wait3A_128 = arith.constant 0 : i32
        %dma_wait3A_129 = tpu.memref_slice %arg4[%dma_wait3A_127, %dma_wait3A_128] : memref<10000x16xf32, #tpu.memory_space<hbm>> -> memref<10000x16xf32, #tpu.memory_space<hbm>>
        tpu.wait_indirect_dma semaphore(%arg26 : memref<!tpu.dma_semaphore, #tpu.memory_space<semaphore_mem>>) src(%dma_wait3A_129 : memref<10000x16xf32, #tpu.memory_space<hbm>>) dst(%arg12 : memref<512x16xf32, #tpu.memory_space<vmem>>)
        %dma_wait3A_130 = arith.constant 0 : i32
        %dma_wait3A_131 = tpu.memref_slice %arg3[%mul3A_123, %dma_wait3A_130] : memref<320000x16xf32, #tpu.memory_space<hbm>> -> memref<512x16xf32, #tpu.memory_space<hbm>>
        %dma_wait3A_132 = arith.constant 0 : i32
        %dma_wait3A_133 = tpu.memref_slice %arg3[%mul3A_123, %dma_wait3A_132] : memref<320000x16xf32, #tpu.memory_space<hbm>> -> memref<512x16xf32, #tpu.memory_space<hbm>>
        tpu.wait_dma2 semaphore(%arg24 : memref<!tpu.dma_semaphore, #tpu.memory_space<semaphore_mem>>) src(%dma_wait3A_133 : memref<512x16xf32, #tpu.memory_space<hbm>>) dst(%arg10 : memref<512x16xf32, #tpu.memory_space<vmem>>)
        %scan3A_134 = arith.constant 0 : i32
        %scan3A_135 = arith.constant 0 : i32
        %scan3A_136 = arith.constant 32 : i32
        %scan3A_137 = arith.addi %scan3A_135, %scan3A_136 : i32
        %scan3A_138 = arith.constant 1 : i32
        scf.for %scan3A_146 = %scan3A_135 to %scan3A_137 step %scan3A_138  : i32 {
          %mul3A_147 = arith.constant 16 : i32
          %mul3A_148 = arith.muli %scan3A_146, %mul3A_147 : i32
          %add3A_149 = arith.constant 0 : i32
          %add3A_150 = arith.addi %mul3A_148, %add3A_149 : i32
          %get3A = arith.index_cast %add3A_150 : i32 to index
          %get3A_151 = arith.constant 0 : index
          %get3A_152 = tpu.vector_load %arg12[%get3A, %get3A_151] {strides = array<i32>} : memref<512x16xf32, #tpu.memory_space<vmem>>, vector<16xf32>,
          %get3A_153 = arith.index_cast %add3A_150 : i32 to index
          %get3A_154 = arith.constant 0 : index
          %get3A_155 = tpu.vector_load %arg10[%get3A_153, %get3A_154] {strides = array<i32>} : memref<512x16xf32, #tpu.memory_space<vmem>>, vector<16xf32>,
          %mul3A_156 = arith.mulf %get3A_152, %get3A_155 : vector<16xf32>
          %swap3A = arith.index_cast %add3A_150 : i32 to index
          %swap3A_157 = arith.constant 0 : index
          %swap3A_158 = tpu.vector_load %arg12[%swap3A, %swap3A_157] {strides = array<i32>} : memref<512x16xf32, #tpu.memory_space<vmem>>, vector<16xf32>,
          tpu.vector_store %arg12[%swap3A, %swap3A_157], %mul3A_156 {strides = array<i32>} : memref<512x16xf32, #tpu.memory_space<vmem>>, vector<16xf32>,
          %mul3A_159 = arith.constant 16 : i32
          %mul3A_160 = arith.muli %scan3A_146, %mul3A_159 : i32
          %add3A_161 = arith.constant 1 : i32
          %add3A_162 = arith.addi %mul3A_160, %add3A_161 : i32
          %get3A_163 = arith.index_cast %add3A_162 : i32 to index
          %get3A_164 = arith.constant 0 : index
          %get3A_165 = tpu.vector_load %arg12[%get3A_163, %get3A_164] {strides = array<i32>} : memref<512x16xf32, #tpu.memory_space<vmem>>, vector<16xf32>,
          %get3A_166 = arith.index_cast %add3A_162 : i32 to index
          %get3A_167 = arith.constant 0 : index
          %get3A_168 = tpu.vector_load %arg10[%get3A_166, %get3A_167] {strides = array<i32>} : memref<512x16xf32, #tpu.memory_space<vmem>>, vector<16xf32>,
          %mul3A_169 = arith.mulf %get3A_165, %get3A_168 : vector<16xf32>
          %swap3A_170 = arith.index_cast %add3A_162 : i32 to index
          %swap3A_171 = arith.constant 0 : index
          %swap3A_172 = tpu.vector_load %arg12[%swap3A_170, %swap3A_171] {strides = array<i32>} : memref<512x16xf32, #tpu.memory_space<vmem>>, vector<16xf32>,
          tpu.vector_store %arg12[%swap3A_170, %swap3A_171], %mul3A_169 {strides = array<i32>} : memref<512x16xf32, #tpu.memory_space<vmem>>, vector<16xf32>,
          %mul3A_173 = arith.constant 16 : i32
          %mul3A_174 = arith.muli %scan3A_146, %mul3A_173 : i32
          %add3A_175 = arith.constant 2 : i32
          %add3A_176 = arith.addi %mul3A_174, %add3A_175 : i32
          %get3A_177 = arith.index_cast %add3A_176 : i32 to index
          %get3A_178 = arith.constant 0 : index
          %get3A_179 = tpu.vector_load %arg12[%get3A_177, %get3A_178] {strides = array<i32>} : memref<512x16xf32, #tpu.memory_space<vmem>>, vector<16xf32>,
          %get3A_180 = arith.index_cast %add3A_176 : i32 to index
          %get3A_181 = arith.constant 0 : index
          %get3A_182 = tpu.vector_load %arg10[%get3A_180, %get3A_181] {strides = array<i32>} : memref<512x16xf32, #tpu.memory_space<vmem>>, vector<16xf32>,
          %mul3A_183 = arith.mulf %get3A_179, %get3A_182 : vector<16xf32>
          %swap3A_184 = arith.index_cast %add3A_176 : i32 to index
          %swap3A_185 = arith.constant 0 : index
          %swap3A_186 = tpu.vector_load %arg12[%swap3A_184, %swap3A_185] {strides = array<i32>} : memref<512x16xf32, #tpu.memory_space<vmem>>, vector<16xf32>,
          tpu.vector_store %arg12[%swap3A_184, %swap3A_185], %mul3A_183 {strides = array<i32>} : memref<512x16xf32, #tpu.memory_space<vmem>>, vector<16xf32>,
          %mul3A_187 = arith.constant 16 : i32
          %mul3A_188 = arith.muli %scan3A_146, %mul3A_187 : i32
          %add3A_189 = arith.constant 3 : i32
          %add3A_190 = arith.addi %mul3A_188, %add3A_189 : i32
          %get3A_191 = arith.index_cast %add3A_190 : i32 to index
          %get3A_192 = arith.constant 0 : index
          %get3A_193 = tpu.vector_load %arg12[%get3A_191, %get3A_192] {strides = array<i32>} : memref<512x16xf32, #tpu.memory_space<vmem>>, vector<16xf32>,
          %get3A_194 = arith.index_cast %add3A_190 : i32 to index
          %get3A_195 = arith.constant 0 : index
          %get3A_196 = tpu.vector_load %arg10[%get3A_194, %get3A_195] {strides = array<i32>} : memref<512x16xf32, #tpu.memory_space<vmem>>, vector<16xf32>,
          %mul3A_197 = arith.mulf %get3A_193, %get3A_196 : vector<16xf32>
          %swap3A_198 = arith.index_cast %add3A_190 : i32 to index
          %swap3A_199 = arith.constant 0 : index
          %swap3A_200 = tpu.vector_load %arg12[%swap3A_198, %swap3A_199] {strides = array<i32>} : memref<512x16xf32, #tpu.memory_space<vmem>>, vector<16xf32>,
          tpu.vector_store %arg12[%swap3A_198, %swap3A_199], %mul3A_197 {strides = array<i32>} : memref<512x16xf32, #tpu.memory_space<vmem>>, vector<16xf32>,
          %mul3A_201 = arith.constant 16 : i32
          %mul3A_202 = arith.muli %scan3A_146, %mul3A_201 : i32
          %add3A_203 = arith.constant 4 : i32
          %add3A_204 = arith.addi %mul3A_202, %add3A_203 : i32
          %get3A_205 = arith.index_cast %add3A_204 : i32 to index
          %get3A_206 = arith.constant 0 : index
          %get3A_207 = tpu.vector_load %arg12[%get3A_205, %get3A_206] {strides = array<i32>} : memref<512x16xf32, #tpu.memory_space<vmem>>, vector<16xf32>,
          %get3A_208 = arith.index_cast %add3A_204 : i32 to index
          %get3A_209 = arith.constant 0 : index
          %get3A_210 = tpu.vector_load %arg10[%get3A_208, %get3A_209] {strides = array<i32>} : memref<512x16xf32, #tpu.memory_space<vmem>>, vector<16xf32>,
          %mul3A_211 = arith.mulf %get3A_207, %get3A_210 : vector<16xf32>
          %swap3A_212 = arith.index_cast %add3A_204 : i32 to index
          %swap3A_213 = arith.constant 0 : index
          %swap3A_214 = tpu.vector_load %arg12[%swap3A_212, %swap3A_213] {strides = array<i32>} : memref<512x16xf32, #tpu.memory_space<vmem>>, vector<16xf32>,
          tpu.vector_store %arg12[%swap3A_212, %swap3A_213], %mul3A_211 {strides = array<i32>} : memref<512x16xf32, #tpu.memory_space<vmem>>, vector<16xf32>,
          %mul3A_215 = arith.constant 16 : i32
          %mul3A_216 = arith.muli %scan3A_146, %mul3A_215 : i32
          %add3A_217 = arith.constant 5 : i32
          %add3A_218 = arith.addi %mul3A_216, %add3A_217 : i32
          %get3A_219 = arith.index_cast %add3A_218 : i32 to index
          %get3A_220 = arith.constant 0 : index
          %get3A_221 = tpu.vector_load %arg12[%get3A_219, %get3A_220] {strides = array<i32>} : memref<512x16xf32, #tpu.memory_space<vmem>>, vector<16xf32>,
          %get3A_222 = arith.index_cast %add3A_218 : i32 to index
          %get3A_223 = arith.constant 0 : index
          %get3A_224 = tpu.vector_load %arg10[%get3A_222, %get3A_223] {strides = array<i32>} : memref<512x16xf32, #tpu.memory_space<vmem>>, vector<16xf32>,
          %mul3A_225 = arith.mulf %get3A_221, %get3A_224 : vector<16xf32>
          %swap3A_226 = arith.index_cast %add3A_218 : i32 to index
          %swap3A_227 = arith.constant 0 : index
          %swap3A_228 = tpu.vector_load %arg12[%swap3A_226, %swap3A_227] {strides = array<i32>} : memref<512x16xf32, #tpu.memory_space<vmem>>, vector<16xf32>,
          tpu.vector_store %arg12[%swap3A_226, %swap3A_227], %mul3A_225 {strides = array<i32>} : memref<512x16xf32, #tpu.memory_space<vmem>>, vector<16xf32>,
          %mul3A_229 = arith.constant 16 : i32
          %mul3A_230 = arith.muli %scan3A_146, %mul3A_229 : i32
          %add3A_231 = arith.constant 6 : i32
          %add3A_232 = arith.addi %mul3A_230, %add3A_231 : i32
          %get3A_233 = arith.index_cast %add3A_232 : i32 to index
          %get3A_234 = arith.constant 0 : index
          %get3A_235 = tpu.vector_load %arg12[%get3A_233, %get3A_234] {strides = array<i32>} : memref<512x16xf32, #tpu.memory_space<vmem>>, vector<16xf32>,
          %get3A_236 = arith.index_cast %add3A_232 : i32 to index
          %get3A_237 = arith.constant 0 : index
          %get3A_238 = tpu.vector_load %arg10[%get3A_236, %get3A_237] {strides = array<i32>} : memref<512x16xf32, #tpu.memory_space<vmem>>, vector<16xf32>,
          %mul3A_239 = arith.mulf %get3A_235, %get3A_238 : vector<16xf32>
          %swap3A_240 = arith.index_cast %add3A_232 : i32 to index
          %swap3A_241 = arith.constant 0 : index
          %swap3A_242 = tpu.vector_load %arg12[%swap3A_240, %swap3A_241] {strides = array<i32>} : memref<512x16xf32, #tpu.memory_space<vmem>>, vector<16xf32>,
          tpu.vector_store %arg12[%swap3A_240, %swap3A_241], %mul3A_239 {strides = array<i32>} : memref<512x16xf32, #tpu.memory_space<vmem>>, vector<16xf32>,
          %mul3A_243 = arith.constant 16 : i32
          %mul3A_244 = arith.muli %scan3A_146, %mul3A_243 : i32
          %add3A_245 = arith.constant 7 : i32
          %add3A_246 = arith.addi %mul3A_244, %add3A_245 : i32
          %get3A_247 = arith.index_cast %add3A_246 : i32 to index
          %get3A_248 = arith.constant 0 : index
          %get3A_249 = tpu.vector_load %arg12[%get3A_247, %get3A_248] {strides = array<i32>} : memref<512x16xf32, #tpu.memory_space<vmem>>, vector<16xf32>,
          %get3A_250 = arith.index_cast %add3A_246 : i32 to index
          %get3A_251 = arith.constant 0 : index
          %get3A_252 = tpu.vector_load %arg10[%get3A_250, %get3A_251] {strides = array<i32>} : memref<512x16xf32, #tpu.memory_space<vmem>>, vector<16xf32>,
          %mul3A_253 = arith.mulf %get3A_249, %get3A_252 : vector<16xf32>
          %swap3A_254 = arith.index_cast %add3A_246 : i32 to index
          %swap3A_255 = arith.constant 0 : index
          %swap3A_256 = tpu.vector_load %arg12[%swap3A_254, %swap3A_255] {strides = array<i32>} : memref<512x16xf32, #tpu.memory_space<vmem>>, vector<16xf32>,
          tpu.vector_store %arg12[%swap3A_254, %swap3A_255], %mul3A_253 {strides = array<i32>} : memref<512x16xf32, #tpu.memory_space<vmem>>, vector<16xf32>,
          %mul3A_257 = arith.constant 16 : i32
          %mul3A_258 = arith.muli %scan3A_146, %mul3A_257 : i32
          %add3A_259 = arith.constant 8 : i32
          %add3A_260 = arith.addi %mul3A_258, %add3A_259 : i32
          %get3A_261 = arith.index_cast %add3A_260 : i32 to index
          %get3A_262 = arith.constant 0 : index
          %get3A_263 = tpu.vector_load %arg12[%get3A_261, %get3A_262] {strides = array<i32>} : memref<512x16xf32, #tpu.memory_space<vmem>>, vector<16xf32>,
          %get3A_264 = arith.index_cast %add3A_260 : i32 to index
          %get3A_265 = arith.constant 0 : index
          %get3A_266 = tpu.vector_load %arg10[%get3A_264, %get3A_265] {strides = array<i32>} : memref<512x16xf32, #tpu.memory_space<vmem>>, vector<16xf32>,
          %mul3A_267 = arith.mulf %get3A_263, %get3A_266 : vector<16xf32>
          %swap3A_268 = arith.index_cast %add3A_260 : i32 to index
          %swap3A_269 = arith.constant 0 : index
          %swap3A_270 = tpu.vector_load %arg12[%swap3A_268, %swap3A_269] {strides = array<i32>} : memref<512x16xf32, #tpu.memory_space<vmem>>, vector<16xf32>,
          tpu.vector_store %arg12[%swap3A_268, %swap3A_269], %mul3A_267 {strides = array<i32>} : memref<512x16xf32, #tpu.memory_space<vmem>>, vector<16xf32>,
          %mul3A_271 = arith.constant 16 : i32
          %mul3A_272 = arith.muli %scan3A_146, %mul3A_271 : i32
          %add3A_273 = arith.constant 9 : i32
          %add3A_274 = arith.addi %mul3A_272, %add3A_273 : i32
          %get3A_275 = arith.index_cast %add3A_274 : i32 to index
          %get3A_276 = arith.constant 0 : index
          %get3A_277 = tpu.vector_load %arg12[%get3A_275, %get3A_276] {strides = array<i32>} : memref<512x16xf32, #tpu.memory_space<vmem>>, vector<16xf32>,
          %get3A_278 = arith.index_cast %add3A_274 : i32 to index
          %get3A_279 = arith.constant 0 : index
          %get3A_280 = tpu.vector_load %arg10[%get3A_278, %get3A_279] {strides = array<i32>} : memref<512x16xf32, #tpu.memory_space<vmem>>, vector<16xf32>,
          %mul3A_281 = arith.mulf %get3A_277, %get3A_280 : vector<16xf32>
          %swap3A_282 = arith.index_cast %add3A_274 : i32 to index
          %swap3A_283 = arith.constant 0 : index
          %swap3A_284 = tpu.vector_load %arg12[%swap3A_282, %swap3A_283] {strides = array<i32>} : memref<512x16xf32, #tpu.memory_space<vmem>>, vector<16xf32>,
          tpu.vector_store %arg12[%swap3A_282, %swap3A_283], %mul3A_281 {strides = array<i32>} : memref<512x16xf32, #tpu.memory_space<vmem>>, vector<16xf32>,
          %mul3A_285 = arith.constant 16 : i32
          %mul3A_286 = arith.muli %scan3A_146, %mul3A_285 : i32
          %add3A_287 = arith.constant 10 : i32
          %add3A_288 = arith.addi %mul3A_286, %add3A_287 : i32
          %get3A_289 = arith.index_cast %add3A_288 : i32 to index
          %get3A_290 = arith.constant 0 : index
          %get3A_291 = tpu.vector_load %arg12[%get3A_289, %get3A_290] {strides = array<i32>} : memref<512x16xf32, #tpu.memory_space<vmem>>, vector<16xf32>,
          %get3A_292 = arith.index_cast %add3A_288 : i32 to index
          %get3A_293 = arith.constant 0 : index
          %get3A_294 = tpu.vector_load %arg10[%get3A_292, %get3A_293] {strides = array<i32>} : memref<512x16xf32, #tpu.memory_space<vmem>>, vector<16xf32>,
          %mul3A_295 = arith.mulf %get3A_291, %get3A_294 : vector<16xf32>
          %swap3A_296 = arith.index_cast %add3A_288 : i32 to index
          %swap3A_297 = arith.constant 0 : index
          %swap3A_298 = tpu.vector_load %arg12[%swap3A_296, %swap3A_297] {strides = array<i32>} : memref<512x16xf32, #tpu.memory_space<vmem>>, vector<16xf32>,
          tpu.vector_store %arg12[%swap3A_296, %swap3A_297], %mul3A_295 {strides = array<i32>} : memref<512x16xf32, #tpu.memory_space<vmem>>, vector<16xf32>,
          %mul3A_299 = arith.constant 16 : i32
          %mul3A_300 = arith.muli %scan3A_146, %mul3A_299 : i32
          %add3A_301 = arith.constant 11 : i32
          %add3A_302 = arith.addi %mul3A_300, %add3A_301 : i32
          %get3A_303 = arith.index_cast %add3A_302 : i32 to index
          %get3A_304 = arith.constant 0 : index
          %get3A_305 = tpu.vector_load %arg12[%get3A_303, %get3A_304] {strides = array<i32>} : memref<512x16xf32, #tpu.memory_space<vmem>>, vector<16xf32>,
          %get3A_306 = arith.index_cast %add3A_302 : i32 to index
          %get3A_307 = arith.constant 0 : index
          %get3A_308 = tpu.vector_load %arg10[%get3A_306, %get3A_307] {strides = array<i32>} : memref<512x16xf32, #tpu.memory_space<vmem>>, vector<16xf32>,
          %mul3A_309 = arith.mulf %get3A_305, %get3A_308 : vector<16xf32>
          %swap3A_310 = arith.index_cast %add3A_302 : i32 to index
          %swap3A_311 = arith.constant 0 : index
          %swap3A_312 = tpu.vector_load %arg12[%swap3A_310, %swap3A_311] {strides = array<i32>} : memref<512x16xf32, #tpu.memory_space<vmem>>, vector<16xf32>,
          tpu.vector_store %arg12[%swap3A_310, %swap3A_311], %mul3A_309 {strides = array<i32>} : memref<512x16xf32, #tpu.memory_space<vmem>>, vector<16xf32>,
          %mul3A_313 = arith.constant 16 : i32
          %mul3A_314 = arith.muli %scan3A_146, %mul3A_313 : i32
          %add3A_315 = arith.constant 12 : i32
          %add3A_316 = arith.addi %mul3A_314, %add3A_315 : i32
          %get3A_317 = arith.index_cast %add3A_316 : i32 to index
          %get3A_318 = arith.constant 0 : index
          %get3A_319 = tpu.vector_load %arg12[%get3A_317, %get3A_318] {strides = array<i32>} : memref<512x16xf32, #tpu.memory_space<vmem>>, vector<16xf32>,
          %get3A_320 = arith.index_cast %add3A_316 : i32 to index
          %get3A_321 = arith.constant 0 : index
          %get3A_322 = tpu.vector_load %arg10[%get3A_320, %get3A_321] {strides = array<i32>} : memref<512x16xf32, #tpu.memory_space<vmem>>, vector<16xf32>,
          %mul3A_323 = arith.mulf %get3A_319, %get3A_322 : vector<16xf32>
          %swap3A_324 = arith.index_cast %add3A_316 : i32 to index
          %swap3A_325 = arith.constant 0 : index
          %swap3A_326 = tpu.vector_load %arg12[%swap3A_324, %swap3A_325] {strides = array<i32>} : memref<512x16xf32, #tpu.memory_space<vmem>>, vector<16xf32>,
          tpu.vector_store %arg12[%swap3A_324, %swap3A_325], %mul3A_323 {strides = array<i32>} : memref<512x16xf32, #tpu.memory_space<vmem>>, vector<16xf32>,
          %mul3A_327 = arith.constant 16 : i32
          %mul3A_328 = arith.muli %scan3A_146, %mul3A_327 : i32
          %add3A_329 = arith.constant 13 : i32
          %add3A_330 = arith.addi %mul3A_328, %add3A_329 : i32
          %get3A_331 = arith.index_cast %add3A_330 : i32 to index
          %get3A_332 = arith.constant 0 : index
          %get3A_333 = tpu.vector_load %arg12[%get3A_331, %get3A_332] {strides = array<i32>} : memref<512x16xf32, #tpu.memory_space<vmem>>, vector<16xf32>,
          %get3A_334 = arith.index_cast %add3A_330 : i32 to index
          %get3A_335 = arith.constant 0 : index
          %get3A_336 = tpu.vector_load %arg10[%get3A_334, %get3A_335] {strides = array<i32>} : memref<512x16xf32, #tpu.memory_space<vmem>>, vector<16xf32>,
          %mul3A_337 = arith.mulf %get3A_333, %get3A_336 : vector<16xf32>
          %swap3A_338 = arith.index_cast %add3A_330 : i32 to index
          %swap3A_339 = arith.constant 0 : index
          %swap3A_340 = tpu.vector_load %arg12[%swap3A_338, %swap3A_339] {strides = array<i32>} : memref<512x16xf32, #tpu.memory_space<vmem>>, vector<16xf32>,
          tpu.vector_store %arg12[%swap3A_338, %swap3A_339], %mul3A_337 {strides = array<i32>} : memref<512x16xf32, #tpu.memory_space<vmem>>, vector<16xf32>,
          %mul3A_341 = arith.constant 16 : i32
          %mul3A_342 = arith.muli %scan3A_146, %mul3A_341 : i32
          %add3A_343 = arith.constant 14 : i32
          %add3A_344 = arith.addi %mul3A_342, %add3A_343 : i32
          %get3A_345 = arith.index_cast %add3A_344 : i32 to index
          %get3A_346 = arith.constant 0 : index
          %get3A_347 = tpu.vector_load %arg12[%get3A_345, %get3A_346] {strides = array<i32>} : memref<512x16xf32, #tpu.memory_space<vmem>>, vector<16xf32>,
          %get3A_348 = arith.index_cast %add3A_344 : i32 to index
          %get3A_349 = arith.constant 0 : index
          %get3A_350 = tpu.vector_load %arg10[%get3A_348, %get3A_349] {strides = array<i32>} : memref<512x16xf32, #tpu.memory_space<vmem>>, vector<16xf32>,
          %mul3A_351 = arith.mulf %get3A_347, %get3A_350 : vector<16xf32>
          %swap3A_352 = arith.index_cast %add3A_344 : i32 to index
          %swap3A_353 = arith.constant 0 : index
          %swap3A_354 = tpu.vector_load %arg12[%swap3A_352, %swap3A_353] {strides = array<i32>} : memref<512x16xf32, #tpu.memory_space<vmem>>, vector<16xf32>,
          tpu.vector_store %arg12[%swap3A_352, %swap3A_353], %mul3A_351 {strides = array<i32>} : memref<512x16xf32, #tpu.memory_space<vmem>>, vector<16xf32>,
          %mul3A_355 = arith.constant 16 : i32
          %mul3A_356 = arith.muli %scan3A_146, %mul3A_355 : i32
          %add3A_357 = arith.constant 15 : i32
          %add3A_358 = arith.addi %mul3A_356, %add3A_357 : i32
          %get3A_359 = arith.index_cast %add3A_358 : i32 to index
          %get3A_360 = arith.constant 0 : index
          %get3A_361 = tpu.vector_load %arg12[%get3A_359, %get3A_360] {strides = array<i32>} : memref<512x16xf32, #tpu.memory_space<vmem>>, vector<16xf32>,
          %get3A_362 = arith.index_cast %add3A_358 : i32 to index
          %get3A_363 = arith.constant 0 : index
          %get3A_364 = tpu.vector_load %arg10[%get3A_362, %get3A_363] {strides = array<i32>} : memref<512x16xf32, #tpu.memory_space<vmem>>, vector<16xf32>,
          %mul3A_365 = arith.mulf %get3A_361, %get3A_364 : vector<16xf32>
          %swap3A_366 = arith.index_cast %add3A_358 : i32 to index
          %swap3A_367 = arith.constant 0 : index
          %swap3A_368 = tpu.vector_load %arg12[%swap3A_366, %swap3A_367] {strides = array<i32>} : memref<512x16xf32, #tpu.memory_space<vmem>>, vector<16xf32>,
          tpu.vector_store %arg12[%swap3A_366, %swap3A_367], %mul3A_365 {strides = array<i32>} : memref<512x16xf32, #tpu.memory_space<vmem>>, vector<16xf32>,
        }
        %scan3A_139 = arith.constant 32 : i32
        %dma_start3A = arith.constant 0 : i32
        %dma_start3A_140 = arith.constant 0 : i32
        %dma_start3A_141 = tpu.memref_slice %arg16[%dma_start3A, %dma_start3A_140] : memref<1x512xi32, #tpu.memory_space<vmem>> -> memref<1x512xi32, #tpu.memory_space<vmem>>
        %dma_start3A_142 = tpu.memref_squeeze %dma_start3A_141 : memref<1x512xi32, #tpu.memory_space<vmem>> -> memref<512xi32, #tpu.memory_space<vmem>>
        %dma_start3A_143 = arith.constant 0 : i32
        %dma_start3A_144 = arith.constant 0 : i32
        %dma_start3A_145 = tpu.memref_slice %arg21[%dma_start3A_143, %dma_start3A_144] : memref<10240x16xf32, #tpu.memory_space<vmem_shared>> -> memref<10240x16xf32, #tpu.memory_space<vmem_shared>>
        tpu.enqueue_indirect_dma source(%arg12 : memref<512x16xf32, #tpu.memory_space<vmem>>) target(%dma_start3A_145 : memref<10240x16xf32, #tpu.memory_space<vmem_shared>>) offsets(%dma_start3A_142 : memref<512xi32, #tpu.memory_space<vmem>>) semaphore(%arg28 : memref<!tpu.dma_semaphore, #tpu.memory_space<semaphore_mem>>) {add = true}
      } else {
      }
      %add3A_112 = arith.constant 2 : i32
      %add3A_113 = arith.addi %mul3A_36, %add3A_112 : i32
      %mul3A_114 = arith.constant 32 : i32
      %mul3A_115 = arith.muli %add3A_113, %mul3A_114 : i32
      %add3A_116 = arith.addi %add3A, %mul3A_115 : i32
      %lt3A_117 = arith.constant 625 : i32
      %lt3A_118 = arith.cmpi slt, %add3A_116, %lt3A_117 : i32
      %convert_element_type3A_119 = arith.extui %lt3A_118 : i1 to i32
      %cond3A_120 = arith.constant 0 : i32
      %cond3A_121 = arith.cmpi ne, %convert_element_type3A_119, %cond3A_120 : i32
      scf.if %cond3A_121 {
        %mul3A_122 = arith.constant 512 : i32
        %mul3A_123 = arith.muli %add3A_116, %mul3A_122 : i32
        %dma_start3A = arith.constant 0 : i32
        %dma_start3A_124 = tpu.memref_slice %arg2[%dma_start3A, %mul3A_123] : memref<2x320000xi32, #tpu.memory_space<hbm>> -> memref<2x512xi32, #tpu.memory_space<hbm>>
        %dma_start3A_125 = arith.constant 0 : i32
        %dma_start3A_126 = tpu.memref_slice %arg2[%dma_start3A_125, %mul3A_123] : memref<2x320000xi32, #tpu.memory_space<hbm>> -> memref<2x512xi32, #tpu.memory_space<hbm>>
        tpu.enqueue_dma source(%dma_start3A_126 : memref<2x512xi32, #tpu.memory_space<hbm>>) target(%arg8 : memref<2x512xi32, #tpu.memory_space<vmem>>) target_semaphore(%arg22 : memref<!tpu.dma_semaphore, #tpu.memory_space<semaphore_mem>>)
        %dma_start3A_127 = arith.constant 0 : i32
        %dma_start3A_128 = tpu.memref_slice %arg3[%mul3A_123, %dma_start3A_127] : memref<320000x16xf32, #tpu.memory_space<hbm>> -> memref<512x16xf32, #tpu.memory_space<hbm>>
        %dma_start3A_129 = arith.constant 0 : i32
        %dma_start3A_130 = tpu.memref_slice %arg3[%mul3A_123, %dma_start3A_129] : memref<320000x16xf32, #tpu.memory_space<hbm>> -> memref<512x16xf32, #tpu.memory_space<hbm>>
        tpu.enqueue_dma source(%dma_start3A_130 : memref<512x16xf32, #tpu.memory_space<hbm>>) target(%arg10 : memref<512x16xf32, #tpu.memory_space<vmem>>) target_semaphore(%arg24 : memref<!tpu.dma_semaphore, #tpu.memory_space<semaphore_mem>>)
      } else {
      }
    }
    %scan3A_30 = arith.constant 12 : i32
    %barrier3A_31 = arith.constant 0 : index
    tpu.barrier barrier_id(%barrier3A_31)
    %mul3A_32 = arith.constant 640 : i32
    %mul3A_33 = arith.muli %arg1, %mul3A_32 : i32
    "tpu.region"() ({
      %run_scoped3A_34 = tpu.sem_alloc : memref<!tpu.dma_semaphore, #tpu.memory_space<semaphore_mem>>
      %dma_start3A = arith.constant 0 : i32
      %dma_start3A_35 = tpu.memref_slice %arg6[%arg0, %mul3A_33, %dma_start3A] : memref<2x10240x16xf32, #tpu.memory_space<hbm>> -> memref<1x640x16xf32, #tpu.memory_space<hbm>>
      %dma_start3A_36 = tpu.memref_squeeze %dma_start3A_35 : memref<1x640x16xf32, #tpu.memory_space<hbm>> -> memref<640x16xf32, #tpu.memory_space<hbm>>
      %dma_start3A_37 = arith.constant 0 : i32
      %dma_start3A_38 = tpu.memref_slice %arg21[%mul3A_33, %dma_start3A_37] : memref<10240x16xf32, #tpu.memory_space<vmem_shared>> -> memref<640x16xf32, #tpu.memory_space<vmem_shared>>
      tpu.enqueue_dma source(%dma_start3A_38 : memref<640x16xf32, #tpu.memory_space<vmem_shared>>) target(%dma_start3A_36 : memref<640x16xf32, #tpu.memory_space<hbm>>) target_semaphore(%run_scoped3A_34 : memref<!tpu.dma_semaphore, #tpu.memory_space<semaphore_mem>>)
      %dma_wait3A = arith.constant 0 : i32
      %dma_wait3A_39 = tpu.memref_slice %arg6[%arg0, %mul3A_33, %dma_wait3A] : memref<2x10240x16xf32, #tpu.memory_space<hbm>> -> memref<1x640x16xf32, #tpu.memory_space<hbm>>
      %dma_wait3A_40 = tpu.memref_squeeze %dma_wait3A_39 : memref<1x640x16xf32, #tpu.memory_space<hbm>> -> memref<640x16xf32, #tpu.memory_space<hbm>>
      %dma_wait3A_41 = arith.constant 0 : i32
      %dma_wait3A_42 = tpu.memref_slice %arg21[%mul3A_33, %dma_wait3A_41] : memref<10240x16xf32, #tpu.memory_space<vmem_shared>> -> memref<640x16xf32, #tpu.memory_space<vmem_shared>>
      tpu.wait_dma2 semaphore(%run_scoped3A_34 : memref<!tpu.dma_semaphore, #tpu.memory_space<semaphore_mem>>) src(%dma_wait3A_42 : memref<640x16xf32, #tpu.memory_space<vmem_shared>>) dst(%dma_wait3A_40 : memref<640x16xf32, #tpu.memory_space<hbm>>)
      tpu.yield
    }) : () -> ()
    "tpu.region"() ({
      %run_scoped3A_34 = tpu.sem_alloc : memref<!tpu.dma_semaphore, #tpu.memory_space<semaphore_mem>>
      %dma_start3A = arith.constant 0 : i32
      %dma_start3A_35 = tpu.memref_slice %arg7[%add3A, %dma_start3A] : memref<32x10240xf32, #tpu.memory_space<hbm>> -> memref<1x10240xf32, #tpu.memory_space<hbm>>
      %dma_start3A_36 = tpu.memref_squeeze %dma_start3A_35 : memref<1x10240xf32, #tpu.memory_space<hbm>> -> memref<10240xf32, #tpu.memory_space<hbm>>
      %dma_start3A_37 = arith.constant 0 : i32
      %dma_start3A_38 = tpu.memref_slice %arg7[%add3A, %dma_start3A_37] : memref<32x10240xf32, #tpu.memory_space<hbm>> -> memref<1x10240xf32, #tpu.memory_space<hbm>>
      %dma_start3A_39 = tpu.memref_squeeze %dma_start3A_38 : memref<1x10240xf32, #tpu.memory_space<hbm>> -> memref<10240xf32, #tpu.memory_space<hbm>>
      tpu.enqueue_dma source(%arg19 : memref<10240xf32, #tpu.memory_space<vmem>>) target(%dma_start3A_39 : memref<10240xf32, #tpu.memory_space<hbm>>) target_semaphore(%run_scoped3A_34 : memref<!tpu.dma_semaphore, #tpu.memory_space<semaphore_mem>>)
      %dma_wait3A = arith.constant 0 : i32
      %dma_wait3A_40 = tpu.memref_slice %arg7[%add3A, %dma_wait3A] : memref<32x10240xf32, #tpu.memory_space<hbm>> -> memref<1x10240xf32, #tpu.memory_space<hbm>>
      %dma_wait3A_41 = tpu.memref_squeeze %dma_wait3A_40 : memref<1x10240xf32, #tpu.memory_space<hbm>> -> memref<10240xf32, #tpu.memory_space<hbm>>
      %dma_wait3A_42 = arith.constant 0 : i32
      %dma_wait3A_43 = tpu.memref_slice %arg7[%add3A, %dma_wait3A_42] : memref<32x10240xf32, #tpu.memory_space<hbm>> -> memref<1x10240xf32, #tpu.memory_space<hbm>>
      %dma_wait3A_44 = tpu.memref_squeeze %dma_wait3A_43 : memref<1x10240xf32, #tpu.memory_space<hbm>> -> memref<10240xf32, #tpu.memory_space<hbm>>
      tpu.wait_dma2 semaphore(%run_scoped3A_34 : memref<!tpu.dma_semaphore, #tpu.memory_space<semaphore_mem>>) src(%arg19 : memref<10240xf32, #tpu.memory_space<vmem>>) dst(%dma_wait3A_44 : memref<10240xf32, #tpu.memory_space<hbm>>)
      tpu.yield
    }) : () -> ()
    return
  }
}

#map = affine_map<(d0, d1) -> (0, 0)>
#map1 = affine_map<(d0, d1) -> (0, 0, 0)>
module attributes {stable_mosaic.version = 14 : i64} {
  func.func @body(%arg0: i32, %arg1: i32, %arg2: memref<2x320000xi32, #tpu.memory_space<hbm>>, %arg3: memref<10000x128xf32, #tpu.memory_space<hbm>>, %arg4: memref<2x10240x128xf32, #tpu.memory_space<hbm>>, %arg5: memref<2x128xi32, #tpu.memory_space<vmem>>, %arg6: memref<2x128xi32, #tpu.memory_space<vmem>>, %arg7: memref<1x128xi32, #tpu.memory_space<vmem>>, %arg8: memref<1x128xi32, #tpu.memory_space<vmem>>, %arg9: memref<1x128xi32, #tpu.memory_space<vmem>>, %arg10: memref<1x128xi32, #tpu.memory_space<vmem>>, %arg11: memref<128x128xf32, #tpu.memory_space<vmem>>, %arg12: memref<128x128xf32, #tpu.memory_space<vmem>>, %arg13: memref<32x128xf32, #tpu.memory_space<vmem>>, %arg14: memref<10240x128xf32, #tpu.memory_space<vmem_shared>>, %arg15: memref<!tpu.dma_semaphore, #tpu.memory_space<semaphore_mem>>, %arg16: memref<!tpu.dma_semaphore, #tpu.memory_space<semaphore_mem>>, %arg17: memref<!tpu.dma_semaphore, #tpu.memory_space<semaphore_mem>>, %arg18: memref<!tpu.dma_semaphore, #tpu.memory_space<semaphore_mem>>, %arg19: memref<!tpu.dma_semaphore, #tpu.memory_space<semaphore_mem>>, %arg20: memref<!tpu.dma_semaphore, #tpu.memory_space<semaphore_mem>>) attributes {dimension_semantics = [#tpu.dimension_semantics<core_parallel>, #tpu.dimension_semantics<subcore_parallel>], iteration_bounds = array<i64: 2, 16>, scalar_prefetch = 0 : i64, scratch_operands = 16 : i64, tpu.core_type = #tpu.core_type<sc_vector_subcore>, window_params = [{transform_indices = #map}, {transform_indices = #map}, {transform_indices = #map1}]} {
    %mul3A = arith.constant 16 : i32
    %mul3A_0 = arith.muli %arg0, %mul3A : i32
    %add3A = arith.addi %mul3A_0, %arg1 : i32
    %broadcast_in_dim3A = arith.constant 0.000000e+00 : f32
    %broadcast_in_dim3A_1 = vector.broadcast %broadcast_in_dim3A : f32 to vector<16xf32>
    %broadcast_in_dim3A_2 = arith.constant 10000 : i32
    %broadcast_in_dim3A_3 = vector.broadcast %broadcast_in_dim3A_2 : i32 to vector<16xi32>
    %scan3A = arith.constant 0 : i32
    %scan3A_4 = arith.constant 0 : i32
    %scan3A_5 = arith.constant 32 : i32
    %scan3A_6 = arith.addi %scan3A_4, %scan3A_5 : i32
    %scan3A_7 = arith.constant 1 : i32
    scf.for %scan3A_28 = %scan3A_4 to %scan3A_6 step %scan3A_7  : i32 {
      %swap3A = arith.index_cast %scan3A_28 : i32 to index
      %swap3A_29 = arith.constant 0 : index
      %swap3A_30 = tpu.vector_load %arg13[%swap3A, %swap3A_29] {strides = array<i32>} : memref<32x128xf32, #tpu.memory_space<vmem>>, vector<16xf32>,
      tpu.vector_store %arg13[%swap3A, %swap3A_29], %broadcast_in_dim3A_1 {strides = array<i32>} : memref<32x128xf32, #tpu.memory_space<vmem>>, vector<16xf32>,
      %swap3A_31 = arith.index_cast %scan3A_28 : i32 to index
      %swap3A_32 = arith.constant 16 : index
      %swap3A_33 = tpu.vector_load %arg13[%swap3A_31, %swap3A_32] {strides = array<i32>} : memref<32x128xf32, #tpu.memory_space<vmem>>, vector<16xf32>,
      tpu.vector_store %arg13[%swap3A_31, %swap3A_32], %broadcast_in_dim3A_1 {strides = array<i32>} : memref<32x128xf32, #tpu.memory_space<vmem>>, vector<16xf32>,
      %swap3A_34 = arith.index_cast %scan3A_28 : i32 to index
      %swap3A_35 = arith.constant 32 : index
      %swap3A_36 = tpu.vector_load %arg13[%swap3A_34, %swap3A_35] {strides = array<i32>} : memref<32x128xf32, #tpu.memory_space<vmem>>, vector<16xf32>,
      tpu.vector_store %arg13[%swap3A_34, %swap3A_35], %broadcast_in_dim3A_1 {strides = array<i32>} : memref<32x128xf32, #tpu.memory_space<vmem>>, vector<16xf32>,
      %swap3A_37 = arith.index_cast %scan3A_28 : i32 to index
      %swap3A_38 = arith.constant 48 : index
      %swap3A_39 = tpu.vector_load %arg13[%swap3A_37, %swap3A_38] {strides = array<i32>} : memref<32x128xf32, #tpu.memory_space<vmem>>, vector<16xf32>,
      tpu.vector_store %arg13[%swap3A_37, %swap3A_38], %broadcast_in_dim3A_1 {strides = array<i32>} : memref<32x128xf32, #tpu.memory_space<vmem>>, vector<16xf32>,
      %swap3A_40 = arith.index_cast %scan3A_28 : i32 to index
      %swap3A_41 = arith.constant 64 : index
      %swap3A_42 = tpu.vector_load %arg13[%swap3A_40, %swap3A_41] {strides = array<i32>} : memref<32x128xf32, #tpu.memory_space<vmem>>, vector<16xf32>,
      tpu.vector_store %arg13[%swap3A_40, %swap3A_41], %broadcast_in_dim3A_1 {strides = array<i32>} : memref<32x128xf32, #tpu.memory_space<vmem>>, vector<16xf32>,
      %swap3A_43 = arith.index_cast %scan3A_28 : i32 to index
      %swap3A_44 = arith.constant 80 : index
      %swap3A_45 = tpu.vector_load %arg13[%swap3A_43, %swap3A_44] {strides = array<i32>} : memref<32x128xf32, #tpu.memory_space<vmem>>, vector<16xf32>,
      tpu.vector_store %arg13[%swap3A_43, %swap3A_44], %broadcast_in_dim3A_1 {strides = array<i32>} : memref<32x128xf32, #tpu.memory_space<vmem>>, vector<16xf32>,
      %swap3A_46 = arith.index_cast %scan3A_28 : i32 to index
      %swap3A_47 = arith.constant 96 : index
      %swap3A_48 = tpu.vector_load %arg13[%swap3A_46, %swap3A_47] {strides = array<i32>} : memref<32x128xf32, #tpu.memory_space<vmem>>, vector<16xf32>,
      tpu.vector_store %arg13[%swap3A_46, %swap3A_47], %broadcast_in_dim3A_1 {strides = array<i32>} : memref<32x128xf32, #tpu.memory_space<vmem>>, vector<16xf32>,
      %swap3A_49 = arith.index_cast %scan3A_28 : i32 to index
      %swap3A_50 = arith.constant 112 : index
      %swap3A_51 = tpu.vector_load %arg13[%swap3A_49, %swap3A_50] {strides = array<i32>} : memref<32x128xf32, #tpu.memory_space<vmem>>, vector<16xf32>,
      tpu.vector_store %arg13[%swap3A_49, %swap3A_50], %broadcast_in_dim3A_1 {strides = array<i32>} : memref<32x128xf32, #tpu.memory_space<vmem>>, vector<16xf32>,
    }
    %scan3A_8 = arith.constant 32 : i32
    %scan3A_9 = arith.constant 0 : i32
    %scan3A_10 = arith.constant 0 : i32
    %scan3A_11 = arith.constant 20 : i32
    %scan3A_12 = arith.addi %scan3A_10, %scan3A_11 : i32
    %scan3A_13 = arith.constant 1 : i32
    scf.for %scan3A_28 = %scan3A_10 to %scan3A_12 step %scan3A_13  : i32 {
      %mul3A_29 = arith.constant 640 : i32
      %mul3A_30 = arith.muli %arg1, %mul3A_29 : i32
      %mul3A_31 = arith.constant 32 : i32
      %mul3A_32 = arith.muli %scan3A_28, %mul3A_31 : i32
      %add3A_33 = arith.addi %mul3A_30, %mul3A_32 : i32
      "tpu.region"() ({
        %run_scoped3A = tpu.sem_alloc : memref<!tpu.dma_semaphore, #tpu.memory_space<semaphore_mem>>
        %dma_start3A = arith.constant 0 : i32
        %dma_start3A_34 = tpu.memref_slice %arg14[%add3A_33, %dma_start3A] : memref<10240x128xf32, #tpu.memory_space<vmem_shared>> -> memref<32x128xf32, #tpu.memory_space<vmem_shared>>
        %dma_start3A_35 = arith.constant 0 : i32
        %dma_start3A_36 = tpu.memref_slice %arg14[%add3A_33, %dma_start3A_35] : memref<10240x128xf32, #tpu.memory_space<vmem_shared>> -> memref<32x128xf32, #tpu.memory_space<vmem_shared>>
        tpu.enqueue_dma source(%arg13 : memref<32x128xf32, #tpu.memory_space<vmem>>) target(%dma_start3A_36 : memref<32x128xf32, #tpu.memory_space<vmem_shared>>) target_semaphore(%run_scoped3A : memref<!tpu.dma_semaphore, #tpu.memory_space<semaphore_mem>>)
        %dma_wait3A = arith.constant 0 : i32
        %dma_wait3A_37 = tpu.memref_slice %arg14[%add3A_33, %dma_wait3A] : memref<10240x128xf32, #tpu.memory_space<vmem_shared>> -> memref<32x128xf32, #tpu.memory_space<vmem_shared>>
        %dma_wait3A_38 = arith.constant 0 : i32
        %dma_wait3A_39 = tpu.memref_slice %arg14[%add3A_33, %dma_wait3A_38] : memref<10240x128xf32, #tpu.memory_space<vmem_shared>> -> memref<32x128xf32, #tpu.memory_space<vmem_shared>>
        tpu.wait_dma2 semaphore(%run_scoped3A : memref<!tpu.dma_semaphore, #tpu.memory_space<semaphore_mem>>) src(%arg13 : memref<32x128xf32, #tpu.memory_space<vmem>>) dst(%dma_wait3A_39 : memref<32x128xf32, #tpu.memory_space<vmem_shared>>)
        tpu.yield
      }) : () -> ()
    }
    %scan3A_14 = arith.constant 20 : i32
    %barrier3A = arith.constant 0 : index
    tpu.barrier barrier_id(%barrier3A)
    %add3A_15 = arith.constant 0 : i32
    %add3A_16 = arith.addi %add3A, %add3A_15 : i32
    %lt3A = arith.constant 2500 : i32
    %lt3A_17 = arith.cmpi slt, %add3A_16, %lt3A : i32
    %convert_element_type3A = arith.extui %lt3A_17 : i1 to i32
    %cond3A = arith.constant 0 : i32
    %cond3A_18 = arith.cmpi ne, %convert_element_type3A, %cond3A : i32
    scf.if %cond3A_18 {
      %mul3A_28 = arith.constant 128 : i32
      %mul3A_29 = arith.muli %add3A_16, %mul3A_28 : i32
      %dma_start3A = arith.constant 0 : i32
      %dma_start3A_30 = tpu.memref_slice %arg2[%dma_start3A, %mul3A_29] : memref<2x320000xi32, #tpu.memory_space<hbm>> -> memref<2x128xi32, #tpu.memory_space<hbm>>
      %dma_start3A_31 = arith.constant 0 : i32
      %dma_start3A_32 = tpu.memref_slice %arg2[%dma_start3A_31, %mul3A_29] : memref<2x320000xi32, #tpu.memory_space<hbm>> -> memref<2x128xi32, #tpu.memory_space<hbm>>
      tpu.enqueue_dma source(%dma_start3A_32 : memref<2x128xi32, #tpu.memory_space<hbm>>) target(%arg5 : memref<2x128xi32, #tpu.memory_space<vmem>>) target_semaphore(%arg15 : memref<!tpu.dma_semaphore, #tpu.memory_space<semaphore_mem>>)
    } else {
    }
    %scan3A_19 = arith.constant 0 : i32
    %scan3A_20 = arith.constant 0 : i32
    %scan3A_21 = arith.constant 41 : i32
    %scan3A_22 = arith.addi %scan3A_20, %scan3A_21 : i32
    %scan3A_23 = arith.constant 1 : i32
    scf.for %scan3A_28 = %scan3A_20 to %scan3A_22 step %scan3A_23  : i32 {
      %mul3A_29 = arith.constant 2 : i32
      %mul3A_30 = arith.muli %mul3A_29, %scan3A_28 : i32
      %sub3A = arith.constant 2 : i32
      %sub3A_31 = arith.subi %mul3A_30, %sub3A : i32
      %mul3A_32 = arith.constant 32 : i32
      %mul3A_33 = arith.muli %sub3A_31, %mul3A_32 : i32
      %add3A_34 = arith.addi %add3A, %mul3A_33 : i32
      %ge3A = arith.constant 0 : i32
      %ge3A_35 = arith.cmpi sge, %sub3A_31, %ge3A : i32
      %lt3A_36 = arith.constant 2500 : i32
      %lt3A_37 = arith.cmpi slt, %add3A_34, %lt3A_36 : i32
      %and3A = arith.andi %ge3A_35, %lt3A_37 : i1
      %convert_element_type3A_38 = arith.extui %and3A : i1 to i32
      %cond3A_39 = arith.constant 0 : i32
      %cond3A_40 = arith.cmpi ne, %convert_element_type3A_38, %cond3A_39 : i32
      scf.if %cond3A_40 {
        %dma_wait3A = arith.constant 0 : i32
        %dma_wait3A_116 = arith.constant 0 : i32
        %dma_wait3A_117 = tpu.memref_slice %arg9[%dma_wait3A, %dma_wait3A_116] : memref<1x128xi32, #tpu.memory_space<vmem>> -> memref<1x128xi32, #tpu.memory_space<vmem>>
        %dma_wait3A_118 = tpu.memref_squeeze %dma_wait3A_117 : memref<1x128xi32, #tpu.memory_space<vmem>> -> memref<128xi32, #tpu.memory_space<vmem>>
        %dma_wait3A_119 = arith.constant 0 : i32
        %dma_wait3A_120 = arith.constant 0 : i32
        %dma_wait3A_121 = tpu.memref_slice %arg14[%dma_wait3A_119, %dma_wait3A_120] : memref<10240x128xf32, #tpu.memory_space<vmem_shared>> -> memref<10240x128xf32, #tpu.memory_space<vmem_shared>>
        tpu.wait_indirect_dma semaphore(%arg19 : memref<!tpu.dma_semaphore, #tpu.memory_space<semaphore_mem>>) src(%arg11 : memref<128x128xf32, #tpu.memory_space<vmem>>) dst(%dma_wait3A_121 : memref<10240x128xf32, #tpu.memory_space<vmem_shared>>)
      } else {
      }
      %mul3A_41 = arith.constant 32 : i32
      %mul3A_42 = arith.muli %mul3A_30, %mul3A_41 : i32
      %add3A_43 = arith.addi %add3A, %mul3A_42 : i32
      %lt3A_44 = arith.constant 2500 : i32
      %lt3A_45 = arith.cmpi slt, %add3A_43, %lt3A_44 : i32
      %convert_element_type3A_46 = arith.extui %lt3A_45 : i1 to i32
      %cond3A_47 = arith.constant 0 : i32
      %cond3A_48 = arith.cmpi ne, %convert_element_type3A_46, %cond3A_47 : i32
      scf.if %cond3A_48 {
        %mul3A_116 = arith.constant 128 : i32
        %mul3A_117 = arith.muli %add3A_43, %mul3A_116 : i32
        %dma_wait3A = arith.constant 0 : i32
        %dma_wait3A_118 = tpu.memref_slice %arg2[%dma_wait3A, %mul3A_117] : memref<2x320000xi32, #tpu.memory_space<hbm>> -> memref<2x128xi32, #tpu.memory_space<hbm>>
        %dma_wait3A_119 = arith.constant 0 : i32
        %dma_wait3A_120 = tpu.memref_slice %arg2[%dma_wait3A_119, %mul3A_117] : memref<2x320000xi32, #tpu.memory_space<hbm>> -> memref<2x128xi32, #tpu.memory_space<hbm>>
        tpu.wait_dma2 semaphore(%arg15 : memref<!tpu.dma_semaphore, #tpu.memory_space<semaphore_mem>>) src(%dma_wait3A_120 : memref<2x128xi32, #tpu.memory_space<hbm>>) dst(%arg5 : memref<2x128xi32, #tpu.memory_space<vmem>>)
        %scan3A_121 = arith.constant 0 : i32
        %scan3A_122 = arith.constant 0 : i32
        %scan3A_123 = arith.constant 8 : i32
        %scan3A_124 = arith.addi %scan3A_122, %scan3A_123 : i32
        %scan3A_125 = arith.constant 1 : i32
        scf.for %scan3A_133 = %scan3A_122 to %scan3A_124 step %scan3A_125  : i32 {
          %mul3A_134 = arith.constant 16 : i32
          %mul3A_135 = arith.muli %scan3A_133, %mul3A_134 : i32
          %get3A = arith.constant 0 : i32
          %get3A_136 = arith.index_cast %get3A : i32 to index
          %get3A_137 = arith.index_cast %mul3A_135 : i32 to index
          %get3A_138 = tpu.vector_load %arg5[%get3A_136, %get3A_137] {strides = array<i32>} : memref<2x128xi32, #tpu.memory_space<vmem>>, vector<16xi32>,
          %mul3A_139 = arith.constant 16 : i32
          %mul3A_140 = arith.muli %scan3A_133, %mul3A_139 : i32
          %get3A_141 = arith.constant 1 : i32
          %get3A_142 = arith.index_cast %get3A_141 : i32 to index
          %get3A_143 = arith.index_cast %mul3A_140 : i32 to index
          %get3A_144 = tpu.vector_load %arg5[%get3A_142, %get3A_143] {strides = array<i32>} : memref<2x128xi32, #tpu.memory_space<vmem>>, vector<16xi32>,
          %mul3A_145 = arith.constant 16 : i32
          %mul3A_146 = arith.muli %scan3A_133, %mul3A_145 : i32
          %swap3A = arith.constant 0 : i32
          %swap3A_147 = arith.index_cast %swap3A : i32 to index
          %swap3A_148 = arith.index_cast %mul3A_146 : i32 to index
          %swap3A_149 = tpu.vector_load %arg7[%swap3A_147, %swap3A_148] {strides = array<i32>} : memref<1x128xi32, #tpu.memory_space<vmem>>, vector<16xi32>,
          tpu.vector_store %arg7[%swap3A_147, %swap3A_148], %get3A_138 {strides = array<i32>} : memref<1x128xi32, #tpu.memory_space<vmem>>, vector<16xi32>,
          %ne3A = arith.cmpi ne, %get3A_138, %get3A_144 : vector<16xi32>
          %select_n3A = arith.select %ne3A, %get3A_144, %broadcast_in_dim3A_3 : vector<16xi1>, vector<16xi32>
          %mul3A_150 = arith.constant 16 : i32
          %mul3A_151 = arith.muli %scan3A_133, %mul3A_150 : i32
          %swap3A_152 = arith.constant 0 : i32
          %swap3A_153 = arith.index_cast %swap3A_152 : i32 to index
          %swap3A_154 = arith.index_cast %mul3A_151 : i32 to index
          %swap3A_155 = tpu.vector_load %arg9[%swap3A_153, %swap3A_154] {strides = array<i32>} : memref<1x128xi32, #tpu.memory_space<vmem>>, vector<16xi32>,
          tpu.vector_store %arg9[%swap3A_153, %swap3A_154], %select_n3A {strides = array<i32>} : memref<1x128xi32, #tpu.memory_space<vmem>>, vector<16xi32>,
        }
        %scan3A_126 = arith.constant 8 : i32
        %dma_start3A = arith.constant 0 : i32
        %dma_start3A_127 = arith.constant 0 : i32
        %dma_start3A_128 = tpu.memref_slice %arg7[%dma_start3A, %dma_start3A_127] : memref<1x128xi32, #tpu.memory_space<vmem>> -> memref<1x128xi32, #tpu.memory_space<vmem>>
        %dma_start3A_129 = tpu.memref_squeeze %dma_start3A_128 : memref<1x128xi32, #tpu.memory_space<vmem>> -> memref<128xi32, #tpu.memory_space<vmem>>
        %dma_start3A_130 = arith.constant 0 : i32
        %dma_start3A_131 = arith.constant 0 : i32
        %dma_start3A_132 = tpu.memref_slice %arg3[%dma_start3A_130, %dma_start3A_131] : memref<10000x128xf32, #tpu.memory_space<hbm>> -> memref<10000x128xf32, #tpu.memory_space<hbm>>
        tpu.enqueue_indirect_dma source(%dma_start3A_132 : memref<10000x128xf32, #tpu.memory_space<hbm>>) target(%arg11 : memref<128x128xf32, #tpu.memory_space<vmem>>) offsets(%dma_start3A_129 : memref<128xi32, #tpu.memory_space<vmem>>) semaphore(%arg17 : memref<!tpu.dma_semaphore, #tpu.memory_space<semaphore_mem>>)
      } else {
      }
      %add3A_49 = arith.constant 1 : i32
      %add3A_50 = arith.addi %mul3A_30, %add3A_49 : i32
      %mul3A_51 = arith.constant 32 : i32
      %mul3A_52 = arith.muli %add3A_50, %mul3A_51 : i32
      %add3A_53 = arith.addi %add3A, %mul3A_52 : i32
      %lt3A_54 = arith.constant 2500 : i32
      %lt3A_55 = arith.cmpi slt, %add3A_53, %lt3A_54 : i32
      %convert_element_type3A_56 = arith.extui %lt3A_55 : i1 to i32
      %cond3A_57 = arith.constant 0 : i32
      %cond3A_58 = arith.cmpi ne, %convert_element_type3A_56, %cond3A_57 : i32
      scf.if %cond3A_58 {
        %mul3A_116 = arith.constant 128 : i32
        %mul3A_117 = arith.muli %add3A_53, %mul3A_116 : i32
        %dma_start3A = arith.constant 0 : i32
        %dma_start3A_118 = tpu.memref_slice %arg2[%dma_start3A, %mul3A_117] : memref<2x320000xi32, #tpu.memory_space<hbm>> -> memref<2x128xi32, #tpu.memory_space<hbm>>
        %dma_start3A_119 = arith.constant 0 : i32
        %dma_start3A_120 = tpu.memref_slice %arg2[%dma_start3A_119, %mul3A_117] : memref<2x320000xi32, #tpu.memory_space<hbm>> -> memref<2x128xi32, #tpu.memory_space<hbm>>
        tpu.enqueue_dma source(%dma_start3A_120 : memref<2x128xi32, #tpu.memory_space<hbm>>) target(%arg6 : memref<2x128xi32, #tpu.memory_space<vmem>>) target_semaphore(%arg16 : memref<!tpu.dma_semaphore, #tpu.memory_space<semaphore_mem>>)
      } else {
      }
      %sub3A_59 = arith.constant 1 : i32
      %sub3A_60 = arith.subi %mul3A_30, %sub3A_59 : i32
      %mul3A_61 = arith.constant 32 : i32
      %mul3A_62 = arith.muli %sub3A_60, %mul3A_61 : i32
      %add3A_63 = arith.addi %add3A, %mul3A_62 : i32
      %ge3A_64 = arith.constant 0 : i32
      %ge3A_65 = arith.cmpi sge, %sub3A_60, %ge3A_64 : i32
      %lt3A_66 = arith.constant 2500 : i32
      %lt3A_67 = arith.cmpi slt, %add3A_63, %lt3A_66 : i32
      %and3A_68 = arith.andi %ge3A_65, %lt3A_67 : i1
      %convert_element_type3A_69 = arith.extui %and3A_68 : i1 to i32
      %cond3A_70 = arith.constant 0 : i32
      %cond3A_71 = arith.cmpi ne, %convert_element_type3A_69, %cond3A_70 : i32
      scf.if %cond3A_71 {
        %dma_wait3A = arith.constant 0 : i32
        %dma_wait3A_116 = arith.constant 0 : i32
        %dma_wait3A_117 = tpu.memref_slice %arg8[%dma_wait3A, %dma_wait3A_116] : memref<1x128xi32, #tpu.memory_space<vmem>> -> memref<1x128xi32, #tpu.memory_space<vmem>>
        %dma_wait3A_118 = tpu.memref_squeeze %dma_wait3A_117 : memref<1x128xi32, #tpu.memory_space<vmem>> -> memref<128xi32, #tpu.memory_space<vmem>>
        %dma_wait3A_119 = arith.constant 0 : i32
        %dma_wait3A_120 = arith.constant 0 : i32
        %dma_wait3A_121 = tpu.memref_slice %arg3[%dma_wait3A_119, %dma_wait3A_120] : memref<10000x128xf32, #tpu.memory_space<hbm>> -> memref<10000x128xf32, #tpu.memory_space<hbm>>
        tpu.wait_indirect_dma semaphore(%arg18 : memref<!tpu.dma_semaphore, #tpu.memory_space<semaphore_mem>>) src(%dma_wait3A_121 : memref<10000x128xf32, #tpu.memory_space<hbm>>) dst(%arg12 : memref<128x128xf32, #tpu.memory_space<vmem>>)
        %dma_start3A = arith.constant 0 : i32
        %dma_start3A_122 = arith.constant 0 : i32
        %dma_start3A_123 = tpu.memref_slice %arg10[%dma_start3A, %dma_start3A_122] : memref<1x128xi32, #tpu.memory_space<vmem>> -> memref<1x128xi32, #tpu.memory_space<vmem>>
        %dma_start3A_124 = tpu.memref_squeeze %dma_start3A_123 : memref<1x128xi32, #tpu.memory_space<vmem>> -> memref<128xi32, #tpu.memory_space<vmem>>
        %dma_start3A_125 = arith.constant 0 : i32
        %dma_start3A_126 = arith.constant 0 : i32
        %dma_start3A_127 = tpu.memref_slice %arg14[%dma_start3A_125, %dma_start3A_126] : memref<10240x128xf32, #tpu.memory_space<vmem_shared>> -> memref<10240x128xf32, #tpu.memory_space<vmem_shared>>
        tpu.enqueue_indirect_dma source(%arg12 : memref<128x128xf32, #tpu.memory_space<vmem>>) target(%dma_start3A_127 : memref<10240x128xf32, #tpu.memory_space<vmem_shared>>) offsets(%dma_start3A_124 : memref<128xi32, #tpu.memory_space<vmem>>) semaphore(%arg20 : memref<!tpu.dma_semaphore, #tpu.memory_space<semaphore_mem>>) {add = true}
      } else {
      }
      %sub3A_72 = arith.constant 1 : i32
      %sub3A_73 = arith.subi %mul3A_30, %sub3A_72 : i32
      %mul3A_74 = arith.constant 32 : i32
      %mul3A_75 = arith.muli %sub3A_73, %mul3A_74 : i32
      %add3A_76 = arith.addi %add3A, %mul3A_75 : i32
      %ge3A_77 = arith.constant 0 : i32
      %ge3A_78 = arith.cmpi sge, %sub3A_73, %ge3A_77 : i32
      %lt3A_79 = arith.constant 2500 : i32
      %lt3A_80 = arith.cmpi slt, %add3A_76, %lt3A_79 : i32
      %and3A_81 = arith.andi %ge3A_78, %lt3A_80 : i1
      %convert_element_type3A_82 = arith.extui %and3A_81 : i1 to i32
      %cond3A_83 = arith.constant 0 : i32
      %cond3A_84 = arith.cmpi ne, %convert_element_type3A_82, %cond3A_83 : i32
      scf.if %cond3A_84 {
        %dma_wait3A = arith.constant 0 : i32
        %dma_wait3A_116 = arith.constant 0 : i32
        %dma_wait3A_117 = tpu.memref_slice %arg10[%dma_wait3A, %dma_wait3A_116] : memref<1x128xi32, #tpu.memory_space<vmem>> -> memref<1x128xi32, #tpu.memory_space<vmem>>
        %dma_wait3A_118 = tpu.memref_squeeze %dma_wait3A_117 : memref<1x128xi32, #tpu.memory_space<vmem>> -> memref<128xi32, #tpu.memory_space<vmem>>
        %dma_wait3A_119 = arith.constant 0 : i32
        %dma_wait3A_120 = arith.constant 0 : i32
        %dma_wait3A_121 = tpu.memref_slice %arg14[%dma_wait3A_119, %dma_wait3A_120] : memref<10240x128xf32, #tpu.memory_space<vmem_shared>> -> memref<10240x128xf32, #tpu.memory_space<vmem_shared>>
        tpu.wait_indirect_dma semaphore(%arg20 : memref<!tpu.dma_semaphore, #tpu.memory_space<semaphore_mem>>) src(%arg12 : memref<128x128xf32, #tpu.memory_space<vmem>>) dst(%dma_wait3A_121 : memref<10240x128xf32, #tpu.memory_space<vmem_shared>>)
      } else {
      }
      %add3A_85 = arith.constant 1 : i32
      %add3A_86 = arith.addi %mul3A_30, %add3A_85 : i32
      %mul3A_87 = arith.constant 32 : i32
      %mul3A_88 = arith.muli %add3A_86, %mul3A_87 : i32
      %add3A_89 = arith.addi %add3A, %mul3A_88 : i32
      %lt3A_90 = arith.constant 2500 : i32
      %lt3A_91 = arith.cmpi slt, %add3A_89, %lt3A_90 : i32
      %convert_element_type3A_92 = arith.extui %lt3A_91 : i1 to i32
      %cond3A_93 = arith.constant 0 : i32
      %cond3A_94 = arith.cmpi ne, %convert_element_type3A_92, %cond3A_93 : i32
      scf.if %cond3A_94 {
        %mul3A_116 = arith.constant 128 : i32
        %mul3A_117 = arith.muli %add3A_89, %mul3A_116 : i32
        %dma_wait3A = arith.constant 0 : i32
        %dma_wait3A_118 = tpu.memref_slice %arg2[%dma_wait3A, %mul3A_117] : memref<2x320000xi32, #tpu.memory_space<hbm>> -> memref<2x128xi32, #tpu.memory_space<hbm>>
        %dma_wait3A_119 = arith.constant 0 : i32
        %dma_wait3A_120 = tpu.memref_slice %arg2[%dma_wait3A_119, %mul3A_117] : memref<2x320000xi32, #tpu.memory_space<hbm>> -> memref<2x128xi32, #tpu.memory_space<hbm>>
        tpu.wait_dma2 semaphore(%arg16 : memref<!tpu.dma_semaphore, #tpu.memory_space<semaphore_mem>>) src(%dma_wait3A_120 : memref<2x128xi32, #tpu.memory_space<hbm>>) dst(%arg6 : memref<2x128xi32, #tpu.memory_space<vmem>>)
        %scan3A_121 = arith.constant 0 : i32
        %scan3A_122 = arith.constant 0 : i32
        %scan3A_123 = arith.constant 8 : i32
        %scan3A_124 = arith.addi %scan3A_122, %scan3A_123 : i32
        %scan3A_125 = arith.constant 1 : i32
        scf.for %scan3A_133 = %scan3A_122 to %scan3A_124 step %scan3A_125  : i32 {
          %mul3A_134 = arith.constant 16 : i32
          %mul3A_135 = arith.muli %scan3A_133, %mul3A_134 : i32
          %get3A = arith.constant 0 : i32
          %get3A_136 = arith.index_cast %get3A : i32 to index
          %get3A_137 = arith.index_cast %mul3A_135 : i32 to index
          %get3A_138 = tpu.vector_load %arg6[%get3A_136, %get3A_137] {strides = array<i32>} : memref<2x128xi32, #tpu.memory_space<vmem>>, vector<16xi32>,
          %mul3A_139 = arith.constant 16 : i32
          %mul3A_140 = arith.muli %scan3A_133, %mul3A_139 : i32
          %get3A_141 = arith.constant 1 : i32
          %get3A_142 = arith.index_cast %get3A_141 : i32 to index
          %get3A_143 = arith.index_cast %mul3A_140 : i32 to index
          %get3A_144 = tpu.vector_load %arg6[%get3A_142, %get3A_143] {strides = array<i32>} : memref<2x128xi32, #tpu.memory_space<vmem>>, vector<16xi32>,
          %mul3A_145 = arith.constant 16 : i32
          %mul3A_146 = arith.muli %scan3A_133, %mul3A_145 : i32
          %swap3A = arith.constant 0 : i32
          %swap3A_147 = arith.index_cast %swap3A : i32 to index
          %swap3A_148 = arith.index_cast %mul3A_146 : i32 to index
          %swap3A_149 = tpu.vector_load %arg8[%swap3A_147, %swap3A_148] {strides = array<i32>} : memref<1x128xi32, #tpu.memory_space<vmem>>, vector<16xi32>,
          tpu.vector_store %arg8[%swap3A_147, %swap3A_148], %get3A_138 {strides = array<i32>} : memref<1x128xi32, #tpu.memory_space<vmem>>, vector<16xi32>,
          %ne3A = arith.cmpi ne, %get3A_138, %get3A_144 : vector<16xi32>
          %select_n3A = arith.select %ne3A, %get3A_144, %broadcast_in_dim3A_3 : vector<16xi1>, vector<16xi32>
          %mul3A_150 = arith.constant 16 : i32
          %mul3A_151 = arith.muli %scan3A_133, %mul3A_150 : i32
          %swap3A_152 = arith.constant 0 : i32
          %swap3A_153 = arith.index_cast %swap3A_152 : i32 to index
          %swap3A_154 = arith.index_cast %mul3A_151 : i32 to index
          %swap3A_155 = tpu.vector_load %arg10[%swap3A_153, %swap3A_154] {strides = array<i32>} : memref<1x128xi32, #tpu.memory_space<vmem>>, vector<16xi32>,
          tpu.vector_store %arg10[%swap3A_153, %swap3A_154], %select_n3A {strides = array<i32>} : memref<1x128xi32, #tpu.memory_space<vmem>>, vector<16xi32>,
        }
        %scan3A_126 = arith.constant 8 : i32
        %dma_start3A = arith.constant 0 : i32
        %dma_start3A_127 = arith.constant 0 : i32
        %dma_start3A_128 = tpu.memref_slice %arg8[%dma_start3A, %dma_start3A_127] : memref<1x128xi32, #tpu.memory_space<vmem>> -> memref<1x128xi32, #tpu.memory_space<vmem>>
        %dma_start3A_129 = tpu.memref_squeeze %dma_start3A_128 : memref<1x128xi32, #tpu.memory_space<vmem>> -> memref<128xi32, #tpu.memory_space<vmem>>
        %dma_start3A_130 = arith.constant 0 : i32
        %dma_start3A_131 = arith.constant 0 : i32
        %dma_start3A_132 = tpu.memref_slice %arg3[%dma_start3A_130, %dma_start3A_131] : memref<10000x128xf32, #tpu.memory_space<hbm>> -> memref<10000x128xf32, #tpu.memory_space<hbm>>
        tpu.enqueue_indirect_dma source(%dma_start3A_132 : memref<10000x128xf32, #tpu.memory_space<hbm>>) target(%arg12 : memref<128x128xf32, #tpu.memory_space<vmem>>) offsets(%dma_start3A_129 : memref<128xi32, #tpu.memory_space<vmem>>) semaphore(%arg18 : memref<!tpu.dma_semaphore, #tpu.memory_space<semaphore_mem>>)
      } else {
      }
      %add3A_95 = arith.constant 2 : i32
      %add3A_96 = arith.addi %mul3A_30, %add3A_95 : i32
      %mul3A_97 = arith.constant 32 : i32
      %mul3A_98 = arith.muli %add3A_96, %mul3A_97 : i32
      %add3A_99 = arith.addi %add3A, %mul3A_98 : i32
      %lt3A_100 = arith.constant 2500 : i32
      %lt3A_101 = arith.cmpi slt, %add3A_99, %lt3A_100 : i32
      %convert_element_type3A_102 = arith.extui %lt3A_101 : i1 to i32
      %cond3A_103 = arith.constant 0 : i32
      %cond3A_104 = arith.cmpi ne, %convert_element_type3A_102, %cond3A_103 : i32
      scf.if %cond3A_104 {
        %mul3A_116 = arith.constant 128 : i32
        %mul3A_117 = arith.muli %add3A_99, %mul3A_116 : i32
        %dma_start3A = arith.constant 0 : i32
        %dma_start3A_118 = tpu.memref_slice %arg2[%dma_start3A, %mul3A_117] : memref<2x320000xi32, #tpu.memory_space<hbm>> -> memref<2x128xi32, #tpu.memory_space<hbm>>
        %dma_start3A_119 = arith.constant 0 : i32
        %dma_start3A_120 = tpu.memref_slice %arg2[%dma_start3A_119, %mul3A_117] : memref<2x320000xi32, #tpu.memory_space<hbm>> -> memref<2x128xi32, #tpu.memory_space<hbm>>
        tpu.enqueue_dma source(%dma_start3A_120 : memref<2x128xi32, #tpu.memory_space<hbm>>) target(%arg5 : memref<2x128xi32, #tpu.memory_space<vmem>>) target_semaphore(%arg15 : memref<!tpu.dma_semaphore, #tpu.memory_space<semaphore_mem>>)
      } else {
      }
      %mul3A_105 = arith.constant 32 : i32
      %mul3A_106 = arith.muli %mul3A_30, %mul3A_105 : i32
      %add3A_107 = arith.addi %add3A, %mul3A_106 : i32
      %ge3A_108 = arith.constant 0 : i32
      %ge3A_109 = arith.cmpi sge, %mul3A_30, %ge3A_108 : i32
      %lt3A_110 = arith.constant 2500 : i32
      %lt3A_111 = arith.cmpi slt, %add3A_107, %lt3A_110 : i32
      %and3A_112 = arith.andi %ge3A_109, %lt3A_111 : i1
      %convert_element_type3A_113 = arith.extui %and3A_112 : i1 to i32
      %cond3A_114 = arith.constant 0 : i32
      %cond3A_115 = arith.cmpi ne, %convert_element_type3A_113, %cond3A_114 : i32
      scf.if %cond3A_115 {
        %dma_wait3A = arith.constant 0 : i32
        %dma_wait3A_116 = arith.constant 0 : i32
        %dma_wait3A_117 = tpu.memref_slice %arg7[%dma_wait3A, %dma_wait3A_116] : memref<1x128xi32, #tpu.memory_space<vmem>> -> memref<1x128xi32, #tpu.memory_space<vmem>>
        %dma_wait3A_118 = tpu.memref_squeeze %dma_wait3A_117 : memref<1x128xi32, #tpu.memory_space<vmem>> -> memref<128xi32, #tpu.memory_space<vmem>>
        %dma_wait3A_119 = arith.constant 0 : i32
        %dma_wait3A_120 = arith.constant 0 : i32
        %dma_wait3A_121 = tpu.memref_slice %arg3[%dma_wait3A_119, %dma_wait3A_120] : memref<10000x128xf32, #tpu.memory_space<hbm>> -> memref<10000x128xf32, #tpu.memory_space<hbm>>
        tpu.wait_indirect_dma semaphore(%arg17 : memref<!tpu.dma_semaphore, #tpu.memory_space<semaphore_mem>>) src(%dma_wait3A_121 : memref<10000x128xf32, #tpu.memory_space<hbm>>) dst(%arg11 : memref<128x128xf32, #tpu.memory_space<vmem>>)
        %dma_start3A = arith.constant 0 : i32
        %dma_start3A_122 = arith.constant 0 : i32
        %dma_start3A_123 = tpu.memref_slice %arg9[%dma_start3A, %dma_start3A_122] : memref<1x128xi32, #tpu.memory_space<vmem>> -> memref<1x128xi32, #tpu.memory_space<vmem>>
        %dma_start3A_124 = tpu.memref_squeeze %dma_start3A_123 : memref<1x128xi32, #tpu.memory_space<vmem>> -> memref<128xi32, #tpu.memory_space<vmem>>
        %dma_start3A_125 = arith.constant 0 : i32
        %dma_start3A_126 = arith.constant 0 : i32
        %dma_start3A_127 = tpu.memref_slice %arg14[%dma_start3A_125, %dma_start3A_126] : memref<10240x128xf32, #tpu.memory_space<vmem_shared>> -> memref<10240x128xf32, #tpu.memory_space<vmem_shared>>
        tpu.enqueue_indirect_dma source(%arg11 : memref<128x128xf32, #tpu.memory_space<vmem>>) target(%dma_start3A_127 : memref<10240x128xf32, #tpu.memory_space<vmem_shared>>) offsets(%dma_start3A_124 : memref<128xi32, #tpu.memory_space<vmem>>) semaphore(%arg19 : memref<!tpu.dma_semaphore, #tpu.memory_space<semaphore_mem>>) {add = true}
      } else {
      }
    }
    %scan3A_24 = arith.constant 41 : i32
    %barrier3A_25 = arith.constant 0 : index
    tpu.barrier barrier_id(%barrier3A_25)
    %mul3A_26 = arith.constant 640 : i32
    %mul3A_27 = arith.muli %arg1, %mul3A_26 : i32
    "tpu.region"() ({
      %run_scoped3A = tpu.sem_alloc : memref<!tpu.dma_semaphore, #tpu.memory_space<semaphore_mem>>
      %dma_start3A = arith.constant 0 : i32
      %dma_start3A_28 = tpu.memref_slice %arg4[%arg0, %mul3A_27, %dma_start3A] : memref<2x10240x128xf32, #tpu.memory_space<hbm>> -> memref<1x640x128xf32, #tpu.memory_space<hbm>>
      %dma_start3A_29 = tpu.memref_squeeze %dma_start3A_28 : memref<1x640x128xf32, #tpu.memory_space<hbm>> -> memref<640x128xf32, #tpu.memory_space<hbm>>
      %dma_start3A_30 = arith.constant 0 : i32
      %dma_start3A_31 = tpu.memref_slice %arg14[%mul3A_27, %dma_start3A_30] : memref<10240x128xf32, #tpu.memory_space<vmem_shared>> -> memref<640x128xf32, #tpu.memory_space<vmem_shared>>
      tpu.enqueue_dma source(%dma_start3A_31 : memref<640x128xf32, #tpu.memory_space<vmem_shared>>) target(%dma_start3A_29 : memref<640x128xf32, #tpu.memory_space<hbm>>) target_semaphore(%run_scoped3A : memref<!tpu.dma_semaphore, #tpu.memory_space<semaphore_mem>>)
      %dma_wait3A = arith.constant 0 : i32
      %dma_wait3A_32 = tpu.memref_slice %arg4[%arg0, %mul3A_27, %dma_wait3A] : memref<2x10240x128xf32, #tpu.memory_space<hbm>> -> memref<1x640x128xf32, #tpu.memory_space<hbm>>
      %dma_wait3A_33 = tpu.memref_squeeze %dma_wait3A_32 : memref<1x640x128xf32, #tpu.memory_space<hbm>> -> memref<640x128xf32, #tpu.memory_space<hbm>>
      %dma_wait3A_34 = arith.constant 0 : i32
      %dma_wait3A_35 = tpu.memref_slice %arg14[%mul3A_27, %dma_wait3A_34] : memref<10240x128xf32, #tpu.memory_space<vmem_shared>> -> memref<640x128xf32, #tpu.memory_space<vmem_shared>>
      tpu.wait_dma2 semaphore(%run_scoped3A : memref<!tpu.dma_semaphore, #tpu.memory_space<semaphore_mem>>) src(%dma_wait3A_35 : memref<640x128xf32, #tpu.memory_space<vmem_shared>>) dst(%dma_wait3A_33 : memref<640x128xf32, #tpu.memory_space<hbm>>)
      tpu.yield
    }) : () -> ()
    return
  }
}

module attributes {stable_mosaic.version = 14 : i64} {
  func.func @body(%arg0: i32, %arg1: memref<2x512x16xf32, #tpu.memory_space<vmem>>, %arg2: memref<2x512x16xf32, #tpu.memory_space<vmem>>, %arg3: memref<3x32x512xf32, #tpu.memory_space<vmem>>, %arg4: memref<512x128xf32, #tpu.memory_space<vmem>>, %arg5: memref<512x128xf32, #tpu.memory_space<vmem>>, %arg6: memref<512x16xf32, #tpu.memory_space<vmem>>, %arg7: memref<1x512xf32, #tpu.memory_space<vmem>>, %arg8: memref<512x32xf32, #tpu.memory_space<vmem>>) attributes {dimension_semantics = [#tpu.dimension_semantics<arbitrary>], iteration_bounds = array<i64: 20>, scalar_prefetch = 0 : i64, scratch_operands = 0 : i64, tpu.core_type = #tpu.core_type<tc>, window_params = [{transform_indices = @transform_0, window_bounds = array<i64: 2, 512, 16>}, {transform_indices = @transform_1, window_bounds = array<i64: 2, 512, 16>}, {transform_indices = @transform_2, window_bounds = array<i64: 3, 32, 512>}, {transform_indices = @transform_3, window_bounds = array<i64: 512, 128>}, {transform_indices = @transform_4, window_bounds = array<i64: 512, 128>}, {transform_indices = @transform_5, window_bounds = array<i64: 512, 16>}, {transform_indices = @transform_6, window_bounds = array<i64: 1, 512>}, {transform_indices = @transform_7, window_bounds = array<i64: 512, 32>}]} {
    %get3A = arith.constant 0 : index
    %get3A_0 = arith.constant 0 : index
    %get3A_1 = arith.constant 0 : index
    %get3A_2 = vector.load %arg1[%get3A, %get3A_0, %get3A_1] : memref<2x512x16xf32, #tpu.memory_space<vmem>>, vector<1x512x16xf32>
    %get3A_3 = vector.shape_cast %get3A_2 : vector<1x512x16xf32> to vector<512x16xf32>
    %get3A_4 = arith.constant 1 : index
    %get3A_5 = arith.constant 0 : index
    %get3A_6 = arith.constant 0 : index
    %get3A_7 = vector.load %arg1[%get3A_4, %get3A_5, %get3A_6] : memref<2x512x16xf32, #tpu.memory_space<vmem>>, vector<1x512x16xf32>
    %get3A_8 = vector.shape_cast %get3A_7 : vector<1x512x16xf32> to vector<512x16xf32>
    %add3A = arith.addf %get3A_3, %get3A_8 : vector<512x16xf32>
    %get3A_9 = arith.constant 0 : index
    %get3A_10 = arith.constant 0 : index
    %get3A_11 = arith.constant 0 : index
    %get3A_12 = vector.load %arg2[%get3A_9, %get3A_10, %get3A_11] : memref<2x512x16xf32, #tpu.memory_space<vmem>>, vector<1x512x16xf32>
    %get3A_13 = vector.shape_cast %get3A_12 : vector<1x512x16xf32> to vector<512x16xf32>
    %get3A_14 = arith.constant 1 : index
    %get3A_15 = arith.constant 0 : index
    %get3A_16 = arith.constant 0 : index
    %get3A_17 = vector.load %arg2[%get3A_14, %get3A_15, %get3A_16] : memref<2x512x16xf32, #tpu.memory_space<vmem>>, vector<1x512x16xf32>
    %get3A_18 = vector.shape_cast %get3A_17 : vector<1x512x16xf32> to vector<512x16xf32>
    %add3A_19 = arith.addf %get3A_13, %get3A_18 : vector<512x16xf32>
    %get3A_20 = arith.constant 0 : index
    %get3A_21 = arith.constant 0 : index
    %get3A_22 = arith.constant 0 : index
    %get3A_23 = vector.load %arg3[%get3A_20, %get3A_21, %get3A_22] : memref<3x32x512xf32, #tpu.memory_space<vmem>>, vector<3x32x512xf32>
    %reduce_sum3A = arith.constant dense<0.000000e+00> : vector<3x512xf32>
    %reduce_sum3A_24 = vector.multi_reduction <add>, %get3A_23, %reduce_sum3A [1] : vector<3x32x512xf32> to vector<3x512xf32>
    %transpose3A = tpu.transpose %reduce_sum3A_24, [1, 0] : vector<3x512xf32> -> vector<512x3xf32>
    %slice3A = vector.extract_strided_slice %transpose3A {offsets = [0, 0], sizes = [512, 1], strides = [1, 1]} : vector<512x3xf32> to vector<512x1xf32>
    %slice3A_25 = vector.extract_strided_slice %transpose3A {offsets = [0, 1], sizes = [512, 1], strides = [1, 1]} : vector<512x3xf32> to vector<512x1xf32>
    %slice3A_26 = vector.extract_strided_slice %transpose3A {offsets = [0, 2], sizes = [512, 1], strides = [1, 1]} : vector<512x3xf32> to vector<512x1xf32>
    %max3A = arith.constant 1.000000e+00 : f32
    %max3A_27 = vector.broadcast %max3A : f32 to vector<512x1xf32>
    %max3A_28 = arith.maximumf %slice3A, %max3A_27 : vector<512x1xf32>
    %div3A = vector.broadcast %max3A_28 : vector<512x1xf32> to vector<512x16xf32>
    %div3A_29 = arith.divf %add3A, %div3A : vector<512x16xf32>
    %max3A_30 = arith.constant 1.000000e+00 : f32
    %max3A_31 = vector.broadcast %max3A_30 : f32 to vector<512x1xf32>
    %max3A_32 = arith.maximumf %slice3A_25, %max3A_31 : vector<512x1xf32>
    %div3A_33 = vector.broadcast %max3A_32 : vector<512x1xf32> to vector<512x16xf32>
    %div3A_34 = arith.divf %add3A_19, %div3A_33 : vector<512x16xf32>
    %min3A = arith.constant 1.000000e+00 : f32
    %min3A_35 = vector.broadcast %min3A : f32 to vector<512x1xf32>
    %min3A_36 = arith.minimumf %slice3A_25, %min3A_35 : vector<512x1xf32>
    %mul3A = vector.broadcast %min3A_36 : vector<512x1xf32> to vector<512x16xf32>
    %mul3A_37 = arith.mulf %mul3A, %div3A_34 : vector<512x16xf32>
    %sub3A = arith.constant 1.000000e+00 : f32
    %sub3A_38 = vector.broadcast %sub3A : f32 to vector<512x1xf32>
    %sub3A_39 = arith.subf %sub3A_38, %min3A_36 : vector<512x1xf32>
    %mul3A_40 = vector.broadcast %sub3A_39 : vector<512x1xf32> to vector<512x16xf32>
    %mul3A_41 = arith.mulf %mul3A_40, %div3A_29 : vector<512x16xf32>
    %add3A_42 = arith.addf %mul3A_37, %mul3A_41 : vector<512x16xf32>
    %sub3A_43 = arith.subf %add3A, %add3A_19 : vector<512x16xf32>
    %add3A_44 = arith.addf %sub3A_43, %add3A_42 : vector<512x16xf32>
    %gt3A = arith.constant 0.000000e+00 : f32
    %gt3A_45 = vector.broadcast %gt3A : f32 to vector<512x16xf32>
    %gt3A_46 = arith.cmpf ogt, %add3A_44, %gt3A_45 : vector<512x16xf32>
    %max3A_47 = arith.constant 1.000000e-30 : f32
    %max3A_48 = vector.broadcast %max3A_47 : f32 to vector<512x16xf32>
    %max3A_49 = arith.maximumf %add3A_44, %max3A_48 : vector<512x16xf32>
    %rsqrt3A = math.rsqrt %max3A_49 : vector<512x16xf32>
    %jit3A = arith.constant 0.000000e+00 : f32
    %broadcast_in_dim3A = vector.broadcast %jit3A : f32 to vector<512x16xf32>
    %select_n3A = arith.select %gt3A_46, %rsqrt3A, %broadcast_in_dim3A : vector<512x16xi1>, vector<512x16xf32>
    %add3A_50 = arith.constant 1.000000e+00 : f32
    %add3A_51 = vector.broadcast %add3A_50 : f32 to vector<512x1xf32>
    %add3A_52 = arith.addf %slice3A_26, %add3A_51 : vector<512x1xf32>
    %rsqrt3A_53 = math.rsqrt %add3A_52 : vector<512x1xf32>
    %get3A_54 = arith.constant 0 : index
    %get3A_55 = arith.constant 0 : index
    %get3A_56 = vector.load %arg4[%get3A_54, %get3A_55] : memref<512x128xf32, #tpu.memory_space<vmem>>, vector<512x128xf32>
    %mul3A_57 = vector.broadcast %rsqrt3A_53 : vector<512x1xf32> to vector<512x128xf32>
    %mul3A_58 = arith.mulf %mul3A_57, %get3A_56 : vector<512x128xf32>
    %swap3A = arith.constant 0 : index
    %swap3A_59 = arith.constant 0 : index
    %swap3A_60 = vector.load %arg5[%swap3A, %swap3A_59] : memref<512x128xf32, #tpu.memory_space<vmem>>, vector<512x128xf32>
    tpu.vector_store %arg5[%swap3A, %swap3A_59], %mul3A_58 {strides = array<i32>} : memref<512x128xf32, #tpu.memory_space<vmem>>, vector<512x128xf32>,
    %mul3A_61 = vector.broadcast %rsqrt3A_53 : vector<512x1xf32> to vector<512x16xf32>
    %mul3A_62 = arith.mulf %mul3A_61, %select_n3A : vector<512x16xf32>
    %swap3A_63 = arith.constant 0 : index
    %swap3A_64 = arith.constant 0 : index
    %swap3A_65 = vector.load %arg6[%swap3A_63, %swap3A_64] : memref<512x16xf32, #tpu.memory_space<vmem>>, vector<512x16xf32>
    tpu.vector_store %arg6[%swap3A_63, %swap3A_64], %mul3A_62 {strides = array<i32>} : memref<512x16xf32, #tpu.memory_space<vmem>>, vector<512x16xf32>,
    %slice3A_66 = vector.extract_strided_slice %reduce_sum3A_24 {offsets = [2, 0], sizes = [1, 512], strides = [1, 1]} : vector<3x512xf32> to vector<1x512xf32>
    %add3A_67 = arith.constant 1.000000e+00 : f32
    %add3A_68 = vector.broadcast %add3A_67 : f32 to vector<1x512xf32>
    %add3A_69 = arith.addf %slice3A_66, %add3A_68 : vector<1x512xf32>
    %rsqrt3A_70 = math.rsqrt %add3A_69 : vector<1x512xf32>
    %swap3A_71 = arith.constant 0 : index
    %swap3A_72 = arith.constant 0 : index
    %swap3A_73 = vector.load %arg7[%swap3A_71, %swap3A_72] : memref<1x512xf32, #tpu.memory_space<vmem>>, vector<1x512xf32>
    tpu.vector_store %arg7[%swap3A_71, %swap3A_72], %rsqrt3A_70 {strides = array<i32>} : memref<1x512xf32, #tpu.memory_space<vmem>>, vector<1x512xf32>,
    %swap3A_74 = arith.constant 0 : index
    %swap3A_75 = arith.constant 0 : index
    %swap3A_76 = vector.load %arg8[%swap3A_74, %swap3A_75] : memref<512x32xf32, #tpu.memory_space<vmem>>, vector<512x16xf32>
    tpu.vector_store %arg8[%swap3A_74, %swap3A_75], %add3A_42 {strides = array<i32>} : memref<512x32xf32, #tpu.memory_space<vmem>>, vector<512x16xf32>,
    %broadcast_in_dim3A_77 = vector.shape_cast %rsqrt3A_53 : vector<512x1xf32> to vector<512x1xf32>
    %broadcast_in_dim3A_78 = vector.broadcast %broadcast_in_dim3A_77 : vector<512x1xf32> to vector<512x16xf32>
    %swap3A_79 = arith.constant 0 : index
    %swap3A_80 = arith.constant 16 : index
    %swap3A_81 = vector.load %arg8[%swap3A_79, %swap3A_80] : memref<512x32xf32, #tpu.memory_space<vmem>>, vector<512x16xf32>
    tpu.vector_store %arg8[%swap3A_79, %swap3A_80], %broadcast_in_dim3A_78 {strides = array<i32>} : memref<512x32xf32, #tpu.memory_space<vmem>>, vector<512x16xf32>,
    return
  }
  func.func @transform_0(%arg0: i32) -> (i32, i32, i32) {
    %c0_i32 = arith.constant 0 : i32
    %c0_i32_0 = arith.constant 0 : i32
    %c0_i32_1 = arith.constant 0 : i32
    return %c0_i32, %arg0, %c0_i32_0 : i32, i32, i32
  }
  func.func @transform_1(%arg0: i32) -> (i32, i32, i32) {
    %c0_i32 = arith.constant 0 : i32
    %c0_i32_0 = arith.constant 0 : i32
    %c0_i32_1 = arith.constant 0 : i32
    return %c0_i32, %arg0, %c0_i32_0 : i32, i32, i32
  }
  func.func @transform_2(%arg0: i32) -> (i32, i32, i32) {
    %c0_i32 = arith.constant 0 : i32
    %c0_i32_0 = arith.constant 0 : i32
    %c0_i32_1 = arith.constant 0 : i32
    return %c0_i32, %c0_i32_0, %arg0 : i32, i32, i32
  }
  func.func @transform_3(%arg0: i32) -> (i32, i32) {
    %c0_i32 = arith.constant 0 : i32
    %c0_i32_0 = arith.constant 0 : i32
    return %arg0, %c0_i32 : i32, i32
  }
  func.func @transform_4(%arg0: i32) -> (i32, i32) {
    %c0_i32 = arith.constant 0 : i32
    %c0_i32_0 = arith.constant 0 : i32
    return %arg0, %c0_i32 : i32, i32
  }
  func.func @transform_5(%arg0: i32) -> (i32, i32) {
    %c0_i32 = arith.constant 0 : i32
    %c0_i32_0 = arith.constant 0 : i32
    return %arg0, %c0_i32 : i32, i32
  }
  func.func @transform_6(%arg0: i32) -> (i32, i32) {
    %c0_i32 = arith.constant 0 : i32
    %c0_i32_0 = arith.constant 0 : i32
    return %c0_i32, %arg0 : i32, i32
  }
  func.func @transform_7(%arg0: i32) -> (i32, i32) {
    %c0_i32 = arith.constant 0 : i32
    %c0_i32_0 = arith.constant 0 : i32
    return %arg0, %c0_i32 : i32, i32
  }
}

module attributes {stable_mosaic.version = 14 : i64} {
  func.func @body(%arg0: i32, %arg1: memref<2x512x128xf32, #tpu.memory_space<vmem>>, %arg2: memref<2x512x16xf32, #tpu.memory_space<vmem>>, %arg3: memref<32x512xf32, #tpu.memory_space<vmem>>, %arg4: memref<512x128xf32, #tpu.memory_space<vmem>>, %arg5: memref<512x16xf32, #tpu.memory_space<vmem>>, %arg6: memref<512x32xf32, #tpu.memory_space<vmem>>, %arg7: memref<128x16xf32, #tpu.memory_space<vmem>>, %arg8: memref<1x128xf32, #tpu.memory_space<vmem>>, %arg9: memref<128x128xf32, #tpu.memory_space<vmem>>, %arg10: memref<1x128xf32, #tpu.memory_space<vmem>>, %arg11: memref<512x128xf32, #tpu.memory_space<vmem>>) attributes {dimension_semantics = [#tpu.dimension_semantics<arbitrary>], iteration_bounds = array<i64: 20>, scalar_prefetch = 0 : i64, scratch_operands = 0 : i64, tpu.core_type = #tpu.core_type<tc>, window_params = [{transform_indices = @transform_0, window_bounds = array<i64: 2, 512, 128>}, {transform_indices = @transform_1, window_bounds = array<i64: 2, 512, 16>}, {transform_indices = @transform_2, window_bounds = array<i64: 32, 512>}, {transform_indices = @transform_3, window_bounds = array<i64: 512, 128>}, {transform_indices = @transform_4, window_bounds = array<i64: 512, 16>}, {transform_indices = @transform_5, window_bounds = array<i64: 512, 32>}, {pipeline_mode = #tpu.pipeline_mode<synchronous>, transform_indices = @transform_6, window_bounds = array<i64: 128, 16>}, {pipeline_mode = #tpu.pipeline_mode<synchronous>, transform_indices = @transform_7, window_bounds = array<i64: 1, 128>}, {pipeline_mode = #tpu.pipeline_mode<synchronous>, transform_indices = @transform_8, window_bounds = array<i64: 128, 128>}, {pipeline_mode = #tpu.pipeline_mode<synchronous>, transform_indices = @transform_9, window_bounds = array<i64: 1, 128>}, {transform_indices = @transform_10, window_bounds = array<i64: 512, 128>}]} {
    %get3A = arith.constant 0 : index
    %get3A_0 = arith.constant 0 : index
    %get3A_1 = arith.constant 0 : index
    %get3A_2 = vector.load %arg1[%get3A, %get3A_0, %get3A_1] : memref<2x512x128xf32, #tpu.memory_space<vmem>>, vector<1x512x128xf32>
    %get3A_3 = vector.shape_cast %get3A_2 : vector<1x512x128xf32> to vector<512x128xf32>
    %get3A_4 = arith.constant 1 : index
    %get3A_5 = arith.constant 0 : index
    %get3A_6 = arith.constant 0 : index
    %get3A_7 = vector.load %arg1[%get3A_4, %get3A_5, %get3A_6] : memref<2x512x128xf32, #tpu.memory_space<vmem>>, vector<1x512x128xf32>
    %get3A_8 = vector.shape_cast %get3A_7 : vector<1x512x128xf32> to vector<512x128xf32>
    %add3A = arith.addf %get3A_3, %get3A_8 : vector<512x128xf32>
    %get3A_9 = arith.constant 0 : index
    %get3A_10 = arith.constant 0 : index
    %get3A_11 = arith.constant 0 : index
    %get3A_12 = vector.load %arg2[%get3A_9, %get3A_10, %get3A_11] : memref<2x512x16xf32, #tpu.memory_space<vmem>>, vector<1x512x16xf32>
    %get3A_13 = vector.shape_cast %get3A_12 : vector<1x512x16xf32> to vector<512x16xf32>
    %get3A_14 = arith.constant 1 : index
    %get3A_15 = arith.constant 0 : index
    %get3A_16 = arith.constant 0 : index
    %get3A_17 = vector.load %arg2[%get3A_14, %get3A_15, %get3A_16] : memref<2x512x16xf32, #tpu.memory_space<vmem>>, vector<1x512x16xf32>
    %get3A_18 = vector.shape_cast %get3A_17 : vector<1x512x16xf32> to vector<512x16xf32>
    %add3A_19 = arith.addf %get3A_13, %get3A_18 : vector<512x16xf32>
    %get3A_20 = arith.constant 0 : index
    %get3A_21 = arith.constant 0 : index
    %get3A_22 = vector.load %arg3[%get3A_20, %get3A_21] : memref<32x512xf32, #tpu.memory_space<vmem>>, vector<32x512xf32>
    %reduce_sum3A = arith.constant dense<0.000000e+00> : vector<512xf32>
    %reduce_sum3A_23 = vector.multi_reduction <add>, %get3A_22, %reduce_sum3A [0] : vector<32x512xf32> to vector<512xf32>
    %broadcast_in_dim3A = vector.shape_cast %reduce_sum3A_23 : vector<512xf32> to vector<1x512xf32>
    %transpose3A = tpu.transpose %broadcast_in_dim3A, [1, 0] : vector<1x512xf32> -> vector<512x1xf32>
    %get3A_24 = arith.constant 0 : index
    %get3A_25 = arith.constant 0 : index
    %get3A_26 = vector.load %arg4[%get3A_24, %get3A_25] : memref<512x128xf32, #tpu.memory_space<vmem>>, vector<512x128xf32>
    %get3A_27 = arith.constant 0 : index
    %get3A_28 = arith.constant 0 : index
    %get3A_29 = vector.load %arg5[%get3A_27, %get3A_28] : memref<512x16xf32, #tpu.memory_space<vmem>>, vector<512x16xf32>
    %get3A_30 = arith.constant 0 : index
    %get3A_31 = arith.constant 0 : index
    %get3A_32 = vector.load %arg6[%get3A_30, %get3A_31] : memref<512x32xf32, #tpu.memory_space<vmem>>, vector<512x16xf32>
    %get3A_33 = arith.constant 0 : index
    %get3A_34 = arith.constant 16 : index
    %get3A_35 = vector.load %arg6[%get3A_33, %get3A_34] : memref<512x32xf32, #tpu.memory_space<vmem>>, vector<512x1xf32>
    %add3A_36 = arith.addf %add3A, %get3A_26 : vector<512x128xf32>
    %mul3A = vector.broadcast %get3A_35 : vector<512x1xf32> to vector<512x128xf32>
    %mul3A_37 = arith.mulf %mul3A, %add3A_36 : vector<512x128xf32>
    %mul3A_38 = arith.mulf %get3A_29, %get3A_32 : vector<512x16xf32>
    %add3A_39 = arith.addf %add3A_19, %mul3A_38 : vector<512x16xf32>
    %mul3A_40 = arith.mulf %get3A_29, %add3A_39 : vector<512x16xf32>
    %add3A_41 = arith.addf %transpose3A, %get3A_35 : vector<512x1xf32>
    %mul3A_42 = arith.mulf %get3A_35, %add3A_41 : vector<512x1xf32>
    %get3A_43 = arith.constant 0 : index
    %get3A_44 = arith.constant 0 : index
    %get3A_45 = vector.load %arg7[%get3A_43, %get3A_44] : memref<128x16xf32, #tpu.memory_space<vmem>>, vector<128x16xf32>
    %dot_general3A = arith.constant dense<0.000000e+00> : vector<512x128xf32>
    %dot_general3A_46 = tpu.matmul %mul3A_40, %get3A_45, %dot_general3A {dimension_numbers = #tpu.dot_dimension_numbers<[1], [1], [0], [0], [0, 0, 1, 0], [], []>, transpose_lhs_hint = false} : vector<512x16xf32>, vector<128x16xf32>, vector<512x128xf32> -> vector<512x128xf32>
    %add3A_47 = arith.addf %mul3A_37, %dot_general3A_46 : vector<512x128xf32>
    %get3A_48 = arith.constant 0 : index
    %get3A_49 = arith.constant 0 : index
    %get3A_50 = vector.load %arg8[%get3A_48, %get3A_49] : memref<1x128xf32, #tpu.memory_space<vmem>>, vector<1x128xf32>
    %mul3A_51 = vector.broadcast %mul3A_42 : vector<512x1xf32> to vector<512x128xf32>
    %mul3A_52 = vector.broadcast %get3A_50 : vector<1x128xf32> to vector<512x128xf32>
    %mul3A_53 = arith.mulf %mul3A_51, %mul3A_52 : vector<512x128xf32>
    %add3A_54 = arith.addf %add3A_47, %mul3A_53 : vector<512x128xf32>
    %get3A_55 = arith.constant 0 : index
    %get3A_56 = arith.constant 0 : index
    %get3A_57 = vector.load %arg9[%get3A_55, %get3A_56] : memref<128x128xf32, #tpu.memory_space<vmem>>, vector<128x128xf32>
    %dot_general3A_58 = arith.constant dense<0.000000e+00> : vector<512x128xf32>
    %dot_general3A_59 = tpu.matmul %add3A_54, %get3A_57, %dot_general3A_58 {dimension_numbers = #tpu.dot_dimension_numbers<[1], [1], [0], [0], [0, 0, 1, 0], [], []>, transpose_lhs_hint = false} : vector<512x128xf32>, vector<128x128xf32>, vector<512x128xf32> -> vector<512x128xf32>
    %get3A_60 = arith.constant 0 : index
    %get3A_61 = arith.constant 0 : index
    %get3A_62 = vector.load %arg10[%get3A_60, %get3A_61] : memref<1x128xf32, #tpu.memory_space<vmem>>, vector<1x128xf32>
    %add3A_63 = vector.broadcast %get3A_62 : vector<1x128xf32> to vector<512x128xf32>
    %add3A_64 = arith.addf %dot_general3A_59, %add3A_63 : vector<512x128xf32>
    %swap3A = arith.constant 0 : index
    %swap3A_65 = arith.constant 0 : index
    %swap3A_66 = vector.load %arg11[%swap3A, %swap3A_65] : memref<512x128xf32, #tpu.memory_space<vmem>>, vector<512x128xf32>
    tpu.vector_store %arg11[%swap3A, %swap3A_65], %add3A_64 {strides = array<i32>} : memref<512x128xf32, #tpu.memory_space<vmem>>, vector<512x128xf32>,
    return
  }
  func.func @transform_0(%arg0: i32) -> (i32, i32, i32) {
    %c0_i32 = arith.constant 0 : i32
    %c0_i32_0 = arith.constant 0 : i32
    %c0_i32_1 = arith.constant 0 : i32
    return %c0_i32, %arg0, %c0_i32_0 : i32, i32, i32
  }
  func.func @transform_1(%arg0: i32) -> (i32, i32, i32) {
    %c0_i32 = arith.constant 0 : i32
    %c0_i32_0 = arith.constant 0 : i32
    %c0_i32_1 = arith.constant 0 : i32
    return %c0_i32, %arg0, %c0_i32_0 : i32, i32, i32
  }
  func.func @transform_2(%arg0: i32) -> (i32, i32) {
    %c0_i32 = arith.constant 0 : i32
    %c0_i32_0 = arith.constant 0 : i32
    return %c0_i32, %arg0 : i32, i32
  }
  func.func @transform_3(%arg0: i32) -> (i32, i32) {
    %c0_i32 = arith.constant 0 : i32
    %c0_i32_0 = arith.constant 0 : i32
    return %arg0, %c0_i32 : i32, i32
  }
  func.func @transform_4(%arg0: i32) -> (i32, i32) {
    %c0_i32 = arith.constant 0 : i32
    %c0_i32_0 = arith.constant 0 : i32
    return %arg0, %c0_i32 : i32, i32
  }
  func.func @transform_5(%arg0: i32) -> (i32, i32) {
    %c0_i32 = arith.constant 0 : i32
    %c0_i32_0 = arith.constant 0 : i32
    return %arg0, %c0_i32 : i32, i32
  }
  func.func @transform_6(%arg0: i32) -> (i32, i32) {
    %c0_i32 = arith.constant 0 : i32
    %c0_i32_0 = arith.constant 0 : i32
    %c0_i32_1 = arith.constant 0 : i32
    return %c0_i32, %c0_i32_0 : i32, i32
  }
  func.func @transform_7(%arg0: i32) -> (i32, i32) {
    %c0_i32 = arith.constant 0 : i32
    %c0_i32_0 = arith.constant 0 : i32
    %c0_i32_1 = arith.constant 0 : i32
    return %c0_i32, %c0_i32_0 : i32, i32
  }
  func.func @transform_8(%arg0: i32) -> (i32, i32) {
    %c0_i32 = arith.constant 0 : i32
    %c0_i32_0 = arith.constant 0 : i32
    %c0_i32_1 = arith.constant 0 : i32
    return %c0_i32, %c0_i32_0 : i32, i32
  }
  func.func @transform_9(%arg0: i32) -> (i32, i32) {
    %c0_i32 = arith.constant 0 : i32
    %c0_i32_0 = arith.constant 0 : i32
    %c0_i32_1 = arith.constant 0 : i32
    return %c0_i32, %c0_i32_0 : i32, i32
  }
  func.func @transform_10(%arg0: i32) -> (i32, i32) {
    %c0_i32 = arith.constant 0 : i32
    %c0_i32_0 = arith.constant 0 : i32
    return %arg0, %c0_i32 : i32, i32
  }
}

</mosaic_0001>

<sc_bundles>
// kernel: kernel.10.cloned.1.call-start
scs
__scs_entry_jumppad:
0x0: {  	(pc) =	sbr.rel $0x88, $3  }
0x1: {  	(tag) =	ssettag $0x0;
	lr =	simm.s32 $0x1  }
0x2: {  	[smem:$0x3F9A] =	sst lr;
	_ =	strace $0xD0000000  }
0x3: {  	_ = 	snop  }
0x4: {  	_ = 	snop  }
0x5: {  	_ = 	snop  }
0x6: {  	_ = 	snop  }
0x7: {  	_ = 	snop  }
__scs_overlays_trampoline_lowered:
0x8: {  	[smem:$0x3FA9] =	sst s0  }
0x9: {  	[smem:$0x3FAA] =	sst s1  }
0xa: {  	[smem:$0x3FAB] =	sst s2  }
0xb: {  	[smem:$0x3FAC] =	sst s3  }
0xc: {  	[smem:$0x3FAD] =	sst s4  }
0xd: {  	[smem:$0x3FAE] =	sst s5  }
0xe: {  	[smem:$0x3FAF] =	sst s6  }
0xf: {  	[smem:$0x3FB0] =	sst s7  }
0x10: {  	[smem:$0x3FB1] =	sst s8  }
0x11: {  	[smem:$0x3FB2] =	sst s9;
	s0 =	simm.s32 @!p0 $0x0  }
0x12: {  	s1 =	sld [smem:$0x3F98];
	s0 =	simm.s32 @p0 $0x1  }
0x13: {  	[smem:$0x3FB3] =	sst s0;
	s0 =	simm.s32 @!p1 $0x0  }
0x14: {  	s2 =	sld [smem:$0x3F97];
	s0 =	simm.s32 @p1 $0x1  }
0x15: {  	[smem:$0x3FB4] =	sst s0;
	s0 =	simm.s32 @!p2 $0x0  }
0x16: {  	s3 =	sld [smem:$0x3FDB];
	s0 =	simm.s32 @p2 $0x1  }
0x17: {  	s4 =	simm.s32 $0x1BF5;
	[smem:$0x3FB6] =	sst s0  }
0x18: {  	s0 =	sld [smem:$0x3F99];
	_ =	swait.ge [sflag:s4], $0x0  }
0x19: {  	s7 =	sld [smem:$0x3F9A]  }
0x1a: {  	s8 =	sadd.s32 $0xFFFFE003, lr  }
0x1b: {  	s9 =	sadd.s32 $0xFFFFFEF7, lr;
	s5 =	simm.s32 $0xFFFFFFFF;
	p2 =	slt.u32 s8, $0xFFFFF086  }
0x1c: {  	p1 =	slt.u32 s9, $0xF7A;
	s5 =	simm.s32 @!p2 $0x0  }
0x1d: {  	s5 =	simm.s32 @p1 $0x1;
	p0 =	seq.s32 s7, s2  }
0x1e: {  	s7 =	smul.u32 @!p0 $0xF7A, s2;
	p2 =	seq.s32 @!p0 s5, $0x0  }
0x1f: {  	s9 =	smul.u32 $0xF7A, s1;
	s8 =	simm.s32 @!p0 $0x1BF5;
	p2 =	por !p2, p0  }
0x20: {  	[sflag:s8] =	ssyncset.s32 @!p0 $0xFFFFF086;
	s6 =	sadd.s32 @!p0 s3, s7;
	s7 =	simm.s32 @!p0 $0x108  }
0x21: {  	s3 =	sadd.s32 s3, s9;
	s6 =	sadd.s32 @!p0 $0x88, s6;
	s7 =	simm.s32 @p2 $0x1082  }
0x22: {  	[simem:s7], [sflag:s8] =	dma.local @!p0 [hbm:s6], $0xF7A  }
0x23: {  	s9 =	sor.u32 $0xD0000000, s2;
	s6 =	simm.s32 $0x108;
	_ =	swait.ge @!p0 [sflag:s8], $0x0  }
0x24: {  	s3 =	sadd.s32 $0x88, s3;
	s6 =	simm.s32 @!p1 $0x1082;
	[sflag:s4] =	ssyncset.s32 $0xFFFFF086  }
0x25: {  	[simem:s6], [sflag:s4] =	dma.local [hbm:s3], $0xF7A  }
0x26: {  	[smem:$0x3F9A] =	sst s1;
	(tag) =	ssettag s2;
	_ =	strace s9  }
0x27: {  	s1 =	sld [smem:$0x3FAA]  }
0x28: {  	s2 =	sld [smem:$0x3FAB]  }
0x29: {  	s4 =	sld [smem:$0x3FAD]  }
0x2a: {  	p0 =	seq.s32 s5, $0x0;
	s5 =	sld [smem:$0x3FAE]  }
0x2b: {  	s6 =	sld [smem:$0x3FAF]  }
0x2c: {  	s7 =	sld [smem:$0x3FB0]  }
0x2d: {  	s3 =	simm.s32 $0x108;
	s8 =	sld [smem:$0x3FB1]  }
0x2e: {  	s3 =	simm.s32 @!p0 $0x1082;
	s9 =	sld [smem:$0x3FB2]  }
0x2f: {  	lr =	sadd.s32 s0, s3;
	s0 =	sld [smem:$0x3FA9]  }
0x30: {  	s3 =	sld [smem:$0x3FAC]  }
0x31: {  	[smem:$0x3FB5] =	sst s10  }
0x32: {  	s10 =	sld [smem:$0x3FB3];
	_ =	sdelay $0x3  }
0x33: {  	p0 =	seq.s32 s10, $0x1;
	s10 =	sld [smem:$0x3FB5];
	_ =	sdelay $0x3  }
0x34: {  	[smem:$0x3FB5] =	sst s10  }
0x35: {  	s10 =	sld [smem:$0x3FB4];
	_ =	sdelay $0x3  }
0x36: {  	p1 =	seq.s32 s10, $0x1;
	s10 =	sld [smem:$0x3FB5];
	_ =	sdelay $0x3  }
0x37: {  	[smem:$0x3FB5] =	sst s10  }
0x38: {  	s10 =	sld [smem:$0x3FB6]  }
0x39: {  	_ = 	snop;
	(pc) =	sbr.ind lr, $3  }
0x3a: {  	_ = 	snop  }
0x3b: {  	_ = 	snop  }
0x3c: {  	p2 =	seq.s32 s10, $0x1;
	s10 =	sld [smem:$0x3FB5]  }
0x3d: {  	_ =	shalt  }
0x3e: {  	_ =	shalt  }
0x3f: {  	_ =	shalt  }
0x40: {  	_ =	shalt  }
0x41: {  	_ =	shalt  }
0x42: {  	_ =	shalt  }
0x43: {  	_ =	shalt  }
0x44: {  	_ =	shalt  }
0x45: {  	_ =	shalt  }
0x46: {  	_ =	shalt  }
0x47: {  	_ =	shalt  }
0x48: {  	_ =	shalt  }
0x49: {  	_ =	shalt  }
0x4a: {  	_ =	shalt  }
0x4b: {  	_ =	shalt  }
0x4c: {  	_ =	shalt  }
0x4d: {  	_ =	shalt  }
0x4e: {  	_ =	shalt  }
0x4f: {  	_ =	shalt  }
0x50: {  	_ =	shalt  }
0x51: {  	_ =	shalt  }
0x52: {  	_ =	shalt  }
0x53: {  	_ =	shalt  }
0x54: {  	_ =	shalt  }
0x55: {  	_ =	shalt  }
0x56: {  	_ =	shalt  }
0x57: {  	_ =	shalt  }
0x58: {  	_ =	shalt  }
0x59: {  	_ =	shalt  }
0x5a: {  	_ =	shalt  }
0x5b: {  	_ =	shalt  }
0x5c: {  	_ =	shalt  }
0x5d: {  	_ =	shalt  }
0x5e: {  	_ =	shalt  }
0x5f: {  	_ =	shalt  }
0x60: {  	_ =	shalt  }
0x61: {  	_ =	shalt  }
0x62: {  	_ =	shalt  }
0x63: {  	_ =	shalt  }
0x64: {  	_ =	shalt  }
0x65: {  	_ =	shalt  }
0x66: {  	_ =	shalt  }
0x67: {  	_ =	shalt  }
0x68: {  	_ =	shalt  }
0x69: {  	_ =	shalt  }
0x6a: {  	_ =	shalt  }
0x6b: {  	_ =	shalt  }
0x6c: {  	_ =	shalt  }
0x6d: {  	_ =	shalt  }
0x6e: {  	_ =	shalt  }
0x6f: {  	_ =	shalt  }
0x70: {  	_ =	shalt  }
0x71: {  	_ =	shalt  }
0x72: {  	_ =	shalt  }
0x73: {  	_ =	shalt  }
0x74: {  	_ =	shalt  }
0x75: {  	_ =	shalt  }
0x76: {  	_ =	shalt  }
0x77: {  	_ =	shalt  }
0x78: {  	_ =	shalt  }
0x79: {  	_ =	shalt  }
0x7a: {  	_ =	shalt  }
0x7b: {  	_ =	shalt  }
0x7c: {  	_ =	shalt  }
0x7d: {  	_ =	shalt  }
0x7e: {  	_ =	shalt  }
0x7f: {  	_ =	shalt  }
0x80: {  	_ =	shalt  }
0x81: {  	_ =	shalt  }
0x82: {  	_ =	shalt  }
0x83: {  	_ =	shalt  }
0x84: {  	_ =	shalt  }
0x85: {  	_ =	shalt  }
0x86: {  	_ =	shalt  }
0x87: {  	_ =	shalt  }
.Lfunc_end0:
.L_simem_size_0:
called_computation.1_lowered:
.L_overlay_start_0:
0x88: {  	s2 =	sld [smem:$0x3FD9]  }
0x89: {  	s3 =	sld [smem:$0x3FFE];
	_ =	sdelay $0x1  }
0x8a: {  	s1 =	srdreg.scid  }
0x8b: {  	s0 =	sand.u32 $0x1, s1  }
0x8c: {  	s17 =	sshll.u32 s0, $0xA;
	s2 =	sadd.s32 s3, s2  }
0x8d: {  	s2 =	sadd.s32 s2, s17  }
0x8e: {  	[smem:$0x3FC1] =	sst s2  }
0x8f: {  	_ = 	snop  }
0x90: {  	s18 =	sld [smem:$0x3FD0];
	(tm) =	ssettm $0x1  }
0x91: {  	s19 =	sld [smem:$0x3FFB];
	_ =	sdelay $0x3  }
0x92: {  	_ =	strace s19  }
0x93: {  	s2 =	sld [smem:$0x3FFC];
	_ =	sdelay $0x3  }
0x94: {  	_ =	strace s2  }
0x95: {  	s2 =	sld [smem:$0x3FFD];
	_ =	sdelay $0x3  }
0x96: {  	_ =	strace s2  }
0x97: {  	_ =	strace $0x8FFFFFFF  }
0x98: {  	s20 =	sld [smem:$0x3FDB];
	_ =	sdelay $0x1  }
0x99: {  	s4 =	simm.s32 $_scs_section_size  }
0x9a: {  	s5 =	simm.s32 $_size__tile_overlayer_lowered;
	s6 =	simm.s32 $_tile_overlayer_lowered  }
0x9b: {  	s7 =	simm.s32 $0x1BFF;
	s21 =	sshll.u32 s6, $0x1;
	s4 =	sadd.s32 s4, s20  }
0x9c: {  	s22 =	simm.s32 $0x0;
	s5 =	sshll.u32 s5, $0x1;
	s6 =	sadd.s32 s21, s4  }
0x9d: {  	[timem:s22], [sflag:s7] =	dma.local [hbm:s6], s5  }
0x9e: {  	_ =	swait.ge [sflag:s7], s5  }
0x9f: {  	s5 =	ssub.s32 $0x0, s5;
	[sflag:s7] =	ssyncset.done $0x0  }
0xa0: {  	[sflag:s7] =	ssyncadd.s32 s5;
	_ =	sdelay $0x1  }
0xa1: {  	s23 =	simm.s32 $0x1B8B  }
0xa2: {  	_ =	swait.ge [sflag:s23], $0x1  }
0xa3: {  	[sflag:s23] =	ssyncset.done $0x0  }
0xa4: {  	[sflag:s23] =	ssyncadd.s32 $0xFFFFFFFF  }
0xa5: {  	s5 =	sld [smem:$0x0]  }
0xa6: {  	s6 =	sand.u32 $0xFFFFFFFE, s1  }
0xa7: {  	p0 =	sne.s32 s1, s6  }
0xa8: {  	s6 =	sshll.u32 @p0 s6, $0xE  }
0xa9: {  	s6 =	sadd.s32 @p0 $0x11B8D, s6;
	s7 =	sshll.u32 @p0 s5, $0x11  }
0xaa: {  	s6 =	sor.u32 @p0 s7, s6  }
0xab: {  	[sflag:s6] =	ssyncadd.remote.s32 @p0 $0x1;
	_ =	sdelay $0x1  }
0xac: {  	s6 =	simm.s32 @p0 $0x1B8D  }
0xad: {  	_ =	swait.eq @p0 [sflag:s6], $0x1  }
0xae: {  	[sflag:s6] =	ssyncadd.s32 @p0 $0xFFFFFFFF  }
0xaf: {  	s7 =	sshll.u32 @!p0 s1, $0xE  }
0xb0: {  	s7 =	sor.u32 @!p0 $0x4000, s7;
	s6 =	simm.s32 @!p0 $0x1B8D  }
0xb1: {  	s5 =	sshll.u32 @!p0 s5, $0x11;
	s7 =	sadd.s32 @!p0 $0x11B8D, s7;
	_ =	swait.eq @!p0 [sflag:s6], $0x1  }
0xb2: {  	s5 =	sor.u32 @!p0 s5, s7;
	[sflag:s6] =	ssyncadd.s32 @!p0 $0xFFFFFFFF  }
0xb3: {  	s25 =	simm.s32 $0x1B8E;
	s24 =	sld [smem:$0x3FFE];
	[sflag:s5] =	ssyncadd.remote.s32 @!p0 $0x1  }
0xb4: {  	s26 =	simm.s32 $execute0_lowered;
	[smem:$0x3FD2] =	sst s25  }
0xb5: {  	s6 =	sshll.u32 s26, $0x1;
	_ =	strace $0x8000004C;
	[dreg:$0x1] =	wrdreg $0xFFFFFFFF  }
0xb6: {  	s28 =	simm.s32 $_size_execute0_lowered;
	s4 =	sadd.s32 s4, s6;
	[dreg:$0x0] =	wrdreg $0x0  }
0xb7: {  	s6 =	sshll.u32 s28, $0x1;
	[dreg:$0x2] =	wrdreg s4  }
0xb8: {  	[dreg:$0x3] =	wrdreg s6  }
0xb9: {  	[dreg:$0x4] =	wrdreg $0xC0  }
0xba: {  	_ =	task [dreg:s22], $0x5FFFF  }
0xbb: {  	[dreg:$0x1] =	wrdreg $0xFFFFFFFF  }
0xbc: {  	[dreg:$0x0] =	wrdreg $0x60  }
0xbd: {  	[dreg:$0x2] =	wrdreg s24  }
0xbe: {  	[dreg:$0x3] =	wrdreg s18  }
0xbf: {  	[dreg:$0x4] =	wrdreg $0x94000  }
0xc0: {  	[dreg:$0x5] =	wrdreg $0x9  }
0xc1: {  	_ =	task.clear_ibuf [dreg:s22], $0x6FFFF;
	_ =	strace $0x9000004C  }
0xc2: {  	s29 =	simm.s32 $0x9;
	_ =	strace $0x8000004E  }
0xc3: {  	_ =	swait.ge [sflag:s29], $0x1  }
0xc4: {  	[sflag:s29] =	ssyncadd.s32 $0xFFFFFFFF  }
0xc5: {  	_ =	strace $0x9000004E  }
0xc6: {  	_ =	sfence  }
0xc7: {  	s30 =	sld [smem:$0x0];
	_ =	sdelay $0x2  }
0xc8: {  	s31 =	sshll.u32 s1, $0xD;
	s1 =	sshrl.u32 s1, $0x2  }
0xc9: {  	s4 =	sand.u32 $0x4000, s31;
	s1 =	sadd.s32 s1, s30  }
0xca: {  	s0 =	sor.u32 s4, s0;
	s1 =	sshll.u32 s1, $0x11  }
0xcb: {  	s0 =	sor.u32 s1, s0  }
0xcc: {  	s0 =	sadd.s32 $0x8F2B, s0  }
0xcd: {  	[sflag:s0] =	ssyncadd.remote.s32 $0x1  }
0xce: {  	_ =	sfence.sel $0xFFFF  }
0xcf: {  	[dreg:$0x0] =	wrdreg $0xFFFFFFFF;
	(pc) =	sbr.abs _section_cstart, $3  }
0xd0: {  	[dreg:$0x1] =	wrdreg $0xFFFFFFFF  }
0xd1: {  	_ =	task.clear_ibuf [dreg:s22], $0x2FFFF;
	_ =	strace $0x9FFFFFFF  }
0xd2: {  	(tm) =	ssettm $0x7FFFFFFF  }
0xd3: {  	_ =	shalt  }
tec
execute0_lowered:
.L_overlay_start_1:
0x0: {  	(tag) =	ssettag $0x1  }
0x1: {  	s0 =	rddreg [dreg:$0x0]  }
0x2: {  	s2 =	rddreg [dreg:$0x1]  }
0x3: {  	s1 =	srdreg.scid;
	s11 =	stileid.u32  }
0x4: {  	s3 =	rddreg [dreg:$0x2];
	s4 =	simm.s32 $0x0;
	s7 =	smul.u32 $0x14000, s11  }
0x5: {  	s1 =	sand.u32 $0x1, s1;
	[smem:$0x7FF] =	sst s4;
	s6 =	smul.u32 $0x50000, s11  }
0x6: {  	s9 =	sadd.s32 $0x2A00, s0;
	s26 =	sshll.u32 s11, $0x4;
	s5 =	smul.u32 $0x140000, s1  }
0x7: {  	_ =	strace $0x8000004D;
	s8 =	ssub.s32 $0x2, s1;
	s13 =	sshll.u32 s1, $0x4  }
0x8: {  	s1 =	sshll.u32 s1, $0x8;
	s10 =	sshrl.u32 s8, $0x1;
	s6 =	sshrl.u32 s6, $0x2  }
0x9: {  	s15 =	sadd.s32 s7, s3;
	s1 =	sadd.s32 s1, s9;
	s10 =	ssub.s32 s8, s10  }
0xa: {  	s5 =	sadd.s32 s7, s5;
	s6 =	sadd.s32 s6, s3;
	s16 =	smax.u32 s10, $0x1  }
0xb: {  	s1 =	sadd.s32 s26, s1;
	s17 =	sadd.s32 $0x1000, s6;
	[dreg:$0x6] =	wrdreg s16  }
0xc: {  	s5 =	sshrl.u32 s5, $0x3;
	s18 =	sadd.s32 $0x2000, s6;
	[dreg:$0x7] =	wrdreg s17  }
0xd: {  	s19 =	sadd.s32 $0x3000, s6;
	s20 =	sadd.s32 $0x4000, s6;
	[dreg:$0x8] =	wrdreg s18  }
0xe: {  	s21 =	sadd.s32 $0x5000, s6;
	s22 =	sadd.s32 $0x6000, s6;
	[dreg:$0x9] =	wrdreg s19  }
0xf: {  	s23 =	sadd.s32 $0x7000, s6;
	s24 =	sadd.s32 $0x8000, s6;
	[dreg:$0xa] =	wrdreg s20  }
0x10: {  	s25 =	sadd.s32 $0x9000, s6;
	s12 =	sadd.s32 $0x200, s1;
	[dreg:$0xb] =	wrdreg s21  }
0x11: {  	s26 =	sadd.s32 $0xE000, s6;
	s28 =	sadd.s32 $0xF000, s6;
	[dreg:$0xc] =	wrdreg s22  }
0x12: {  	s29 =	sadd.s32 $0x10000, s6;
	s30 =	sadd.s32 $0x11000, s6;
	[dreg:$0xd] =	wrdreg s23  }
0x13: {  	s31 =	sadd.s32 $0x12000, s6;
	s10 =	simm.s32 $0x7;
	[dreg:$0xe] =	wrdreg s24  }
0x14: {  	s0 =	sadd.s32 s5, s0;
	s5 =	sor.u32 s11, s13;
	[dreg:$0xf] =	wrdreg s25  }
0x15: {  	s20 =	sadd.s32 $0xA000, s6;
	s21 =	sadd.s32 $0xB000, s6;
	s22 =	sadd.s32 $0xC000, s6  }
0x16: {  	s23 =	sadd.s32 $0xD000, s6;
	s25 =	sshrl.u32 s15, $0x3;
	s14 =	sshll.u32 s5, $0x4  }
0x17: {  	s0 =	sadd.s32 $0x2FA00, s0;
	s1 =	ssub.s32 $0xA04, s5;
	s7 =	ssub.s32 $0x9E4, s5  }
0x18: {  	s8 =	sadd.s32 s9, s14;
	[dreg:$0x5] =	wrdreg s0;
	s0 =	sadd.s32 $0x13000, s6  }
0x19: {  	v0 =	vimm.f32 $0.0e+00;
	s9 =	simm.s32 $0x8400;
	[dreg:$0x4] =	wrdreg s8;
	s8 =	ssub.s32 $0x9C4, s5  }
.LBB2_1:
0x1a: {  	s11 =	simm.s32 $0x0;
	s13 =	simm.s32 $0x200  }
.LBB2_2:
0x1b: {  	p0 =	sne.s32 s13, $0x3E00;
	[tilespmem:s11+$0x8470] =	vst v0  }
0x1c: {  	[tilespmem:s11+$0x8400] =	vst v0  }
0x1d: {  	[tilespmem:s11+$0x8410] =	vst v0  }
.Ltmp0:
0x1e: {  	[tilespmem:s11+$0x8420] =	vst v0;
	(pc) =	sbr.rel @p0 .LBB2_2-.Ltmp0, $4  }
0x1f: {  	[tilespmem:s11+$0x8430] =	vst v0  }
0x20: {  	[tilespmem:s11+$0x8440] =	vst v0  }
0x21: {  	[tilespmem:s11+$0x8450] =	vst v0  }
0x22: {  	[tilespmem:s11+$0x8460] =	vst v0;
	s11 =	sshra.s32 s13, $0x2;
	s13 =	sadd.s32 $0x200, s13  }
0x23: {  	[tilespmem:s11+$0x8470] =	vst v0  }
0x24: {  	[tilespmem:s11+$0x8400] =	vst v0  }
0x25: {  	[tilespmem:s11+$0x8410] =	vst v0  }
0x26: {  	[tilespmem:s11+$0x8420] =	vst v0  }
0x27: {  	[tilespmem:s11+$0x8430] =	vst v0  }
0x28: {  	[tilespmem:s11+$0x8440] =	vst v0  }
0x29: {  	[tilespmem:s11+$0x8450] =	vst v0  }
0x2a: {  	[tilespmem:s11+$0x8460] =	vst v0  }
0x2b: {  	[spmem:s6] =	stream.linear.scatter [tilespmem:s9], [sflag:$0x7], $0x1000, $0x38;
	[tilespmem:$0x1D400] =	vst v63  }
0x2c: {  	_ =	swait.ge [sflag:s10], $0x1000  }
0x2d: {  	[sflag:s10] =	ssyncset.done $0x0  }
0x2e: {  	s24 =	rddreg [dreg:$0x7];
	[sflag:s10] =	ssyncadd.s32 $0xFFFFF000  }
0x2f: {  	[spmem:s24] =	stream.linear.scatter [tilespmem:s9], [sflag:$0x7], $0x1000, $0x38;
	[tilespmem:$0x1D400] =	vst v63  }
0x30: {  	_ =	swait.ge [sflag:s10], $0x1000  }
0x31: {  	[sflag:s10] =	ssyncset.done $0x0  }
0x32: {  	s13 =	rddreg [dreg:$0x8];
	[sflag:s10] =	ssyncadd.s32 $0xFFFFF000  }
0x33: {  	[spmem:s13] =	stream.linear.scatter [tilespmem:s9], [sflag:$0x7], $0x1000, $0x38;
	[tilespmem:$0x1D400] =	vst v63  }
0x34: {  	_ =	swait.ge [sflag:s10], $0x1000  }
0x35: {  	[sflag:s10] =	ssyncset.done $0x0  }
0x36: {  	s14 =	rddreg [dreg:$0x9];
	[sflag:s10] =	ssyncadd.s32 $0xFFFFF000  }
0x37: {  	[spmem:s14] =	stream.linear.scatter [tilespmem:s9], [sflag:$0x7], $0x1000, $0x38;
	[tilespmem:$0x1D400] =	vst v63  }
0x38: {  	_ =	swait.ge [sflag:s10], $0x1000  }
0x39: {  	[sflag:s10] =	ssyncset.done $0x0  }
0x3a: {  	s15 =	rddreg [dreg:$0xa];
	[sflag:s10] =	ssyncadd.s32 $0xFFFFF000  }
0x3b: {  	[spmem:s15] =	stream.linear.scatter [tilespmem:s9], [sflag:$0x7], $0x1000, $0x38;
	[tilespmem:$0x1D400] =	vst v63  }
0x3c: {  	_ =	swait.ge [sflag:s10], $0x1000  }
0x3d: {  	[sflag:s10] =	ssyncset.done $0x0  }
0x3e: {  	s16 =	rddreg [dreg:$0xb];
	[sflag:s10] =	ssyncadd.s32 $0xFFFFF000  }
0x3f: {  	[spmem:s16] =	stream.linear.scatter [tilespmem:s9], [sflag:$0x7], $0x1000, $0x38;
	[tilespmem:$0x1D400] =	vst v63  }
0x40: {  	_ =	swait.ge [sflag:s10], $0x1000  }
0x41: {  	[sflag:s10] =	ssyncset.done $0x0  }
0x42: {  	s17 =	rddreg [dreg:$0xc];
	[sflag:s10] =	ssyncadd.s32 $0xFFFFF000  }
0x43: {  	[spmem:s17] =	stream.linear.scatter [tilespmem:s9], [sflag:$0x7], $0x1000, $0x38;
	[tilespmem:$0x1D400] =	vst v63  }
0x44: {  	_ =	swait.ge [sflag:s10], $0x1000  }
0x45: {  	[sflag:s10] =	ssyncset.done $0x0  }
0x46: {  	s18 =	rddreg [dreg:$0xd];
	[sflag:s10] =	ssyncadd.s32 $0xFFFFF000  }
0x47: {  	[spmem:s18] =	stream.linear.scatter [tilespmem:s9], [sflag:$0x7], $0x1000, $0x38;
	[tilespmem:$0x1D400] =	vst v63  }
0x48: {  	_ =	swait.ge [sflag:s10], $0x1000  }
0x49: {  	[sflag:s10] =	ssyncset.done $0x0  }
0x4a: {  	s19 =	rddreg [dreg:$0xe];
	[sflag:s10] =	ssyncadd.s32 $0xFFFFF000  }
0x4b: {  	[spmem:s19] =	stream.linear.scatter [tilespmem:s9], [sflag:$0x7], $0x1000, $0x38;
	[tilespmem:$0x1D400] =	vst v63  }
0x4c: {  	_ =	swait.ge [sflag:s10], $0x1000  }
0x4d: {  	[sflag:s10] =	ssyncset.done $0x0  }
0x4e: {  	s24 =	rddreg [dreg:$0xf];
	[sflag:s10] =	ssyncadd.s32 $0xFFFFF000  }
0x4f: {  	[spmem:s24] =	stream.linear.scatter [tilespmem:s9], [sflag:$0x7], $0x1000, $0x38;
	[tilespmem:$0x1D400] =	vst v63  }
0x50: {  	_ =	swait.ge [sflag:s10], $0x1000  }
0x51: {  	[sflag:s10] =	ssyncset.done $0x0  }
0x52: {  	[sflag:s10] =	ssyncadd.s32 $0xFFFFF000  }
0x53: {  	[spmem:s20] =	stream.linear.scatter [tilespmem:s9], [sflag:$0x7], $0x1000, $0x38;
	[tilespmem:$0x1D400] =	vst v63  }
0x54: {  	_ =	swait.ge [sflag:s10], $0x1000  }
0x55: {  	[sflag:s10] =	ssyncset.done $0x0  }
0x56: {  	[sflag:s10] =	ssyncadd.s32 $0xFFFFF000  }
0x57: {  	[spmem:s21] =	stream.linear.scatter [tilespmem:s9], [sflag:$0x7], $0x1000, $0x38;
	[tilespmem:$0x1D400] =	vst v63  }
0x58: {  	_ =	swait.ge [sflag:s10], $0x1000  }
0x59: {  	[sflag:s10] =	ssyncset.done $0x0  }
0x5a: {  	[sflag:s10] =	ssyncadd.s32 $0xFFFFF000  }
0x5b: {  	[spmem:s22] =	stream.linear.scatter [tilespmem:s9], [sflag:$0x7], $0x1000, $0x38;
	[tilespmem:$0x1D400] =	vst v63  }
0x5c: {  	_ =	swait.ge [sflag:s10], $0x1000  }
0x5d: {  	[sflag:s10] =	ssyncset.done $0x0  }
0x5e: {  	[sflag:s10] =	ssyncadd.s32 $0xFFFFF000  }
0x5f: {  	[spmem:s23] =	stream.linear.scatter [tilespmem:s9], [sflag:$0x7], $0x1000, $0x38;
	[tilespmem:$0x1D400] =	vst v63  }
0x60: {  	_ =	swait.ge [sflag:s10], $0x1000  }
0x61: {  	[sflag:s10] =	ssyncset.done $0x0  }
0x62: {  	[sflag:s10] =	ssyncadd.s32 $0xFFFFF000  }
0x63: {  	[spmem:s26] =	stream.linear.scatter [tilespmem:s9], [sflag:$0x7], $0x1000, $0x38;
	[tilespmem:$0x1D400] =	vst v63  }
0x64: {  	_ =	swait.ge [sflag:s10], $0x1000  }
0x65: {  	[sflag:s10] =	ssyncset.done $0x0  }
0x66: {  	[sflag:s10] =	ssyncadd.s32 $0xFFFFF000  }
0x67: {  	[spmem:s28] =	stream.linear.scatter [tilespmem:s9], [sflag:$0x7], $0x1000, $0x38;
	[tilespmem:$0x1D400] =	vst v63  }
0x68: {  	_ =	swait.ge [sflag:s10], $0x1000  }
0x69: {  	[sflag:s10] =	ssyncset.done $0x0  }
0x6a: {  	[sflag:s10] =	ssyncadd.s32 $0xFFFFF000  }
0x6b: {  	[spmem:s29] =	stream.linear.scatter [tilespmem:s9], [sflag:$0x7], $0x1000, $0x38;
	[tilespmem:$0x1D400] =	vst v63  }
0x6c: {  	_ =	swait.ge [sflag:s10], $0x1000  }
0x6d: {  	[sflag:s10] =	ssyncset.done $0x0  }
0x6e: {  	[sflag:s10] =	ssyncadd.s32 $0xFFFFF000  }
0x6f: {  	[spmem:s30] =	stream.linear.scatter [tilespmem:s9], [sflag:$0x7], $0x1000, $0x38;
	[tilespmem:$0x1D400] =	vst v63  }
0x70: {  	_ =	swait.ge [sflag:s10], $0x1000  }
0x71: {  	[sflag:s10] =	ssyncset.done $0x0  }
0x72: {  	[sflag:s10] =	ssyncadd.s32 $0xFFFFF000  }
0x73: {  	[spmem:s31] =	stream.linear.scatter [tilespmem:s9], [sflag:$0x7], $0x1000, $0x38;
	[tilespmem:$0x1D400] =	vst v63  }
0x74: {  	_ =	swait.ge [sflag:s10], $0x1000  }
0x75: {  	[sflag:s10] =	ssyncset.done $0x0  }
0x76: {  	[sflag:s10] =	ssyncadd.s32 $0xFFFFF000  }
0x77: {  	[spmem:s0] =	stream.linear.scatter [tilespmem:s9], [sflag:$0x7], $0x1000, $0x38;
	[tilespmem:$0x1D400] =	vst v63  }
0x78: {  	_ =	swait.ge [sflag:s10], $0x1000  }
0x79: {  	[sflag:s10] =	ssyncset.done $0x0  }
0x7a: {  	[sflag:s10] =	ssyncadd.s32 $0xFFFFF000  }
0x7b: {  	s11 =	simm.s32 $0x0;
	s14 =	simm.s32 $0x80;
	[bflag:$0x0] =	sbarrier.arrive $0xFFFF  }
0x7c: {  	s15 =	simm.s32 $0x4E200;
	s24 =	smov.u32 s12;
	s13 =	rddreg [dreg:$0x4]  }
0x7d: {  	[tilespmem:s11], [sflag:$0x1] =	stream.strided.gather [hbm4b:s13+s14], $0x100, s15, s14, $0x38;
	[tilespmem:$0x1D400] =	vst v63  }
.LBB2_4:
0x7e: {  	p2 =	seq.s32 s11, $0x0  }
0x7f: {  	p0 =	sge.u32 @!p2 s11, s1  }
0x80: {  	p1 =	por p0, p2  }
0x81: {  	s13 =	simm.s32 @!p1 $0x5  }
0x82: {  	_ =	swait.ge @!p1 [sflag:s13], $0x4000  }
0x83: {  	p0 =	sge.u32 s11, s8;
	[sflag:s13] =	ssyncset.done @!p1 $0x0  }
0x84: {  	[sflag:s13] =	ssyncadd.s32 @!p1 $0xFFFFC000;
	s13 =	simm.s32 @!p0 $0x1  }
0x85: {  	_ =	swait.ge @!p0 [sflag:s13], $0x100  }
0x86: {  	[sflag:s13] =	ssyncset.done @!p0 $0x0  }
0x87: {  	[sflag:s13] =	ssyncadd.s32 @!p0 $0xFFFFFF00  }
0x88: {  	v1 =	vld @!p0 [tilespmem:$0x0]  }
0x89: {  	v2 =	vld @!p0 [tilespmem:$0x80]  }
0x8a: {  	v3 =	vld @!p0 [tilespmem:$0x10]  }
0x8b: {  	v4 =	vld @!p0 [tilespmem:$0x90]  }
0x8c: {  	v5 =	vld @!p0 [tilespmem:$0x20]  }
0x8d: {  	v6 =	vld @!p0 [tilespmem:$0xA0]  }
0x8e: {  	v7 =	vld @!p0 [tilespmem:$0x30];
	vm0 =	veq.s32 @!p0 v1, v2  }
0x8f: {  	[tilespmem:$0x200] =	vst @!p0 v1;
	v1 =	vsel @!p0 vm0, $0x2710, v2;
	v2 =	vld @!p0 [tilespmem:$0xB0]  }
0x90: {  	vm0 =	veq.s32 @!p0 v3, v4;
	[tilespmem:$0x300] =	vst @!p0 v1;
	v1 =	vld @!p0 [tilespmem:$0x40]  }
0x91: {  	[tilespmem:$0x210] =	vst @!p0 v3;
	v3 =	vsel @!p0 vm0, $0x2710, v4;
	v4 =	vld @!p0 [tilespmem:$0xC0]  }
0x92: {  	vm0 =	veq.s32 @!p0 v5, v6;
	[tilespmem:$0x310] =	vst @!p0 v3;
	v3 =	vld @!p0 [tilespmem:$0x50]  }
0x93: {  	[tilespmem:$0x220] =	vst @!p0 v5;
	v5 =	vsel @!p0 vm0, $0x2710, v6;
	v6 =	vld @!p0 [tilespmem:$0xD0]  }
0x94: {  	[tilespmem:$0x320] =	vst @!p0 v5;
	v5 =	vld @!p0 [tilespmem:$0x60];
	vm0 =	veq.s32 @!p0 v7, v2  }
0x95: {  	[tilespmem:$0x230] =	vst @!p0 v7;
	v7 =	vld @!p0 [tilespmem:$0xE0];
	v2 =	vsel @!p0 vm0, $0x2710, v2  }
0x96: {  	vm0 =	veq.s32 @!p0 v1, v4;
	[tilespmem:$0x330] =	vst @!p0 v2;
	v2 =	vld @!p0 [tilespmem:$0x70]  }
0x97: {  	[tilespmem:$0x240] =	vst @!p0 v1;
	v1 =	vsel @!p0 vm0, $0x2710, v4;
	v4 =	vld @!p0 [tilespmem:$0xF0]  }
0x98: {  	[tilespmem:$0x250] =	vst @!p0 v3  }
0x99: {  	vm0 =	veq.s32 @!p0 v3, v6;
	[tilespmem:$0x340] =	vst @!p0 v1  }
0x9a: {  	v1 =	vsel @!p0 vm0, $0x2710, v6;
	[tilespmem:$0x260] =	vst @!p0 v5;
	vm0 =	veq.s32 @!p0 v5, v7  }
0x9b: {  	[tilespmem:$0x350] =	vst @!p0 v1;
	v1 =	vsel @!p0 vm0, $0x2710, v7  }
0x9c: {  	[tilespmem:$0x360] =	vst @!p0 v1;
	vm0 =	veq.s32 @!p0 v2, v4  }
0x9d: {  	[tilespmem:$0x270] =	vst @!p0 v2;
	v1 =	vsel @!p0 vm0, $0x2710, v4  }
0x9e: {  	s15 =	simm.s32 @!p0 $0x200;
	s14 =	simm.s32 @!p0 $0x400;
	s13 =	simm.s32 @!p0 $0x80;
	[tilespmem:$0x370] =	vst @!p0 v1  }
0x9f: {  	[tilespmem:s14], [sflag:$0x3] =	stream.indirect.gather @!p0 [hbm4b:s2+s13], $0x80, s15, s13, $0xb8;
	[tilespmem:$0x1D400] =	vst v63  }
0xa0: {  	s15 =	sadd.s32 s11, s5  }
0xa1: {  	p3 =	sge.u32 @!p2 s11, s7;
	s16 =	sadd.s32 $0x20, s15  }
0xa2: {  	p2 =	por p3, p2;
	p1 =	sgt.u32 s16, $0x9C3  }
0xa3: {  	s16 =	simm.s32 @!p1 $0x80;
	s17 =	simm.s32 @!p1 $0x4E200;
	s18 =	simm.s32 @!p1 $0x100  }
0xa4: {  	[tilespmem:s18], [sflag:$0x2] =	stream.strided.gather @!p1 [hbm4b:s24+s16], $0x100, s17, s16, $0x38;
	[tilespmem:$0x1D400] =	vst v63  }
0xa5: {  	s17 =	simm.s32 @!p2 $0x4  }
0xa6: {  	_ =	swait.ge @!p2 [sflag:s17], $0x4000  }
0xa7: {  	s19 =	simm.s32 @!p2 $0x4400;
	[sflag:s17] =	ssyncset.done @!p2 $0x0  }
0xa8: {  	s18 =	simm.s32 @!p2 $0x380;
	[sflag:s17] =	ssyncadd.s32 @!p2 $0xFFFFC000;
	s17 =	simm.s32 @!p2 $0x80  }
0xa9: {  	[spmem:s3] =	stream.indirect.scatter.add.f32 @!p2 [tilespmem:s19], [sflag:$0x6], $0x80, s18, s17, $0xb8;
	[tilespmem:$0x1D400] =	vst v63  }
0xaa: {  	s17 =	simm.s32 @!p2 $0x6  }
0xab: {  	_ =	swait.ge @!p2 [sflag:s17], $0x4000  }
0xac: {  	[sflag:s17] =	ssyncset.done @!p2 $0x0  }
0xad: {  	[sflag:s17] =	ssyncadd.s32 @!p2 $0xFFFFC000;
	s17 =	simm.s32 @!p1 $0x2  }
0xae: {  	_ =	swait.ge @!p1 [sflag:s17], $0x100  }
0xaf: {  	[sflag:s17] =	ssyncset.done @!p1 $0x0  }
0xb0: {  	[sflag:s17] =	ssyncadd.s32 @!p1 $0xFFFFFF00  }
0xb1: {  	v1 =	vld @!p1 [tilespmem:$0x100]  }
0xb2: {  	v2 =	vld @!p1 [tilespmem:$0x180]  }
0xb3: {  	v3 =	vld @!p1 [tilespmem:$0x110]  }
0xb4: {  	v4 =	vld @!p1 [tilespmem:$0x190]  }
0xb5: {  	v5 =	vld @!p1 [tilespmem:$0x120]  }
0xb6: {  	v6 =	vld @!p1 [tilespmem:$0x1A0]  }
0xb7: {  	v7 =	vld @!p1 [tilespmem:$0x130];
	vm0 =	veq.s32 @!p1 v1, v2  }
0xb8: {  	[tilespmem:$0x280] =	vst @!p1 v1;
	v1 =	vsel @!p1 vm0, $0x2710, v2;
	v2 =	vld @!p1 [tilespmem:$0x1B0]  }
0xb9: {  	vm0 =	veq.s32 @!p1 v3, v4;
	[tilespmem:$0x380] =	vst @!p1 v1;
	v1 =	vld @!p1 [tilespmem:$0x140]  }
0xba: {  	[tilespmem:$0x290] =	vst @!p1 v3;
	v3 =	vsel @!p1 vm0, $0x2710, v4;
	v4 =	vld @!p1 [tilespmem:$0x1C0]  }
0xbb: {  	vm0 =	veq.s32 @!p1 v5, v6;
	[tilespmem:$0x390] =	vst @!p1 v3;
	v3 =	vld @!p1 [tilespmem:$0x150]  }
0xbc: {  	[tilespmem:$0x2A0] =	vst @!p1 v5;
	v5 =	vsel @!p1 vm0, $0x2710, v6;
	v6 =	vld @!p1 [tilespmem:$0x1D0]  }
0xbd: {  	[tilespmem:$0x3A0] =	vst @!p1 v5;
	v5 =	vld @!p1 [tilespmem:$0x160];
	vm0 =	veq.s32 @!p1 v7, v2  }
0xbe: {  	[tilespmem:$0x2B0] =	vst @!p1 v7;
	v7 =	vld @!p1 [tilespmem:$0x1E0];
	v2 =	vsel @!p1 vm0, $0x2710, v2  }
0xbf: {  	vm0 =	veq.s32 @!p1 v1, v4;
	[tilespmem:$0x3B0] =	vst @!p1 v2;
	v2 =	vld @!p1 [tilespmem:$0x170]  }
0xc0: {  	[tilespmem:$0x2C0] =	vst @!p1 v1;
	v1 =	vsel @!p1 vm0, $0x2710, v4;
	v4 =	vld @!p1 [tilespmem:$0x1F0]  }
0xc1: {  	[tilespmem:$0x2D0] =	vst @!p1 v3  }
0xc2: {  	vm0 =	veq.s32 @!p1 v3, v6;
	[tilespmem:$0x3C0] =	vst @!p1 v1  }
0xc3: {  	v1 =	vsel @!p1 vm0, $0x2710, v6;
	[tilespmem:$0x2E0] =	vst @!p1 v5;
	vm0 =	veq.s32 @!p1 v5, v7  }
0xc4: {  	[tilespmem:$0x3D0] =	vst @!p1 v1;
	v1 =	vsel @!p1 vm0, $0x2710, v7  }
0xc5: {  	[tilespmem:$0x3E0] =	vst @!p1 v1;
	vm0 =	veq.s32 @!p1 v2, v4  }
0xc6: {  	[tilespmem:$0x2F0] =	vst @!p1 v2;
	v1 =	vsel @!p1 vm0, $0x2710, v4  }
0xc7: {  	s15 =	sadd.s32 $0x40, s15;
	s18 =	simm.s32 @!p1 $0x4400;
	s17 =	simm.s32 @!p1 $0x280;
	[tilespmem:$0x3F0] =	vst @!p1 v1  }
0xc8: {  	[tilespmem:s18], [sflag:$0x4] =	stream.indirect.gather @!p1 [hbm4b:s2+s16], $0x80, s17, s16, $0xb8;
	[tilespmem:$0x1D400] =	vst v63  }
0xc9: {  	p1 =	sgt.u32 s15, $0x9C3  }
0xca: {  	s15 =	sadd.s32 @!p1 $0x200, s24  }
0xcb: {  	s16 =	simm.s32 @!p1 $0x80;
	s17 =	simm.s32 @!p1 $0x4E200;
	s18 =	simm.s32 @!p1 $0x0  }
0xcc: {  	[tilespmem:s18], [sflag:$0x1] =	stream.strided.gather @!p1 [hbm4b:s15+s16], $0x100, s17, s16, $0x38;
	[tilespmem:$0x1D400] =	vst v63  }
0xcd: {  	s15 =	simm.s32 @!p0 $0x3  }
0xce: {  	_ =	swait.ge @!p0 [sflag:s15], $0x4000  }
0xcf: {  	[sflag:s15] =	ssyncset.done @!p0 $0x0  }
0xd0: {  	s11 =	sadd.s32 $0x40, s11;
	[sflag:s15] =	ssyncadd.s32 @!p0 $0xFFFFC000;
	s15 =	simm.s32 @!p0 $0x300  }
0xd1: {  	[spmem:s3] =	stream.indirect.scatter.add.f32 @!p0 [tilespmem:s14], [sflag:$0x5], $0x80, s15, s13, $0xb8;
	[tilespmem:$0x1D400] =	vst v63  }
0xd2: {  	p0 =	sne.s32 s11, $0xA40  }
.Ltmp1:
0xd3: {  	_ = 	snop;
	(pc) =	sbr.rel @p0 .LBB2_4-.Ltmp1, $2  }
0xd4: {  	_ =	sdelay $0x2  }
0xd5: {  	s24 =	sadd.s32 $0x400, s24  }
0xd6: {  	s11 =	stileid.u32  }
0xd7: {  	[bflag:$0x0] =	sbarrier.arrive $0xFFFF;
	s11 =	sshll.u32 s11, $0x6  }
0xd8: {  	s13 =	rddreg [dreg:$0x5];
	s11 =	sor.u32 $0x1C07, s11  }
0xd9: {  	[hbm:s13], [sflag:s11] =	dma.local [spmem:s25], $0x2800  }
0xda: {  	_ =	swait.ge [sflag:s10], $0x2800  }
0xdb: {  	s4 =	sadd.s32 $0x1, s4;
	s24 =	rddreg [dreg:$0x6]  }
0xdc: {  	p0 =	sne.s32 s4, s24  }
.Ltmp2:
0xdd: {  	_ = 	snop;
	(pc) =	sbr.rel @p0 .LBB2_1-.Ltmp2, $3  }
0xde: {  	_ =	sdelay $0x1  }
0xdf: {  	[sflag:s10] =	ssyncset.done $0x0  }
0xe0: {  	[sflag:s10] =	ssyncadd.s32 $0xFFFFD800  }
0xe1: {  	_ =	sfence.sel $0x180000  }
0xe2: {  	[bflag:$0x0] =	sbarrier.arrive $0xFFFF  }
0xe3: {  	_ =	strace $0x9000004D  }
0xe4: {  	s0 =	stileid.u32;
	[bflag:$0x2] =	sbarrier.arrive $0xFFFF  }
0xe5: {  	p0 =	sne.s32 s0, $0x0;
	s0 =	rddreg [dreg:$0x3]  }
0xe6: {  	s0 =	sadd.s32 @!p0 $0x100000, s0  }
0xe7: {  	[sflag:s0] =	ssyncadd.tile.s32 @!p0 $0x1;
	_ =	shalt  }
.Lfunc_end2:
_tile_overlayer_lowered:
.L_overlay_start_2:
0xe8: {  	(tag) =	ssettag $0x2  }
0xe9: {  	s0 =	rddreg [dreg:$0x0];
	s2 =	stileid.u32  }
0xea: {  	s1 =	rddreg [dreg:$0x1];
	p0 =	sne.s32 s2, $0x0  }
0xeb: {  	s3 =	rddreg [dreg:$0x2];
	[bflag:$0x3] =	sbarrier.arrive $0xFFFF;
	s2 =	simm.s32 @!p0 $0x1C07  }
0xec: {  	[timem:s3], [sflag:s2] =	dma.local @!p0 [hbm:s0], s1  }
0xed: {  	s0 =	simm.s32 @!p0 $0x7  }
0xee: {  	_ =	swait.ge @!p0 [sflag:s0], s1  }
0xef: {  	s1 =	ssub.s32 @!p0 $0x0, s1;
	[sflag:s0] =	ssyncset.done @!p0 $0x0  }
0xf0: {  	[sflag:s0] =	ssyncadd.s32 @!p0 s1  }
0xf1: {  	[bflag:$0x3] =	sbarrier.arrive $0xFFFF  }
0xf2: {  	_ =	shalt  }

// kernel: kernel.13.cloned.1.call-start
scs
__scs_entry_jumppad:
0x0: {  	(pc) =	sbr.rel $0x88, $3  }
0x1: {  	(tag) =	ssettag $0x0;
	lr =	simm.s32 $0x1  }
0x2: {  	[smem:$0x3F9A] =	sst lr;
	_ =	strace $0xD0000000  }
0x3: {  	_ = 	snop  }
0x4: {  	_ = 	snop  }
0x5: {  	_ = 	snop  }
0x6: {  	_ = 	snop  }
0x7: {  	_ = 	snop  }
__scs_overlays_trampoline_lowered:
0x8: {  	[smem:$0x3FA9] =	sst s0  }
0x9: {  	[smem:$0x3FAA] =	sst s1  }
0xa: {  	[smem:$0x3FAB] =	sst s2  }
0xb: {  	[smem:$0x3FAC] =	sst s3  }
0xc: {  	[smem:$0x3FAD] =	sst s4  }
0xd: {  	[smem:$0x3FAE] =	sst s5  }
0xe: {  	[smem:$0x3FAF] =	sst s6  }
0xf: {  	[smem:$0x3FB0] =	sst s7  }
0x10: {  	[smem:$0x3FB1] =	sst s8  }
0x11: {  	[smem:$0x3FB2] =	sst s9;
	s0 =	simm.s32 @!p0 $0x0  }
0x12: {  	s1 =	sld [smem:$0x3F98];
	s0 =	simm.s32 @p0 $0x1  }
0x13: {  	[smem:$0x3FB3] =	sst s0;
	s0 =	simm.s32 @!p1 $0x0  }
0x14: {  	s2 =	sld [smem:$0x3F97];
	s0 =	simm.s32 @p1 $0x1  }
0x15: {  	[smem:$0x3FB4] =	sst s0;
	s0 =	simm.s32 @!p2 $0x0  }
0x16: {  	s3 =	sld [smem:$0x3FDB];
	s0 =	simm.s32 @p2 $0x1  }
0x17: {  	s4 =	simm.s32 $0x1BF5;
	[smem:$0x3FB6] =	sst s0  }
0x18: {  	s0 =	sld [smem:$0x3F99];
	_ =	swait.ge [sflag:s4], $0x0  }
0x19: {  	s7 =	sld [smem:$0x3F9A]  }
0x1a: {  	s8 =	sadd.s32 $0xFFFFE003, lr  }
0x1b: {  	s9 =	sadd.s32 $0xFFFFFEF7, lr;
	s5 =	simm.s32 $0xFFFFFFFF;
	p2 =	slt.u32 s8, $0xFFFFF086  }
0x1c: {  	p1 =	slt.u32 s9, $0xF7A;
	s5 =	simm.s32 @!p2 $0x0  }
0x1d: {  	s5 =	simm.s32 @p1 $0x1;
	p0 =	seq.s32 s7, s2  }
0x1e: {  	s7 =	smul.u32 @!p0 $0xF7A, s2;
	p2 =	seq.s32 @!p0 s5, $0x0  }
0x1f: {  	s9 =	smul.u32 $0xF7A, s1;
	s8 =	simm.s32 @!p0 $0x1BF5;
	p2 =	por !p2, p0  }
0x20: {  	[sflag:s8] =	ssyncset.s32 @!p0 $0xFFFFF086;
	s6 =	sadd.s32 @!p0 s3, s7;
	s7 =	simm.s32 @!p0 $0x108  }
0x21: {  	s3 =	sadd.s32 s3, s9;
	s6 =	sadd.s32 @!p0 $0x88, s6;
	s7 =	simm.s32 @p2 $0x1082  }
0x22: {  	[simem:s7], [sflag:s8] =	dma.local @!p0 [hbm:s6], $0xF7A  }
0x23: {  	s9 =	sor.u32 $0xD0000000, s2;
	s6 =	simm.s32 $0x108;
	_ =	swait.ge @!p0 [sflag:s8], $0x0  }
0x24: {  	s3 =	sadd.s32 $0x88, s3;
	s6 =	simm.s32 @!p1 $0x1082;
	[sflag:s4] =	ssyncset.s32 $0xFFFFF086  }
0x25: {  	[simem:s6], [sflag:s4] =	dma.local [hbm:s3], $0xF7A  }
0x26: {  	[smem:$0x3F9A] =	sst s1;
	(tag) =	ssettag s2;
	_ =	strace s9  }
0x27: {  	s1 =	sld [smem:$0x3FAA]  }
0x28: {  	s2 =	sld [smem:$0x3FAB]  }
0x29: {  	s4 =	sld [smem:$0x3FAD]  }
0x2a: {  	p0 =	seq.s32 s5, $0x0;
	s5 =	sld [smem:$0x3FAE]  }
0x2b: {  	s6 =	sld [smem:$0x3FAF]  }
0x2c: {  	s7 =	sld [smem:$0x3FB0]  }
0x2d: {  	s3 =	simm.s32 $0x108;
	s8 =	sld [smem:$0x3FB1]  }
0x2e: {  	s3 =	simm.s32 @!p0 $0x1082;
	s9 =	sld [smem:$0x3FB2]  }
0x2f: {  	lr =	sadd.s32 s0, s3;
	s0 =	sld [smem:$0x3FA9]  }
0x30: {  	s3 =	sld [smem:$0x3FAC]  }
0x31: {  	[smem:$0x3FB5] =	sst s10  }
0x32: {  	s10 =	sld [smem:$0x3FB3];
	_ =	sdelay $0x3  }
0x33: {  	p0 =	seq.s32 s10, $0x1;
	s10 =	sld [smem:$0x3FB5];
	_ =	sdelay $0x3  }
0x34: {  	[smem:$0x3FB5] =	sst s10  }
0x35: {  	s10 =	sld [smem:$0x3FB4];
	_ =	sdelay $0x3  }
0x36: {  	p1 =	seq.s32 s10, $0x1;
	s10 =	sld [smem:$0x3FB5];
	_ =	sdelay $0x3  }
0x37: {  	[smem:$0x3FB5] =	sst s10  }
0x38: {  	s10 =	sld [smem:$0x3FB6]  }
0x39: {  	_ = 	snop;
	(pc) =	sbr.ind lr, $3  }
0x3a: {  	_ = 	snop  }
0x3b: {  	_ = 	snop  }
0x3c: {  	p2 =	seq.s32 s10, $0x1;
	s10 =	sld [smem:$0x3FB5]  }
0x3d: {  	_ =	shalt  }
0x3e: {  	_ =	shalt  }
0x3f: {  	_ =	shalt  }
0x40: {  	_ =	shalt  }
0x41: {  	_ =	shalt  }
0x42: {  	_ =	shalt  }
0x43: {  	_ =	shalt  }
0x44: {  	_ =	shalt  }
0x45: {  	_ =	shalt  }
0x46: {  	_ =	shalt  }
0x47: {  	_ =	shalt  }
0x48: {  	_ =	shalt  }
0x49: {  	_ =	shalt  }
0x4a: {  	_ =	shalt  }
0x4b: {  	_ =	shalt  }
0x4c: {  	_ =	shalt  }
0x4d: {  	_ =	shalt  }
0x4e: {  	_ =	shalt  }
0x4f: {  	_ =	shalt  }
0x50: {  	_ =	shalt  }
0x51: {  	_ =	shalt  }
0x52: {  	_ =	shalt  }
0x53: {  	_ =	shalt  }
0x54: {  	_ =	shalt  }
0x55: {  	_ =	shalt  }
0x56: {  	_ =	shalt  }
0x57: {  	_ =	shalt  }
0x58: {  	_ =	shalt  }
0x59: {  	_ =	shalt  }
0x5a: {  	_ =	shalt  }
0x5b: {  	_ =	shalt  }
0x5c: {  	_ =	shalt  }
0x5d: {  	_ =	shalt  }
0x5e: {  	_ =	shalt  }
0x5f: {  	_ =	shalt  }
0x60: {  	_ =	shalt  }
0x61: {  	_ =	shalt  }
0x62: {  	_ =	shalt  }
0x63: {  	_ =	shalt  }
0x64: {  	_ =	shalt  }
0x65: {  	_ =	shalt  }
0x66: {  	_ =	shalt  }
0x67: {  	_ =	shalt  }
0x68: {  	_ =	shalt  }
0x69: {  	_ =	shalt  }
0x6a: {  	_ =	shalt  }
0x6b: {  	_ =	shalt  }
0x6c: {  	_ =	shalt  }
0x6d: {  	_ =	shalt  }
0x6e: {  	_ =	shalt  }
0x6f: {  	_ =	shalt  }
0x70: {  	_ =	shalt  }
0x71: {  	_ =	shalt  }
0x72: {  	_ =	shalt  }
0x73: {  	_ =	shalt  }
0x74: {  	_ =	shalt  }
0x75: {  	_ =	shalt  }
0x76: {  	_ =	shalt  }
0x77: {  	_ =	shalt  }
0x78: {  	_ =	shalt  }
0x79: {  	_ =	shalt  }
0x7a: {  	_ =	shalt  }
0x7b: {  	_ =	shalt  }
0x7c: {  	_ =	shalt  }
0x7d: {  	_ =	shalt  }
0x7e: {  	_ =	shalt  }
0x7f: {  	_ =	shalt  }
0x80: {  	_ =	shalt  }
0x81: {  	_ =	shalt  }
0x82: {  	_ =	shalt  }
0x83: {  	_ =	shalt  }
0x84: {  	_ =	shalt  }
0x85: {  	_ =	shalt  }
0x86: {  	_ =	shalt  }
0x87: {  	_ =	shalt  }
.Lfunc_end0:
.L_simem_size_0:
called_computation.2_lowered:
.L_overlay_start_0:
0x88: {  	s2 =	sld [smem:$0x3FD9]  }
0x89: {  	s3 =	sld [smem:$0x3FFE];
	_ =	sdelay $0x1  }
0x8a: {  	s1 =	srdreg.scid  }
0x8b: {  	s0 =	sand.u32 $0x1, s1  }
0x8c: {  	s16 =	sshll.u32 s0, $0xA;
	s2 =	sadd.s32 s3, s2  }
0x8d: {  	s2 =	sadd.s32 s2, s16  }
0x8e: {  	[smem:$0x3FC1] =	sst s2  }
0x8f: {  	_ = 	snop  }
0x90: {  	(tm) =	ssettm $0x1  }
0x91: {  	s17 =	sld [smem:$0x3FFB];
	_ =	sdelay $0x3  }
0x92: {  	_ =	strace s17  }
0x93: {  	s2 =	sld [smem:$0x3FFC];
	_ =	sdelay $0x3  }
0x94: {  	_ =	strace s2  }
0x95: {  	s2 =	sld [smem:$0x3FFD];
	_ =	sdelay $0x3  }
0x96: {  	_ =	strace s2  }
0x97: {  	_ =	strace $0x8FFFFFFF  }
0x98: {  	s18 =	sld [smem:$0x3FDB];
	_ =	sdelay $0x1  }
0x99: {  	s19 =	simm.s32 $_scs_section_size  }
0x9a: {  	s4 =	simm.s32 $_size__tile_overlayer_lowered;
	s5 =	simm.s32 $_tile_overlayer_lowered  }
0x9b: {  	s22 =	simm.s32 $0x1BFF;
	s21 =	sshll.u32 s5, $0x1;
	s2 =	sadd.s32 s19, s18  }
0x9c: {  	s6 =	simm.s32 $0x0;
	s20 =	sshll.u32 s4, $0x1;
	s4 =	sadd.s32 s21, s2  }
0x9d: {  	[timem:s6], [sflag:s22] =	dma.local [hbm:s4], s20  }
0x9e: {  	_ =	swait.ge [sflag:s22], s20  }
0x9f: {  	s3 =	ssub.s32 $0x0, s20;
	[sflag:s22] =	ssyncset.done $0x0  }
0xa0: {  	[sflag:s22] =	ssyncadd.s32 s3;
	_ =	sdelay $0x1  }
0xa1: {  	s23 =	simm.s32 $0x1B8B  }
0xa2: {  	_ =	swait.ge [sflag:s23], $0x1  }
0xa3: {  	[sflag:s23] =	ssyncset.done $0x0  }
0xa4: {  	s25 =	simm.s32 $0x1B8E;
	s24 =	sld [smem:$0x3FFE];
	[sflag:s23] =	ssyncadd.s32 $0xFFFFFFFF  }
0xa5: {  	s26 =	simm.s32 $execute0_lowered;
	[smem:$0x3FD2] =	sst s25  }
0xa6: {  	s4 =	sshll.u32 s26, $0x1;
	_ =	strace $0x80000049;
	[dreg:$0x1] =	wrdreg $0xFFFFFFFF  }
0xa7: {  	s28 =	simm.s32 $_size_execute0_lowered;
	s2 =	sadd.s32 s2, s4;
	[dreg:$0x0] =	wrdreg $0x0  }
0xa8: {  	s4 =	sshll.u32 s28, $0x1;
	[dreg:$0x2] =	wrdreg s2  }
0xa9: {  	[dreg:$0x3] =	wrdreg s4  }
0xaa: {  	[dreg:$0x4] =	wrdreg $0xC0  }
0xab: {  	_ =	task [dreg:s6], $0x5FFFF  }
0xac: {  	[dreg:$0x1] =	wrdreg $0xFFFFFFFF  }
0xad: {  	[dreg:$0x0] =	wrdreg $0x60  }
0xae: {  	[dreg:$0x2] =	wrdreg s24  }
0xaf: {  	[dreg:$0x3] =	wrdreg $0xE3100  }
0xb0: {  	[dreg:$0x4] =	wrdreg $0xA  }
0xb1: {  	_ =	task.clear_ibuf [dreg:s6], $0x5FFFF;
	_ =	strace $0x90000049  }
0xb2: {  	s29 =	simm.s32 $0xA;
	_ =	strace $0x8000004B  }
0xb3: {  	_ =	swait.ge [sflag:s29], $0x1  }
0xb4: {  	[sflag:s29] =	ssyncadd.s32 $0xFFFFFFFF  }
0xb5: {  	_ =	strace $0x9000004B  }
0xb6: {  	_ =	sfence  }
0xb7: {  	s30 =	sld [smem:$0x0];
	_ =	sdelay $0x2  }
0xb8: {  	s31 =	sshll.u32 s1, $0xD;
	s1 =	sshrl.u32 s1, $0x2  }
0xb9: {  	s3 =	sand.u32 $0x4000, s31;
	s1 =	sadd.s32 s1, s30  }
0xba: {  	s0 =	sor.u32 s3, s0;
	s1 =	sshll.u32 s1, $0x11  }
0xbb: {  	s0 =	sor.u32 s1, s0  }
0xbc: {  	s0 =	sadd.s32 $0x8F2B, s0  }
0xbd: {  	[sflag:s0] =	ssyncadd.remote.s32 $0x1  }
0xbe: {  	_ =	sfence.sel $0xFFFF  }
0xbf: {  	[dreg:$0x0] =	wrdreg $0xFFFFFFFF;
	(pc) =	sbr.abs _section_cstart, $3  }
0xc0: {  	[dreg:$0x1] =	wrdreg $0xFFFFFFFF  }
0xc1: {  	_ =	task.clear_ibuf [dreg:s6], $0x2FFFF;
	_ =	strace $0x9FFFFFFF  }
0xc2: {  	(tm) =	ssettm $0x7FFFFFFF  }
0xc3: {  	_ =	shalt  }
tec
execute0_lowered:
.L_overlay_start_1:
0x0: {  	(tag) =	ssettag $0x1  }
0x1: {  	s0 =	rddreg [dreg:$0x0]  }
0x2: {  	s1 =	rddreg [dreg:$0x1];
	s25 =	simm.s32 $0x0  }
0x3: {  	s2 =	srdreg.scid;
	s11 =	stileid.u32;
	s30 =	simm.s32 $0x9000  }
0x4: {  	s31 =	simm.s32 $0x9;
	[smem:$0x7FF] =	sst s25;
	s2 =	sand.u32 $0x1, s2  }
0x5: {  	s4 =	sadd.s32 $0x2A00, s0;
	s5 =	sadd.s32 $0x4F8400, s0;
	s7 =	smul.u32 $0x2800, s11  }
0x6: {  	s6 =	sadd.s32 $0x16400, s0;
	s9 =	sadd.s32 $0x1B400, s0;
	_ =	strace $0x8000004A  }
0x7: {  	s3 =	smul.u32 $0x28000, s2;
	s8 =	sshll.u32 s2, $0x4;
	s2 =	ssub.s32 $0x2, s2  }
0x8: {  	[dreg:$0x3] =	wrdreg s9;
	s8 =	sor.u32 s11, s8;
	s10 =	sshrl.u32 s2, $0x1  }
0x9: {  	s11 =	smul.u32 $0xA000, s11;
	s13 =	sadd.s32 s7, s1;
	s3 =	sadd.s32 s7, s3  }
0xa: {  	s24 =	smul.u32 $0x500, s8;
	s2 =	ssub.s32 s2, s10;
	s28 =	sshll.u32 s8, $0x6  }
0xb: {  	s29 =	sshll.u32 s8, $0xA;
	s22 =	ssub.s32 $0x2B1, s8;
	s21 =	sshrl.u32 s13, $0x3  }
0xc: {  	s23 =	ssub.s32 $0x291, s8;
	s10 =	sadd.s32 s4, s28;
	[dreg:$0x10] =	wrdreg s21  }
0xd: {  	s3 =	sshrl.u32 s3, $0x3;
	s12 =	sadd.s32 s5, s29;
	[dreg:$0x5] =	wrdreg s10  }
0xe: {  	s26 =	sshrl.u32 s11, $0x2;
	s14 =	smax.u32 s2, $0x1;
	[dreg:$0x6] =	wrdreg s12  }
0xf: {  	s3 =	sadd.s32 s3, s0;
	s9 =	sadd.s32 s26, s1;
	[dreg:$0x9] =	wrdreg s14  }
0x10: {  	s0 =	sadd.s32 s24, s0;
	s3 =	sadd.s32 $0x1BA00, s3;
	[dreg:$0x4] =	wrdreg s9  }
0x11: {  	s7 =	simm.s32 $0xB710;
	s0 =	sadd.s32 $0x25A00, s0;
	[dreg:$0x7] =	wrdreg s3  }
0x12: {  	s13 =	simm.s32 $0x6;
	s15 =	sadd.s32 $0x400, s9;
	[dreg:$0x8] =	wrdreg s0  }
0x13: {  	s11 =	ssub.s32 $0x271, s8;
	s16 =	sadd.s32 $0x800, s9;
	[dreg:$0xa] =	wrdreg s15  }
0x14: {  	s2 =	simm.s32 $0x1;
	s17 =	sadd.s32 $0xC00, s9;
	[dreg:$0xb] =	wrdreg s16  }
0x15: {  	s21 =	simm.s32 $0x8C00;
	s18 =	sadd.s32 $0x1000, s9;
	[dreg:$0xc] =	wrdreg s17  }
0x16: {  	s12 =	sor.u32 $0x40, s8;
	s19 =	sadd.s32 $0x1400, s9;
	[dreg:$0xd] =	wrdreg s18  }
0x17: {  	s24 =	sor.u32 $0x20, s8;
	s20 =	sadd.s32 $0x1800, s9;
	[dreg:$0xe] =	wrdreg s19  }
0x18: {  	s10 =	simm.s32 $0x4800;
	s26 =	sadd.s32 $0x1C00, s9;
	[dreg:$0xf] =	wrdreg s20  }
.Ltmp0:
0x19: {  	s28 =	sadd.s32 $0x2000, s9;
	[dreg:$0x11] =	wrdreg s26;
	(pc) =	sbr.rel .LBB2_1-.Ltmp0, $4  }
0x1a: {  	s14 =	simm.s32 $0x4;
	s29 =	sadd.s32 $0x2400, s9;
	[dreg:$0x12] =	wrdreg s28  }
0x1b: {  	s8 =	simm.s32 $0x0;
	[dreg:$0x13] =	wrdreg s29;
	s3 =	simm.s32 $0x200  }
0x1c: {  	s15 =	simm.s32 $0x8E00;
	s16 =	simm.s32 $0x6800;
	s17 =	simm.s32 $0x2  }
0x1d: {  	v0 =	vimm.f32 $0.0e+00;
	s18 =	simm.s32 $0x8A00;
	s19 =	simm.s32 $0x5;
	s20 =	simm.s32 $0x3  }
.LBB2_23:
0x1e: {  	s0 =	stileid.u32;
	[bflag:$0x0] =	sbarrier.arrive $0xFFFF  }
0x1f: {  	s0 =	sshll.u32 s0, $0x6;
	s8 =	rddreg [dreg:$0x7]  }
0x20: {  	s9 =	rddreg [dreg:$0x10];
	s0 =	sor.u32 $0x1C09, s0  }
0x21: {  	[hbm:s8], [sflag:s0] =	dma.local [spmem:s9], $0x500  }
0x22: {  	_ =	swait.ge [sflag:s31], $0x500  }
0x23: {  	[sflag:s31] =	ssyncset.done $0x0  }
0x24: {  	s25 =	simm.s32 $0x0;
	s26 =	rddreg [dreg:$0x8];
	[sflag:s31] =	ssyncadd.s32 $0xFFFFFB00  }
0x25: {  	[hbm4b:s26+s25] =	stream.linear.scatter [tilespmem:s7], [sflag:$0x9], $0x2800, $0x38;
	[tilespmem:$0x10B10] =	vst v63  }
0x26: {  	_ =	swait.ge [sflag:s31], $0x2800  }
0x27: {  	s28 =	rddreg [dreg:$0x14]  }
0x28: {  	s29 =	rddreg [dreg:$0x9];
	s8 =	sadd.s32 $0x1, s28  }
0x29: {  	p0 =	sne.s32 s8, s29  }
.Ltmp1:
0x2a: {  	_ = 	snop;
	(pc) =	sbr.rel @!p0 .LBB2_24-.Ltmp1, $3  }
0x2b: {  	_ =	sdelay $0x1  }
0x2c: {  	[sflag:s31] =	ssyncset.done $0x0  }
0x2d: {  	[sflag:s31] =	ssyncadd.s32 $0xFFFFD800  }
.LBB2_1:
0x2e: {  	[dreg:$0x14] =	wrdreg s8  }
0x2f: {  	s0 =	rddreg [dreg:$0x3]  }
0x30: {  	[tilespmem:s30], [sflag:$0x9] =	stream.linear.gather [hbm4b:s0+s25], $0x2710, $0x38;
	[tilespmem:$0x10B10] =	vst v63  }
0x31: {  	_ =	swait.ge [sflag:s31], $0x2710  }
0x32: {  	[sflag:s31] =	ssyncset.done $0x0  }
0x33: {  	s8 =	simm.s32 $0x0;
	[sflag:s31] =	ssyncadd.s32 $0xFFFFD8F0  }
.LBB2_2:
0x34: {  	p0 =	sne.s32 s8, $0xFC0  }
.Ltmp2:
0x35: {  	_ = 	snop;
	(pc) =	sbr.rel @p0 .LBB2_2-.Ltmp2, $3  }
0x36: {  	_ =	sdelay $0x1  }
0x37: {  	s26 =	sshra.s32 s8, $0x2  }
0x38: {  	s8 =	sadd.s32 $0x40, s8;
	[tilespmem:s26+$0xDF10] =	vst v0  }
0x39: {  	s8 =	simm.s32 $0x40;
	s26 =	simm.s32 $0x0  }
.LBB2_4:
0x3a: {  	p0 =	sne.s32 s8, $0x9FC0;
	[tilespmem:s26+$0xB710] =	vst v0;
	s26 =	smov.u32 s8;
	s8 =	sadd.s32 $0x40, s8  }
.Ltmp3:
0x3b: {  	(pc) =	sbr.rel @p0 .LBB2_4-.Ltmp3, $2  }
0x3c: {  	_ =	sdelay $0x2  }
0x3d: {  	s26 =	sshra.s32 s26, $0x2  }
0x3e: {  	[tilespmem:s26+$0xB710] =	vst v0;
	s0 =	rddreg [dreg:$0x4];
	s8 =	simm.s32 $0xDF10  }
0x3f: {  	[spmem:s0] =	stream.linear.scatter [tilespmem:s8], [sflag:$0x9], $0x400, $0x38;
	[tilespmem:$0x10B10] =	vst v63  }
0x40: {  	_ =	swait.ge [sflag:s31], $0x400  }
0x41: {  	[sflag:s31] =	ssyncset.done $0x0  }
0x42: {  	s25 =	rddreg [dreg:$0xa];
	[sflag:s31] =	ssyncadd.s32 $0xFFFFFC00  }
0x43: {  	[spmem:s25] =	stream.linear.scatter [tilespmem:s8], [sflag:$0x9], $0x400, $0x38;
	[tilespmem:$0x10B10] =	vst v63  }
0x44: {  	_ =	swait.ge [sflag:s31], $0x400  }
0x45: {  	[sflag:s31] =	ssyncset.done $0x0  }
0x46: {  	s26 =	rddreg [dreg:$0xb];
	[sflag:s31] =	ssyncadd.s32 $0xFFFFFC00  }
0x47: {  	[spmem:s26] =	stream.linear.scatter [tilespmem:s8], [sflag:$0x9], $0x400, $0x38;
	[tilespmem:$0x10B10] =	vst v63  }
0x48: {  	_ =	swait.ge [sflag:s31], $0x400  }
0x49: {  	[sflag:s31] =	ssyncset.done $0x0  }
0x4a: {  	s28 =	rddreg [dreg:$0xc];
	[sflag:s31] =	ssyncadd.s32 $0xFFFFFC00  }
0x4b: {  	[spmem:s28] =	stream.linear.scatter [tilespmem:s8], [sflag:$0x9], $0x400, $0x38;
	[tilespmem:$0x10B10] =	vst v63  }
0x4c: {  	_ =	swait.ge [sflag:s31], $0x400  }
0x4d: {  	[sflag:s31] =	ssyncset.done $0x0  }
0x4e: {  	s29 =	rddreg [dreg:$0xd];
	[sflag:s31] =	ssyncadd.s32 $0xFFFFFC00  }
0x4f: {  	[spmem:s29] =	stream.linear.scatter [tilespmem:s8], [sflag:$0x9], $0x400, $0x38;
	[tilespmem:$0x10B10] =	vst v63  }
0x50: {  	_ =	swait.ge [sflag:s31], $0x400  }
0x51: {  	[sflag:s31] =	ssyncset.done $0x0  }
0x52: {  	s9 =	rddreg [dreg:$0xe];
	[sflag:s31] =	ssyncadd.s32 $0xFFFFFC00  }
0x53: {  	[spmem:s9] =	stream.linear.scatter [tilespmem:s8], [sflag:$0x9], $0x400, $0x38;
	[tilespmem:$0x10B10] =	vst v63  }
0x54: {  	_ =	swait.ge [sflag:s31], $0x400  }
0x55: {  	[sflag:s31] =	ssyncset.done $0x0  }
0x56: {  	s25 =	rddreg [dreg:$0xf];
	[sflag:s31] =	ssyncadd.s32 $0xFFFFFC00  }
0x57: {  	[spmem:s25] =	stream.linear.scatter [tilespmem:s8], [sflag:$0x9], $0x400, $0x38;
	[tilespmem:$0x10B10] =	vst v63  }
0x58: {  	_ =	swait.ge [sflag:s31], $0x400  }
0x59: {  	[sflag:s31] =	ssyncset.done $0x0  }
0x5a: {  	s26 =	rddreg [dreg:$0x11];
	[sflag:s31] =	ssyncadd.s32 $0xFFFFFC00  }
0x5b: {  	[spmem:s26] =	stream.linear.scatter [tilespmem:s8], [sflag:$0x9], $0x400, $0x38;
	[tilespmem:$0x10B10] =	vst v63  }
0x5c: {  	_ =	swait.ge [sflag:s31], $0x400  }
0x5d: {  	[sflag:s31] =	ssyncset.done $0x0  }
0x5e: {  	s28 =	rddreg [dreg:$0x12];
	[sflag:s31] =	ssyncadd.s32 $0xFFFFFC00  }
0x5f: {  	[spmem:s28] =	stream.linear.scatter [tilespmem:s8], [sflag:$0x9], $0x400, $0x38;
	[tilespmem:$0x10B10] =	vst v63  }
0x60: {  	_ =	swait.ge [sflag:s31], $0x400  }
0x61: {  	[sflag:s31] =	ssyncset.done $0x0  }
0x62: {  	s29 =	rddreg [dreg:$0x13];
	[sflag:s31] =	ssyncadd.s32 $0xFFFFFC00  }
0x63: {  	[spmem:s29] =	stream.linear.scatter [tilespmem:s8], [sflag:$0x9], $0x400, $0x38;
	[tilespmem:$0x10B10] =	vst v63  }
0x64: {  	_ =	swait.ge [sflag:s31], $0x400  }
0x65: {  	[sflag:s31] =	ssyncset.done $0x0  }
0x66: {  	[sflag:s31] =	ssyncadd.s32 $0xFFFFFC00  }
.Ltmp4:
0x67: {  	[bflag:$0x0] =	sbarrier.arrive $0xFFFF;
	(pc) =	sbr.rel .LBB2_6-.Ltmp4, $4  }
0x68: {  	s25 =	simm.s32 $0x4E200;
	s26 =	simm.s32 $0x0;
	s9 =	rddreg [dreg:$0x5]  }
0x69: {  	[tilespmem:s26], [sflag:$0x1] =	stream.strided.gather [hbm4b:s9+s3], $0x400, s25, s3, $0x38;
	[tilespmem:$0x10B10] =	vst v63  }
0x6a: {  	s29 =	simm.s32 $0x800;
	s28 =	rddreg [dreg:$0x6]  }
0x6b: {  	[tilespmem:s29], [sflag:$0x3] =	stream.linear.gather [hbm4b:s28+s26], $0x2000, $0x38;
	[tilespmem:$0x10B10] =	vst v63  }
.LBB2_22:
0x6c: {  	s0 =	sadd.s32 s12, s28  }
0x6d: {  	p0 =	sgt.u32 s0, $0x270  }
0x6e: {  	s8 =	sshll.u32 @!p0 s0, $0x6;
	s9 =	simm.s32 @!p0 $0x200;
	s25 =	simm.s32 @!p0 $0x4E200  }
0x6f: {  	s28 =	simm.s32 @!p0 $0x0;
	s0 =	sshll.u32 @!p0 s0, $0xA;
	s8 =	sadd.s32 @!p0 s4, s8  }
0x70: {  	[tilespmem:s28], [sflag:$0x1] =	stream.strided.gather @!p0 [hbm4b:s8+s9], $0x400, s25, s9, $0x38;
	[tilespmem:$0x10B10] =	vst v63  }
0x71: {  	s26 =	sadd.s32 $0x1, s26;
	s0 =	sadd.s32 @!p0 s5, s0;
	s8 =	simm.s32 @!p0 $0x800  }
0x72: {  	[tilespmem:s8], [sflag:$0x3] =	stream.linear.gather @!p0 [hbm4b:s0+s28], $0x2000, $0x38;
	[tilespmem:$0x10B10] =	vst v63  }
0x73: {  	p0 =	sne.s32 s26, $0xC  }
.Ltmp5:
0x74: {  	_ = 	snop;
	(pc) =	sbr.rel @!p0 .LBB2_23-.Ltmp5, $1  }
0x75: {  	_ =	sdelay $0x3  }
.LBB2_6:
0x76: {  	s28 =	sshll.u32 s26, $0x6;
	p0 =	seq.s32 s26, $0x0  }
0x77: {  	p1 =	sge.u32 @!p0 s28, s22  }
0x78: {  	p1 =	por p1, p0;
	p0 =	sge.u32 s28, s11  }
.Ltmp6:
0x79: {  	_ = 	snop;
	(pc) =	sbr.rel @p0 .LBB2_10-.Ltmp6, $4  }
0x7a: {  	s8 =	simm.s32 @!p1 $0x7  }
0x7b: {  	_ =	swait.ge @!p1 [sflag:s8], $0x2000  }
0x7c: {  	[sflag:s8] =	ssyncset.done @!p1 $0x0  }
0x7d: {  	[sflag:s8] =	ssyncadd.s32 @!p1 $0xFFFFE000  }
0x7e: {  	_ =	swait.ge [sflag:s2], $0x400  }
0x7f: {  	[sflag:s2] =	ssyncset.done $0x0  }
0x80: {  	s29 =	simm.s32 $0x0;
	[sflag:s2] =	ssyncadd.s32 $0xFFFFFC00  }
0x81: {  	s8 =	simm.s32 $0x40;
	v1 =	vld [tilespmem:s29+$0x200]  }
.LBB2_8:
0x82: {  	p1 =	sne.s32 s8, $0x7C0;
	v2 =	vld [tilespmem:s29+$0x0];
	_ =	sdelay $0x4  }
0x83: {  	vm0 =	veq.s32 v2, v1;
	[tilespmem:s29+$0x8800] =	vst v2  }
0x84: {  	v1 =	vsel vm0, $0x2710, v1  }
0x85: {  	[tilespmem:s29+$0x8C00] =	vst v1  }
0x86: {  	v2 =	vld.idx.msk [tilespmem:v2+s30+$0x0], $0xffff;
	_ =	sdelay $0x2  }
.Ltmp7:
0x87: {  	(pc) =	sbr.rel @p1 .LBB2_8-.Ltmp7, $3  }
0x88: {  	_ =	sdelay $0x1  }
0x89: {  	s29 =	sshra.s32 s8, $0x2;
	[tilespmem:v1+s7+$0x0] =	vst.idx.add.f32.msk $0xffff, v2  }
0x8a: {  	s8 =	sadd.s32 $0x40, s8;
	v1 =	vld [tilespmem:s29+$0x200]  }
0x8b: {  	v2 =	vld [tilespmem:s29+$0x0];
	_ =	sdelay $0x4  }
0x8c: {  	vm0 =	veq.s32 v2, v1  }
0x8d: {  	[tilespmem:s29+$0x8800] =	vst v2;
	v1 =	vsel vm0, $0x2710, v1  }
0x8e: {  	[tilespmem:s29+$0x8C00] =	vst v1  }
0x8f: {  	v2 =	vld.idx.msk [tilespmem:v2+s30+$0x0], $0xffff;
	_ =	sdelay $0x4  }
0x90: {  	s0 =	simm.s32 $0x8800;
	[tilespmem:v1+s7+$0x0] =	vst.idx.add.f32.msk $0xffff, v2  }
0x91: {  	[tilespmem:s10], [sflag:$0x5] =	stream.indirect.gather [hbm4b:s6+s3], $0x10, s0, s3, $0xb8;
	[tilespmem:$0x10B10] =	vst v63  }
.LBB2_10:
0x92: {  	p1 =	sne.s32 s26, $0x0;
	p2 =	slt.u32 s28, s23  }
0x93: {  	p1 =	por !p1, !p2  }
0x94: {  	p1 =	por !p1, !p1  }
.Ltmp8:
0x95: {  	_ = 	snop;
	(pc) =	sbr.rel @!p1 .LBB2_14-.Ltmp8, $1  }
0x96: {  	_ =	sdelay $0x3  }
0x97: {  	_ =	swait.ge [sflag:s13], $0x2000  }
0x98: {  	[sflag:s13] =	ssyncset.done $0x0  }
0x99: {  	[sflag:s13] =	ssyncadd.s32 $0xFFFFE000  }
0x9a: {  	_ =	swait.ge [sflag:s14], $0x2000  }
0x9b: {  	[sflag:s14] =	ssyncset.done $0x0  }
0x9c: {  	s29 =	simm.s32 $0x0;
	[sflag:s14] =	ssyncadd.s32 $0xFFFFE000  }
0x9d: {  	v7 =	vld [tilespmem:s29+$0x2800]  }
0x9e: {  	v8 =	vld [tilespmem:s29+$0x2810]  }
0x9f: {  	v9 =	vld [tilespmem:s29+$0x2820]  }
0xa0: {  	v10 =	vld [tilespmem:s29+$0x2830]  }
0xa1: {  	v11 =	vld [tilespmem:s29+$0x2840]  }
0xa2: {  	v12 =	vld [tilespmem:s29+$0x2850]  }
0xa3: {  	v13 =	vld [tilespmem:s29+$0x2860]  }
0xa4: {  	v14 =	vld [tilespmem:s29+$0x2870]  }
0xa5: {  	v15 =	vld [tilespmem:s29+$0x2880]  }
0xa6: {  	v16 =	vld [tilespmem:s29+$0x2890]  }
0xa7: {  	v6 =	vld [tilespmem:s29+$0x28A0]  }
0xa8: {  	v5 =	vld [tilespmem:s29+$0x28B0]  }
0xa9: {  	v4 =	vld [tilespmem:s29+$0x28C0]  }
0xaa: {  	v3 =	vld [tilespmem:s29+$0x28D0]  }
0xab: {  	v2 =	vld [tilespmem:s29+$0x28E0]  }
0xac: {  	v1 =	vld [tilespmem:s29+$0x28F0]  }
0xad: {  	v17 =	vld [tilespmem:s29+$0x6800]  }
0xae: {  	v18 =	vld [tilespmem:s29+$0x6810]  }
0xaf: {  	v19 =	vld [tilespmem:s29+$0x6820]  }
0xb0: {  	v20 =	vld [tilespmem:s29+$0x6830]  }
0xb1: {  	v21 =	vld [tilespmem:s29+$0x6840]  }
0xb2: {  	v60 =	vld [tilespmem:s29+$0x6850];
	v7 =	vmul.f32 v7, v17  }
0xb3: {  	v22 =	vld [tilespmem:s29+$0x6860];
	v8 =	vmul.f32 v8, v18  }
0xb4: {  	v61 =	vld [tilespmem:s29+$0x6870];
	[tilespmem:s29+$0x6800] =	vst v7;
	v7 =	vmul.f32 v9, v19  }
0xb5: {  	v62 =	vld [tilespmem:s29+$0x6880];
	[tilespmem:s29+$0x6810] =	vst v8;
	v8 =	vmul.f32 v10, v20  }
0xb6: {  	v63 =	vld [tilespmem:s29+$0x6890];
	[tilespmem:s29+$0x6820] =	vst v7;
	v7 =	vmul.f32 v11, v21  }
0xb7: {  	v9 =	vmul.f32 v12, v60;
	[tilespmem:s29+$0x6830] =	vst v8;
	v8 =	vld [tilespmem:s29+$0x68A0]  }
0xb8: {  	v10 =	vmul.f32 v13, v22;
	[tilespmem:s29+$0x6840] =	vst v7;
	v7 =	vld [tilespmem:s29+$0x68B0]  }
0xb9: {  	[tilespmem:s29+$0x6850] =	vst v9;
	v9 =	vld [tilespmem:s29+$0x68C0];
	v11 =	vmul.f32 v14, v61  }
0xba: {  	v13 =	vmul.f32 v15, v62;
	[tilespmem:s29+$0x6860] =	vst v10;
	v10 =	vld [tilespmem:s29+$0x68D0]  }
0xbb: {  	s8 =	simm.s32 $0x400;
	v12 =	vmul.f32 v16, v63;
	[tilespmem:s29+$0x6870] =	vst v11;
	v11 =	vld [tilespmem:s29+$0x68E0]  }
.LBB2_12:
0xbc: {  	s0 =	sshra.s32 s8, $0x2;
	p2 =	sne.s32 s8, $0x7C00;
	[tilespmem:s29+$0x6880] =	vst v13;
	v6 =	vmul.f32 v6, v8;
	v8 =	vld [tilespmem:s29+$0x68F0]  }
0xbd: {  	v13 =	vld [tilespmem:s0+$0x2800];
	[tilespmem:s29+$0x6890] =	vst v12;
	v5 =	vmul.f32 v5, v7  }
0xbe: {  	v7 =	vld [tilespmem:s0+$0x2810];
	[tilespmem:s29+$0x68A0] =	vst v6;
	v4 =	vmul.f32 v4, v9  }
0xbf: {  	v9 =	vld [tilespmem:s0+$0x2820];
	[tilespmem:s29+$0x68B0] =	vst v5;
	v3 =	vmul.f32 v3, v10  }
0xc0: {  	v10 =	vld [tilespmem:s0+$0x2830];
	[tilespmem:s29+$0x68C0] =	vst v4;
	v2 =	vmul.f32 v2, v11  }
0xc1: {  	v11 =	vld [tilespmem:s0+$0x2840];
	[tilespmem:s29+$0x68D0] =	vst v3;
	v1 =	vmul.f32 v1, v8  }
0xc2: {  	v8 =	vld [tilespmem:s0+$0x2850];
	[tilespmem:s29+$0x68E0] =	vst v2  }
0xc3: {  	v12 =	vld [tilespmem:s0+$0x2860];
	[tilespmem:s29+$0x68F0] =	vst v1;
	s29 =	smov.u32 s0  }
0xc4: {  	v14 =	vld [tilespmem:s29+$0x2870]  }
0xc5: {  	v15 =	vld [tilespmem:s29+$0x2880]  }
0xc6: {  	v16 =	vld [tilespmem:s29+$0x2890]  }
0xc7: {  	v6 =	vld [tilespmem:s29+$0x28A0]  }
0xc8: {  	v5 =	vld [tilespmem:s29+$0x28B0]  }
0xc9: {  	v4 =	vld [tilespmem:s29+$0x28C0]  }
0xca: {  	v3 =	vld [tilespmem:s29+$0x28D0]  }
0xcb: {  	v2 =	vld [tilespmem:s29+$0x28E0]  }
0xcc: {  	v1 =	vld [tilespmem:s29+$0x28F0]  }
0xcd: {  	v17 =	vld [tilespmem:s29+$0x6800]  }
0xce: {  	v18 =	vld [tilespmem:s29+$0x6810]  }
0xcf: {  	v19 =	vld [tilespmem:s29+$0x6820]  }
0xd0: {  	v20 =	vld [tilespmem:s29+$0x6830]  }
0xd1: {  	v21 =	vld [tilespmem:s29+$0x6840]  }
0xd2: {  	v13 =	vmul.f32 v13, v17;
	v17 =	vld [tilespmem:s29+$0x6850]  }
0xd3: {  	v7 =	vmul.f32 v7, v18;
	v18 =	vld [tilespmem:s29+$0x6860]  }
0xd4: {  	[tilespmem:s29+$0x6800] =	vst v13;
	v9 =	vmul.f32 v9, v19;
	v13 =	vld [tilespmem:s29+$0x6870]  }
0xd5: {  	[tilespmem:s29+$0x6810] =	vst v7;
	v7 =	vmul.f32 v10, v20;
	v10 =	vld [tilespmem:s29+$0x6880]  }
0xd6: {  	[tilespmem:s29+$0x6820] =	vst v9;
	v9 =	vmul.f32 v11, v21;
	v11 =	vld [tilespmem:s29+$0x6890]  }
.Ltmp9:
0xd7: {  	[tilespmem:s29+$0x6830] =	vst v7;
	v17 =	vmul.f32 v8, v17;
	v8 =	vld [tilespmem:s29+$0x68A0];
	(pc) =	sbr.rel @p2 .LBB2_12-.Ltmp9, $4  }
0xd8: {  	[tilespmem:s29+$0x6840] =	vst v9;
	v12 =	vmul.f32 v12, v18;
	v7 =	vld [tilespmem:s29+$0x68B0]  }
0xd9: {  	[tilespmem:s29+$0x6850] =	vst v17;
	v14 =	vmul.f32 v14, v13;
	v9 =	vld [tilespmem:s29+$0x68C0]  }
0xda: {  	[tilespmem:s29+$0x6860] =	vst v12;
	v13 =	vmul.f32 v15, v10;
	v10 =	vld [tilespmem:s29+$0x68D0]  }
0xdb: {  	s8 =	sadd.s32 $0x400, s8;
	[tilespmem:s29+$0x6870] =	vst v14;
	v12 =	vmul.f32 v16, v11;
	v11 =	vld [tilespmem:s29+$0x68E0]  }
0xdc: {  	[tilespmem:s29+$0x6880] =	vst v13;
	v6 =	vmul.f32 v6, v8;
	v63 =	vld [tilespmem:s29+$0x68F0]  }
0xdd: {  	[tilespmem:s29+$0x6890] =	vst v12;
	v5 =	vmul.f32 v5, v7  }
0xde: {  	[tilespmem:s29+$0x68A0] =	vst v6;
	v4 =	vmul.f32 v4, v9  }
0xdf: {  	[tilespmem:s29+$0x68B0] =	vst v5;
	v3 =	vmul.f32 v3, v10  }
0xe0: {  	[tilespmem:s29+$0x68C0] =	vst v4;
	v2 =	vmul.f32 v2, v11  }
0xe1: {  	[tilespmem:s29+$0x68D0] =	vst v3;
	v1 =	vmul.f32 v1, v63  }
0xe2: {  	[tilespmem:s29+$0x68E0] =	vst v2  }
0xe3: {  	[tilespmem:s29+$0x68F0] =	vst v1  }
0xe4: {  	[spmem:s1] =	stream.indirect.scatter.add.f32 [tilespmem:s16], [sflag:$0x8], $0x10, s15, s3, $0xb8;
	[tilespmem:$0x10B10] =	vst v63  }
.LBB2_14:
0xe5: {  	s0 =	sor.u32 s24, s28  }
0xe6: {  	p2 =	sgt.u32 s0, $0x270  }
0xe7: {  	s8 =	sshll.u32 @!p2 s0, $0x6;
	s29 =	simm.s32 @!p2 $0x200;
	s25 =	simm.s32 @!p2 $0x4E200  }
0xe8: {  	s9 =	simm.s32 @!p2 $0x400;
	s0 =	sshll.u32 @!p2 s0, $0xA;
	s8 =	sadd.s32 @!p2 s4, s8  }
0xe9: {  	[tilespmem:s9], [sflag:$0x2] =	stream.strided.gather @!p2 [hbm4b:s8+s29], $0x400, s25, s29, $0x38;
	[tilespmem:$0x10B10] =	vst v63  }
0xea: {  	s0 =	sadd.s32 @!p2 s5, s0;
	s8 =	simm.s32 @!p2 $0x0;
	s9 =	simm.s32 @!p2 $0x2800  }
0xeb: {  	[tilespmem:s9], [sflag:$0x4] =	stream.linear.gather @!p2 [hbm4b:s0+s8], $0x2000, $0x38;
	[tilespmem:$0x10B10] =	vst v63  }
.Ltmp10:
0xec: {  	_ = 	snop;
	(pc) =	sbr.rel @p2 .LBB2_18-.Ltmp10, $4  }
0xed: {  	s0 =	simm.s32 @p1 $0x8  }
0xee: {  	_ =	swait.ge @p1 [sflag:s0], $0x2000  }
0xef: {  	[sflag:s0] =	ssyncset.done @p1 $0x0  }
0xf0: {  	[sflag:s0] =	ssyncadd.s32 @p1 $0xFFFFE000  }
0xf1: {  	_ =	swait.ge [sflag:s17], $0x400  }
0xf2: {  	[sflag:s17] =	ssyncset.done $0x0  }
0xf3: {  	s29 =	simm.s32 $0x0;
	[sflag:s17] =	ssyncadd.s32 $0xFFFFFC00  }
0xf4: {  	s8 =	simm.s32 $0x40;
	v1 =	vld [tilespmem:s29+$0x600]  }
.LBB2_16:
0xf5: {  	p1 =	sne.s32 s8, $0x7C0;
	v2 =	vld [tilespmem:s29+$0x400];
	_ =	sdelay $0x4  }
0xf6: {  	vm0 =	veq.s32 v2, v1;
	[tilespmem:s29+$0x8A00] =	vst v2  }
0xf7: {  	v1 =	vsel vm0, $0x2710, v1  }
0xf8: {  	[tilespmem:s29+$0x8E00] =	vst v1  }
0xf9: {  	v2 =	vld.idx.msk [tilespmem:v2+s30+$0x0], $0xffff;
	_ =	sdelay $0x2  }
.Ltmp11:
0xfa: {  	(pc) =	sbr.rel @p1 .LBB2_16-.Ltmp11, $3  }
0xfb: {  	_ =	sdelay $0x1  }
0xfc: {  	s29 =	sshra.s32 s8, $0x2;
	[tilespmem:v1+s7+$0x0] =	vst.idx.add.f32.msk $0xffff, v2  }
0xfd: {  	s8 =	sadd.s32 $0x40, s8;
	v1 =	vld [tilespmem:s29+$0x600]  }
0xfe: {  	v2 =	vld [tilespmem:s29+$0x400];
	_ =	sdelay $0x4  }
0xff: {  	vm0 =	veq.s32 v2, v1  }
0x100: {  	[tilespmem:s29+$0x8A00] =	vst v2;
	v1 =	vsel vm0, $0x2710, v1  }
0x101: {  	[tilespmem:s29+$0x8E00] =	vst v1  }
0x102: {  	v2 =	vld.idx.msk [tilespmem:v2+s30+$0x0], $0xffff;
	_ =	sdelay $0x4  }
0x103: {  	[tilespmem:v1+s7+$0x0] =	vst.idx.add.f32.msk $0xffff, v2  }
0x104: {  	[tilespmem:s16], [sflag:$0x6] =	stream.indirect.gather [hbm4b:s6+s3], $0x10, s18, s3, $0xb8;
	[tilespmem:$0x10B10] =	vst v63  }
.LBB2_18:
.Ltmp12:
0x105: {  	(pc) =	sbr.rel @p0 .LBB2_22-.Ltmp12, $1  }
0x106: {  	_ =	sdelay $0x3  }
0x107: {  	_ =	swait.ge [sflag:s19], $0x2000  }
0x108: {  	[sflag:s19] =	ssyncset.done $0x0  }
0x109: {  	[sflag:s19] =	ssyncadd.s32 $0xFFFFE000  }
0x10a: {  	_ =	swait.ge [sflag:s20], $0x2000  }
0x10b: {  	[sflag:s20] =	ssyncset.done $0x0  }
0x10c: {  	s29 =	simm.s32 $0x0;
	[sflag:s20] =	ssyncadd.s32 $0xFFFFE000  }
0x10d: {  	v7 =	vld [tilespmem:s29+$0x800]  }
0x10e: {  	v8 =	vld [tilespmem:s29+$0x810]  }
0x10f: {  	v9 =	vld [tilespmem:s29+$0x820]  }
0x110: {  	v10 =	vld [tilespmem:s29+$0x830]  }
0x111: {  	v11 =	vld [tilespmem:s29+$0x840]  }
0x112: {  	v12 =	vld [tilespmem:s29+$0x850]  }
0x113: {  	v13 =	vld [tilespmem:s29+$0x860]  }
0x114: {  	v14 =	vld [tilespmem:s29+$0x870]  }
0x115: {  	v15 =	vld [tilespmem:s29+$0x880]  }
0x116: {  	v16 =	vld [tilespmem:s29+$0x890]  }
0x117: {  	v6 =	vld [tilespmem:s29+$0x8A0]  }
0x118: {  	v5 =	vld [tilespmem:s29+$0x8B0]  }
0x119: {  	v4 =	vld [tilespmem:s29+$0x8C0]  }
0x11a: {  	v3 =	vld [tilespmem:s29+$0x8D0]  }
0x11b: {  	v2 =	vld [tilespmem:s29+$0x8E0]  }
0x11c: {  	v1 =	vld [tilespmem:s29+$0x8F0]  }
0x11d: {  	v17 =	vld [tilespmem:s29+$0x4800]  }
0x11e: {  	v18 =	vld [tilespmem:s29+$0x4810]  }
0x11f: {  	v19 =	vld [tilespmem:s29+$0x4820]  }
0x120: {  	v20 =	vld [tilespmem:s29+$0x4830]  }
0x121: {  	v21 =	vld [tilespmem:s29+$0x4840]  }
0x122: {  	v60 =	vld [tilespmem:s29+$0x4850];
	v7 =	vmul.f32 v7, v17  }
0x123: {  	v22 =	vld [tilespmem:s29+$0x4860];
	v8 =	vmul.f32 v8, v18  }
0x124: {  	v61 =	vld [tilespmem:s29+$0x4870];
	[tilespmem:s29+$0x4800] =	vst v7;
	v7 =	vmul.f32 v9, v19  }
0x125: {  	v62 =	vld [tilespmem:s29+$0x4880];
	[tilespmem:s29+$0x4810] =	vst v8;
	v8 =	vmul.f32 v10, v20  }
0x126: {  	v63 =	vld [tilespmem:s29+$0x4890];
	[tilespmem:s29+$0x4820] =	vst v7;
	v7 =	vmul.f32 v11, v21  }
0x127: {  	v9 =	vmul.f32 v12, v60;
	[tilespmem:s29+$0x4830] =	vst v8;
	v8 =	vld [tilespmem:s29+$0x48A0]  }
0x128: {  	v10 =	vmul.f32 v13, v22;
	[tilespmem:s29+$0x4840] =	vst v7;
	v7 =	vld [tilespmem:s29+$0x48B0]  }
0x129: {  	[tilespmem:s29+$0x4850] =	vst v9;
	v9 =	vld [tilespmem:s29+$0x48C0];
	v11 =	vmul.f32 v14, v61  }
0x12a: {  	v13 =	vmul.f32 v15, v62;
	[tilespmem:s29+$0x4860] =	vst v10;
	v10 =	vld [tilespmem:s29+$0x48D0]  }
0x12b: {  	s8 =	simm.s32 $0x400;
	v12 =	vmul.f32 v16, v63;
	[tilespmem:s29+$0x4870] =	vst v11;
	v11 =	vld [tilespmem:s29+$0x48E0]  }
.LBB2_20:
0x12c: {  	s0 =	sshra.s32 s8, $0x2;
	p0 =	sne.s32 s8, $0x7C00;
	[tilespmem:s29+$0x4880] =	vst v13;
	v6 =	vmul.f32 v6, v8;
	v8 =	vld [tilespmem:s29+$0x48F0]  }
0x12d: {  	v13 =	vld [tilespmem:s0+$0x800];
	[tilespmem:s29+$0x4890] =	vst v12;
	v5 =	vmul.f32 v5, v7  }
0x12e: {  	v7 =	vld [tilespmem:s0+$0x810];
	[tilespmem:s29+$0x48A0] =	vst v6;
	v4 =	vmul.f32 v4, v9  }
0x12f: {  	v9 =	vld [tilespmem:s0+$0x820];
	[tilespmem:s29+$0x48B0] =	vst v5;
	v3 =	vmul.f32 v3, v10  }
0x130: {  	v10 =	vld [tilespmem:s0+$0x830];
	[tilespmem:s29+$0x48C0] =	vst v4;
	v2 =	vmul.f32 v2, v11  }
0x131: {  	v11 =	vld [tilespmem:s0+$0x840];
	[tilespmem:s29+$0x48D0] =	vst v3;
	v1 =	vmul.f32 v1, v8  }
0x132: {  	v8 =	vld [tilespmem:s0+$0x850];
	[tilespmem:s29+$0x48E0] =	vst v2  }
0x133: {  	v12 =	vld [tilespmem:s0+$0x860];
	[tilespmem:s29+$0x48F0] =	vst v1;
	s29 =	smov.u32 s0  }
0x134: {  	v14 =	vld [tilespmem:s29+$0x870]  }
0x135: {  	v15 =	vld [tilespmem:s29+$0x880]  }
0x136: {  	v16 =	vld [tilespmem:s29+$0x890]  }
0x137: {  	v6 =	vld [tilespmem:s29+$0x8A0]  }
0x138: {  	v5 =	vld [tilespmem:s29+$0x8B0]  }
0x139: {  	v4 =	vld [tilespmem:s29+$0x8C0]  }
0x13a: {  	v3 =	vld [tilespmem:s29+$0x8D0]  }
0x13b: {  	v2 =	vld [tilespmem:s29+$0x8E0]  }
0x13c: {  	v1 =	vld [tilespmem:s29+$0x8F0]  }
0x13d: {  	v17 =	vld [tilespmem:s29+$0x4800]  }
0x13e: {  	v18 =	vld [tilespmem:s29+$0x4810]  }
0x13f: {  	v19 =	vld [tilespmem:s29+$0x4820]  }
0x140: {  	v20 =	vld [tilespmem:s29+$0x4830]  }
0x141: {  	v21 =	vld [tilespmem:s29+$0x4840]  }
0x142: {  	v13 =	vmul.f32 v13, v17;
	v17 =	vld [tilespmem:s29+$0x4850]  }
0x143: {  	v7 =	vmul.f32 v7, v18;
	v18 =	vld [tilespmem:s29+$0x4860]  }
0x144: {  	[tilespmem:s29+$0x4800] =	vst v13;
	v9 =	vmul.f32 v9, v19;
	v13 =	vld [tilespmem:s29+$0x4870]  }
0x145: {  	[tilespmem:s29+$0x4810] =	vst v7;
	v7 =	vmul.f32 v10, v20;
	v10 =	vld [tilespmem:s29+$0x4880]  }
0x146: {  	[tilespmem:s29+$0x4820] =	vst v9;
	v9 =	vmul.f32 v11, v21;
	v11 =	vld [tilespmem:s29+$0x4890]  }
.Ltmp13:
0x147: {  	[tilespmem:s29+$0x4830] =	vst v7;
	v17 =	vmul.f32 v8, v17;
	v8 =	vld [tilespmem:s29+$0x48A0];
	(pc) =	sbr.rel @p0 .LBB2_20-.Ltmp13, $4  }
0x148: {  	[tilespmem:s29+$0x4840] =	vst v9;
	v12 =	vmul.f32 v12, v18;
	v7 =	vld [tilespmem:s29+$0x48B0]  }
0x149: {  	[tilespmem:s29+$0x4850] =	vst v17;
	v14 =	vmul.f32 v14, v13;
	v9 =	vld [tilespmem:s29+$0x48C0]  }
0x14a: {  	[tilespmem:s29+$0x4860] =	vst v12;
	v13 =	vmul.f32 v15, v10;
	v10 =	vld [tilespmem:s29+$0x48D0]  }
0x14b: {  	s8 =	sadd.s32 $0x400, s8;
	[tilespmem:s29+$0x4870] =	vst v14;
	v12 =	vmul.f32 v16, v11;
	v11 =	vld [tilespmem:s29+$0x48E0]  }
0x14c: {  	[tilespmem:s29+$0x4880] =	vst v13;
	v6 =	vmul.f32 v6, v8;
	v63 =	vld [tilespmem:s29+$0x48F0]  }
0x14d: {  	[tilespmem:s29+$0x4890] =	vst v12;
	v5 =	vmul.f32 v5, v7  }
0x14e: {  	[tilespmem:s29+$0x48A0] =	vst v6;
	v4 =	vmul.f32 v4, v9  }
0x14f: {  	[tilespmem:s29+$0x48B0] =	vst v5;
	v3 =	vmul.f32 v3, v10  }
.Ltmp14:
0x150: {  	[tilespmem:s29+$0x48C0] =	vst v4;
	v2 =	vmul.f32 v2, v11;
	(pc) =	sbr.rel .LBB2_22-.Ltmp14, $4  }
0x151: {  	[tilespmem:s29+$0x48D0] =	vst v3;
	v1 =	vmul.f32 v1, v63  }
0x152: {  	[tilespmem:s29+$0x48E0] =	vst v2  }
0x153: {  	[tilespmem:s29+$0x48F0] =	vst v1  }
0x154: {  	[spmem:s1] =	stream.indirect.scatter.add.f32 [tilespmem:s10], [sflag:$0x7], $0x10, s21, s3, $0xb8;
	[tilespmem:$0x10B10] =	vst v63  }
.LBB2_24:
0x155: {  	_ =	sfence.sel $0x180000  }
0x156: {  	[bflag:$0x0] =	sbarrier.arrive $0xFFFF  }
0x157: {  	_ =	strace $0x9000004A  }
0x158: {  	s0 =	stileid.u32;
	[bflag:$0x2] =	sbarrier.arrive $0xFFFF  }
0x159: {  	p0 =	sne.s32 s0, $0x0;
	s0 =	rddreg [dreg:$0x2]  }
0x15a: {  	s0 =	sadd.s32 @!p0 $0x100000, s0  }
0x15b: {  	[sflag:s0] =	ssyncadd.tile.s32 @!p0 $0x1;
	_ =	shalt  }
.Lfunc_end2:
_tile_overlayer_lowered:
.L_overlay_start_2:
0x15c: {  	(tag) =	ssettag $0x2  }
0x15d: {  	s0 =	rddreg [dreg:$0x0];
	s2 =	stileid.u32  }
0x15e: {  	s1 =	rddreg [dreg:$0x1];
	p0 =	sne.s32 s2, $0x0  }
0x15f: {  	s3 =	rddreg [dreg:$0x2];
	[bflag:$0x3] =	sbarrier.arrive $0xFFFF;
	s2 =	simm.s32 @!p0 $0x1C09  }
0x160: {  	[timem:s3], [sflag:s2] =	dma.local @!p0 [hbm:s0], s1  }
0x161: {  	s0 =	simm.s32 @!p0 $0x9  }
0x162: {  	_ =	swait.ge @!p0 [sflag:s0], s1  }
0x163: {  	s1 =	ssub.s32 @!p0 $0x0, s1;
	[sflag:s0] =	ssyncset.done @!p0 $0x0  }
0x164: {  	[sflag:s0] =	ssyncadd.s32 @!p0 s1  }
0x165: {  	[bflag:$0x3] =	sbarrier.arrive $0xFFFF  }
0x166: {  	_ =	shalt  }

// kernel: kernel.7.cloned.1.call-start
scs
__scs_entry_jumppad:
0x0: {  	(pc) =	sbr.rel $0x88, $3  }
0x1: {  	(tag) =	ssettag $0x0;
	lr =	simm.s32 $0x1  }
0x2: {  	[smem:$0x3F9A] =	sst lr;
	_ =	strace $0xD0000000  }
0x3: {  	_ = 	snop  }
0x4: {  	_ = 	snop  }
0x5: {  	_ = 	snop  }
0x6: {  	_ = 	snop  }
0x7: {  	_ = 	snop  }
__scs_overlays_trampoline_lowered:
0x8: {  	[smem:$0x3FA9] =	sst s0  }
0x9: {  	[smem:$0x3FAA] =	sst s1  }
0xa: {  	[smem:$0x3FAB] =	sst s2  }
0xb: {  	[smem:$0x3FAC] =	sst s3  }
0xc: {  	[smem:$0x3FAD] =	sst s4  }
0xd: {  	[smem:$0x3FAE] =	sst s5  }
0xe: {  	[smem:$0x3FAF] =	sst s6  }
0xf: {  	[smem:$0x3FB0] =	sst s7  }
0x10: {  	[smem:$0x3FB1] =	sst s8  }
0x11: {  	[smem:$0x3FB2] =	sst s9;
	s0 =	simm.s32 @!p0 $0x0  }
0x12: {  	s1 =	sld [smem:$0x3F98];
	s0 =	simm.s32 @p0 $0x1  }
0x13: {  	[smem:$0x3FB3] =	sst s0;
	s0 =	simm.s32 @!p1 $0x0  }
0x14: {  	s2 =	sld [smem:$0x3F97];
	s0 =	simm.s32 @p1 $0x1  }
0x15: {  	[smem:$0x3FB4] =	sst s0;
	s0 =	simm.s32 @!p2 $0x0  }
0x16: {  	s3 =	sld [smem:$0x3FDB];
	s0 =	simm.s32 @p2 $0x1  }
0x17: {  	s4 =	simm.s32 $0x1BF5;
	[smem:$0x3FB6] =	sst s0  }
0x18: {  	s0 =	sld [smem:$0x3F99];
	_ =	swait.ge [sflag:s4], $0x0  }
0x19: {  	s7 =	sld [smem:$0x3F9A]  }
0x1a: {  	s8 =	sadd.s32 $0xFFFFE003, lr  }
0x1b: {  	s9 =	sadd.s32 $0xFFFFFEF7, lr;
	s5 =	simm.s32 $0xFFFFFFFF;
	p2 =	slt.u32 s8, $0xFFFFF086  }
0x1c: {  	p1 =	slt.u32 s9, $0xF7A;
	s5 =	simm.s32 @!p2 $0x0  }
0x1d: {  	s5 =	simm.s32 @p1 $0x1;
	p0 =	seq.s32 s7, s2  }
0x1e: {  	s7 =	smul.u32 @!p0 $0xF7A, s2;
	p2 =	seq.s32 @!p0 s5, $0x0  }
0x1f: {  	s9 =	smul.u32 $0xF7A, s1;
	s8 =	simm.s32 @!p0 $0x1BF5;
	p2 =	por !p2, p0  }
0x20: {  	[sflag:s8] =	ssyncset.s32 @!p0 $0xFFFFF086;
	s6 =	sadd.s32 @!p0 s3, s7;
	s7 =	simm.s32 @!p0 $0x108  }
0x21: {  	s3 =	sadd.s32 s3, s9;
	s6 =	sadd.s32 @!p0 $0x88, s6;
	s7 =	simm.s32 @p2 $0x1082  }
0x22: {  	[simem:s7], [sflag:s8] =	dma.local @!p0 [hbm:s6], $0xF7A  }
0x23: {  	s9 =	sor.u32 $0xD0000000, s2;
	s6 =	simm.s32 $0x108;
	_ =	swait.ge @!p0 [sflag:s8], $0x0  }
0x24: {  	s3 =	sadd.s32 $0x88, s3;
	s6 =	simm.s32 @!p1 $0x1082;
	[sflag:s4] =	ssyncset.s32 $0xFFFFF086  }
0x25: {  	[simem:s6], [sflag:s4] =	dma.local [hbm:s3], $0xF7A  }
0x26: {  	[smem:$0x3F9A] =	sst s1;
	(tag) =	ssettag s2;
	_ =	strace s9  }
0x27: {  	s1 =	sld [smem:$0x3FAA]  }
0x28: {  	s2 =	sld [smem:$0x3FAB]  }
0x29: {  	s4 =	sld [smem:$0x3FAD]  }
0x2a: {  	p0 =	seq.s32 s5, $0x0;
	s5 =	sld [smem:$0x3FAE]  }
0x2b: {  	s6 =	sld [smem:$0x3FAF]  }
0x2c: {  	s7 =	sld [smem:$0x3FB0]  }
0x2d: {  	s3 =	simm.s32 $0x108;
	s8 =	sld [smem:$0x3FB1]  }
0x2e: {  	s3 =	simm.s32 @!p0 $0x1082;
	s9 =	sld [smem:$0x3FB2]  }
0x2f: {  	lr =	sadd.s32 s0, s3;
	s0 =	sld [smem:$0x3FA9]  }
0x30: {  	s3 =	sld [smem:$0x3FAC]  }
0x31: {  	[smem:$0x3FB5] =	sst s10  }
0x32: {  	s10 =	sld [smem:$0x3FB3];
	_ =	sdelay $0x3  }
0x33: {  	p0 =	seq.s32 s10, $0x1;
	s10 =	sld [smem:$0x3FB5];
	_ =	sdelay $0x3  }
0x34: {  	[smem:$0x3FB5] =	sst s10  }
0x35: {  	s10 =	sld [smem:$0x3FB4];
	_ =	sdelay $0x3  }
0x36: {  	p1 =	seq.s32 s10, $0x1;
	s10 =	sld [smem:$0x3FB5];
	_ =	sdelay $0x3  }
0x37: {  	[smem:$0x3FB5] =	sst s10  }
0x38: {  	s10 =	sld [smem:$0x3FB6]  }
0x39: {  	_ = 	snop;
	(pc) =	sbr.ind lr, $3  }
0x3a: {  	_ = 	snop  }
0x3b: {  	_ = 	snop  }
0x3c: {  	p2 =	seq.s32 s10, $0x1;
	s10 =	sld [smem:$0x3FB5]  }
0x3d: {  	_ =	shalt  }
0x3e: {  	_ =	shalt  }
0x3f: {  	_ =	shalt  }
0x40: {  	_ =	shalt  }
0x41: {  	_ =	shalt  }
0x42: {  	_ =	shalt  }
0x43: {  	_ =	shalt  }
0x44: {  	_ =	shalt  }
0x45: {  	_ =	shalt  }
0x46: {  	_ =	shalt  }
0x47: {  	_ =	shalt  }
0x48: {  	_ =	shalt  }
0x49: {  	_ =	shalt  }
0x4a: {  	_ =	shalt  }
0x4b: {  	_ =	shalt  }
0x4c: {  	_ =	shalt  }
0x4d: {  	_ =	shalt  }
0x4e: {  	_ =	shalt  }
0x4f: {  	_ =	shalt  }
0x50: {  	_ =	shalt  }
0x51: {  	_ =	shalt  }
0x52: {  	_ =	shalt  }
0x53: {  	_ =	shalt  }
0x54: {  	_ =	shalt  }
0x55: {  	_ =	shalt  }
0x56: {  	_ =	shalt  }
0x57: {  	_ =	shalt  }
0x58: {  	_ =	shalt  }
0x59: {  	_ =	shalt  }
0x5a: {  	_ =	shalt  }
0x5b: {  	_ =	shalt  }
0x5c: {  	_ =	shalt  }
0x5d: {  	_ =	shalt  }
0x5e: {  	_ =	shalt  }
0x5f: {  	_ =	shalt  }
0x60: {  	_ =	shalt  }
0x61: {  	_ =	shalt  }
0x62: {  	_ =	shalt  }
0x63: {  	_ =	shalt  }
0x64: {  	_ =	shalt  }
0x65: {  	_ =	shalt  }
0x66: {  	_ =	shalt  }
0x67: {  	_ =	shalt  }
0x68: {  	_ =	shalt  }
0x69: {  	_ =	shalt  }
0x6a: {  	_ =	shalt  }
0x6b: {  	_ =	shalt  }
0x6c: {  	_ =	shalt  }
0x6d: {  	_ =	shalt  }
0x6e: {  	_ =	shalt  }
0x6f: {  	_ =	shalt  }
0x70: {  	_ =	shalt  }
0x71: {  	_ =	shalt  }
0x72: {  	_ =	shalt  }
0x73: {  	_ =	shalt  }
0x74: {  	_ =	shalt  }
0x75: {  	_ =	shalt  }
0x76: {  	_ =	shalt  }
0x77: {  	_ =	shalt  }
0x78: {  	_ =	shalt  }
0x79: {  	_ =	shalt  }
0x7a: {  	_ =	shalt  }
0x7b: {  	_ =	shalt  }
0x7c: {  	_ =	shalt  }
0x7d: {  	_ =	shalt  }
0x7e: {  	_ =	shalt  }
0x7f: {  	_ =	shalt  }
0x80: {  	_ =	shalt  }
0x81: {  	_ =	shalt  }
0x82: {  	_ =	shalt  }
0x83: {  	_ =	shalt  }
0x84: {  	_ =	shalt  }
0x85: {  	_ =	shalt  }
0x86: {  	_ =	shalt  }
0x87: {  	_ =	shalt  }
.Lfunc_end0:
.L_simem_size_0:
called_computation_lowered:
.L_overlay_start_0:
0x88: {  	s2 =	sld [smem:$0x3FD9]  }
0x89: {  	s3 =	sld [smem:$0x3FFE];
	_ =	sdelay $0x1  }
0x8a: {  	s1 =	srdreg.scid  }
0x8b: {  	s0 =	sand.u32 $0x1, s1  }
0x8c: {  	s17 =	sshll.u32 s0, $0xA;
	s2 =	sadd.s32 s3, s2  }
0x8d: {  	s2 =	sadd.s32 s2, s17  }
0x8e: {  	[smem:$0x3FC1] =	sst s2  }
0x8f: {  	_ = 	snop  }
0x90: {  	s2 =	sld [smem:$0x3FD0];
	(tm) =	ssettm $0x1  }
0x91: {  	s18 =	sld [smem:$0x3FFB];
	_ =	sdelay $0x3  }
0x92: {  	_ =	strace s18  }
0x93: {  	s3 =	sld [smem:$0x3FFC];
	_ =	sdelay $0x3  }
0x94: {  	_ =	strace s3  }
0x95: {  	s3 =	sld [smem:$0x3FFD];
	_ =	sdelay $0x3  }
0x96: {  	_ =	strace s3  }
0x97: {  	_ =	strace $0x8FFFFFFF  }
0x98: {  	s19 =	sld [smem:$0x3FDB];
	_ =	sdelay $0x1  }
0x99: {  	s4 =	simm.s32 $_scs_section_size  }
0x9a: {  	s5 =	simm.s32 $_size__tile_overlayer_lowered;
	s6 =	simm.s32 $_tile_overlayer_lowered  }
0x9b: {  	s22 =	simm.s32 $0x1BFF;
	s21 =	sshll.u32 s6, $0x1;
	s3 =	sadd.s32 s4, s19  }
0x9c: {  	s7 =	simm.s32 $0x0;
	s20 =	sshll.u32 s5, $0x1;
	s5 =	sadd.s32 s21, s3  }
0x9d: {  	[timem:s7], [sflag:s22] =	dma.local [hbm:s5], s20  }
0x9e: {  	_ =	swait.ge [sflag:s22], s20  }
0x9f: {  	s4 =	ssub.s32 $0x0, s20;
	[sflag:s22] =	ssyncset.done $0x0  }
0xa0: {  	[sflag:s22] =	ssyncadd.s32 s4;
	_ =	sdelay $0x1  }
0xa1: {  	s23 =	simm.s32 $0x1B8B  }
0xa2: {  	_ =	swait.ge [sflag:s23], $0x1  }
0xa3: {  	[sflag:s23] =	ssyncset.done $0x0  }
0xa4: {  	s25 =	simm.s32 $0x1B8E;
	s24 =	sld [smem:$0x3FFE];
	[sflag:s23] =	ssyncadd.s32 $0xFFFFFFFF  }
0xa5: {  	s26 =	simm.s32 $execute0_lowered;
	[smem:$0x3FD2] =	sst s25  }
0xa6: {  	s5 =	sshll.u32 s26, $0x1;
	_ =	strace $0x80000046;
	[dreg:$0x1] =	wrdreg $0xFFFFFFFF  }
0xa7: {  	s28 =	simm.s32 $_size_execute0_lowered;
	s3 =	sadd.s32 s3, s5;
	[dreg:$0x0] =	wrdreg $0x0  }
0xa8: {  	s5 =	sshll.u32 s28, $0x1;
	[dreg:$0x2] =	wrdreg s3  }
0xa9: {  	[dreg:$0x3] =	wrdreg s5  }
0xaa: {  	[dreg:$0x4] =	wrdreg $0xC0  }
0xab: {  	_ =	task [dreg:s7], $0x5FFFF  }
0xac: {  	[dreg:$0x1] =	wrdreg $0xFFFFFFFF  }
0xad: {  	[dreg:$0x0] =	wrdreg $0x60  }
0xae: {  	[dreg:$0x2] =	wrdreg s24  }
0xaf: {  	[dreg:$0x3] =	wrdreg s2  }
0xb0: {  	[dreg:$0x4] =	wrdreg $0xF4000  }
0xb1: {  	[dreg:$0x5] =	wrdreg $0x11C000  }
0xb2: {  	[dreg:$0x6] =	wrdreg $0x9  }
0xb3: {  	_ =	task.clear_ibuf [dreg:s7], $0x7FFFF;
	_ =	strace $0x90000046  }
0xb4: {  	s29 =	simm.s32 $0x9;
	_ =	strace $0x80000048  }
0xb5: {  	_ =	swait.ge [sflag:s29], $0x1  }
0xb6: {  	[sflag:s29] =	ssyncadd.s32 $0xFFFFFFFF  }
0xb7: {  	_ =	strace $0x90000048  }
0xb8: {  	_ =	sfence  }
0xb9: {  	s30 =	sld [smem:$0x0];
	_ =	sdelay $0x2  }
0xba: {  	s31 =	sshll.u32 s1, $0xD;
	s1 =	sshrl.u32 s1, $0x2  }
0xbb: {  	s3 =	sand.u32 $0x4000, s31;
	s1 =	sadd.s32 s1, s30  }
0xbc: {  	s0 =	sor.u32 s3, s0;
	s1 =	sshll.u32 s1, $0x11  }
0xbd: {  	s0 =	sor.u32 s1, s0  }
0xbe: {  	s0 =	sadd.s32 $0x8F2B, s0  }
0xbf: {  	[sflag:s0] =	ssyncadd.remote.s32 $0x1  }
0xc0: {  	_ =	sfence.sel $0xFFFF  }
0xc1: {  	[dreg:$0x0] =	wrdreg $0xFFFFFFFF;
	(pc) =	sbr.abs _section_cstart, $3  }
0xc2: {  	[dreg:$0x1] =	wrdreg $0xFFFFFFFF  }
0xc3: {  	_ =	task.clear_ibuf [dreg:s7], $0x2FFFF;
	_ =	strace $0x9FFFFFFF  }
0xc4: {  	(tm) =	ssettm $0x7FFFFFFF  }
0xc5: {  	_ =	shalt  }
tec
execute0_lowered:
.L_overlay_start_1:
0x0: {  	(tag) =	ssettag $0x1  }
0x1: {  	s0 =	rddreg [dreg:$0x0]  }
0x2: {  	s1 =	rddreg [dreg:$0x1]  }
0x3: {  	s2 =	rddreg [dreg:$0x2]  }
0x4: {  	s4 =	srdreg.scid;
	s10 =	stileid.u32  }
0x5: {  	s3 =	rddreg [dreg:$0x3];
	s5 =	simm.s32 $0x0;
	s28 =	simm.s32 $0x2  }
0x6: {  	s29 =	simm.s32 $0x5;
	s30 =	simm.s32 $0x4C00;
	s4 =	sand.u32 $0x1, s4  }
0x7: {  	s7 =	smul.u32 $0x2800, s10;
	[smem:$0x7FF] =	sst s5;
	s5 =	sadd.s32 $0x2A00, s0  }
0x8: {  	s6 =	smul.u32 $0x28000, s4;
	s9 =	sshll.u32 s4, $0x4;
	s4 =	ssub.s32 $0x2, s4  }
0x9: {  	_ =	strace $0x80000047;
	s11 =	sor.u32 s10, s9;
	s18 =	sshrl.u32 s4, $0x1  }
0xa: {  	s23 =	sor.u32 $0x400, s7;
	s26 =	sadd.s32 $0x800, s7;
	s12 =	sadd.s32 $0x1400, s7  }
0xb: {  	s15 =	sadd.s32 $0x1800, s7;
	s17 =	sadd.s32 $0x1C00, s7;
	s8 =	sadd.s32 s7, s6  }
0xc: {  	s6 =	sadd.s32 $0x4F8400, s0;
	s9 =	sshll.u32 s11, $0x6;
	s25 =	sadd.s32 s23, s2  }
0xd: {  	s10 =	smul.u32 $0x2800, s11;
	s31 =	sadd.s32 s26, s2;
	[dreg:$0xb] =	wrdreg s25  }
0xe: {  	s4 =	ssub.s32 s4, s18;
	s13 =	sadd.s32 s12, s2;
	[dreg:$0xd] =	wrdreg s31  }
0xf: {  	s20 =	sshll.u32 s11, $0xA;
	s16 =	sadd.s32 s15, s2;
	[dreg:$0x13] =	wrdreg s13  }
0x10: {  	s18 =	sadd.s32 s17, s2;
	s8 =	sshrl.u32 s8, $0x3;
	[dreg:$0x15] =	wrdreg s16  }
0x11: {  	s19 =	sadd.s32 s5, s9;
	s24 =	smax.u32 s4, $0x1;
	[dreg:$0x17] =	wrdreg s18  }
0x12: {  	s4 =	sadd.s32 $0xC00, s7;
	s9 =	sadd.s32 $0x1000, s7;
	[dreg:$0x5] =	wrdreg s19  }
0x13: {  	s0 =	sadd.s32 s8, s0;
	s8 =	sadd.s32 s6, s20;
	[dreg:$0xa] =	wrdreg s24  }
0x14: {  	s22 =	sshrl.u32 s10, $0x3;
	s10 =	sadd.s32 s9, s2;
	[dreg:$0x6] =	wrdreg s8  }
0x15: {  	s13 =	ssub.s32 $0x291, s11;
	s21 =	sadd.s32 $0x16400, s0;
	[dreg:$0x11] =	wrdreg s10  }
0x16: {  	s18 =	simm.s32 $0x200;
	s0 =	sadd.s32 $0x20400, s0;
	[dreg:$0x7] =	wrdreg s21  }
0x17: {  	s14 =	sadd.s32 s1, s22;
	s1 =	sadd.s32 s26, s3;
	[dreg:$0x8] =	wrdreg s0  }
0x18: {  	s19 =	sadd.s32 $0x2000, s7;
	s8 =	sadd.s32 s4, s2;
	[dreg:$0xe] =	wrdreg s1  }
0x19: {  	s24 =	sadd.s32 $0x2400, s7;
	s20 =	sadd.s32 s19, s2;
	[dreg:$0xf] =	wrdreg s8  }
0x1a: {  	s22 =	sadd.s32 s7, s2;
	s25 =	sadd.s32 s24, s2;
	[dreg:$0x19] =	wrdreg s20  }
0x1b: {  	s10 =	sor.u32 $0x60, s11;
	s0 =	sadd.s32 s23, s3;
	[dreg:$0x1b] =	wrdreg s22  }
0x1c: {  	s1 =	sadd.s32 s9, s3;
	s21 =	sadd.s32 s19, s3;
	[dreg:$0x1d] =	wrdreg s25  }
0x1d: {  	s23 =	sadd.s32 s7, s3;
	s7 =	sor.u32 $0x20, s11;
	[dreg:$0x9] =	wrdreg s14  }
0x1e: {  	s8 =	ssub.s32 $0x271, s11;
	s9 =	sor.u32 $0x40, s11;
	[dreg:$0xc] =	wrdreg s0  }
0x1f: {  	s26 =	sadd.s32 $0xA000, s14;
	s31 =	sadd.s32 $0x14000, s14;
	[dreg:$0x12] =	wrdreg s1  }
0x20: {  	s19 =	simm.s32 $0xC00;
	s20 =	simm.s32 $0x1;
	[dreg:$0x1a] =	wrdreg s21  }
0x21: {  	s22 =	simm.s32 $0x7800;
	s14 =	simm.s32 $0x3;
	[dreg:$0x1c] =	wrdreg s23  }
0x22: {  	s0 =	sadd.s32 s4, s3;
	s1 =	sadd.s32 s15, s3;
	[dreg:$0x1f] =	wrdreg s26  }
0x23: {  	[smem:$0x7FD] =	sst s31;
	s21 =	simm.s32 $0x4;
	s23 =	simm.s32 $0xA000  }
.Ltmp0:
0x24: {  	s15 =	simm.s32 $0x6;
	[dreg:$0x10] =	wrdreg s0;
	(pc) =	sbr.rel .LBB2_1-.Ltmp0, $4  }
0x25: {  	s4 =	simm.s32 $0x0;
	s0 =	sadd.s32 s12, s3;
	[dreg:$0x16] =	wrdreg s1  }
0x26: {  	s12 =	ssub.s32 $0x2B1, s11;
	[dreg:$0x14] =	wrdreg s0;
	s0 =	sadd.s32 s17, s3  }
0x27: {  	s1 =	simm.s32 $0x2C00;
	[dreg:$0x18] =	wrdreg s0;
	s0 =	sadd.s32 s24, s3  }
0x28: {  	v0 =	vimm.f32 $0.0e+00;
	v1 =	vimm.f32 $1.000000000e+00;
	s17 =	simm.s32 $0xA;
	s24 =	simm.s32 $0xC800;
	[dreg:$0x1e] =	wrdreg s0  }
.LBB2_19:
0x29: {  	s0 =	stileid.u32;
	[bflag:$0x0] =	sbarrier.arrive $0xFFFF  }
0x2a: {  	s0 =	sshll.u32 s0, $0x6;
	s4 =	rddreg [dreg:$0x1b]  }
0x2b: {  	s11 =	rddreg [dreg:$0x7];
	s0 =	sor.u32 $0x1C0A, s0;
	s4 =	sshrl.u32 s4, $0x3  }
0x2c: {  	[hbm:s11], [sflag:s0] =	dma.local [spmem:s4], $0x500  }
0x2d: {  	_ =	swait.ge [sflag:s17], $0x500  }
0x2e: {  	[sflag:s17] =	ssyncset.done $0x0;
	s25 =	rddreg [dreg:$0x1c]  }
0x2f: {  	s26 =	rddreg [dreg:$0x8];
	[sflag:s17] =	ssyncadd.s32 $0xFFFFFB00;
	s4 =	sshrl.u32 s25, $0x3  }
0x30: {  	[hbm:s26], [sflag:s0] =	dma.local [spmem:s4], $0x500  }
0x31: {  	_ =	swait.ge [sflag:s17], $0x500  }
0x32: {  	[sflag:s17] =	ssyncset.done $0x0  }
0x33: {  	s31 =	simm.s32 $0x0;
	s11 =	rddreg [dreg:$0x9];
	[sflag:s17] =	ssyncadd.s32 $0xFFFFFB00  }
0x34: {  	[hbm4b:s11+s31] =	stream.linear.scatter [tilespmem:s22], [sflag:$0xA], $0x2800, $0x38;
	[tilespmem:$0x14400] =	vst v63  }
0x35: {  	_ =	swait.ge [sflag:s17], $0x2800  }
0x36: {  	[sflag:s17] =	ssyncset.done $0x0  }
0x37: {  	s16 =	rddreg [dreg:$0x1f];
	[sflag:s17] =	ssyncadd.s32 $0xFFFFD800  }
0x38: {  	[hbm4b:s16+s31] =	stream.linear.scatter [tilespmem:s23], [sflag:$0xA], $0x2800, $0x38;
	[tilespmem:$0x14400] =	vst v63  }
0x39: {  	_ =	swait.ge [sflag:s17], $0x2800  }
0x3a: {  	s25 =	sld [smem:$0x7FD]  }
0x3b: {  	[sflag:s17] =	ssyncset.done $0x0  }
0x3c: {  	[sflag:s17] =	ssyncadd.s32 $0xFFFFD800  }
0x3d: {  	[hbm4b:s25+s31] =	stream.linear.scatter [tilespmem:s24], [sflag:$0xA], $0x2800, $0x38;
	[tilespmem:$0x14400] =	vst v63  }
0x3e: {  	_ =	swait.ge [sflag:s17], $0x2800  }
0x3f: {  	s26 =	sld [smem:$0x7FC];
	_ =	sdelay $0x2  }
0x40: {  	s31 =	rddreg [dreg:$0xa];
	s4 =	sadd.s32 $0x1, s26  }
0x41: {  	p0 =	sne.s32 s4, s31  }
.Ltmp1:
0x42: {  	_ = 	snop;
	(pc) =	sbr.rel @!p0 .LBB2_20-.Ltmp1, $3  }
0x43: {  	_ =	sdelay $0x1  }
0x44: {  	[sflag:s17] =	ssyncset.done $0x0  }
0x45: {  	[sflag:s17] =	ssyncadd.s32 $0xFFFFD800  }
.LBB2_1:
0x46: {  	s0 =	simm.s32 $0x0  }
.LBB2_2:
0x47: {  	p0 =	sne.s32 s0, $0xFC0  }
.Ltmp2:
0x48: {  	_ = 	snop;
	(pc) =	sbr.rel @p0 .LBB2_2-.Ltmp2, $3  }
0x49: {  	_ =	sdelay $0x1  }
0x4a: {  	s11 =	sshra.s32 s0, $0x2  }
0x4b: {  	s0 =	sadd.s32 $0x40, s0;
	[tilespmem:s11+$0xF000] =	vst v0  }
0x4c: {  	[smem:$0x7FC] =	sst s4;
	s0 =	simm.s32 $0x40;
	s11 =	simm.s32 $0x0  }
.LBB2_4:
0x4d: {  	p0 =	sne.s32 s0, $0x9FC0;
	[tilespmem:s11+$0xC800] =	vst v0;
	s25 =	smov.u32 s0;
	s0 =	sadd.s32 $0x40, s0  }
.Ltmp3:
0x4e: {  	[tilespmem:s11+$0x7800] =	vst v0;
	(pc) =	sbr.rel @p0 .LBB2_4-.Ltmp3, $2  }
0x4f: {  	[tilespmem:s11+$0xA000] =	vst v0;
	_ =	sdelay $0x2  }
0x50: {  	s11 =	sshra.s32 s25, $0x2  }
0x51: {  	[tilespmem:s11+$0xC800] =	vst v0  }
0x52: {  	[tilespmem:s11+$0x7800] =	vst v0  }
0x53: {  	[tilespmem:s11+$0xA000] =	vst v0;
	s0 =	rddreg [dreg:$0x1b];
	s4 =	simm.s32 $0xF000  }
0x54: {  	[spmem:s0] =	stream.linear.scatter [tilespmem:s4], [sflag:$0xA], $0x400, $0x38;
	[tilespmem:$0x14400] =	vst v63  }
0x55: {  	_ =	swait.ge [sflag:s17], $0x400  }
0x56: {  	[sflag:s17] =	ssyncset.done $0x0  }
0x57: {  	s25 =	rddreg [dreg:$0x1c];
	[sflag:s17] =	ssyncadd.s32 $0xFFFFFC00  }
0x58: {  	[spmem:s25] =	stream.linear.scatter [tilespmem:s4], [sflag:$0xA], $0x400, $0x38;
	[tilespmem:$0x14400] =	vst v63  }
0x59: {  	_ =	swait.ge [sflag:s17], $0x400  }
0x5a: {  	[sflag:s17] =	ssyncset.done $0x0  }
0x5b: {  	s26 =	rddreg [dreg:$0xb];
	[sflag:s17] =	ssyncadd.s32 $0xFFFFFC00  }
0x5c: {  	[spmem:s26] =	stream.linear.scatter [tilespmem:s4], [sflag:$0xA], $0x400, $0x38;
	[tilespmem:$0x14400] =	vst v63  }
0x5d: {  	_ =	swait.ge [sflag:s17], $0x400  }
0x5e: {  	[sflag:s17] =	ssyncset.done $0x0  }
0x5f: {  	s31 =	rddreg [dreg:$0xc];
	[sflag:s17] =	ssyncadd.s32 $0xFFFFFC00  }
0x60: {  	[spmem:s31] =	stream.linear.scatter [tilespmem:s4], [sflag:$0xA], $0x400, $0x38;
	[tilespmem:$0x14400] =	vst v63  }
0x61: {  	_ =	swait.ge [sflag:s17], $0x400  }
0x62: {  	[sflag:s17] =	ssyncset.done $0x0  }
0x63: {  	s11 =	rddreg [dreg:$0xd];
	[sflag:s17] =	ssyncadd.s32 $0xFFFFFC00  }
0x64: {  	[spmem:s11] =	stream.linear.scatter [tilespmem:s4], [sflag:$0xA], $0x400, $0x38;
	[tilespmem:$0x14400] =	vst v63  }
0x65: {  	_ =	swait.ge [sflag:s17], $0x400  }
0x66: {  	[sflag:s17] =	ssyncset.done $0x0  }
0x67: {  	s16 =	rddreg [dreg:$0xe];
	[sflag:s17] =	ssyncadd.s32 $0xFFFFFC00  }
0x68: {  	[spmem:s16] =	stream.linear.scatter [tilespmem:s4], [sflag:$0xA], $0x400, $0x38;
	[tilespmem:$0x14400] =	vst v63  }
0x69: {  	_ =	swait.ge [sflag:s17], $0x400  }
0x6a: {  	[sflag:s17] =	ssyncset.done $0x0  }
0x6b: {  	s25 =	rddreg [dreg:$0xf];
	[sflag:s17] =	ssyncadd.s32 $0xFFFFFC00  }
0x6c: {  	[spmem:s25] =	stream.linear.scatter [tilespmem:s4], [sflag:$0xA], $0x400, $0x38;
	[tilespmem:$0x14400] =	vst v63  }
0x6d: {  	_ =	swait.ge [sflag:s17], $0x400  }
0x6e: {  	[sflag:s17] =	ssyncset.done $0x0  }
0x6f: {  	s26 =	rddreg [dreg:$0x10];
	[sflag:s17] =	ssyncadd.s32 $0xFFFFFC00  }
0x70: {  	[spmem:s26] =	stream.linear.scatter [tilespmem:s4], [sflag:$0xA], $0x400, $0x38;
	[tilespmem:$0x14400] =	vst v63  }
0x71: {  	_ =	swait.ge [sflag:s17], $0x400  }
0x72: {  	[sflag:s17] =	ssyncset.done $0x0  }
0x73: {  	s31 =	rddreg [dreg:$0x11];
	[sflag:s17] =	ssyncadd.s32 $0xFFFFFC00  }
0x74: {  	[spmem:s31] =	stream.linear.scatter [tilespmem:s4], [sflag:$0xA], $0x400, $0x38;
	[tilespmem:$0x14400] =	vst v63  }
0x75: {  	_ =	swait.ge [sflag:s17], $0x400  }
0x76: {  	[sflag:s17] =	ssyncset.done $0x0  }
0x77: {  	s11 =	rddreg [dreg:$0x12];
	[sflag:s17] =	ssyncadd.s32 $0xFFFFFC00  }
0x78: {  	[spmem:s11] =	stream.linear.scatter [tilespmem:s4], [sflag:$0xA], $0x400, $0x38;
	[tilespmem:$0x14400] =	vst v63  }
0x79: {  	_ =	swait.ge [sflag:s17], $0x400  }
0x7a: {  	[sflag:s17] =	ssyncset.done $0x0  }
0x7b: {  	s16 =	rddreg [dreg:$0x13];
	[sflag:s17] =	ssyncadd.s32 $0xFFFFFC00  }
0x7c: {  	[spmem:s16] =	stream.linear.scatter [tilespmem:s4], [sflag:$0xA], $0x400, $0x38;
	[tilespmem:$0x14400] =	vst v63  }
0x7d: {  	_ =	swait.ge [sflag:s17], $0x400  }
0x7e: {  	[sflag:s17] =	ssyncset.done $0x0  }
0x7f: {  	s25 =	rddreg [dreg:$0x14];
	[sflag:s17] =	ssyncadd.s32 $0xFFFFFC00  }
0x80: {  	[spmem:s25] =	stream.linear.scatter [tilespmem:s4], [sflag:$0xA], $0x400, $0x38;
	[tilespmem:$0x14400] =	vst v63  }
0x81: {  	_ =	swait.ge [sflag:s17], $0x400  }
0x82: {  	[sflag:s17] =	ssyncset.done $0x0  }
0x83: {  	s26 =	rddreg [dreg:$0x15];
	[sflag:s17] =	ssyncadd.s32 $0xFFFFFC00  }
0x84: {  	[spmem:s26] =	stream.linear.scatter [tilespmem:s4], [sflag:$0xA], $0x400, $0x38;
	[tilespmem:$0x14400] =	vst v63  }
0x85: {  	_ =	swait.ge [sflag:s17], $0x400  }
0x86: {  	[sflag:s17] =	ssyncset.done $0x0  }
0x87: {  	s31 =	rddreg [dreg:$0x16];
	[sflag:s17] =	ssyncadd.s32 $0xFFFFFC00  }
0x88: {  	[spmem:s31] =	stream.linear.scatter [tilespmem:s4], [sflag:$0xA], $0x400, $0x38;
	[tilespmem:$0x14400] =	vst v63  }
0x89: {  	_ =	swait.ge [sflag:s17], $0x400  }
0x8a: {  	[sflag:s17] =	ssyncset.done $0x0  }
0x8b: {  	s11 =	rddreg [dreg:$0x17];
	[sflag:s17] =	ssyncadd.s32 $0xFFFFFC00  }
0x8c: {  	[spmem:s11] =	stream.linear.scatter [tilespmem:s4], [sflag:$0xA], $0x400, $0x38;
	[tilespmem:$0x14400] =	vst v63  }
0x8d: {  	_ =	swait.ge [sflag:s17], $0x400  }
0x8e: {  	[sflag:s17] =	ssyncset.done $0x0  }
0x8f: {  	s16 =	rddreg [dreg:$0x18];
	[sflag:s17] =	ssyncadd.s32 $0xFFFFFC00  }
0x90: {  	[spmem:s16] =	stream.linear.scatter [tilespmem:s4], [sflag:$0xA], $0x400, $0x38;
	[tilespmem:$0x14400] =	vst v63  }
0x91: {  	_ =	swait.ge [sflag:s17], $0x400  }
0x92: {  	[sflag:s17] =	ssyncset.done $0x0  }
0x93: {  	s25 =	rddreg [dreg:$0x19];
	[sflag:s17] =	ssyncadd.s32 $0xFFFFFC00  }
0x94: {  	[spmem:s25] =	stream.linear.scatter [tilespmem:s4], [sflag:$0xA], $0x400, $0x38;
	[tilespmem:$0x14400] =	vst v63  }
0x95: {  	_ =	swait.ge [sflag:s17], $0x400  }
0x96: {  	[sflag:s17] =	ssyncset.done $0x0  }
0x97: {  	s26 =	rddreg [dreg:$0x1a];
	[sflag:s17] =	ssyncadd.s32 $0xFFFFFC00  }
0x98: {  	[spmem:s26] =	stream.linear.scatter [tilespmem:s4], [sflag:$0xA], $0x400, $0x38;
	[tilespmem:$0x14400] =	vst v63  }
0x99: {  	_ =	swait.ge [sflag:s17], $0x400  }
0x9a: {  	[sflag:s17] =	ssyncset.done $0x0  }
0x9b: {  	s31 =	rddreg [dreg:$0x1d];
	[sflag:s17] =	ssyncadd.s32 $0xFFFFFC00  }
0x9c: {  	[spmem:s31] =	stream.linear.scatter [tilespmem:s4], [sflag:$0xA], $0x400, $0x38;
	[tilespmem:$0x14400] =	vst v63  }
0x9d: {  	_ =	swait.ge [sflag:s17], $0x400  }
0x9e: {  	[sflag:s17] =	ssyncset.done $0x0  }
0x9f: {  	s11 =	rddreg [dreg:$0x1e];
	[sflag:s17] =	ssyncadd.s32 $0xFFFFFC00  }
0xa0: {  	[spmem:s11] =	stream.linear.scatter [tilespmem:s4], [sflag:$0xA], $0x400, $0x38;
	[tilespmem:$0x14400] =	vst v63  }
0xa1: {  	_ =	swait.ge [sflag:s17], $0x400  }
0xa2: {  	[sflag:s17] =	ssyncset.done $0x0  }
0xa3: {  	[sflag:s17] =	ssyncadd.s32 $0xFFFFFC00  }
.Ltmp4:
0xa4: {  	[bflag:$0x0] =	sbarrier.arrive $0xFFFF;
	(pc) =	sbr.rel .LBB2_6-.Ltmp4, $4  }
0xa5: {  	s25 =	simm.s32 $0x0;
	s26 =	simm.s32 $0x4E200;
	s16 =	rddreg [dreg:$0x5]  }
0xa6: {  	[tilespmem:s25], [sflag:$0x1] =	stream.strided.gather [hbm4b:s16+s18], $0x400, s26, s18, $0x38;
	[tilespmem:$0x14400] =	vst v63  }
0xa7: {  	s31 =	rddreg [dreg:$0x6]  }
0xa8: {  	[tilespmem:s19], [sflag:$0x4] =	stream.linear.gather [hbm4b:s31+s25], $0x2000, $0x38;
	[tilespmem:$0x14400] =	vst v63  }
.LBB2_18:
0xa9: {  	s25 =	sadd.s32 $0x1, s25  }
0xaa: {  	p0 =	sne.s32 s25, $0x8  }
.Ltmp5:
0xab: {  	_ = 	snop;
	(pc) =	sbr.rel @!p0 .LBB2_19-.Ltmp5, $1  }
0xac: {  	_ =	sdelay $0x3  }
.LBB2_6:
0xad: {  	s26 =	smul.u32 $0x60, s25  }
0xae: {  	p2 =	seq.s32 s25, $0x0  }
0xaf: {  	p0 =	sge.u32 @!p2 s26, s12  }
0xb0: {  	p0 =	por p0, p2  }
0xb1: {  	s0 =	simm.s32 @!p0 $0x8  }
0xb2: {  	_ =	swait.ge @!p0 [sflag:s0], $0x2000  }
0xb3: {  	[sflag:s0] =	ssyncset.done @!p0 $0x0  }
0xb4: {  	s11 =	sadd.s32 s7, s26;
	[sflag:s0] =	ssyncadd.s32 @!p0 $0xFFFFE000  }
0xb5: {  	p1 =	sgt.u32 s11, $0x270;
	_ =	swait.ge @!p0 [sflag:s0], $0x2000  }
0xb6: {  	s4 =	sshll.u32 @!p1 s11, $0x6;
	s31 =	simm.s32 @!p1 $0x4E200;
	[sflag:s0] =	ssyncset.done @!p0 $0x0  }
0xb7: {  	s16 =	simm.s32 @!p1 $0x400;
	[sflag:s0] =	ssyncadd.s32 @!p0 $0xFFFFE000;
	p0 =	sge.u32 s26, s8  }
.Ltmp6:
0xb8: {  	s0 =	sadd.s32 @!p1 s5, s4;
	s4 =	simm.s32 @!p1 $0x200;
	(pc) =	sbr.rel @p0 .LBB2_10-.Ltmp6, $4  }
0xb9: {  	[tilespmem:s16], [sflag:$0x2] =	stream.strided.gather @!p1 [hbm4b:s0+s4], $0x400, s31, s4, $0x38;
	[tilespmem:$0x14400] =	vst v63  }
0xba: {  	s0 =	sshll.u32 @!p1 s11, $0xA  }
0xbb: {  	s4 =	simm.s32 @!p1 $0x0;
	s11 =	simm.s32 @!p1 $0x2C00;
	s0 =	sadd.s32 @!p1 s6, s0  }
0xbc: {  	[tilespmem:s11], [sflag:$0x5] =	stream.linear.gather @!p1 [hbm4b:s0+s4], $0x2000, $0x38;
	[tilespmem:$0x14400] =	vst v63  }
0xbd: {  	_ =	swait.ge [sflag:s20], $0x400  }
0xbe: {  	[sflag:s20] =	ssyncset.done $0x0  }
0xbf: {  	[sflag:s20] =	ssyncadd.s32 $0xFFFFFC00  }
0xc0: {  	_ =	swait.ge [sflag:s21], $0x2000  }
0xc1: {  	[sflag:s21] =	ssyncset.done $0x0  }
0xc2: {  	s11 =	simm.s32 $0x0;
	[sflag:s21] =	ssyncadd.s32 $0xFFFFE000  }
0xc3: {  	v3 =	vld [tilespmem:s11+$0x200]  }
0xc4: {  	s0 =	simm.s32 $0x40;
	v2 =	vld [tilespmem:s11+$0x0]  }
.LBB2_8:
0xc5: {  	p3 =	sne.s32 s0, $0x7C0;
	_ =	sdelay $0x3  }
0xc6: {  	vm0 =	veq.s32 v2, v3  }
0xc7: {  	v4 =	vsel vm0, $0x0, v1;
	[tilespmem:s11+$0x6C00] =	vst v3;
	v5 =	vnsel vm0, $0x2710, v3  }
0xc8: {  	v6 =	vsub.f32 $1.000000000e+00, v4;
	[tilespmem:s11+$0x7200] =	vst v5  }
.Ltmp7:
0xc9: {  	[tilespmem:v3+s22+$0x0] =	vst.idx.add.f32.msk $0xffff, v1;
	(pc) =	sbr.rel @p3 .LBB2_8-.Ltmp7, $4  }
0xca: {  	[tilespmem:v3+s23+$0x0] =	vst.idx.add.f32.msk $0xffff, v6  }
0xcb: {  	s11 =	sshra.s32 s0, $0x2;
	[tilespmem:v2+s24+$0x0] =	vst.idx.add.f32.msk $0xffff, v4  }
0xcc: {  	v3 =	vld [tilespmem:s11+$0x200]  }
0xcd: {  	s0 =	sadd.s32 $0x40, s0;
	v2 =	vld [tilespmem:s11+$0x0]  }
0xce: {  	_ =	sdelay $0x3  }
0xcf: {  	vm0 =	veq.s32 v2, v3  }
0xd0: {  	[tilespmem:s11+$0x6C00] =	vst v3;
	v4 =	vsel vm0, $0x0, v1;
	v5 =	vnsel vm0, $0x2710, v3  }
0xd1: {  	v6 =	vsub.f32 $1.000000000e+00, v4;
	[tilespmem:s11+$0x7200] =	vst v5  }
0xd2: {  	[tilespmem:v3+s22+$0x0] =	vst.idx.add.f32.msk $0xffff, v1  }
0xd3: {  	[tilespmem:v3+s23+$0x0] =	vst.idx.add.f32.msk $0xffff, v6  }
0xd4: {  	s0 =	simm.s32 $0x6C00;
	[tilespmem:v2+s24+$0x0] =	vst.idx.add.f32.msk $0xffff, v4  }
0xd5: {  	[spmem:s2] =	stream.indirect.scatter.add.f32 [tilespmem:s19], [sflag:$0x7], $0x10, s0, s18, $0xb8;
	[tilespmem:$0x14400] =	vst v63  }
0xd6: {  	s31 =	simm.s32 $0x7200;
	(ifvalue) =	ssetifvalue $0x2710  }
0xd7: {  	[spmem:s3] =	stream.indirect.scatter.add.f32 [tilespmem:s19], [sflag:$0x7], $0x10, s31, s18, $0x40b8;
	[tilespmem:$0x14400] =	vst v63  }
.LBB2_10:
0xd8: {  	p3 =	sge.u32 @!p2 s26, s13  }
0xd9: {  	p3 =	por p3, p2  }
0xda: {  	s0 =	simm.s32 @!p3 $0x9  }
0xdb: {  	_ =	swait.ge @!p3 [sflag:s0], $0x2000  }
0xdc: {  	[sflag:s0] =	ssyncset.done @!p3 $0x0  }
0xdd: {  	s4 =	sadd.s32 s9, s26;
	[sflag:s0] =	ssyncadd.s32 @!p3 $0xFFFFE000  }
0xde: {  	p2 =	sgt.u32 s4, $0x270;
	_ =	swait.ge @!p3 [sflag:s0], $0x2000  }
0xdf: {  	s11 =	sshll.u32 @!p2 s4, $0x6;
	[sflag:s0] =	ssyncset.done @!p3 $0x0  }
0xe0: {  	s16 =	simm.s32 @!p2 $0x4E200;
	s31 =	simm.s32 @!p2 $0x800;
	[sflag:s0] =	ssyncadd.s32 @!p3 $0xFFFFE000  }
.Ltmp8:
0xe1: {  	s0 =	sadd.s32 @!p2 s5, s11;
	s11 =	simm.s32 @!p2 $0x200;
	(pc) =	sbr.rel @p1 .LBB2_14-.Ltmp8, $4  }
0xe2: {  	[tilespmem:s31], [sflag:$0x3] =	stream.strided.gather @!p2 [hbm4b:s0+s11], $0x400, s16, s11, $0x38;
	[tilespmem:$0x14400] =	vst v63  }
0xe3: {  	s0 =	sshll.u32 @!p2 s4, $0xA  }
0xe4: {  	s4 =	simm.s32 @!p2 $0x0;
	s11 =	simm.s32 @!p2 $0x4C00;
	s0 =	sadd.s32 @!p2 s6, s0  }
0xe5: {  	[tilespmem:s11], [sflag:$0x6] =	stream.linear.gather @!p2 [hbm4b:s0+s4], $0x2000, $0x38;
	[tilespmem:$0x14400] =	vst v63  }
0xe6: {  	_ =	swait.ge [sflag:s28], $0x400  }
0xe7: {  	[sflag:s28] =	ssyncset.done $0x0  }
0xe8: {  	[sflag:s28] =	ssyncadd.s32 $0xFFFFFC00  }
0xe9: {  	_ =	swait.ge [sflag:s29], $0x2000  }
0xea: {  	[sflag:s29] =	ssyncset.done $0x0  }
0xeb: {  	s11 =	simm.s32 $0x0;
	[sflag:s29] =	ssyncadd.s32 $0xFFFFE000  }
0xec: {  	v3 =	vld [tilespmem:s11+$0x600]  }
0xed: {  	s0 =	simm.s32 $0x40;
	v2 =	vld [tilespmem:s11+$0x400]  }
.LBB2_12:
0xee: {  	p1 =	sne.s32 s0, $0x7C0;
	_ =	sdelay $0x3  }
0xef: {  	vm0 =	veq.s32 v2, v3  }
0xf0: {  	v4 =	vsel vm0, $0x0, v1;
	[tilespmem:s11+$0x6E00] =	vst v3;
	v5 =	vnsel vm0, $0x2710, v3  }
0xf1: {  	v6 =	vsub.f32 $1.000000000e+00, v4;
	[tilespmem:s11+$0x7400] =	vst v5  }
.Ltmp9:
0xf2: {  	[tilespmem:v3+s22+$0x0] =	vst.idx.add.f32.msk $0xffff, v1;
	(pc) =	sbr.rel @p1 .LBB2_12-.Ltmp9, $4  }
0xf3: {  	[tilespmem:v3+s23+$0x0] =	vst.idx.add.f32.msk $0xffff, v6  }
0xf4: {  	s11 =	sshra.s32 s0, $0x2;
	[tilespmem:v2+s24+$0x0] =	vst.idx.add.f32.msk $0xffff, v4  }
0xf5: {  	v3 =	vld [tilespmem:s11+$0x600]  }
0xf6: {  	s0 =	sadd.s32 $0x40, s0;
	v2 =	vld [tilespmem:s11+$0x400]  }
0xf7: {  	_ =	sdelay $0x3  }
0xf8: {  	vm0 =	veq.s32 v2, v3  }
0xf9: {  	[tilespmem:s11+$0x6E00] =	vst v3;
	v4 =	vsel vm0, $0x0, v1;
	v5 =	vnsel vm0, $0x2710, v3  }
0xfa: {  	v6 =	vsub.f32 $1.000000000e+00, v4;
	[tilespmem:s11+$0x7400] =	vst v5  }
0xfb: {  	[tilespmem:v3+s22+$0x0] =	vst.idx.add.f32.msk $0xffff, v1  }
0xfc: {  	[tilespmem:v3+s23+$0x0] =	vst.idx.add.f32.msk $0xffff, v6  }
0xfd: {  	s0 =	simm.s32 $0x6E00;
	[tilespmem:v2+s24+$0x0] =	vst.idx.add.f32.msk $0xffff, v4  }
0xfe: {  	[spmem:s2] =	stream.indirect.scatter.add.f32 [tilespmem:s1], [sflag:$0x8], $0x10, s0, s18, $0xb8;
	[tilespmem:$0x14400] =	vst v63  }
0xff: {  	s31 =	simm.s32 $0x7400;
	(ifvalue) =	ssetifvalue $0x2710  }
0x100: {  	[spmem:s3] =	stream.indirect.scatter.add.f32 [tilespmem:s1], [sflag:$0x8], $0x10, s31, s18, $0x40b8;
	[tilespmem:$0x14400] =	vst v63  }
.LBB2_14:
0x101: {  	s0 =	simm.s32 @!p0 $0x7  }
0x102: {  	_ =	swait.ge @!p0 [sflag:s0], $0x2000  }
0x103: {  	[sflag:s0] =	ssyncset.done @!p0 $0x0  }
0x104: {  	s4 =	sadd.s32 s10, s26;
	[sflag:s0] =	ssyncadd.s32 @!p0 $0xFFFFE000  }
0x105: {  	p1 =	sgt.u32 s4, $0x270;
	_ =	swait.ge @!p0 [sflag:s0], $0x2000  }
0x106: {  	s11 =	sshll.u32 @!p1 s4, $0x6;
	[sflag:s0] =	ssyncset.done @!p0 $0x0  }
0x107: {  	s16 =	simm.s32 @!p1 $0x4E200;
	s26 =	simm.s32 @!p1 $0x0;
	[sflag:s0] =	ssyncadd.s32 @!p0 $0xFFFFE000  }
.Ltmp10:
0x108: {  	s0 =	sadd.s32 @!p1 s5, s11;
	s11 =	simm.s32 @!p1 $0x200;
	(pc) =	sbr.rel @p2 .LBB2_18-.Ltmp10, $4  }
0x109: {  	[tilespmem:s26], [sflag:$0x1] =	stream.strided.gather @!p1 [hbm4b:s0+s11], $0x400, s16, s11, $0x38;
	[tilespmem:$0x14400] =	vst v63  }
0x10a: {  	s0 =	sshll.u32 @!p1 s4, $0xA  }
0x10b: {  	s4 =	simm.s32 @!p1 $0xC00;
	s0 =	sadd.s32 @!p1 s6, s0  }
0x10c: {  	[tilespmem:s4], [sflag:$0x4] =	stream.linear.gather @!p1 [hbm4b:s0+s26], $0x2000, $0x38;
	[tilespmem:$0x14400] =	vst v63  }
0x10d: {  	_ =	swait.ge [sflag:s14], $0x400  }
0x10e: {  	[sflag:s14] =	ssyncset.done $0x0  }
0x10f: {  	[sflag:s14] =	ssyncadd.s32 $0xFFFFFC00  }
0x110: {  	_ =	swait.ge [sflag:s15], $0x2000  }
0x111: {  	[sflag:s15] =	ssyncset.done $0x0  }
0x112: {  	s11 =	simm.s32 $0x0;
	[sflag:s15] =	ssyncadd.s32 $0xFFFFE000  }
0x113: {  	v3 =	vld [tilespmem:s11+$0xA00]  }
0x114: {  	s0 =	simm.s32 $0x40;
	v2 =	vld [tilespmem:s11+$0x800]  }
.LBB2_16:
0x115: {  	p0 =	sne.s32 s0, $0x7C0;
	_ =	sdelay $0x3  }
0x116: {  	vm0 =	veq.s32 v2, v3  }
0x117: {  	v4 =	vsel vm0, $0x0, v1;
	[tilespmem:s11+$0x7000] =	vst v3;
	v5 =	vnsel vm0, $0x2710, v3  }
0x118: {  	v6 =	vsub.f32 $1.000000000e+00, v4;
	[tilespmem:s11+$0x7600] =	vst v5  }
.Ltmp11:
0x119: {  	[tilespmem:v3+s22+$0x0] =	vst.idx.add.f32.msk $0xffff, v1;
	(pc) =	sbr.rel @p0 .LBB2_16-.Ltmp11, $4  }
0x11a: {  	[tilespmem:v3+s23+$0x0] =	vst.idx.add.f32.msk $0xffff, v6  }
0x11b: {  	s11 =	sshra.s32 s0, $0x2;
	[tilespmem:v2+s24+$0x0] =	vst.idx.add.f32.msk $0xffff, v4  }
0x11c: {  	v3 =	vld [tilespmem:s11+$0xA00]  }
0x11d: {  	s0 =	sadd.s32 $0x40, s0;
	v2 =	vld [tilespmem:s11+$0x800]  }
0x11e: {  	_ =	sdelay $0x3  }
0x11f: {  	vm0 =	veq.s32 v2, v3  }
0x120: {  	[tilespmem:s11+$0x7000] =	vst v3;
	v4 =	vsel vm0, $0x0, v1;
	v5 =	vnsel vm0, $0x2710, v3  }
0x121: {  	v6 =	vsub.f32 $1.000000000e+00, v4;
	[tilespmem:s11+$0x7600] =	vst v5  }
0x122: {  	[tilespmem:v3+s22+$0x0] =	vst.idx.add.f32.msk $0xffff, v1  }
.Ltmp12:
0x123: {  	[tilespmem:v3+s23+$0x0] =	vst.idx.add.f32.msk $0xffff, v6;
	(pc) =	sbr.rel .LBB2_18-.Ltmp12, $4  }
0x124: {  	s0 =	simm.s32 $0x7000;
	[tilespmem:v2+s24+$0x0] =	vst.idx.add.f32.msk $0xffff, v4  }
0x125: {  	[spmem:s2] =	stream.indirect.scatter.add.f32 [tilespmem:s30], [sflag:$0x9], $0x10, s0, s18, $0xb8;
	[tilespmem:$0x14400] =	vst v63  }
0x126: {  	s31 =	simm.s32 $0x7600;
	(ifvalue) =	ssetifvalue $0x2710  }
0x127: {  	[spmem:s3] =	stream.indirect.scatter.add.f32 [tilespmem:s30], [sflag:$0x9], $0x10, s31, s18, $0x40b8;
	[tilespmem:$0x14400] =	vst v63  }
.LBB2_20:
0x128: {  	_ =	sfence.sel $0x180000  }
0x129: {  	[bflag:$0x0] =	sbarrier.arrive $0xFFFF  }
0x12a: {  	_ =	strace $0x90000047  }
0x12b: {  	s0 =	stileid.u32;
	[bflag:$0x2] =	sbarrier.arrive $0xFFFF  }
0x12c: {  	p0 =	sne.s32 s0, $0x0;
	s0 =	rddreg [dreg:$0x4]  }
0x12d: {  	s0 =	sadd.s32 @!p0 $0x100000, s0  }
0x12e: {  	[sflag:s0] =	ssyncadd.tile.s32 @!p0 $0x1;
	_ =	shalt  }
.Lfunc_end2:
_tile_overlayer_lowered:
.L_overlay_start_2:
0x12f: {  	(tag) =	ssettag $0x2  }
0x130: {  	s0 =	rddreg [dreg:$0x0];
	s2 =	stileid.u32  }
0x131: {  	s1 =	rddreg [dreg:$0x1];
	p0 =	sne.s32 s2, $0x0  }
0x132: {  	s3 =	rddreg [dreg:$0x2];
	[bflag:$0x3] =	sbarrier.arrive $0xFFFF;
	s2 =	simm.s32 @!p0 $0x1C0A  }
0x133: {  	[timem:s3], [sflag:s2] =	dma.local @!p0 [hbm:s0], s1  }
0x134: {  	s0 =	simm.s32 @!p0 $0xA  }
0x135: {  	_ =	swait.ge @!p0 [sflag:s0], s1  }
0x136: {  	s1 =	ssub.s32 @!p0 $0x0, s1;
	[sflag:s0] =	ssyncset.done @!p0 $0x0  }
0x137: {  	[sflag:s0] =	ssyncadd.s32 @!p0 s1  }
0x138: {  	[bflag:$0x3] =	sbarrier.arrive $0xFFFF  }
0x139: {  	_ =	shalt  }

</sc_bundles>
